<compile_context>
chip_gen: v7x
topology: tpu7x:2x2x1
jax: 0.10.2.dev20260603
libtpu: 0.0.44.dev20260713+nightly
codegen_flags: <defaults>
</compile_context>

<pallas_src>
import functools

import jax
import jax.numpy as jnp
from jax import lax
from jax.experimental import pallas as pl
from jax.experimental.pallas import tpu as pltpu
from jax.experimental.pallas import tpu_sc as plsc

N = 10000
D = 128
E = 320000
B = 64
L = 3

NC = 2
NS = 16
HALF = N // NC
CHP = 128
ES = E // NS
NCH = -(-ES // CHP)
EPAD = NCH * CHP - ES
PADV = N
ACC_ROWS = HALF + 8
RA = 312
ZR = 8
NZ = RA // ZR

NB = 10
BN = N // NB


@functools.cache
def _sc_mesh():
    return plsc.VectorSubcoreMesh(
        core_axis_name="c", subcore_axis_name="s", num_cores=NC,
        num_subcores=NS)



def _remap_edges(dstv, c):
    is0 = c == 0
    iota = lax.broadcasted_iota(jnp.int32, (16,), 0)
    trash = HALF + (iota & 7)

    def row(j, carry):
        for k in range(CHP // 16):
            sl = (j, pl.ds(k * 16, 16))
            v = dstv[sl]
            lo = v - HALF
            owned = jnp.where(is0, v < HALF, (lo >= 0) & (lo < HALF))
            local = jnp.where(is0, v, lo)
            dstv[sl] = jnp.where(owned, local, trash)
        return carry

    lax.fori_loop(0, NCH, row, 0)


def _zero_acc(acc, zrow_hbm, s):
    base = s * RA

    def zstep(j, carry):
        pltpu.sync_copy(zrow_hbm, acc.at[pl.ds(base + j * ZR, ZR)])
        return carry

    lax.fori_loop(0, NZ, zstep, 0)

    @pl.when(s == NS - 1)
    def _():
        def zstep2(j, carry):
            pltpu.sync_copy(zrow_hbm, acc.at[pl.ds(NS * RA + j * ZR, ZR)])
            return carry

        lax.fori_loop(0, (ACC_ROWS - NS * RA) // ZR, zstep2, 0)


def _copy_out(acc, out_hbm, c, s):
    base = s * RA
    pltpu.sync_copy(acc.at[pl.ds(base, RA)], out_hbm.at[c, pl.ds(base, RA)])

    @pl.when(s == NS - 1)
    def _():
        pltpu.sync_copy(acc.at[pl.ds(NS * RA, HALF - NS * RA)],
                        out_hbm.at[c, pl.ds(NS * RA, HALF - NS * RA)])


def _sc_deg_body(dst_hbm, ones_hbm, zrow_hbm, out_hbm, dstv, ones_v, dsem,
                 acc):
    c = lax.axis_index("c")
    s = lax.axis_index("s")
    pltpu.sync_copy(dst_hbm.at[s], dstv)
    pltpu.sync_copy(ones_hbm, ones_v)
    _remap_edges(dstv, c)
    _zero_acc(acc, zrow_hbm, s)
    plsc.subcore_barrier()

    def step(i, carry):
        for k in range(8):
            pltpu.async_copy(ones_v, acc.at[dstv.at[i * 8 + k]], dsem,
                             add=True)
        for k in range(8):
            pltpu.make_async_copy(ones_v, acc.at[dstv.at[i * 8 + k]],
                                  dsem).wait()
        return carry

    lax.fori_loop(0, NCH // 8, step, 0)
    for j in range(NCH - NCH % 8, NCH):
        pltpu.async_copy(ones_v, acc.at[dstv.at[j]], dsem, add=True)
    for j in range(NCH - NCH % 8, NCH):
        pltpu.make_async_copy(ones_v, acc.at[dstv.at[j]], dsem).wait()
    plsc.subcore_barrier()
    _copy_out(acc, out_hbm, c, s)


@functools.cache
def _deg_call():
    return pl.kernel(
        _sc_deg_body,
        out_type=jax.ShapeDtypeStruct((NC, HALF, D), jnp.float32),
        mesh=_sc_mesh(),
        scratch_types=[
            pltpu.VMEM((NCH, CHP), jnp.int32),
            pltpu.VMEM((CHP, D), jnp.float32),
            pltpu.SemaphoreType.DMA,
            pltpu.VMEM_SHARED((ACC_ROWS, D), jnp.float32),
        ],
    )


def _sc_msg_body(u_hbm, src_hbm, dst_hbm, zrow_hbm, out_hbm,
                 srcv, dstv, rows0, rows1, rows2,
                 g0, g1, g2, s0, s1, s2, acc):
    c = lax.axis_index("c")
    s = lax.axis_index("s")
    pltpu.sync_copy(src_hbm.at[s], srcv)

    rows = (rows0, rows1, rows2)
    gs = (g0, g1, g2)
    ss = (s0, s1, s2)

    def gather(j, b):
        pltpu.async_copy(u_hbm.at[srcv.at[j]], rows[b], gs[b])

    def gather_wait(j, b):
        pltpu.make_async_copy(u_hbm.at[srcv.at[j]], rows[b], gs[b]).wait()

    def scat(j, b):
        pltpu.async_copy(rows[b], acc.at[dstv.at[j]], ss[b], add=True)

    def scat_wait(j, b):
        pltpu.make_async_copy(rows[b], acc.at[dstv.at[j]], ss[b]).wait()

    gather(0, 0)
    gather(1, 1)
    pltpu.sync_copy(dst_hbm.at[s], dstv)
    _remap_edges(dstv, c)
    _zero_acc(acc, zrow_hbm, s)
    plsc.subcore_barrier()

    def outer(i, carry):
        for b in range(3):
            jj = 3 * i + b
            gather_wait(jj, b)
            scat(jj, b)

            @pl.when(jj >= 1)
            def _():
                scat_wait(jj - 1, (b + 2) % 3)

            @pl.when(jj + 2 < NCH)
            def _():
                gather(jj + 2, (b + 2) % 3)
        return carry

    lax.fori_loop(0, NCH // 3, outer, 0)
    jt = NCH - 1
    gather_wait(jt, jt % 3)
    scat(jt, jt % 3)
    for j in (NCH - 2, NCH - 1):
        scat_wait(j, j % 3)

    plsc.subcore_barrier()
    _copy_out(acc, out_hbm, c, s)


@functools.cache
def _msg_call():
    return pl.kernel(
        _sc_msg_body,
        out_type=jax.ShapeDtypeStruct((NC, HALF, D), jnp.float32),
        mesh=_sc_mesh(),
        scratch_types=[
            pltpu.VMEM((NCH, CHP), jnp.int32),
            pltpu.VMEM((NCH, CHP), jnp.int32),
            pltpu.VMEM((CHP, D), jnp.float32),
            pltpu.VMEM((CHP, D), jnp.float32),
            pltpu.VMEM((CHP, D), jnp.float32),
            pltpu.SemaphoreType.DMA,
            pltpu.SemaphoreType.DMA,
            pltpu.SemaphoreType.DMA,
            pltpu.SemaphoreType.DMA,
            pltpu.SemaphoreType.DMA,
            pltpu.SemaphoreType.DMA,
            pltpu.VMEM_SHARED((ACC_ROWS, D), jnp.float32),
        ],
    )



def _matT(a, w):
    return lax.dot_general(a, w, (((1,), (1,)), ((), ())),
                           preferred_element_type=jnp.float32)


def _silu(x):
    return x / (1.0 + jnp.exp(-x))


def _tc_h_body(x_ref, inW_ref, inb_ref, h_ref):
    h_ref[...] = _matT(x_ref[...], inW_ref[...]) + inb_ref[...]


def _tc_u0_body(h_ref, deg_ref, W0_ref, u_ref, dinv_ref):
    dinv = lax.rsqrt(deg_ref[:, 0:1] + 1.0)
    dinv_ref[...] = jnp.broadcast_to(dinv, (BN, 8))
    u_ref[...] = _matT(h_ref[...], W0_ref[...]) * dinv


def _layer_update(h_ref, u_ref, msg_ref, dinv_ref, cb_ref, g_ref, bb_ref):
    dinv = dinv_ref[:, 0:1]
    sm = (u_ref[...] + msg_ref[...]) * dinv + cb_ref[...]
    hn = _silu(sm)
    m = jnp.mean(hn, axis=-1, keepdims=True)
    v = jnp.mean((hn - m) ** 2, axis=-1, keepdims=True)
    hn = (hn - m) * lax.rsqrt(v + 1e-5) * g_ref[...] + bb_ref[...]
    return h_ref[...] + hn, dinv


def _tc_layer_body(h_ref, u_ref, msg_ref, dinv_ref, cb_ref, g_ref, bb_ref,
                   Wn_ref, ho_ref, uo_ref):
    h2, dinv = _layer_update(h_ref, u_ref, msg_ref, dinv_ref, cb_ref, g_ref,
                             bb_ref)
    ho_ref[...] = h2
    uo_ref[...] = _matT(h2, Wn_ref[...]) * dinv


def _tc_last_body(h_ref, u_ref, msg_ref, dinv_ref, cb_ref, g_ref, bb_ref,
                  ho_ref):
    h2, _ = _layer_update(h_ref, u_ref, msg_ref, dinv_ref, cb_ref, g_ref,
                          bb_ref)
    ho_ref[...] = h2


def _tc_pool_body(h_ref, b3_ref, emb_ref, sums, cnt):
    i = pl.program_id(0)

    @pl.when(i == 0)
    def _():
        sums[...] = jnp.zeros_like(sums)
        cnt[...] = jnp.zeros_like(cnt)

    bid = b3_ref[0, 0, :]
    oh = (bid[:, None] == lax.broadcasted_iota(jnp.int32, (BN, B), 1)
          ).astype(jnp.float32)
    sums[...] += lax.dot_general(oh, h_ref[...], (((0,), (0,)), ((), ())),
                                 preferred_element_type=jnp.float32)
    cnt[...] += lax.dot_general(oh, jnp.ones((BN, 8), jnp.float32),
                                (((0,), (0,)), ((), ())),
                                preferred_element_type=jnp.float32)

    @pl.when(i == NB - 1)
    def _():
        emb_ref[...] = sums[...] / jnp.maximum(cnt[...][:, 0:1], 1.0)


def _tc_head_body(h_ref, b3_ref, emb_ref, pW1_ref, pb1_ref, pW2_ref, pb2_ref,
                  A1_ref, A2_ref, hb1_ref, hW2_ref, hb2_ref, out_ref):
    h = h_ref[...]
    phys = _matT(_silu(_matT(h, pW1_ref[...]) + pb1_ref[...]),
                 pW2_ref[...]) + pb2_ref[...]
    a = h + phys
    bid = b3_ref[0, 0, :]
    oh = (bid[:, None] == lax.broadcasted_iota(jnp.int32, (BN, B), 1)
          ).astype(jnp.float32)
    emb = jnp.dot(oh, emb_ref[...], preferred_element_type=jnp.float32)
    hd = _silu(_matT(a, A1_ref[...]) + _matT(emb, A2_ref[...]) + hb1_ref[...])
    out_ref[...] = jnp.sum(hd * hW2_ref[...], axis=-1,
                           keepdims=True) + hb2_ref[0, 0]


def _row_spec(shape):
    return pl.BlockSpec(shape, lambda i: (i,) + (0,) * (len(shape) - 1))


def _full_spec(shape):
    return pl.BlockSpec(shape, lambda i: (0,) * len(shape))


_B3_SPEC = pl.BlockSpec((1, 1, BN), lambda i: (i, 0, 0))

_h_call = pl.pallas_call(
    _tc_h_body,
    grid=(NB,),
    in_specs=[
        _row_spec((BN, D)), _full_spec((D, D)), _full_spec((1, D)),
    ],
    out_specs=[_row_spec((BN, D))],
    out_shape=[jax.ShapeDtypeStruct((N, D), jnp.float32)],
)

_u0_call = pl.pallas_call(
    _tc_u0_body,
    grid=(NB,),
    in_specs=[
        _row_spec((BN, D)), _row_spec((BN, D)), _full_spec((D, D)),
    ],
    out_specs=[_row_spec((BN, D)), _row_spec((BN, 8))],
    out_shape=[jax.ShapeDtypeStruct((N, D), jnp.float32),
               jax.ShapeDtypeStruct((N, 8), jnp.float32)],
)

_layer_call = pl.pallas_call(
    _tc_layer_body,
    grid=(NB,),
    in_specs=[
        _row_spec((BN, D)), _row_spec((BN, D)), _row_spec((BN, D)),
        _row_spec((BN, 8)),
        _full_spec((1, D)), _full_spec((1, D)), _full_spec((1, D)),
        _full_spec((D, D)),
    ],
    out_specs=[_row_spec((BN, D)), _row_spec((BN, D))],
    out_shape=[jax.ShapeDtypeStruct((N, D), jnp.float32)] * 2,
)

_last_call = pl.pallas_call(
    _tc_last_body,
    grid=(NB,),
    in_specs=[
        _row_spec((BN, D)), _row_spec((BN, D)), _row_spec((BN, D)),
        _row_spec((BN, 8)),
        _full_spec((1, D)), _full_spec((1, D)), _full_spec((1, D)),
    ],
    out_specs=[_row_spec((BN, D))],
    out_shape=[jax.ShapeDtypeStruct((N, D), jnp.float32)],
)

_pool_call = pl.pallas_call(
    _tc_pool_body,
    grid=(NB,),
    in_specs=[_row_spec((BN, D)), _B3_SPEC],
    out_specs=[_full_spec((B, D))],
    out_shape=[jax.ShapeDtypeStruct((B, D), jnp.float32)],
    scratch_shapes=[
        pltpu.VMEM((B, D), jnp.float32),
        pltpu.VMEM((B, 8), jnp.float32),
    ],
)

_head_call = pl.pallas_call(
    _tc_head_body,
    grid=(NB,),
    in_specs=[
        _row_spec((BN, D)), _B3_SPEC, _full_spec((B, D)),
        _full_spec((D, D)), _full_spec((1, D)),
        _full_spec((D, D)), _full_spec((1, D)),
        _full_spec((D, D)), _full_spec((D, D)), _full_spec((1, D)),
        _full_spec((1, D)), _full_spec((1, 1)),
    ],
    out_specs=[_row_spec((BN, 1))],
    out_shape=[jax.ShapeDtypeStruct((N, 1), jnp.float32)],
)


def kernel(x, edge_index, batch, in_W, in_b, conv_W, conv_b, ln_g, ln_b,
           p_W1, p_b1, p_W2, p_b2, h_W1, h_b1, h_W2, h_b2):
    f32 = jnp.float32
    i32 = jnp.int32
    src_p = jnp.concatenate(
        [edge_index[0].reshape(NS, ES),
         jnp.zeros((NS, EPAD), i32)], axis=1).reshape(NS, NCH, CHP)
    dst_p = jnp.concatenate(
        [edge_index[1].reshape(NS, ES),
         jnp.full((NS, EPAD), PADV, i32)], axis=1).reshape(NS, NCH, CHP)
    batch3 = batch.reshape(NB, 1, BN)
    ones_rows = jnp.ones((CHP, D), f32)
    zrow = jnp.zeros((ZR, D), f32)

    deg = _deg_call()(dst_p, ones_rows, zrow).reshape(N, D)
    (h,) = _h_call(x, in_W, in_b.reshape(1, D))
    u, dinv = _u0_call(h, deg, conv_W[0])
    for l in range(L):
        msg = _msg_call()(u, src_p, dst_p, zrow).reshape(N, D)
        cb = conv_b[l].reshape(1, D)
        g = ln_g[l].reshape(1, D)
        bb = ln_b[l].reshape(1, D)
        if l + 1 < L:
            h, u = _layer_call(h, u, msg, dinv, cb, g, bb, conv_W[l + 1])
        else:
            (h,) = _last_call(h, u, msg, dinv, cb, g, bb)

    (emb,) = _pool_call(h, batch3)
    (scores,) = _head_call(
        h, batch3, emb, p_W1, p_b1.reshape(1, D), p_W2, p_b2.reshape(1, D),
        h_W1[:, :D], h_W1[:, D:], h_b1.reshape(1, D), h_W2,
        h_b2.reshape(1, 1))
    return scores.reshape(N)

# --- scband reference (transcript-rebuilt; emitter-appended) ---
"""Pipeline reference for scband-so-mpredictor-10359461118387 (READ-ONLY COPY).

The authoritative reference and input builder live on the scoring server;
editing this copy changes nothing except your own understanding.
"""

import jax, jax.numpy as jnp
import numpy as np

N = 10000
E = 320000
D = 128
L = 3
B = 64


def setup_inputs(seed: int = 0) -> dict:
    key = jax.random.key(seed)
    ks = jax.random.split(key, 24)
    s = 1.0 / np.sqrt(D)
    inp = {}
    inp["x"] = jax.random.normal(ks[0], (N, D), dtype=jnp.float32)
    inp["edge_index"] = jax.random.randint(ks[1], (2, E), 0, N, dtype=jnp.int32)
    inp["batch"] = jnp.sort(jax.random.randint(ks[2], (N,), 0, B, dtype=jnp.int32))
    inp["in_W"] = jax.random.normal(ks[3], (D, D), dtype=jnp.float32) * s
    inp["in_b"] = jnp.zeros((D,), dtype=jnp.float32)
    inp["conv_W"] = jax.random.normal(ks[4], (L, D, D), dtype=jnp.float32) * s
    inp["conv_b"] = jnp.zeros((L, D), dtype=jnp.float32)
    inp["ln_g"] = jnp.ones((L, D), dtype=jnp.float32)
    inp["ln_b"] = jnp.zeros((L, D), dtype=jnp.float32)
    inp["p_W1"] = jax.random.normal(ks[5], (D, D), dtype=jnp.float32) * s
    inp["p_b1"] = jnp.zeros((D,), dtype=jnp.float32)
    inp["p_W2"] = jax.random.normal(ks[6], (D, D), dtype=jnp.float32) * s
    inp["p_b2"] = jnp.zeros((D,), dtype=jnp.float32)
    inp["h_W1"] = jax.random.normal(ks[7], (D, 2 * D), dtype=jnp.float32) * (1.0 / np.sqrt(2 * D))
    inp["h_b1"] = jnp.zeros((D,), dtype=jnp.float32)
    inp["h_W2"] = jax.random.normal(ks[8], (1, D), dtype=jnp.float32) * s
    inp["h_b2"] = jnp.zeros((1,), dtype=jnp.float32)
    return inp


def _layer_norm(x, g, b):
    m = jnp.mean(x, axis=-1, keepdims=True)
    v = jnp.mean((x - m) ** 2, axis=-1, keepdims=True)
    return (x - m) / jnp.sqrt(v + 1e-5) * g + b


def _gcn_conv(x, edge_index, W, b):
    n = x.shape[0]
    sl = jnp.arange(n, dtype=edge_index.dtype)
    src = jnp.concatenate([edge_index[0], sl])
    dst = jnp.concatenate([edge_index[1], sl])
    deg = jnp.zeros((n,), dtype=x.dtype).at[dst].add(1.0)
    dinv = jnp.where(deg > 0, deg ** -0.5, 0.0)
    coef = dinv[src] * dinv[dst]
    h = x @ W.T
    out = jnp.zeros_like(h).at[dst].add(h[src] * coef[:, None])
    return out + b


def reference(x, edge_index, batch, in_W, in_b, conv_W, conv_b, ln_g, ln_b,
              p_W1, p_b1, p_W2, p_b2, h_W1, h_b1, h_W2, h_b2):
    h = x @ in_W.T + in_b
    for i in range(L):
        hn = _gcn_conv(h, edge_index, conv_W[i], conv_b[i])
        hn = jax.nn.silu(hn)
        hn = _layer_norm(hn, ln_g[i], ln_b[i])
        h = h + hn
    sums = jax.ops.segment_sum(h, batch, num_segments=B)
    cnt = jax.ops.segment_sum(jnp.ones((h.shape[0],), dtype=h.dtype), batch, num_segments=B)
    graph_emb = sums / jnp.clip(cnt, 1.0)[:, None]
    graph_emb_expanded = graph_emb[batch]
    physics_feat = jax.nn.silu(h @ p_W1.T + p_b1) @ p_W2.T + p_b2
    combined = jnp.concatenate([h + physics_feat, graph_emb_expanded], axis=-1)
    hd = jax.nn.silu(combined @ h_W1.T + h_b1)
    scores = (hd @ h_W2.T + h_b2).squeeze(-1)
    return scores

if __name__ == "__main__":
    import jax
    _d = setup_inputs()
    print(jax.jit(kernel)(*tuple(_d.values())))

</pallas_src>

<mosaic_0001>
#map = affine_map<(d0, d1) -> (0, 0, 0)>
#map1 = affine_map<(d0, d1) -> (0, 0)>
module attributes {stable_mosaic.version = 14 : i64} {
  func.func @_sc_deg_body(%arg0: i32, %arg1: i32, %arg2: memref<16x157x128xi32, #tpu.memory_space<hbm>>, %arg3: memref<128x128xf32, #tpu.memory_space<hbm>>, %arg4: memref<8x128xf32, #tpu.memory_space<hbm>>, %arg5: memref<2x5000x128xf32, #tpu.memory_space<hbm>>, %arg6: memref<157x128xi32, #tpu.memory_space<vmem>>, %arg7: memref<128x128xf32, #tpu.memory_space<vmem>>, %arg8: memref<!tpu.dma_semaphore, #tpu.memory_space<semaphore_mem>>, %arg9: memref<5008x128xf32, #tpu.memory_space<vmem_shared>>) attributes {dimension_semantics = [#tpu.dimension_semantics<core_parallel>, #tpu.dimension_semantics<subcore_parallel>], iteration_bounds = array<i64: 2, 16>, scalar_prefetch = 0 : i64, scratch_operands = 4 : i64, tpu.core_type = #tpu.core_type<sc_vector_subcore>, window_params = [{transform_indices = #map}, {transform_indices = #map1}, {transform_indices = #map1}, {transform_indices = #map}]} {
    "tpu.region"() ({
      %run_scoped3A = tpu.sem_alloc : memref<!tpu.dma_semaphore, #tpu.memory_space<semaphore_mem>>
      %dma_start3A_102 = arith.constant 0 : i32
      %dma_start3A_103 = arith.constant 0 : i32
      %dma_start3A_104 = tpu.memref_slice %arg2[%arg1, %dma_start3A_102, %dma_start3A_103] : memref<16x157x128xi32, #tpu.memory_space<hbm>> -> memref<1x157x128xi32, #tpu.memory_space<hbm>>
      %dma_start3A_105 = tpu.memref_squeeze %dma_start3A_104 : memref<1x157x128xi32, #tpu.memory_space<hbm>> -> memref<157x128xi32, #tpu.memory_space<hbm>>
      %dma_start3A_106 = arith.constant 0 : i32
      %dma_start3A_107 = arith.constant 0 : i32
      %dma_start3A_108 = tpu.memref_slice %arg2[%arg1, %dma_start3A_106, %dma_start3A_107] : memref<16x157x128xi32, #tpu.memory_space<hbm>> -> memref<1x157x128xi32, #tpu.memory_space<hbm>>
      %dma_start3A_109 = tpu.memref_squeeze %dma_start3A_108 : memref<1x157x128xi32, #tpu.memory_space<hbm>> -> memref<157x128xi32, #tpu.memory_space<hbm>>
      tpu.enqueue_dma source(%dma_start3A_109 : memref<157x128xi32, #tpu.memory_space<hbm>>) target(%arg6 : memref<157x128xi32, #tpu.memory_space<vmem>>) target_semaphore(%run_scoped3A : memref<!tpu.dma_semaphore, #tpu.memory_space<semaphore_mem>>)
      %dma_wait3A_110 = arith.constant 0 : i32
      %dma_wait3A_111 = arith.constant 0 : i32
      %dma_wait3A_112 = tpu.memref_slice %arg2[%arg1, %dma_wait3A_110, %dma_wait3A_111] : memref<16x157x128xi32, #tpu.memory_space<hbm>> -> memref<1x157x128xi32, #tpu.memory_space<hbm>>
      %dma_wait3A_113 = tpu.memref_squeeze %dma_wait3A_112 : memref<1x157x128xi32, #tpu.memory_space<hbm>> -> memref<157x128xi32, #tpu.memory_space<hbm>>
      %dma_wait3A_114 = arith.constant 0 : i32
      %dma_wait3A_115 = arith.constant 0 : i32
      %dma_wait3A_116 = tpu.memref_slice %arg2[%arg1, %dma_wait3A_114, %dma_wait3A_115] : memref<16x157x128xi32, #tpu.memory_space<hbm>> -> memref<1x157x128xi32, #tpu.memory_space<hbm>>
      %dma_wait3A_117 = tpu.memref_squeeze %dma_wait3A_116 : memref<1x157x128xi32, #tpu.memory_space<hbm>> -> memref<157x128xi32, #tpu.memory_space<hbm>>
      tpu.wait_dma2 semaphore(%run_scoped3A : memref<!tpu.dma_semaphore, #tpu.memory_space<semaphore_mem>>) src(%dma_wait3A_117 : memref<157x128xi32, #tpu.memory_space<hbm>>) dst(%arg6 : memref<157x128xi32, #tpu.memory_space<vmem>>)
      tpu.yield
    }) : () -> ()
    "tpu.region"() ({
      %run_scoped3A = tpu.sem_alloc : memref<!tpu.dma_semaphore, #tpu.memory_space<semaphore_mem>>
      tpu.enqueue_dma source(%arg3 : memref<128x128xf32, #tpu.memory_space<hbm>>) target(%arg7 : memref<128x128xf32, #tpu.memory_space<vmem>>) target_semaphore(%run_scoped3A : memref<!tpu.dma_semaphore, #tpu.memory_space<semaphore_mem>>)
      tpu.wait_dma2 semaphore(%run_scoped3A : memref<!tpu.dma_semaphore, #tpu.memory_space<semaphore_mem>>) src(%arg3 : memref<128x128xf32, #tpu.memory_space<hbm>>) dst(%arg7 : memref<128x128xf32, #tpu.memory_space<vmem>>)
      tpu.yield
    }) : () -> ()
    %eq3A = arith.constant 0 : i32
    %eq3A_0 = arith.cmpi eq, %arg0, %eq3A : i32
    %iota3A = tpu.iota {dimensions = array<i32: 0>} : vector<16xi32>
    %and3A = arith.constant 7 : i32
    %and3A_1 = vector.broadcast %and3A : i32 to vector<16xi32>
    %and3A_2 = arith.andi %iota3A, %and3A_1 : vector<16xi32>
    %add3A = arith.constant 5000 : i32
    %add3A_3 = vector.broadcast %add3A : i32 to vector<16xi32>
    %add3A_4 = arith.addi %add3A_3, %and3A_2 : vector<16xi32>
    %scan3A = arith.constant 0 : i32
    %scan3A_5 = arith.constant 0 : i32
    %scan3A_6 = arith.constant 157 : i32
    %scan3A_7 = arith.addi %scan3A_5, %scan3A_6 : i32
    %scan3A_8 = arith.constant 1 : i32
    scf.for %scan3A_102 = %scan3A_5 to %scan3A_7 step %scan3A_8  : i32 {
      %get3A = arith.index_cast %scan3A_102 : i32 to index
      %get3A_103 = arith.constant 0 : index
      %get3A_104 = tpu.vector_load %arg6[%get3A, %get3A_103] {strides = array<i32>} : memref<157x128xi32, #tpu.memory_space<vmem>>, vector<1x16xi32>,
      %get3A_105 = vector.shape_cast %get3A_104 : vector<1x16xi32> to vector<16xi32>
      %sub3A = arith.constant 5000 : i32
      %sub3A_106 = vector.broadcast %sub3A : i32 to vector<16xi32>
      %sub3A_107 = arith.subi %get3A_105, %sub3A_106 : vector<16xi32>
      %lt3A = arith.constant 5000 : i32
      %lt3A_108 = vector.broadcast %lt3A : i32 to vector<16xi32>
      %lt3A_109 = arith.cmpi slt, %get3A_105, %lt3A_108 : vector<16xi32>
      %ge3A = arith.constant 0 : i32
      %ge3A_110 = vector.broadcast %ge3A : i32 to vector<16xi32>
      %ge3A_111 = arith.cmpi sge, %sub3A_107, %ge3A_110 : vector<16xi32>
      %lt3A_112 = arith.constant 5000 : i32
      %lt3A_113 = vector.broadcast %lt3A_112 : i32 to vector<16xi32>
      %lt3A_114 = arith.cmpi slt, %sub3A_107, %lt3A_113 : vector<16xi32>
      %and3A_115 = arith.andi %ge3A_111, %lt3A_114 : vector<16xi1>
      %select_n3A = arith.select %eq3A_0, %lt3A_109, %and3A_115 : vector<16xi1>
      %select_n3A_116 = arith.select %eq3A_0, %get3A_105, %sub3A_107 : vector<16xi32>
      %select_n3A_117 = arith.select %select_n3A, %select_n3A_116, %add3A_4 : vector<16xi1>, vector<16xi32>
      %swap3A = arith.index_cast %scan3A_102 : i32 to index
      %swap3A_118 = arith.constant 0 : index
      %swap3A_119 = tpu.vector_load %arg6[%swap3A, %swap3A_118] {strides = array<i32>} : memref<157x128xi32, #tpu.memory_space<vmem>>, vector<1x16xi32>,
      %swap3A_120 = vector.shape_cast %swap3A_119 : vector<1x16xi32> to vector<16xi32>
      %swap3A_121 = vector.shape_cast %select_n3A_117 : vector<16xi32> to vector<1x16xi32>
      tpu.vector_store %arg6[%swap3A, %swap3A_118], %swap3A_121 {strides = array<i32>} : memref<157x128xi32, #tpu.memory_space<vmem>>, vector<1x16xi32>,
      %get3A_122 = arith.index_cast %scan3A_102 : i32 to index
      %get3A_123 = arith.constant 16 : index
      %get3A_124 = tpu.vector_load %arg6[%get3A_122, %get3A_123] {strides = array<i32>} : memref<157x128xi32, #tpu.memory_space<vmem>>, vector<1x16xi32>,
      %get3A_125 = vector.shape_cast %get3A_124 : vector<1x16xi32> to vector<16xi32>
      %sub3A_126 = arith.constant 5000 : i32
      %sub3A_127 = vector.broadcast %sub3A_126 : i32 to vector<16xi32>
      %sub3A_128 = arith.subi %get3A_125, %sub3A_127 : vector<16xi32>
      %lt3A_129 = arith.constant 5000 : i32
      %lt3A_130 = vector.broadcast %lt3A_129 : i32 to vector<16xi32>
      %lt3A_131 = arith.cmpi slt, %get3A_125, %lt3A_130 : vector<16xi32>
      %ge3A_132 = arith.constant 0 : i32
      %ge3A_133 = vector.broadcast %ge3A_132 : i32 to vector<16xi32>
      %ge3A_134 = arith.cmpi sge, %sub3A_128, %ge3A_133 : vector<16xi32>
      %lt3A_135 = arith.constant 5000 : i32
      %lt3A_136 = vector.broadcast %lt3A_135 : i32 to vector<16xi32>
      %lt3A_137 = arith.cmpi slt, %sub3A_128, %lt3A_136 : vector<16xi32>
      %and3A_138 = arith.andi %ge3A_134, %lt3A_137 : vector<16xi1>
      %select_n3A_139 = arith.select %eq3A_0, %lt3A_131, %and3A_138 : vector<16xi1>
      %select_n3A_140 = arith.select %eq3A_0, %get3A_125, %sub3A_128 : vector<16xi32>
      %select_n3A_141 = arith.select %select_n3A_139, %select_n3A_140, %add3A_4 : vector<16xi1>, vector<16xi32>
      %swap3A_142 = arith.index_cast %scan3A_102 : i32 to index
      %swap3A_143 = arith.constant 16 : index
      %swap3A_144 = tpu.vector_load %arg6[%swap3A_142, %swap3A_143] {strides = array<i32>} : memref<157x128xi32, #tpu.memory_space<vmem>>, vector<1x16xi32>,
      %swap3A_145 = vector.shape_cast %swap3A_144 : vector<1x16xi32> to vector<16xi32>
      %swap3A_146 = vector.shape_cast %select_n3A_141 : vector<16xi32> to vector<1x16xi32>
      tpu.vector_store %arg6[%swap3A_142, %swap3A_143], %swap3A_146 {strides = array<i32>} : memref<157x128xi32, #tpu.memory_space<vmem>>, vector<1x16xi32>,
      %get3A_147 = arith.index_cast %scan3A_102 : i32 to index
      %get3A_148 = arith.constant 32 : index
      %get3A_149 = tpu.vector_load %arg6[%get3A_147, %get3A_148] {strides = array<i32>} : memref<157x128xi32, #tpu.memory_space<vmem>>, vector<1x16xi32>,
      %get3A_150 = vector.shape_cast %get3A_149 : vector<1x16xi32> to vector<16xi32>
      %sub3A_151 = arith.constant 5000 : i32
      %sub3A_152 = vector.broadcast %sub3A_151 : i32 to vector<16xi32>
      %sub3A_153 = arith.subi %get3A_150, %sub3A_152 : vector<16xi32>
      %lt3A_154 = arith.constant 5000 : i32
      %lt3A_155 = vector.broadcast %lt3A_154 : i32 to vector<16xi32>
      %lt3A_156 = arith.cmpi slt, %get3A_150, %lt3A_155 : vector<16xi32>
      %ge3A_157 = arith.constant 0 : i32
      %ge3A_158 = vector.broadcast %ge3A_157 : i32 to vector<16xi32>
      %ge3A_159 = arith.cmpi sge, %sub3A_153, %ge3A_158 : vector<16xi32>
      %lt3A_160 = arith.constant 5000 : i32
      %lt3A_161 = vector.broadcast %lt3A_160 : i32 to vector<16xi32>
      %lt3A_162 = arith.cmpi slt, %sub3A_153, %lt3A_161 : vector<16xi32>
      %and3A_163 = arith.andi %ge3A_159, %lt3A_162 : vector<16xi1>
      %select_n3A_164 = arith.select %eq3A_0, %lt3A_156, %and3A_163 : vector<16xi1>
      %select_n3A_165 = arith.select %eq3A_0, %get3A_150, %sub3A_153 : vector<16xi32>
      %select_n3A_166 = arith.select %select_n3A_164, %select_n3A_165, %add3A_4 : vector<16xi1>, vector<16xi32>
      %swap3A_167 = arith.index_cast %scan3A_102 : i32 to index
      %swap3A_168 = arith.constant 32 : index
      %swap3A_169 = tpu.vector_load %arg6[%swap3A_167, %swap3A_168] {strides = array<i32>} : memref<157x128xi32, #tpu.memory_space<vmem>>, vector<1x16xi32>,
      %swap3A_170 = vector.shape_cast %swap3A_169 : vector<1x16xi32> to vector<16xi32>
      %swap3A_171 = vector.shape_cast %select_n3A_166 : vector<16xi32> to vector<1x16xi32>
      tpu.vector_store %arg6[%swap3A_167, %swap3A_168], %swap3A_171 {strides = array<i32>} : memref<157x128xi32, #tpu.memory_space<vmem>>, vector<1x16xi32>,
      %get3A_172 = arith.index_cast %scan3A_102 : i32 to index
      %get3A_173 = arith.constant 48 : index
      %get3A_174 = tpu.vector_load %arg6[%get3A_172, %get3A_173] {strides = array<i32>} : memref<157x128xi32, #tpu.memory_space<vmem>>, vector<1x16xi32>,
      %get3A_175 = vector.shape_cast %get3A_174 : vector<1x16xi32> to vector<16xi32>
      %sub3A_176 = arith.constant 5000 : i32
      %sub3A_177 = vector.broadcast %sub3A_176 : i32 to vector<16xi32>
      %sub3A_178 = arith.subi %get3A_175, %sub3A_177 : vector<16xi32>
      %lt3A_179 = arith.constant 5000 : i32
      %lt3A_180 = vector.broadcast %lt3A_179 : i32 to vector<16xi32>
      %lt3A_181 = arith.cmpi slt, %get3A_175, %lt3A_180 : vector<16xi32>
      %ge3A_182 = arith.constant 0 : i32
      %ge3A_183 = vector.broadcast %ge3A_182 : i32 to vector<16xi32>
      %ge3A_184 = arith.cmpi sge, %sub3A_178, %ge3A_183 : vector<16xi32>
      %lt3A_185 = arith.constant 5000 : i32
      %lt3A_186 = vector.broadcast %lt3A_185 : i32 to vector<16xi32>
      %lt3A_187 = arith.cmpi slt, %sub3A_178, %lt3A_186 : vector<16xi32>
      %and3A_188 = arith.andi %ge3A_184, %lt3A_187 : vector<16xi1>
      %select_n3A_189 = arith.select %eq3A_0, %lt3A_181, %and3A_188 : vector<16xi1>
      %select_n3A_190 = arith.select %eq3A_0, %get3A_175, %sub3A_178 : vector<16xi32>
      %select_n3A_191 = arith.select %select_n3A_189, %select_n3A_190, %add3A_4 : vector<16xi1>, vector<16xi32>
      %swap3A_192 = arith.index_cast %scan3A_102 : i32 to index
      %swap3A_193 = arith.constant 48 : index
      %swap3A_194 = tpu.vector_load %arg6[%swap3A_192, %swap3A_193] {strides = array<i32>} : memref<157x128xi32, #tpu.memory_space<vmem>>, vector<1x16xi32>,
      %swap3A_195 = vector.shape_cast %swap3A_194 : vector<1x16xi32> to vector<16xi32>
      %swap3A_196 = vector.shape_cast %select_n3A_191 : vector<16xi32> to vector<1x16xi32>
      tpu.vector_store %arg6[%swap3A_192, %swap3A_193], %swap3A_196 {strides = array<i32>} : memref<157x128xi32, #tpu.memory_space<vmem>>, vector<1x16xi32>,
      %get3A_197 = arith.index_cast %scan3A_102 : i32 to index
      %get3A_198 = arith.constant 64 : index
      %get3A_199 = tpu.vector_load %arg6[%get3A_197, %get3A_198] {strides = array<i32>} : memref<157x128xi32, #tpu.memory_space<vmem>>, vector<1x16xi32>,
      %get3A_200 = vector.shape_cast %get3A_199 : vector<1x16xi32> to vector<16xi32>
      %sub3A_201 = arith.constant 5000 : i32
      %sub3A_202 = vector.broadcast %sub3A_201 : i32 to vector<16xi32>
      %sub3A_203 = arith.subi %get3A_200, %sub3A_202 : vector<16xi32>
      %lt3A_204 = arith.constant 5000 : i32
      %lt3A_205 = vector.broadcast %lt3A_204 : i32 to vector<16xi32>
      %lt3A_206 = arith.cmpi slt, %get3A_200, %lt3A_205 : vector<16xi32>
      %ge3A_207 = arith.constant 0 : i32
      %ge3A_208 = vector.broadcast %ge3A_207 : i32 to vector<16xi32>
      %ge3A_209 = arith.cmpi sge, %sub3A_203, %ge3A_208 : vector<16xi32>
      %lt3A_210 = arith.constant 5000 : i32
      %lt3A_211 = vector.broadcast %lt3A_210 : i32 to vector<16xi32>
      %lt3A_212 = arith.cmpi slt, %sub3A_203, %lt3A_211 : vector<16xi32>
      %and3A_213 = arith.andi %ge3A_209, %lt3A_212 : vector<16xi1>
      %select_n3A_214 = arith.select %eq3A_0, %lt3A_206, %and3A_213 : vector<16xi1>
      %select_n3A_215 = arith.select %eq3A_0, %get3A_200, %sub3A_203 : vector<16xi32>
      %select_n3A_216 = arith.select %select_n3A_214, %select_n3A_215, %add3A_4 : vector<16xi1>, vector<16xi32>
      %swap3A_217 = arith.index_cast %scan3A_102 : i32 to index
      %swap3A_218 = arith.constant 64 : index
      %swap3A_219 = tpu.vector_load %arg6[%swap3A_217, %swap3A_218] {strides = array<i32>} : memref<157x128xi32, #tpu.memory_space<vmem>>, vector<1x16xi32>,
      %swap3A_220 = vector.shape_cast %swap3A_219 : vector<1x16xi32> to vector<16xi32>
      %swap3A_221 = vector.shape_cast %select_n3A_216 : vector<16xi32> to vector<1x16xi32>
      tpu.vector_store %arg6[%swap3A_217, %swap3A_218], %swap3A_221 {strides = array<i32>} : memref<157x128xi32, #tpu.memory_space<vmem>>, vector<1x16xi32>,
      %get3A_222 = arith.index_cast %scan3A_102 : i32 to index
      %get3A_223 = arith.constant 80 : index
      %get3A_224 = tpu.vector_load %arg6[%get3A_222, %get3A_223] {strides = array<i32>} : memref<157x128xi32, #tpu.memory_space<vmem>>, vector<1x16xi32>,
      %get3A_225 = vector.shape_cast %get3A_224 : vector<1x16xi32> to vector<16xi32>
      %sub3A_226 = arith.constant 5000 : i32
      %sub3A_227 = vector.broadcast %sub3A_226 : i32 to vector<16xi32>
      %sub3A_228 = arith.subi %get3A_225, %sub3A_227 : vector<16xi32>
      %lt3A_229 = arith.constant 5000 : i32
      %lt3A_230 = vector.broadcast %lt3A_229 : i32 to vector<16xi32>
      %lt3A_231 = arith.cmpi slt, %get3A_225, %lt3A_230 : vector<16xi32>
      %ge3A_232 = arith.constant 0 : i32
      %ge3A_233 = vector.broadcast %ge3A_232 : i32 to vector<16xi32>
      %ge3A_234 = arith.cmpi sge, %sub3A_228, %ge3A_233 : vector<16xi32>
      %lt3A_235 = arith.constant 5000 : i32
      %lt3A_236 = vector.broadcast %lt3A_235 : i32 to vector<16xi32>
      %lt3A_237 = arith.cmpi slt, %sub3A_228, %lt3A_236 : vector<16xi32>
      %and3A_238 = arith.andi %ge3A_234, %lt3A_237 : vector<16xi1>
      %select_n3A_239 = arith.select %eq3A_0, %lt3A_231, %and3A_238 : vector<16xi1>
      %select_n3A_240 = arith.select %eq3A_0, %get3A_225, %sub3A_228 : vector<16xi32>
      %select_n3A_241 = arith.select %select_n3A_239, %select_n3A_240, %add3A_4 : vector<16xi1>, vector<16xi32>
      %swap3A_242 = arith.index_cast %scan3A_102 : i32 to index
      %swap3A_243 = arith.constant 80 : index
      %swap3A_244 = tpu.vector_load %arg6[%swap3A_242, %swap3A_243] {strides = array<i32>} : memref<157x128xi32, #tpu.memory_space<vmem>>, vector<1x16xi32>,
      %swap3A_245 = vector.shape_cast %swap3A_244 : vector<1x16xi32> to vector<16xi32>
      %swap3A_246 = vector.shape_cast %select_n3A_241 : vector<16xi32> to vector<1x16xi32>
      tpu.vector_store %arg6[%swap3A_242, %swap3A_243], %swap3A_246 {strides = array<i32>} : memref<157x128xi32, #tpu.memory_space<vmem>>, vector<1x16xi32>,
      %get3A_247 = arith.index_cast %scan3A_102 : i32 to index
      %get3A_248 = arith.constant 96 : index
      %get3A_249 = tpu.vector_load %arg6[%get3A_247, %get3A_248] {strides = array<i32>} : memref<157x128xi32, #tpu.memory_space<vmem>>, vector<1x16xi32>,
      %get3A_250 = vector.shape_cast %get3A_249 : vector<1x16xi32> to vector<16xi32>
      %sub3A_251 = arith.constant 5000 : i32
      %sub3A_252 = vector.broadcast %sub3A_251 : i32 to vector<16xi32>
      %sub3A_253 = arith.subi %get3A_250, %sub3A_252 : vector<16xi32>
      %lt3A_254 = arith.constant 5000 : i32
      %lt3A_255 = vector.broadcast %lt3A_254 : i32 to vector<16xi32>
      %lt3A_256 = arith.cmpi slt, %get3A_250, %lt3A_255 : vector<16xi32>
      %ge3A_257 = arith.constant 0 : i32
      %ge3A_258 = vector.broadcast %ge3A_257 : i32 to vector<16xi32>
      %ge3A_259 = arith.cmpi sge, %sub3A_253, %ge3A_258 : vector<16xi32>
      %lt3A_260 = arith.constant 5000 : i32
      %lt3A_261 = vector.broadcast %lt3A_260 : i32 to vector<16xi32>
      %lt3A_262 = arith.cmpi slt, %sub3A_253, %lt3A_261 : vector<16xi32>
      %and3A_263 = arith.andi %ge3A_259, %lt3A_262 : vector<16xi1>
      %select_n3A_264 = arith.select %eq3A_0, %lt3A_256, %and3A_263 : vector<16xi1>
      %select_n3A_265 = arith.select %eq3A_0, %get3A_250, %sub3A_253 : vector<16xi32>
      %select_n3A_266 = arith.select %select_n3A_264, %select_n3A_265, %add3A_4 : vector<16xi1>, vector<16xi32>
      %swap3A_267 = arith.index_cast %scan3A_102 : i32 to index
      %swap3A_268 = arith.constant 96 : index
      %swap3A_269 = tpu.vector_load %arg6[%swap3A_267, %swap3A_268] {strides = array<i32>} : memref<157x128xi32, #tpu.memory_space<vmem>>, vector<1x16xi32>,
      %swap3A_270 = vector.shape_cast %swap3A_269 : vector<1x16xi32> to vector<16xi32>
      %swap3A_271 = vector.shape_cast %select_n3A_266 : vector<16xi32> to vector<1x16xi32>
      tpu.vector_store %arg6[%swap3A_267, %swap3A_268], %swap3A_271 {strides = array<i32>} : memref<157x128xi32, #tpu.memory_space<vmem>>, vector<1x16xi32>,
      %get3A_272 = arith.index_cast %scan3A_102 : i32 to index
      %get3A_273 = arith.constant 112 : index
      %get3A_274 = tpu.vector_load %arg6[%get3A_272, %get3A_273] {strides = array<i32>} : memref<157x128xi32, #tpu.memory_space<vmem>>, vector<1x16xi32>,
      %get3A_275 = vector.shape_cast %get3A_274 : vector<1x16xi32> to vector<16xi32>
      %sub3A_276 = arith.constant 5000 : i32
      %sub3A_277 = vector.broadcast %sub3A_276 : i32 to vector<16xi32>
      %sub3A_278 = arith.subi %get3A_275, %sub3A_277 : vector<16xi32>
      %lt3A_279 = arith.constant 5000 : i32
      %lt3A_280 = vector.broadcast %lt3A_279 : i32 to vector<16xi32>
      %lt3A_281 = arith.cmpi slt, %get3A_275, %lt3A_280 : vector<16xi32>
      %ge3A_282 = arith.constant 0 : i32
      %ge3A_283 = vector.broadcast %ge3A_282 : i32 to vector<16xi32>
      %ge3A_284 = arith.cmpi sge, %sub3A_278, %ge3A_283 : vector<16xi32>
      %lt3A_285 = arith.constant 5000 : i32
      %lt3A_286 = vector.broadcast %lt3A_285 : i32 to vector<16xi32>
      %lt3A_287 = arith.cmpi slt, %sub3A_278, %lt3A_286 : vector<16xi32>
      %and3A_288 = arith.andi %ge3A_284, %lt3A_287 : vector<16xi1>
      %select_n3A_289 = arith.select %eq3A_0, %lt3A_281, %and3A_288 : vector<16xi1>
      %select_n3A_290 = arith.select %eq3A_0, %get3A_275, %sub3A_278 : vector<16xi32>
      %select_n3A_291 = arith.select %select_n3A_289, %select_n3A_290, %add3A_4 : vector<16xi1>, vector<16xi32>
      %swap3A_292 = arith.index_cast %scan3A_102 : i32 to index
      %swap3A_293 = arith.constant 112 : index
      %swap3A_294 = tpu.vector_load %arg6[%swap3A_292, %swap3A_293] {strides = array<i32>} : memref<157x128xi32, #tpu.memory_space<vmem>>, vector<1x16xi32>,
      %swap3A_295 = vector.shape_cast %swap3A_294 : vector<1x16xi32> to vector<16xi32>
      %swap3A_296 = vector.shape_cast %select_n3A_291 : vector<16xi32> to vector<1x16xi32>
      tpu.vector_store %arg6[%swap3A_292, %swap3A_293], %swap3A_296 {strides = array<i32>} : memref<157x128xi32, #tpu.memory_space<vmem>>, vector<1x16xi32>,
    }
    %scan3A_9 = arith.constant 157 : i32
    %mul3A = arith.constant 312 : i32
    %mul3A_10 = arith.muli %arg1, %mul3A : i32
    %scan3A_11 = arith.constant 0 : i32
    %scan3A_12 = arith.constant 0 : i32
    %scan3A_13 = arith.constant 39 : i32
    %scan3A_14 = arith.addi %scan3A_12, %scan3A_13 : i32
    %scan3A_15 = arith.constant 1 : i32
    scf.for %scan3A_102 = %scan3A_12 to %scan3A_14 step %scan3A_15  : i32 {
      %mul3A_103 = arith.constant 8 : i32
      %mul3A_104 = arith.muli %scan3A_102, %mul3A_103 : i32
      %add3A_105 = arith.addi %mul3A_10, %mul3A_104 : i32
      "tpu.region"() ({
        %run_scoped3A = tpu.sem_alloc : memref<!tpu.dma_semaphore, #tpu.memory_space<semaphore_mem>>
        %dma_start3A_106 = arith.constant 0 : i32
        %dma_start3A_107 = tpu.memref_slice %arg9[%add3A_105, %dma_start3A_106] : memref<5008x128xf32, #tpu.memory_space<vmem_shared>> -> memref<8x128xf32, #tpu.memory_space<vmem_shared>>
        tpu.enqueue_dma source(%arg4 : memref<8x128xf32, #tpu.memory_space<hbm>>) target(%dma_start3A_107 : memref<8x128xf32, #tpu.memory_space<vmem_shared>>) target_semaphore(%run_scoped3A : memref<!tpu.dma_semaphore, #tpu.memory_space<semaphore_mem>>)
        %dma_wait3A_108 = arith.constant 0 : i32
        %dma_wait3A_109 = tpu.memref_slice %arg9[%add3A_105, %dma_wait3A_108] : memref<5008x128xf32, #tpu.memory_space<vmem_shared>> -> memref<8x128xf32, #tpu.memory_space<vmem_shared>>
        tpu.wait_dma2 semaphore(%run_scoped3A : memref<!tpu.dma_semaphore, #tpu.memory_space<semaphore_mem>>) src(%arg4 : memref<8x128xf32, #tpu.memory_space<hbm>>) dst(%dma_wait3A_109 : memref<8x128xf32, #tpu.memory_space<vmem_shared>>)
        tpu.yield
      }) : () -> ()
    }
    %scan3A_16 = arith.constant 39 : i32
    %eq3A_17 = arith.constant 15 : i32
    %eq3A_18 = arith.cmpi eq, %arg1, %eq3A_17 : i32
    %convert_element_type3A = arith.extui %eq3A_18 : i1 to i32
    %cond3A = arith.constant 0 : i32
    %cond3A_19 = arith.cmpi ne, %convert_element_type3A, %cond3A : i32
    scf.if %cond3A_19 {
      %scan3A_102 = arith.constant 0 : i32
      %scan3A_103 = arith.constant 0 : i32
      %scan3A_104 = arith.constant 2 : i32
      %scan3A_105 = arith.addi %scan3A_103, %scan3A_104 : i32
      %scan3A_106 = arith.constant 1 : i32
      scf.for %scan3A_108 = %scan3A_103 to %scan3A_105 step %scan3A_106  : i32 {
        %mul3A_109 = arith.constant 8 : i32
        %mul3A_110 = arith.muli %scan3A_108, %mul3A_109 : i32
        %add3A_111 = arith.constant 4992 : i32
        %add3A_112 = arith.addi %add3A_111, %mul3A_110 : i32
        "tpu.region"() ({
          %run_scoped3A = tpu.sem_alloc : memref<!tpu.dma_semaphore, #tpu.memory_space<semaphore_mem>>
          %dma_start3A_113 = arith.constant 0 : i32
          %dma_start3A_114 = tpu.memref_slice %arg9[%add3A_112, %dma_start3A_113] : memref<5008x128xf32, #tpu.memory_space<vmem_shared>> -> memref<8x128xf32, #tpu.memory_space<vmem_shared>>
          tpu.enqueue_dma source(%arg4 : memref<8x128xf32, #tpu.memory_space<hbm>>) target(%dma_start3A_114 : memref<8x128xf32, #tpu.memory_space<vmem_shared>>) target_semaphore(%run_scoped3A : memref<!tpu.dma_semaphore, #tpu.memory_space<semaphore_mem>>)
          %dma_wait3A_115 = arith.constant 0 : i32
          %dma_wait3A_116 = tpu.memref_slice %arg9[%add3A_112, %dma_wait3A_115] : memref<5008x128xf32, #tpu.memory_space<vmem_shared>> -> memref<8x128xf32, #tpu.memory_space<vmem_shared>>
          tpu.wait_dma2 semaphore(%run_scoped3A : memref<!tpu.dma_semaphore, #tpu.memory_space<semaphore_mem>>) src(%arg4 : memref<8x128xf32, #tpu.memory_space<hbm>>) dst(%dma_wait3A_116 : memref<8x128xf32, #tpu.memory_space<vmem_shared>>)
          tpu.yield
        }) : () -> ()
      }
      %scan3A_107 = arith.constant 2 : i32
    } else {
    }
    %barrier3A = arith.constant 0 : index
    tpu.barrier barrier_id(%barrier3A)
    %scan3A_20 = arith.constant 0 : i32
    %scan3A_21 = arith.constant 0 : i32
    %scan3A_22 = arith.constant 19 : i32
    %scan3A_23 = arith.addi %scan3A_21, %scan3A_22 : i32
    %scan3A_24 = arith.constant 1 : i32
    scf.for %scan3A_102 = %scan3A_21 to %scan3A_23 step %scan3A_24  : i32 {
      %mul3A_103 = arith.constant 8 : i32
      %mul3A_104 = arith.muli %scan3A_102, %mul3A_103 : i32
      %add3A_105 = arith.constant 0 : i32
      %add3A_106 = arith.addi %mul3A_104, %add3A_105 : i32
      %dma_start3A_107 = arith.constant 0 : i32
      %dma_start3A_108 = tpu.memref_slice %arg6[%add3A_106, %dma_start3A_107] : memref<157x128xi32, #tpu.memory_space<vmem>> -> memref<1x128xi32, #tpu.memory_space<vmem>>
      %dma_start3A_109 = tpu.memref_squeeze %dma_start3A_108 : memref<1x128xi32, #tpu.memory_space<vmem>> -> memref<128xi32, #tpu.memory_space<vmem>>
      %dma_start3A_110 = arith.constant 0 : i32
      %dma_start3A_111 = arith.constant 0 : i32
      %dma_start3A_112 = tpu.memref_slice %arg9[%dma_start3A_110, %dma_start3A_111] : memref<5008x128xf32, #tpu.memory_space<vmem_shared>> -> memref<5008x128xf32, #tpu.memory_space<vmem_shared>>
      tpu.enqueue_indirect_dma source(%arg7 : memref<128x128xf32, #tpu.memory_space<vmem>>) target(%dma_start3A_112 : memref<5008x128xf32, #tpu.memory_space<vmem_shared>>) offsets(%dma_start3A_109 : memref<128xi32, #tpu.memory_space<vmem>>) semaphore(%arg8 : memref<!tpu.dma_semaphore, #tpu.memory_space<semaphore_mem>>) {add = true}
      %mul3A_113 = arith.constant 8 : i32
      %mul3A_114 = arith.muli %scan3A_102, %mul3A_113 : i32
      %add3A_115 = arith.constant 1 : i32
      %add3A_116 = arith.addi %mul3A_114, %add3A_115 : i32
      %dma_start3A_117 = arith.constant 0 : i32
      %dma_start3A_118 = tpu.memref_slice %arg6[%add3A_116, %dma_start3A_117] : memref<157x128xi32, #tpu.memory_space<vmem>> -> memref<1x128xi32, #tpu.memory_space<vmem>>
      %dma_start3A_119 = tpu.memref_squeeze %dma_start3A_118 : memref<1x128xi32, #tpu.memory_space<vmem>> -> memref<128xi32, #tpu.memory_space<vmem>>
      %dma_start3A_120 = arith.constant 0 : i32
      %dma_start3A_121 = arith.constant 0 : i32
      %dma_start3A_122 = tpu.memref_slice %arg9[%dma_start3A_120, %dma_start3A_121] : memref<5008x128xf32, #tpu.memory_space<vmem_shared>> -> memref<5008x128xf32, #tpu.memory_space<vmem_shared>>
      tpu.enqueue_indirect_dma source(%arg7 : memref<128x128xf32, #tpu.memory_space<vmem>>) target(%dma_start3A_122 : memref<5008x128xf32, #tpu.memory_space<vmem_shared>>) offsets(%dma_start3A_119 : memref<128xi32, #tpu.memory_space<vmem>>) semaphore(%arg8 : memref<!tpu.dma_semaphore, #tpu.memory_space<semaphore_mem>>) {add = true}
      %mul3A_123 = arith.constant 8 : i32
      %mul3A_124 = arith.muli %scan3A_102, %mul3A_123 : i32
      %add3A_125 = arith.constant 2 : i32
      %add3A_126 = arith.addi %mul3A_124, %add3A_125 : i32
      %dma_start3A_127 = arith.constant 0 : i32
      %dma_start3A_128 = tpu.memref_slice %arg6[%add3A_126, %dma_start3A_127] : memref<157x128xi32, #tpu.memory_space<vmem>> -> memref<1x128xi32, #tpu.memory_space<vmem>>
      %dma_start3A_129 = tpu.memref_squeeze %dma_start3A_128 : memref<1x128xi32, #tpu.memory_space<vmem>> -> memref<128xi32, #tpu.memory_space<vmem>>
      %dma_start3A_130 = arith.constant 0 : i32
      %dma_start3A_131 = arith.constant 0 : i32
      %dma_start3A_132 = tpu.memref_slice %arg9[%dma_start3A_130, %dma_start3A_131] : memref<5008x128xf32, #tpu.memory_space<vmem_shared>> -> memref<5008x128xf32, #tpu.memory_space<vmem_shared>>
      tpu.enqueue_indirect_dma source(%arg7 : memref<128x128xf32, #tpu.memory_space<vmem>>) target(%dma_start3A_132 : memref<5008x128xf32, #tpu.memory_space<vmem_shared>>) offsets(%dma_start3A_129 : memref<128xi32, #tpu.memory_space<vmem>>) semaphore(%arg8 : memref<!tpu.dma_semaphore, #tpu.memory_space<semaphore_mem>>) {add = true}
      %mul3A_133 = arith.constant 8 : i32
      %mul3A_134 = arith.muli %scan3A_102, %mul3A_133 : i32
      %add3A_135 = arith.constant 3 : i32
      %add3A_136 = arith.addi %mul3A_134, %add3A_135 : i32
      %dma_start3A_137 = arith.constant 0 : i32
      %dma_start3A_138 = tpu.memref_slice %arg6[%add3A_136, %dma_start3A_137] : memref<157x128xi32, #tpu.memory_space<vmem>> -> memref<1x128xi32, #tpu.memory_space<vmem>>
      %dma_start3A_139 = tpu.memref_squeeze %dma_start3A_138 : memref<1x128xi32, #tpu.memory_space<vmem>> -> memref<128xi32, #tpu.memory_space<vmem>>
      %dma_start3A_140 = arith.constant 0 : i32
      %dma_start3A_141 = arith.constant 0 : i32
      %dma_start3A_142 = tpu.memref_slice %arg9[%dma_start3A_140, %dma_start3A_141] : memref<5008x128xf32, #tpu.memory_space<vmem_shared>> -> memref<5008x128xf32, #tpu.memory_space<vmem_shared>>
      tpu.enqueue_indirect_dma source(%arg7 : memref<128x128xf32, #tpu.memory_space<vmem>>) target(%dma_start3A_142 : memref<5008x128xf32, #tpu.memory_space<vmem_shared>>) offsets(%dma_start3A_139 : memref<128xi32, #tpu.memory_space<vmem>>) semaphore(%arg8 : memref<!tpu.dma_semaphore, #tpu.memory_space<semaphore_mem>>) {add = true}
      %mul3A_143 = arith.constant 8 : i32
      %mul3A_144 = arith.muli %scan3A_102, %mul3A_143 : i32
      %add3A_145 = arith.constant 4 : i32
      %add3A_146 = arith.addi %mul3A_144, %add3A_145 : i32
      %dma_start3A_147 = arith.constant 0 : i32
      %dma_start3A_148 = tpu.memref_slice %arg6[%add3A_146, %dma_start3A_147] : memref<157x128xi32, #tpu.memory_space<vmem>> -> memref<1x128xi32, #tpu.memory_space<vmem>>
      %dma_start3A_149 = tpu.memref_squeeze %dma_start3A_148 : memref<1x128xi32, #tpu.memory_space<vmem>> -> memref<128xi32, #tpu.memory_space<vmem>>
      %dma_start3A_150 = arith.constant 0 : i32
      %dma_start3A_151 = arith.constant 0 : i32
      %dma_start3A_152 = tpu.memref_slice %arg9[%dma_start3A_150, %dma_start3A_151] : memref<5008x128xf32, #tpu.memory_space<vmem_shared>> -> memref<5008x128xf32, #tpu.memory_space<vmem_shared>>
      tpu.enqueue_indirect_dma source(%arg7 : memref<128x128xf32, #tpu.memory_space<vmem>>) target(%dma_start3A_152 : memref<5008x128xf32, #tpu.memory_space<vmem_shared>>) offsets(%dma_start3A_149 : memref<128xi32, #tpu.memory_space<vmem>>) semaphore(%arg8 : memref<!tpu.dma_semaphore, #tpu.memory_space<semaphore_mem>>) {add = true}
      %mul3A_153 = arith.constant 8 : i32
      %mul3A_154 = arith.muli %scan3A_102, %mul3A_153 : i32
      %add3A_155 = arith.constant 5 : i32
      %add3A_156 = arith.addi %mul3A_154, %add3A_155 : i32
      %dma_start3A_157 = arith.constant 0 : i32
      %dma_start3A_158 = tpu.memref_slice %arg6[%add3A_156, %dma_start3A_157] : memref<157x128xi32, #tpu.memory_space<vmem>> -> memref<1x128xi32, #tpu.memory_space<vmem>>
      %dma_start3A_159 = tpu.memref_squeeze %dma_start3A_158 : memref<1x128xi32, #tpu.memory_space<vmem>> -> memref<128xi32, #tpu.memory_space<vmem>>
      %dma_start3A_160 = arith.constant 0 : i32
      %dma_start3A_161 = arith.constant 0 : i32
      %dma_start3A_162 = tpu.memref_slice %arg9[%dma_start3A_160, %dma_start3A_161] : memref<5008x128xf32, #tpu.memory_space<vmem_shared>> -> memref<5008x128xf32, #tpu.memory_space<vmem_shared>>
      tpu.enqueue_indirect_dma source(%arg7 : memref<128x128xf32, #tpu.memory_space<vmem>>) target(%dma_start3A_162 : memref<5008x128xf32, #tpu.memory_space<vmem_shared>>) offsets(%dma_start3A_159 : memref<128xi32, #tpu.memory_space<vmem>>) semaphore(%arg8 : memref<!tpu.dma_semaphore, #tpu.memory_space<semaphore_mem>>) {add = true}
      %mul3A_163 = arith.constant 8 : i32
      %mul3A_164 = arith.muli %scan3A_102, %mul3A_163 : i32
      %add3A_165 = arith.constant 6 : i32
      %add3A_166 = arith.addi %mul3A_164, %add3A_165 : i32
      %dma_start3A_167 = arith.constant 0 : i32
      %dma_start3A_168 = tpu.memref_slice %arg6[%add3A_166, %dma_start3A_167] : memref<157x128xi32, #tpu.memory_space<vmem>> -> memref<1x128xi32, #tpu.memory_space<vmem>>
      %dma_start3A_169 = tpu.memref_squeeze %dma_start3A_168 : memref<1x128xi32, #tpu.memory_space<vmem>> -> memref<128xi32, #tpu.memory_space<vmem>>
      %dma_start3A_170 = arith.constant 0 : i32
      %dma_start3A_171 = arith.constant 0 : i32
      %dma_start3A_172 = tpu.memref_slice %arg9[%dma_start3A_170, %dma_start3A_171] : memref<5008x128xf32, #tpu.memory_space<vmem_shared>> -> memref<5008x128xf32, #tpu.memory_space<vmem_shared>>
      tpu.enqueue_indirect_dma source(%arg7 : memref<128x128xf32, #tpu.memory_space<vmem>>) target(%dma_start3A_172 : memref<5008x128xf32, #tpu.memory_space<vmem_shared>>) offsets(%dma_start3A_169 : memref<128xi32, #tpu.memory_space<vmem>>) semaphore(%arg8 : memref<!tpu.dma_semaphore, #tpu.memory_space<semaphore_mem>>) {add = true}
      %mul3A_173 = arith.constant 8 : i32
      %mul3A_174 = arith.muli %scan3A_102, %mul3A_173 : i32
      %add3A_175 = arith.constant 7 : i32
      %add3A_176 = arith.addi %mul3A_174, %add3A_175 : i32
      %dma_start3A_177 = arith.constant 0 : i32
      %dma_start3A_178 = tpu.memref_slice %arg6[%add3A_176, %dma_start3A_177] : memref<157x128xi32, #tpu.memory_space<vmem>> -> memref<1x128xi32, #tpu.memory_space<vmem>>
      %dma_start3A_179 = tpu.memref_squeeze %dma_start3A_178 : memref<1x128xi32, #tpu.memory_space<vmem>> -> memref<128xi32, #tpu.memory_space<vmem>>
      %dma_start3A_180 = arith.constant 0 : i32
      %dma_start3A_181 = arith.constant 0 : i32
      %dma_start3A_182 = tpu.memref_slice %arg9[%dma_start3A_180, %dma_start3A_181] : memref<5008x128xf32, #tpu.memory_space<vmem_shared>> -> memref<5008x128xf32, #tpu.memory_space<vmem_shared>>
      tpu.enqueue_indirect_dma source(%arg7 : memref<128x128xf32, #tpu.memory_space<vmem>>) target(%dma_start3A_182 : memref<5008x128xf32, #tpu.memory_space<vmem_shared>>) offsets(%dma_start3A_179 : memref<128xi32, #tpu.memory_space<vmem>>) semaphore(%arg8 : memref<!tpu.dma_semaphore, #tpu.memory_space<semaphore_mem>>) {add = true}
      %mul3A_183 = arith.constant 8 : i32
      %mul3A_184 = arith.muli %scan3A_102, %mul3A_183 : i32
      %add3A_185 = arith.constant 0 : i32
      %add3A_186 = arith.addi %mul3A_184, %add3A_185 : i32
      %dma_wait3A_187 = arith.constant 0 : i32
      %dma_wait3A_188 = tpu.memref_slice %arg6[%add3A_186, %dma_wait3A_187] : memref<157x128xi32, #tpu.memory_space<vmem>> -> memref<1x128xi32, #tpu.memory_space<vmem>>
      %dma_wait3A_189 = tpu.memref_squeeze %dma_wait3A_188 : memref<1x128xi32, #tpu.memory_space<vmem>> -> memref<128xi32, #tpu.memory_space<vmem>>
      %dma_wait3A_190 = arith.constant 0 : i32
      %dma_wait3A_191 = arith.constant 0 : i32
      %dma_wait3A_192 = tpu.memref_slice %arg9[%dma_wait3A_190, %dma_wait3A_191] : memref<5008x128xf32, #tpu.memory_space<vmem_shared>> -> memref<5008x128xf32, #tpu.memory_space<vmem_shared>>
      tpu.wait_indirect_dma semaphore(%arg8 : memref<!tpu.dma_semaphore, #tpu.memory_space<semaphore_mem>>) src(%arg7 : memref<128x128xf32, #tpu.memory_space<vmem>>) dst(%dma_wait3A_192 : memref<5008x128xf32, #tpu.memory_space<vmem_shared>>)
      %mul3A_193 = arith.constant 8 : i32
      %mul3A_194 = arith.muli %scan3A_102, %mul3A_193 : i32
      %add3A_195 = arith.constant 1 : i32
      %add3A_196 = arith.addi %mul3A_194, %add3A_195 : i32
      %dma_wait3A_197 = arith.constant 0 : i32
      %dma_wait3A_198 = tpu.memref_slice %arg6[%add3A_196, %dma_wait3A_197] : memref<157x128xi32, #tpu.memory_space<vmem>> -> memref<1x128xi32, #tpu.memory_space<vmem>>
      %dma_wait3A_199 = tpu.memref_squeeze %dma_wait3A_198 : memref<1x128xi32, #tpu.memory_space<vmem>> -> memref<128xi32, #tpu.memory_space<vmem>>
      %dma_wait3A_200 = arith.constant 0 : i32
      %dma_wait3A_201 = arith.constant 0 : i32
      %dma_wait3A_202 = tpu.memref_slice %arg9[%dma_wait3A_200, %dma_wait3A_201] : memref<5008x128xf32, #tpu.memory_space<vmem_shared>> -> memref<5008x128xf32, #tpu.memory_space<vmem_shared>>
      tpu.wait_indirect_dma semaphore(%arg8 : memref<!tpu.dma_semaphore, #tpu.memory_space<semaphore_mem>>) src(%arg7 : memref<128x128xf32, #tpu.memory_space<vmem>>) dst(%dma_wait3A_202 : memref<5008x128xf32, #tpu.memory_space<vmem_shared>>)
      %mul3A_203 = arith.constant 8 : i32
      %mul3A_204 = arith.muli %scan3A_102, %mul3A_203 : i32
      %add3A_205 = arith.constant 2 : i32
      %add3A_206 = arith.addi %mul3A_204, %add3A_205 : i32
      %dma_wait3A_207 = arith.constant 0 : i32
      %dma_wait3A_208 = tpu.memref_slice %arg6[%add3A_206, %dma_wait3A_207] : memref<157x128xi32, #tpu.memory_space<vmem>> -> memref<1x128xi32, #tpu.memory_space<vmem>>
      %dma_wait3A_209 = tpu.memref_squeeze %dma_wait3A_208 : memref<1x128xi32, #tpu.memory_space<vmem>> -> memref<128xi32, #tpu.memory_space<vmem>>
      %dma_wait3A_210 = arith.constant 0 : i32
      %dma_wait3A_211 = arith.constant 0 : i32
      %dma_wait3A_212 = tpu.memref_slice %arg9[%dma_wait3A_210, %dma_wait3A_211] : memref<5008x128xf32, #tpu.memory_space<vmem_shared>> -> memref<5008x128xf32, #tpu.memory_space<vmem_shared>>
      tpu.wait_indirect_dma semaphore(%arg8 : memref<!tpu.dma_semaphore, #tpu.memory_space<semaphore_mem>>) src(%arg7 : memref<128x128xf32, #tpu.memory_space<vmem>>) dst(%dma_wait3A_212 : memref<5008x128xf32, #tpu.memory_space<vmem_shared>>)
      %mul3A_213 = arith.constant 8 : i32
      %mul3A_214 = arith.muli %scan3A_102, %mul3A_213 : i32
      %add3A_215 = arith.constant 3 : i32
      %add3A_216 = arith.addi %mul3A_214, %add3A_215 : i32
      %dma_wait3A_217 = arith.constant 0 : i32
      %dma_wait3A_218 = tpu.memref_slice %arg6[%add3A_216, %dma_wait3A_217] : memref<157x128xi32, #tpu.memory_space<vmem>> -> memref<1x128xi32, #tpu.memory_space<vmem>>
      %dma_wait3A_219 = tpu.memref_squeeze %dma_wait3A_218 : memref<1x128xi32, #tpu.memory_space<vmem>> -> memref<128xi32, #tpu.memory_space<vmem>>
      %dma_wait3A_220 = arith.constant 0 : i32
      %dma_wait3A_221 = arith.constant 0 : i32
      %dma_wait3A_222 = tpu.memref_slice %arg9[%dma_wait3A_220, %dma_wait3A_221] : memref<5008x128xf32, #tpu.memory_space<vmem_shared>> -> memref<5008x128xf32, #tpu.memory_space<vmem_shared>>
      tpu.wait_indirect_dma semaphore(%arg8 : memref<!tpu.dma_semaphore, #tpu.memory_space<semaphore_mem>>) src(%arg7 : memref<128x128xf32, #tpu.memory_space<vmem>>) dst(%dma_wait3A_222 : memref<5008x128xf32, #tpu.memory_space<vmem_shared>>)
      %mul3A_223 = arith.constant 8 : i32
      %mul3A_224 = arith.muli %scan3A_102, %mul3A_223 : i32
      %add3A_225 = arith.constant 4 : i32
      %add3A_226 = arith.addi %mul3A_224, %add3A_225 : i32
      %dma_wait3A_227 = arith.constant 0 : i32
      %dma_wait3A_228 = tpu.memref_slice %arg6[%add3A_226, %dma_wait3A_227] : memref<157x128xi32, #tpu.memory_space<vmem>> -> memref<1x128xi32, #tpu.memory_space<vmem>>
      %dma_wait3A_229 = tpu.memref_squeeze %dma_wait3A_228 : memref<1x128xi32, #tpu.memory_space<vmem>> -> memref<128xi32, #tpu.memory_space<vmem>>
      %dma_wait3A_230 = arith.constant 0 : i32
      %dma_wait3A_231 = arith.constant 0 : i32
      %dma_wait3A_232 = tpu.memref_slice %arg9[%dma_wait3A_230, %dma_wait3A_231] : memref<5008x128xf32, #tpu.memory_space<vmem_shared>> -> memref<5008x128xf32, #tpu.memory_space<vmem_shared>>
      tpu.wait_indirect_dma semaphore(%arg8 : memref<!tpu.dma_semaphore, #tpu.memory_space<semaphore_mem>>) src(%arg7 : memref<128x128xf32, #tpu.memory_space<vmem>>) dst(%dma_wait3A_232 : memref<5008x128xf32, #tpu.memory_space<vmem_shared>>)
      %mul3A_233 = arith.constant 8 : i32
      %mul3A_234 = arith.muli %scan3A_102, %mul3A_233 : i32
      %add3A_235 = arith.constant 5 : i32
      %add3A_236 = arith.addi %mul3A_234, %add3A_235 : i32
      %dma_wait3A_237 = arith.constant 0 : i32
      %dma_wait3A_238 = tpu.memref_slice %arg6[%add3A_236, %dma_wait3A_237] : memref<157x128xi32, #tpu.memory_space<vmem>> -> memref<1x128xi32, #tpu.memory_space<vmem>>
      %dma_wait3A_239 = tpu.memref_squeeze %dma_wait3A_238 : memref<1x128xi32, #tpu.memory_space<vmem>> -> memref<128xi32, #tpu.memory_space<vmem>>
      %dma_wait3A_240 = arith.constant 0 : i32
      %dma_wait3A_241 = arith.constant 0 : i32
      %dma_wait3A_242 = tpu.memref_slice %arg9[%dma_wait3A_240, %dma_wait3A_241] : memref<5008x128xf32, #tpu.memory_space<vmem_shared>> -> memref<5008x128xf32, #tpu.memory_space<vmem_shared>>
      tpu.wait_indirect_dma semaphore(%arg8 : memref<!tpu.dma_semaphore, #tpu.memory_space<semaphore_mem>>) src(%arg7 : memref<128x128xf32, #tpu.memory_space<vmem>>) dst(%dma_wait3A_242 : memref<5008x128xf32, #tpu.memory_space<vmem_shared>>)
      %mul3A_243 = arith.constant 8 : i32
      %mul3A_244 = arith.muli %scan3A_102, %mul3A_243 : i32
      %add3A_245 = arith.constant 6 : i32
      %add3A_246 = arith.addi %mul3A_244, %add3A_245 : i32
      %dma_wait3A_247 = arith.constant 0 : i32
      %dma_wait3A_248 = tpu.memref_slice %arg6[%add3A_246, %dma_wait3A_247] : memref<157x128xi32, #tpu.memory_space<vmem>> -> memref<1x128xi32, #tpu.memory_space<vmem>>
      %dma_wait3A_249 = tpu.memref_squeeze %dma_wait3A_248 : memref<1x128xi32, #tpu.memory_space<vmem>> -> memref<128xi32, #tpu.memory_space<vmem>>
      %dma_wait3A_250 = arith.constant 0 : i32
      %dma_wait3A_251 = arith.constant 0 : i32
      %dma_wait3A_252 = tpu.memref_slice %arg9[%dma_wait3A_250, %dma_wait3A_251] : memref<5008x128xf32, #tpu.memory_space<vmem_shared>> -> memref<5008x128xf32, #tpu.memory_space<vmem_shared>>
      tpu.wait_indirect_dma semaphore(%arg8 : memref<!tpu.dma_semaphore, #tpu.memory_space<semaphore_mem>>) src(%arg7 : memref<128x128xf32, #tpu.memory_space<vmem>>) dst(%dma_wait3A_252 : memref<5008x128xf32, #tpu.memory_space<vmem_shared>>)
      %mul3A_253 = arith.constant 8 : i32
      %mul3A_254 = arith.muli %scan3A_102, %mul3A_253 : i32
      %add3A_255 = arith.constant 7 : i32
      %add3A_256 = arith.addi %mul3A_254, %add3A_255 : i32
      %dma_wait3A_257 = arith.constant 0 : i32
      %dma_wait3A_258 = tpu.memref_slice %arg6[%add3A_256, %dma_wait3A_257] : memref<157x128xi32, #tpu.memory_space<vmem>> -> memref<1x128xi32, #tpu.memory_space<vmem>>
      %dma_wait3A_259 = tpu.memref_squeeze %dma_wait3A_258 : memref<1x128xi32, #tpu.memory_space<vmem>> -> memref<128xi32, #tpu.memory_space<vmem>>
      %dma_wait3A_260 = arith.constant 0 : i32
      %dma_wait3A_261 = arith.constant 0 : i32
      %dma_wait3A_262 = tpu.memref_slice %arg9[%dma_wait3A_260, %dma_wait3A_261] : memref<5008x128xf32, #tpu.memory_space<vmem_shared>> -> memref<5008x128xf32, #tpu.memory_space<vmem_shared>>
      tpu.wait_indirect_dma semaphore(%arg8 : memref<!tpu.dma_semaphore, #tpu.memory_space<semaphore_mem>>) src(%arg7 : memref<128x128xf32, #tpu.memory_space<vmem>>) dst(%dma_wait3A_262 : memref<5008x128xf32, #tpu.memory_space<vmem_shared>>)
    }
    %scan3A_25 = arith.constant 19 : i32
    %dma_start3A = arith.constant 152 : i32
    %dma_start3A_26 = arith.constant 0 : i32
    %dma_start3A_27 = tpu.memref_slice %arg6[%dma_start3A, %dma_start3A_26] : memref<157x128xi32, #tpu.memory_space<vmem>> -> memref<1x128xi32, #tpu.memory_space<vmem>>
    %dma_start3A_28 = tpu.memref_squeeze %dma_start3A_27 : memref<1x128xi32, #tpu.memory_space<vmem>> -> memref<128xi32, #tpu.memory_space<vmem>>
    %dma_start3A_29 = arith.constant 0 : i32
    %dma_start3A_30 = arith.constant 0 : i32
    %dma_start3A_31 = tpu.memref_slice %arg9[%dma_start3A_29, %dma_start3A_30] : memref<5008x128xf32, #tpu.memory_space<vmem_shared>> -> memref<5008x128xf32, #tpu.memory_space<vmem_shared>>
    tpu.enqueue_indirect_dma source(%arg7 : memref<128x128xf32, #tpu.memory_space<vmem>>) target(%dma_start3A_31 : memref<5008x128xf32, #tpu.memory_space<vmem_shared>>) offsets(%dma_start3A_28 : memref<128xi32, #tpu.memory_space<vmem>>) semaphore(%arg8 : memref<!tpu.dma_semaphore, #tpu.memory_space<semaphore_mem>>) {add = true}
    %dma_start3A_32 = arith.constant 153 : i32
    %dma_start3A_33 = arith.constant 0 : i32
    %dma_start3A_34 = tpu.memref_slice %arg6[%dma_start3A_32, %dma_start3A_33] : memref<157x128xi32, #tpu.memory_space<vmem>> -> memref<1x128xi32, #tpu.memory_space<vmem>>
    %dma_start3A_35 = tpu.memref_squeeze %dma_start3A_34 : memref<1x128xi32, #tpu.memory_space<vmem>> -> memref<128xi32, #tpu.memory_space<vmem>>
    %dma_start3A_36 = arith.constant 0 : i32
    %dma_start3A_37 = arith.constant 0 : i32
    %dma_start3A_38 = tpu.memref_slice %arg9[%dma_start3A_36, %dma_start3A_37] : memref<5008x128xf32, #tpu.memory_space<vmem_shared>> -> memref<5008x128xf32, #tpu.memory_space<vmem_shared>>
    tpu.enqueue_indirect_dma source(%arg7 : memref<128x128xf32, #tpu.memory_space<vmem>>) target(%dma_start3A_38 : memref<5008x128xf32, #tpu.memory_space<vmem_shared>>) offsets(%dma_start3A_35 : memref<128xi32, #tpu.memory_space<vmem>>) semaphore(%arg8 : memref<!tpu.dma_semaphore, #tpu.memory_space<semaphore_mem>>) {add = true}
    %dma_start3A_39 = arith.constant 154 : i32
    %dma_start3A_40 = arith.constant 0 : i32
    %dma_start3A_41 = tpu.memref_slice %arg6[%dma_start3A_39, %dma_start3A_40] : memref<157x128xi32, #tpu.memory_space<vmem>> -> memref<1x128xi32, #tpu.memory_space<vmem>>
    %dma_start3A_42 = tpu.memref_squeeze %dma_start3A_41 : memref<1x128xi32, #tpu.memory_space<vmem>> -> memref<128xi32, #tpu.memory_space<vmem>>
    %dma_start3A_43 = arith.constant 0 : i32
    %dma_start3A_44 = arith.constant 0 : i32
    %dma_start3A_45 = tpu.memref_slice %arg9[%dma_start3A_43, %dma_start3A_44] : memref<5008x128xf32, #tpu.memory_space<vmem_shared>> -> memref<5008x128xf32, #tpu.memory_space<vmem_shared>>
    tpu.enqueue_indirect_dma source(%arg7 : memref<128x128xf32, #tpu.memory_space<vmem>>) target(%dma_start3A_45 : memref<5008x128xf32, #tpu.memory_space<vmem_shared>>) offsets(%dma_start3A_42 : memref<128xi32, #tpu.memory_space<vmem>>) semaphore(%arg8 : memref<!tpu.dma_semaphore, #tpu.memory_space<semaphore_mem>>) {add = true}
    %dma_start3A_46 = arith.constant 155 : i32
    %dma_start3A_47 = arith.constant 0 : i32
    %dma_start3A_48 = tpu.memref_slice %arg6[%dma_start3A_46, %dma_start3A_47] : memref<157x128xi32, #tpu.memory_space<vmem>> -> memref<1x128xi32, #tpu.memory_space<vmem>>
    %dma_start3A_49 = tpu.memref_squeeze %dma_start3A_48 : memref<1x128xi32, #tpu.memory_space<vmem>> -> memref<128xi32, #tpu.memory_space<vmem>>
    %dma_start3A_50 = arith.constant 0 : i32
    %dma_start3A_51 = arith.constant 0 : i32
    %dma_start3A_52 = tpu.memref_slice %arg9[%dma_start3A_50, %dma_start3A_51] : memref<5008x128xf32, #tpu.memory_space<vmem_shared>> -> memref<5008x128xf32, #tpu.memory_space<vmem_shared>>
    tpu.enqueue_indirect_dma source(%arg7 : memref<128x128xf32, #tpu.memory_space<vmem>>) target(%dma_start3A_52 : memref<5008x128xf32, #tpu.memory_space<vmem_shared>>) offsets(%dma_start3A_49 : memref<128xi32, #tpu.memory_space<vmem>>) semaphore(%arg8 : memref<!tpu.dma_semaphore, #tpu.memory_space<semaphore_mem>>) {add = true}
    %dma_start3A_53 = arith.constant 156 : i32
    %dma_start3A_54 = arith.constant 0 : i32
    %dma_start3A_55 = tpu.memref_slice %arg6[%dma_start3A_53, %dma_start3A_54] : memref<157x128xi32, #tpu.memory_space<vmem>> -> memref<1x128xi32, #tpu.memory_space<vmem>>
    %dma_start3A_56 = tpu.memref_squeeze %dma_start3A_55 : memref<1x128xi32, #tpu.memory_space<vmem>> -> memref<128xi32, #tpu.memory_space<vmem>>
    %dma_start3A_57 = arith.constant 0 : i32
    %dma_start3A_58 = arith.constant 0 : i32
    %dma_start3A_59 = tpu.memref_slice %arg9[%dma_start3A_57, %dma_start3A_58] : memref<5008x128xf32, #tpu.memory_space<vmem_shared>> -> memref<5008x128xf32, #tpu.memory_space<vmem_shared>>
    tpu.enqueue_indirect_dma source(%arg7 : memref<128x128xf32, #tpu.memory_space<vmem>>) target(%dma_start3A_59 : memref<5008x128xf32, #tpu.memory_space<vmem_shared>>) offsets(%dma_start3A_56 : memref<128xi32, #tpu.memory_space<vmem>>) semaphore(%arg8 : memref<!tpu.dma_semaphore, #tpu.memory_space<semaphore_mem>>) {add = true}
    %dma_wait3A = arith.constant 152 : i32
    %dma_wait3A_60 = arith.constant 0 : i32
    %dma_wait3A_61 = tpu.memref_slice %arg6[%dma_wait3A, %dma_wait3A_60] : memref<157x128xi32, #tpu.memory_space<vmem>> -> memref<1x128xi32, #tpu.memory_space<vmem>>
    %dma_wait3A_62 = tpu.memref_squeeze %dma_wait3A_61 : memref<1x128xi32, #tpu.memory_space<vmem>> -> memref<128xi32, #tpu.memory_space<vmem>>
    %dma_wait3A_63 = arith.constant 0 : i32
    %dma_wait3A_64 = arith.constant 0 : i32
    %dma_wait3A_65 = tpu.memref_slice %arg9[%dma_wait3A_63, %dma_wait3A_64] : memref<5008x128xf32, #tpu.memory_space<vmem_shared>> -> memref<5008x128xf32, #tpu.memory_space<vmem_shared>>
    tpu.wait_indirect_dma semaphore(%arg8 : memref<!tpu.dma_semaphore, #tpu.memory_space<semaphore_mem>>) src(%arg7 : memref<128x128xf32, #tpu.memory_space<vmem>>) dst(%dma_wait3A_65 : memref<5008x128xf32, #tpu.memory_space<vmem_shared>>)
    %dma_wait3A_66 = arith.constant 153 : i32
    %dma_wait3A_67 = arith.constant 0 : i32
    %dma_wait3A_68 = tpu.memref_slice %arg6[%dma_wait3A_66, %dma_wait3A_67] : memref<157x128xi32, #tpu.memory_space<vmem>> -> memref<1x128xi32, #tpu.memory_space<vmem>>
    %dma_wait3A_69 = tpu.memref_squeeze %dma_wait3A_68 : memref<1x128xi32, #tpu.memory_space<vmem>> -> memref<128xi32, #tpu.memory_space<vmem>>
    %dma_wait3A_70 = arith.constant 0 : i32
    %dma_wait3A_71 = arith.constant 0 : i32
    %dma_wait3A_72 = tpu.memref_slice %arg9[%dma_wait3A_70, %dma_wait3A_71] : memref<5008x128xf32, #tpu.memory_space<vmem_shared>> -> memref<5008x128xf32, #tpu.memory_space<vmem_shared>>
    tpu.wait_indirect_dma semaphore(%arg8 : memref<!tpu.dma_semaphore, #tpu.memory_space<semaphore_mem>>) src(%arg7 : memref<128x128xf32, #tpu.memory_space<vmem>>) dst(%dma_wait3A_72 : memref<5008x128xf32, #tpu.memory_space<vmem_shared>>)
    %dma_wait3A_73 = arith.constant 154 : i32
    %dma_wait3A_74 = arith.constant 0 : i32
    %dma_wait3A_75 = tpu.memref_slice %arg6[%dma_wait3A_73, %dma_wait3A_74] : memref<157x128xi32, #tpu.memory_space<vmem>> -> memref<1x128xi32, #tpu.memory_space<vmem>>
    %dma_wait3A_76 = tpu.memref_squeeze %dma_wait3A_75 : memref<1x128xi32, #tpu.memory_space<vmem>> -> memref<128xi32, #tpu.memory_space<vmem>>
    %dma_wait3A_77 = arith.constant 0 : i32
    %dma_wait3A_78 = arith.constant 0 : i32
    %dma_wait3A_79 = tpu.memref_slice %arg9[%dma_wait3A_77, %dma_wait3A_78] : memref<5008x128xf32, #tpu.memory_space<vmem_shared>> -> memref<5008x128xf32, #tpu.memory_space<vmem_shared>>
    tpu.wait_indirect_dma semaphore(%arg8 : memref<!tpu.dma_semaphore, #tpu.memory_space<semaphore_mem>>) src(%arg7 : memref<128x128xf32, #tpu.memory_space<vmem>>) dst(%dma_wait3A_79 : memref<5008x128xf32, #tpu.memory_space<vmem_shared>>)
    %dma_wait3A_80 = arith.constant 155 : i32
    %dma_wait3A_81 = arith.constant 0 : i32
    %dma_wait3A_82 = tpu.memref_slice %arg6[%dma_wait3A_80, %dma_wait3A_81] : memref<157x128xi32, #tpu.memory_space<vmem>> -> memref<1x128xi32, #tpu.memory_space<vmem>>
    %dma_wait3A_83 = tpu.memref_squeeze %dma_wait3A_82 : memref<1x128xi32, #tpu.memory_space<vmem>> -> memref<128xi32, #tpu.memory_space<vmem>>
    %dma_wait3A_84 = arith.constant 0 : i32
    %dma_wait3A_85 = arith.constant 0 : i32
    %dma_wait3A_86 = tpu.memref_slice %arg9[%dma_wait3A_84, %dma_wait3A_85] : memref<5008x128xf32, #tpu.memory_space<vmem_shared>> -> memref<5008x128xf32, #tpu.memory_space<vmem_shared>>
    tpu.wait_indirect_dma semaphore(%arg8 : memref<!tpu.dma_semaphore, #tpu.memory_space<semaphore_mem>>) src(%arg7 : memref<128x128xf32, #tpu.memory_space<vmem>>) dst(%dma_wait3A_86 : memref<5008x128xf32, #tpu.memory_space<vmem_shared>>)
    %dma_wait3A_87 = arith.constant 156 : i32
    %dma_wait3A_88 = arith.constant 0 : i32
    %dma_wait3A_89 = tpu.memref_slice %arg6[%dma_wait3A_87, %dma_wait3A_88] : memref<157x128xi32, #tpu.memory_space<vmem>> -> memref<1x128xi32, #tpu.memory_space<vmem>>
    %dma_wait3A_90 = tpu.memref_squeeze %dma_wait3A_89 : memref<1x128xi32, #tpu.memory_space<vmem>> -> memref<128xi32, #tpu.memory_space<vmem>>
    %dma_wait3A_91 = arith.constant 0 : i32
    %dma_wait3A_92 = arith.constant 0 : i32
    %dma_wait3A_93 = tpu.memref_slice %arg9[%dma_wait3A_91, %dma_wait3A_92] : memref<5008x128xf32, #tpu.memory_space<vmem_shared>> -> memref<5008x128xf32, #tpu.memory_space<vmem_shared>>
    tpu.wait_indirect_dma semaphore(%arg8 : memref<!tpu.dma_semaphore, #tpu.memory_space<semaphore_mem>>) src(%arg7 : memref<128x128xf32, #tpu.memory_space<vmem>>) dst(%dma_wait3A_93 : memref<5008x128xf32, #tpu.memory_space<vmem_shared>>)
    %barrier3A_94 = arith.constant 0 : index
    tpu.barrier barrier_id(%barrier3A_94)
    %mul3A_95 = arith.constant 312 : i32
    %mul3A_96 = arith.muli %arg1, %mul3A_95 : i32
    "tpu.region"() ({
      %run_scoped3A = tpu.sem_alloc : memref<!tpu.dma_semaphore, #tpu.memory_space<semaphore_mem>>
      %dma_start3A_102 = arith.constant 0 : i32
      %dma_start3A_103 = tpu.memref_slice %arg5[%arg0, %mul3A_96, %dma_start3A_102] : memref<2x5000x128xf32, #tpu.memory_space<hbm>> -> memref<1x312x128xf32, #tpu.memory_space<hbm>>
      %dma_start3A_104 = tpu.memref_squeeze %dma_start3A_103 : memref<1x312x128xf32, #tpu.memory_space<hbm>> -> memref<312x128xf32, #tpu.memory_space<hbm>>
      %dma_start3A_105 = arith.constant 0 : i32
      %dma_start3A_106 = tpu.memref_slice %arg9[%mul3A_96, %dma_start3A_105] : memref<5008x128xf32, #tpu.memory_space<vmem_shared>> -> memref<312x128xf32, #tpu.memory_space<vmem_shared>>
      tpu.enqueue_dma source(%dma_start3A_106 : memref<312x128xf32, #tpu.memory_space<vmem_shared>>) target(%dma_start3A_104 : memref<312x128xf32, #tpu.memory_space<hbm>>) target_semaphore(%run_scoped3A : memref<!tpu.dma_semaphore, #tpu.memory_space<semaphore_mem>>)
      %dma_wait3A_107 = arith.constant 0 : i32
      %dma_wait3A_108 = tpu.memref_slice %arg5[%arg0, %mul3A_96, %dma_wait3A_107] : memref<2x5000x128xf32, #tpu.memory_space<hbm>> -> memref<1x312x128xf32, #tpu.memory_space<hbm>>
      %dma_wait3A_109 = tpu.memref_squeeze %dma_wait3A_108 : memref<1x312x128xf32, #tpu.memory_space<hbm>> -> memref<312x128xf32, #tpu.memory_space<hbm>>
      %dma_wait3A_110 = arith.constant 0 : i32
      %dma_wait3A_111 = tpu.memref_slice %arg9[%mul3A_96, %dma_wait3A_110] : memref<5008x128xf32, #tpu.memory_space<vmem_shared>> -> memref<312x128xf32, #tpu.memory_space<vmem_shared>>
      tpu.wait_dma2 semaphore(%run_scoped3A : memref<!tpu.dma_semaphore, #tpu.memory_space<semaphore_mem>>) src(%dma_wait3A_111 : memref<312x128xf32, #tpu.memory_space<vmem_shared>>) dst(%dma_wait3A_109 : memref<312x128xf32, #tpu.memory_space<hbm>>)
      tpu.yield
    }) : () -> ()
    %eq3A_97 = arith.constant 15 : i32
    %eq3A_98 = arith.cmpi eq, %arg1, %eq3A_97 : i32
    %convert_element_type3A_99 = arith.extui %eq3A_98 : i1 to i32
    %cond3A_100 = arith.constant 0 : i32
    %cond3A_101 = arith.cmpi ne, %convert_element_type3A_99, %cond3A_100 : i32
    scf.if %cond3A_101 {
      "tpu.region"() ({
        %run_scoped3A = tpu.sem_alloc : memref<!tpu.dma_semaphore, #tpu.memory_space<semaphore_mem>>
        %dma_start3A_102 = arith.constant 4992 : i32
        %dma_start3A_103 = arith.constant 0 : i32
        %dma_start3A_104 = tpu.memref_slice %arg5[%arg0, %dma_start3A_102, %dma_start3A_103] : memref<2x5000x128xf32, #tpu.memory_space<hbm>> -> memref<1x8x128xf32, #tpu.memory_space<hbm>>
        %dma_start3A_105 = tpu.memref_squeeze %dma_start3A_104 : memref<1x8x128xf32, #tpu.memory_space<hbm>> -> memref<8x128xf32, #tpu.memory_space<hbm>>
        %dma_start3A_106 = arith.constant 4992 : i32
        %dma_start3A_107 = arith.constant 0 : i32
        %dma_start3A_108 = tpu.memref_slice %arg9[%dma_start3A_106, %dma_start3A_107] : memref<5008x128xf32, #tpu.memory_space<vmem_shared>> -> memref<8x128xf32, #tpu.memory_space<vmem_shared>>
        tpu.enqueue_dma source(%dma_start3A_108 : memref<8x128xf32, #tpu.memory_space<vmem_shared>>) target(%dma_start3A_105 : memref<8x128xf32, #tpu.memory_space<hbm>>) target_semaphore(%run_scoped3A : memref<!tpu.dma_semaphore, #tpu.memory_space<semaphore_mem>>)
        %dma_wait3A_109 = arith.constant 4992 : i32
        %dma_wait3A_110 = arith.constant 0 : i32
        %dma_wait3A_111 = tpu.memref_slice %arg5[%arg0, %dma_wait3A_109, %dma_wait3A_110] : memref<2x5000x128xf32, #tpu.memory_space<hbm>> -> memref<1x8x128xf32, #tpu.memory_space<hbm>>
        %dma_wait3A_112 = tpu.memref_squeeze %dma_wait3A_111 : memref<1x8x128xf32, #tpu.memory_space<hbm>> -> memref<8x128xf32, #tpu.memory_space<hbm>>
        %dma_wait3A_113 = arith.constant 4992 : i32
        %dma_wait3A_114 = arith.constant 0 : i32
        %dma_wait3A_115 = tpu.memref_slice %arg9[%dma_wait3A_113, %dma_wait3A_114] : memref<5008x128xf32, #tpu.memory_space<vmem_shared>> -> memref<8x128xf32, #tpu.memory_space<vmem_shared>>
        tpu.wait_dma2 semaphore(%run_scoped3A : memref<!tpu.dma_semaphore, #tpu.memory_space<semaphore_mem>>) src(%dma_wait3A_115 : memref<8x128xf32, #tpu.memory_space<vmem_shared>>) dst(%dma_wait3A_112 : memref<8x128xf32, #tpu.memory_space<hbm>>)
        tpu.yield
      }) : () -> ()
    } else {
    }
    return
  }
}

#map = affine_map<(d0, d1) -> (0, 0)>
#map1 = affine_map<(d0, d1) -> (0, 0, 0)>
module attributes {stable_mosaic.version = 14 : i64} {
  func.func @_sc_msg_body(%arg0: i32, %arg1: i32, %arg2: memref<10000x128xf32, #tpu.memory_space<hbm>>, %arg3: memref<16x157x128xi32, #tpu.memory_space<hbm>>, %arg4: memref<16x157x128xi32, #tpu.memory_space<hbm>>, %arg5: memref<8x128xf32, #tpu.memory_space<hbm>>, %arg6: memref<2x5000x128xf32, #tpu.memory_space<hbm>>, %arg7: memref<157x128xi32, #tpu.memory_space<vmem>>, %arg8: memref<157x128xi32, #tpu.memory_space<vmem>>, %arg9: memref<128x128xf32, #tpu.memory_space<vmem>>, %arg10: memref<128x128xf32, #tpu.memory_space<vmem>>, %arg11: memref<128x128xf32, #tpu.memory_space<vmem>>, %arg12: memref<!tpu.dma_semaphore, #tpu.memory_space<semaphore_mem>>, %arg13: memref<!tpu.dma_semaphore, #tpu.memory_space<semaphore_mem>>, %arg14: memref<!tpu.dma_semaphore, #tpu.memory_space<semaphore_mem>>, %arg15: memref<!tpu.dma_semaphore, #tpu.memory_space<semaphore_mem>>, %arg16: memref<!tpu.dma_semaphore, #tpu.memory_space<semaphore_mem>>, %arg17: memref<!tpu.dma_semaphore, #tpu.memory_space<semaphore_mem>>, %arg18: memref<5008x128xf32, #tpu.memory_space<vmem_shared>>) attributes {dimension_semantics = [#tpu.dimension_semantics<core_parallel>, #tpu.dimension_semantics<subcore_parallel>], iteration_bounds = array<i64: 2, 16>, scalar_prefetch = 0 : i64, scratch_operands = 12 : i64, tpu.core_type = #tpu.core_type<sc_vector_subcore>, window_params = [{transform_indices = #map}, {transform_indices = #map1}, {transform_indices = #map1}, {transform_indices = #map}, {transform_indices = #map1}]} {
    "tpu.region"() ({
      %run_scoped3A = tpu.sem_alloc : memref<!tpu.dma_semaphore, #tpu.memory_space<semaphore_mem>>
      %dma_start3A_74 = arith.constant 0 : i32
      %dma_start3A_75 = arith.constant 0 : i32
      %dma_start3A_76 = tpu.memref_slice %arg3[%arg1, %dma_start3A_74, %dma_start3A_75] : memref<16x157x128xi32, #tpu.memory_space<hbm>> -> memref<1x157x128xi32, #tpu.memory_space<hbm>>
      %dma_start3A_77 = tpu.memref_squeeze %dma_start3A_76 : memref<1x157x128xi32, #tpu.memory_space<hbm>> -> memref<157x128xi32, #tpu.memory_space<hbm>>
      %dma_start3A_78 = arith.constant 0 : i32
      %dma_start3A_79 = arith.constant 0 : i32
      %dma_start3A_80 = tpu.memref_slice %arg3[%arg1, %dma_start3A_78, %dma_start3A_79] : memref<16x157x128xi32, #tpu.memory_space<hbm>> -> memref<1x157x128xi32, #tpu.memory_space<hbm>>
      %dma_start3A_81 = tpu.memref_squeeze %dma_start3A_80 : memref<1x157x128xi32, #tpu.memory_space<hbm>> -> memref<157x128xi32, #tpu.memory_space<hbm>>
      tpu.enqueue_dma source(%dma_start3A_81 : memref<157x128xi32, #tpu.memory_space<hbm>>) target(%arg7 : memref<157x128xi32, #tpu.memory_space<vmem>>) target_semaphore(%run_scoped3A : memref<!tpu.dma_semaphore, #tpu.memory_space<semaphore_mem>>)
      %dma_wait3A_82 = arith.constant 0 : i32
      %dma_wait3A_83 = arith.constant 0 : i32
      %dma_wait3A_84 = tpu.memref_slice %arg3[%arg1, %dma_wait3A_82, %dma_wait3A_83] : memref<16x157x128xi32, #tpu.memory_space<hbm>> -> memref<1x157x128xi32, #tpu.memory_space<hbm>>
      %dma_wait3A_85 = tpu.memref_squeeze %dma_wait3A_84 : memref<1x157x128xi32, #tpu.memory_space<hbm>> -> memref<157x128xi32, #tpu.memory_space<hbm>>
      %dma_wait3A_86 = arith.constant 0 : i32
      %dma_wait3A_87 = arith.constant 0 : i32
      %dma_wait3A_88 = tpu.memref_slice %arg3[%arg1, %dma_wait3A_86, %dma_wait3A_87] : memref<16x157x128xi32, #tpu.memory_space<hbm>> -> memref<1x157x128xi32, #tpu.memory_space<hbm>>
      %dma_wait3A_89 = tpu.memref_squeeze %dma_wait3A_88 : memref<1x157x128xi32, #tpu.memory_space<hbm>> -> memref<157x128xi32, #tpu.memory_space<hbm>>
      tpu.wait_dma2 semaphore(%run_scoped3A : memref<!tpu.dma_semaphore, #tpu.memory_space<semaphore_mem>>) src(%dma_wait3A_89 : memref<157x128xi32, #tpu.memory_space<hbm>>) dst(%arg7 : memref<157x128xi32, #tpu.memory_space<vmem>>)
      tpu.yield
    }) : () -> ()
    %dma_start3A = arith.constant 0 : i32
    %dma_start3A_0 = arith.constant 0 : i32
    %dma_start3A_1 = tpu.memref_slice %arg7[%dma_start3A, %dma_start3A_0] : memref<157x128xi32, #tpu.memory_space<vmem>> -> memref<1x128xi32, #tpu.memory_space<vmem>>
    %dma_start3A_2 = tpu.memref_squeeze %dma_start3A_1 : memref<1x128xi32, #tpu.memory_space<vmem>> -> memref<128xi32, #tpu.memory_space<vmem>>
    %dma_start3A_3 = arith.constant 0 : i32
    %dma_start3A_4 = arith.constant 0 : i32
    %dma_start3A_5 = tpu.memref_slice %arg2[%dma_start3A_3, %dma_start3A_4] : memref<10000x128xf32, #tpu.memory_space<hbm>> -> memref<10000x128xf32, #tpu.memory_space<hbm>>
    tpu.enqueue_indirect_dma source(%dma_start3A_5 : memref<10000x128xf32, #tpu.memory_space<hbm>>) target(%arg9 : memref<128x128xf32, #tpu.memory_space<vmem>>) offsets(%dma_start3A_2 : memref<128xi32, #tpu.memory_space<vmem>>) semaphore(%arg12 : memref<!tpu.dma_semaphore, #tpu.memory_space<semaphore_mem>>)
    %dma_start3A_6 = arith.constant 1 : i32
    %dma_start3A_7 = arith.constant 0 : i32
    %dma_start3A_8 = tpu.memref_slice %arg7[%dma_start3A_6, %dma_start3A_7] : memref<157x128xi32, #tpu.memory_space<vmem>> -> memref<1x128xi32, #tpu.memory_space<vmem>>
    %dma_start3A_9 = tpu.memref_squeeze %dma_start3A_8 : memref<1x128xi32, #tpu.memory_space<vmem>> -> memref<128xi32, #tpu.memory_space<vmem>>
    %dma_start3A_10 = arith.constant 0 : i32
    %dma_start3A_11 = arith.constant 0 : i32
    %dma_start3A_12 = tpu.memref_slice %arg2[%dma_start3A_10, %dma_start3A_11] : memref<10000x128xf32, #tpu.memory_space<hbm>> -> memref<10000x128xf32, #tpu.memory_space<hbm>>
    tpu.enqueue_indirect_dma source(%dma_start3A_12 : memref<10000x128xf32, #tpu.memory_space<hbm>>) target(%arg10 : memref<128x128xf32, #tpu.memory_space<vmem>>) offsets(%dma_start3A_9 : memref<128xi32, #tpu.memory_space<vmem>>) semaphore(%arg13 : memref<!tpu.dma_semaphore, #tpu.memory_space<semaphore_mem>>)
    "tpu.region"() ({
      %run_scoped3A = tpu.sem_alloc : memref<!tpu.dma_semaphore, #tpu.memory_space<semaphore_mem>>
      %dma_start3A_74 = arith.constant 0 : i32
      %dma_start3A_75 = arith.constant 0 : i32
      %dma_start3A_76 = tpu.memref_slice %arg4[%arg1, %dma_start3A_74, %dma_start3A_75] : memref<16x157x128xi32, #tpu.memory_space<hbm>> -> memref<1x157x128xi32, #tpu.memory_space<hbm>>
      %dma_start3A_77 = tpu.memref_squeeze %dma_start3A_76 : memref<1x157x128xi32, #tpu.memory_space<hbm>> -> memref<157x128xi32, #tpu.memory_space<hbm>>
      %dma_start3A_78 = arith.constant 0 : i32
      %dma_start3A_79 = arith.constant 0 : i32
      %dma_start3A_80 = tpu.memref_slice %arg4[%arg1, %dma_start3A_78, %dma_start3A_79] : memref<16x157x128xi32, #tpu.memory_space<hbm>> -> memref<1x157x128xi32, #tpu.memory_space<hbm>>
      %dma_start3A_81 = tpu.memref_squeeze %dma_start3A_80 : memref<1x157x128xi32, #tpu.memory_space<hbm>> -> memref<157x128xi32, #tpu.memory_space<hbm>>
      tpu.enqueue_dma source(%dma_start3A_81 : memref<157x128xi32, #tpu.memory_space<hbm>>) target(%arg8 : memref<157x128xi32, #tpu.memory_space<vmem>>) target_semaphore(%run_scoped3A : memref<!tpu.dma_semaphore, #tpu.memory_space<semaphore_mem>>)
      %dma_wait3A_82 = arith.constant 0 : i32
      %dma_wait3A_83 = arith.constant 0 : i32
      %dma_wait3A_84 = tpu.memref_slice %arg4[%arg1, %dma_wait3A_82, %dma_wait3A_83] : memref<16x157x128xi32, #tpu.memory_space<hbm>> -> memref<1x157x128xi32, #tpu.memory_space<hbm>>
      %dma_wait3A_85 = tpu.memref_squeeze %dma_wait3A_84 : memref<1x157x128xi32, #tpu.memory_space<hbm>> -> memref<157x128xi32, #tpu.memory_space<hbm>>
      %dma_wait3A_86 = arith.constant 0 : i32
      %dma_wait3A_87 = arith.constant 0 : i32
      %dma_wait3A_88 = tpu.memref_slice %arg4[%arg1, %dma_wait3A_86, %dma_wait3A_87] : memref<16x157x128xi32, #tpu.memory_space<hbm>> -> memref<1x157x128xi32, #tpu.memory_space<hbm>>
      %dma_wait3A_89 = tpu.memref_squeeze %dma_wait3A_88 : memref<1x157x128xi32, #tpu.memory_space<hbm>> -> memref<157x128xi32, #tpu.memory_space<hbm>>
      tpu.wait_dma2 semaphore(%run_scoped3A : memref<!tpu.dma_semaphore, #tpu.memory_space<semaphore_mem>>) src(%dma_wait3A_89 : memref<157x128xi32, #tpu.memory_space<hbm>>) dst(%arg8 : memref<157x128xi32, #tpu.memory_space<vmem>>)
      tpu.yield
    }) : () -> ()
    %eq3A = arith.constant 0 : i32
    %eq3A_13 = arith.cmpi eq, %arg0, %eq3A : i32
    %iota3A = tpu.iota {dimensions = array<i32: 0>} : vector<16xi32>
    %and3A = arith.constant 7 : i32
    %and3A_14 = vector.broadcast %and3A : i32 to vector<16xi32>
    %and3A_15 = arith.andi %iota3A, %and3A_14 : vector<16xi32>
    %add3A = arith.constant 5000 : i32
    %add3A_16 = vector.broadcast %add3A : i32 to vector<16xi32>
    %add3A_17 = arith.addi %add3A_16, %and3A_15 : vector<16xi32>
    %scan3A = arith.constant 0 : i32
    %scan3A_18 = arith.constant 0 : i32
    %scan3A_19 = arith.constant 157 : i32
    %scan3A_20 = arith.addi %scan3A_18, %scan3A_19 : i32
    %scan3A_21 = arith.constant 1 : i32
    scf.for %scan3A_74 = %scan3A_18 to %scan3A_20 step %scan3A_21  : i32 {
      %get3A = arith.index_cast %scan3A_74 : i32 to index
      %get3A_75 = arith.constant 0 : index
      %get3A_76 = tpu.vector_load %arg8[%get3A, %get3A_75] {strides = array<i32>} : memref<157x128xi32, #tpu.memory_space<vmem>>, vector<1x16xi32>,
      %get3A_77 = vector.shape_cast %get3A_76 : vector<1x16xi32> to vector<16xi32>
      %sub3A = arith.constant 5000 : i32
      %sub3A_78 = vector.broadcast %sub3A : i32 to vector<16xi32>
      %sub3A_79 = arith.subi %get3A_77, %sub3A_78 : vector<16xi32>
      %lt3A = arith.constant 5000 : i32
      %lt3A_80 = vector.broadcast %lt3A : i32 to vector<16xi32>
      %lt3A_81 = arith.cmpi slt, %get3A_77, %lt3A_80 : vector<16xi32>
      %ge3A = arith.constant 0 : i32
      %ge3A_82 = vector.broadcast %ge3A : i32 to vector<16xi32>
      %ge3A_83 = arith.cmpi sge, %sub3A_79, %ge3A_82 : vector<16xi32>
      %lt3A_84 = arith.constant 5000 : i32
      %lt3A_85 = vector.broadcast %lt3A_84 : i32 to vector<16xi32>
      %lt3A_86 = arith.cmpi slt, %sub3A_79, %lt3A_85 : vector<16xi32>
      %and3A_87 = arith.andi %ge3A_83, %lt3A_86 : vector<16xi1>
      %select_n3A = arith.select %eq3A_13, %lt3A_81, %and3A_87 : vector<16xi1>
      %select_n3A_88 = arith.select %eq3A_13, %get3A_77, %sub3A_79 : vector<16xi32>
      %select_n3A_89 = arith.select %select_n3A, %select_n3A_88, %add3A_17 : vector<16xi1>, vector<16xi32>
      %swap3A = arith.index_cast %scan3A_74 : i32 to index
      %swap3A_90 = arith.constant 0 : index
      %swap3A_91 = tpu.vector_load %arg8[%swap3A, %swap3A_90] {strides = array<i32>} : memref<157x128xi32, #tpu.memory_space<vmem>>, vector<1x16xi32>,
      %swap3A_92 = vector.shape_cast %swap3A_91 : vector<1x16xi32> to vector<16xi32>
      %swap3A_93 = vector.shape_cast %select_n3A_89 : vector<16xi32> to vector<1x16xi32>
      tpu.vector_store %arg8[%swap3A, %swap3A_90], %swap3A_93 {strides = array<i32>} : memref<157x128xi32, #tpu.memory_space<vmem>>, vector<1x16xi32>,
      %get3A_94 = arith.index_cast %scan3A_74 : i32 to index
      %get3A_95 = arith.constant 16 : index
      %get3A_96 = tpu.vector_load %arg8[%get3A_94, %get3A_95] {strides = array<i32>} : memref<157x128xi32, #tpu.memory_space<vmem>>, vector<1x16xi32>,
      %get3A_97 = vector.shape_cast %get3A_96 : vector<1x16xi32> to vector<16xi32>
      %sub3A_98 = arith.constant 5000 : i32
      %sub3A_99 = vector.broadcast %sub3A_98 : i32 to vector<16xi32>
      %sub3A_100 = arith.subi %get3A_97, %sub3A_99 : vector<16xi32>
      %lt3A_101 = arith.constant 5000 : i32
      %lt3A_102 = vector.broadcast %lt3A_101 : i32 to vector<16xi32>
      %lt3A_103 = arith.cmpi slt, %get3A_97, %lt3A_102 : vector<16xi32>
      %ge3A_104 = arith.constant 0 : i32
      %ge3A_105 = vector.broadcast %ge3A_104 : i32 to vector<16xi32>
      %ge3A_106 = arith.cmpi sge, %sub3A_100, %ge3A_105 : vector<16xi32>
      %lt3A_107 = arith.constant 5000 : i32
      %lt3A_108 = vector.broadcast %lt3A_107 : i32 to vector<16xi32>
      %lt3A_109 = arith.cmpi slt, %sub3A_100, %lt3A_108 : vector<16xi32>
      %and3A_110 = arith.andi %ge3A_106, %lt3A_109 : vector<16xi1>
      %select_n3A_111 = arith.select %eq3A_13, %lt3A_103, %and3A_110 : vector<16xi1>
      %select_n3A_112 = arith.select %eq3A_13, %get3A_97, %sub3A_100 : vector<16xi32>
      %select_n3A_113 = arith.select %select_n3A_111, %select_n3A_112, %add3A_17 : vector<16xi1>, vector<16xi32>
      %swap3A_114 = arith.index_cast %scan3A_74 : i32 to index
      %swap3A_115 = arith.constant 16 : index
      %swap3A_116 = tpu.vector_load %arg8[%swap3A_114, %swap3A_115] {strides = array<i32>} : memref<157x128xi32, #tpu.memory_space<vmem>>, vector<1x16xi32>,
      %swap3A_117 = vector.shape_cast %swap3A_116 : vector<1x16xi32> to vector<16xi32>
      %swap3A_118 = vector.shape_cast %select_n3A_113 : vector<16xi32> to vector<1x16xi32>
      tpu.vector_store %arg8[%swap3A_114, %swap3A_115], %swap3A_118 {strides = array<i32>} : memref<157x128xi32, #tpu.memory_space<vmem>>, vector<1x16xi32>,
      %get3A_119 = arith.index_cast %scan3A_74 : i32 to index
      %get3A_120 = arith.constant 32 : index
      %get3A_121 = tpu.vector_load %arg8[%get3A_119, %get3A_120] {strides = array<i32>} : memref<157x128xi32, #tpu.memory_space<vmem>>, vector<1x16xi32>,
      %get3A_122 = vector.shape_cast %get3A_121 : vector<1x16xi32> to vector<16xi32>
      %sub3A_123 = arith.constant 5000 : i32
      %sub3A_124 = vector.broadcast %sub3A_123 : i32 to vector<16xi32>
      %sub3A_125 = arith.subi %get3A_122, %sub3A_124 : vector<16xi32>
      %lt3A_126 = arith.constant 5000 : i32
      %lt3A_127 = vector.broadcast %lt3A_126 : i32 to vector<16xi32>
      %lt3A_128 = arith.cmpi slt, %get3A_122, %lt3A_127 : vector<16xi32>
      %ge3A_129 = arith.constant 0 : i32
      %ge3A_130 = vector.broadcast %ge3A_129 : i32 to vector<16xi32>
      %ge3A_131 = arith.cmpi sge, %sub3A_125, %ge3A_130 : vector<16xi32>
      %lt3A_132 = arith.constant 5000 : i32
      %lt3A_133 = vector.broadcast %lt3A_132 : i32 to vector<16xi32>
      %lt3A_134 = arith.cmpi slt, %sub3A_125, %lt3A_133 : vector<16xi32>
      %and3A_135 = arith.andi %ge3A_131, %lt3A_134 : vector<16xi1>
      %select_n3A_136 = arith.select %eq3A_13, %lt3A_128, %and3A_135 : vector<16xi1>
      %select_n3A_137 = arith.select %eq3A_13, %get3A_122, %sub3A_125 : vector<16xi32>
      %select_n3A_138 = arith.select %select_n3A_136, %select_n3A_137, %add3A_17 : vector<16xi1>, vector<16xi32>
      %swap3A_139 = arith.index_cast %scan3A_74 : i32 to index
      %swap3A_140 = arith.constant 32 : index
      %swap3A_141 = tpu.vector_load %arg8[%swap3A_139, %swap3A_140] {strides = array<i32>} : memref<157x128xi32, #tpu.memory_space<vmem>>, vector<1x16xi32>,
      %swap3A_142 = vector.shape_cast %swap3A_141 : vector<1x16xi32> to vector<16xi32>
      %swap3A_143 = vector.shape_cast %select_n3A_138 : vector<16xi32> to vector<1x16xi32>
      tpu.vector_store %arg8[%swap3A_139, %swap3A_140], %swap3A_143 {strides = array<i32>} : memref<157x128xi32, #tpu.memory_space<vmem>>, vector<1x16xi32>,
      %get3A_144 = arith.index_cast %scan3A_74 : i32 to index
      %get3A_145 = arith.constant 48 : index
      %get3A_146 = tpu.vector_load %arg8[%get3A_144, %get3A_145] {strides = array<i32>} : memref<157x128xi32, #tpu.memory_space<vmem>>, vector<1x16xi32>,
      %get3A_147 = vector.shape_cast %get3A_146 : vector<1x16xi32> to vector<16xi32>
      %sub3A_148 = arith.constant 5000 : i32
      %sub3A_149 = vector.broadcast %sub3A_148 : i32 to vector<16xi32>
      %sub3A_150 = arith.subi %get3A_147, %sub3A_149 : vector<16xi32>
      %lt3A_151 = arith.constant 5000 : i32
      %lt3A_152 = vector.broadcast %lt3A_151 : i32 to vector<16xi32>
      %lt3A_153 = arith.cmpi slt, %get3A_147, %lt3A_152 : vector<16xi32>
      %ge3A_154 = arith.constant 0 : i32
      %ge3A_155 = vector.broadcast %ge3A_154 : i32 to vector<16xi32>
      %ge3A_156 = arith.cmpi sge, %sub3A_150, %ge3A_155 : vector<16xi32>
      %lt3A_157 = arith.constant 5000 : i32
      %lt3A_158 = vector.broadcast %lt3A_157 : i32 to vector<16xi32>
      %lt3A_159 = arith.cmpi slt, %sub3A_150, %lt3A_158 : vector<16xi32>
      %and3A_160 = arith.andi %ge3A_156, %lt3A_159 : vector<16xi1>
      %select_n3A_161 = arith.select %eq3A_13, %lt3A_153, %and3A_160 : vector<16xi1>
      %select_n3A_162 = arith.select %eq3A_13, %get3A_147, %sub3A_150 : vector<16xi32>
      %select_n3A_163 = arith.select %select_n3A_161, %select_n3A_162, %add3A_17 : vector<16xi1>, vector<16xi32>
      %swap3A_164 = arith.index_cast %scan3A_74 : i32 to index
      %swap3A_165 = arith.constant 48 : index
      %swap3A_166 = tpu.vector_load %arg8[%swap3A_164, %swap3A_165] {strides = array<i32>} : memref<157x128xi32, #tpu.memory_space<vmem>>, vector<1x16xi32>,
      %swap3A_167 = vector.shape_cast %swap3A_166 : vector<1x16xi32> to vector<16xi32>
      %swap3A_168 = vector.shape_cast %select_n3A_163 : vector<16xi32> to vector<1x16xi32>
      tpu.vector_store %arg8[%swap3A_164, %swap3A_165], %swap3A_168 {strides = array<i32>} : memref<157x128xi32, #tpu.memory_space<vmem>>, vector<1x16xi32>,
      %get3A_169 = arith.index_cast %scan3A_74 : i32 to index
      %get3A_170 = arith.constant 64 : index
      %get3A_171 = tpu.vector_load %arg8[%get3A_169, %get3A_170] {strides = array<i32>} : memref<157x128xi32, #tpu.memory_space<vmem>>, vector<1x16xi32>,
      %get3A_172 = vector.shape_cast %get3A_171 : vector<1x16xi32> to vector<16xi32>
      %sub3A_173 = arith.constant 5000 : i32
      %sub3A_174 = vector.broadcast %sub3A_173 : i32 to vector<16xi32>
      %sub3A_175 = arith.subi %get3A_172, %sub3A_174 : vector<16xi32>
      %lt3A_176 = arith.constant 5000 : i32
      %lt3A_177 = vector.broadcast %lt3A_176 : i32 to vector<16xi32>
      %lt3A_178 = arith.cmpi slt, %get3A_172, %lt3A_177 : vector<16xi32>
      %ge3A_179 = arith.constant 0 : i32
      %ge3A_180 = vector.broadcast %ge3A_179 : i32 to vector<16xi32>
      %ge3A_181 = arith.cmpi sge, %sub3A_175, %ge3A_180 : vector<16xi32>
      %lt3A_182 = arith.constant 5000 : i32
      %lt3A_183 = vector.broadcast %lt3A_182 : i32 to vector<16xi32>
      %lt3A_184 = arith.cmpi slt, %sub3A_175, %lt3A_183 : vector<16xi32>
      %and3A_185 = arith.andi %ge3A_181, %lt3A_184 : vector<16xi1>
      %select_n3A_186 = arith.select %eq3A_13, %lt3A_178, %and3A_185 : vector<16xi1>
      %select_n3A_187 = arith.select %eq3A_13, %get3A_172, %sub3A_175 : vector<16xi32>
      %select_n3A_188 = arith.select %select_n3A_186, %select_n3A_187, %add3A_17 : vector<16xi1>, vector<16xi32>
      %swap3A_189 = arith.index_cast %scan3A_74 : i32 to index
      %swap3A_190 = arith.constant 64 : index
      %swap3A_191 = tpu.vector_load %arg8[%swap3A_189, %swap3A_190] {strides = array<i32>} : memref<157x128xi32, #tpu.memory_space<vmem>>, vector<1x16xi32>,
      %swap3A_192 = vector.shape_cast %swap3A_191 : vector<1x16xi32> to vector<16xi32>
      %swap3A_193 = vector.shape_cast %select_n3A_188 : vector<16xi32> to vector<1x16xi32>
      tpu.vector_store %arg8[%swap3A_189, %swap3A_190], %swap3A_193 {strides = array<i32>} : memref<157x128xi32, #tpu.memory_space<vmem>>, vector<1x16xi32>,
      %get3A_194 = arith.index_cast %scan3A_74 : i32 to index
      %get3A_195 = arith.constant 80 : index
      %get3A_196 = tpu.vector_load %arg8[%get3A_194, %get3A_195] {strides = array<i32>} : memref<157x128xi32, #tpu.memory_space<vmem>>, vector<1x16xi32>,
      %get3A_197 = vector.shape_cast %get3A_196 : vector<1x16xi32> to vector<16xi32>
      %sub3A_198 = arith.constant 5000 : i32
      %sub3A_199 = vector.broadcast %sub3A_198 : i32 to vector<16xi32>
      %sub3A_200 = arith.subi %get3A_197, %sub3A_199 : vector<16xi32>
      %lt3A_201 = arith.constant 5000 : i32
      %lt3A_202 = vector.broadcast %lt3A_201 : i32 to vector<16xi32>
      %lt3A_203 = arith.cmpi slt, %get3A_197, %lt3A_202 : vector<16xi32>
      %ge3A_204 = arith.constant 0 : i32
      %ge3A_205 = vector.broadcast %ge3A_204 : i32 to vector<16xi32>
      %ge3A_206 = arith.cmpi sge, %sub3A_200, %ge3A_205 : vector<16xi32>
      %lt3A_207 = arith.constant 5000 : i32
      %lt3A_208 = vector.broadcast %lt3A_207 : i32 to vector<16xi32>
      %lt3A_209 = arith.cmpi slt, %sub3A_200, %lt3A_208 : vector<16xi32>
      %and3A_210 = arith.andi %ge3A_206, %lt3A_209 : vector<16xi1>
      %select_n3A_211 = arith.select %eq3A_13, %lt3A_203, %and3A_210 : vector<16xi1>
      %select_n3A_212 = arith.select %eq3A_13, %get3A_197, %sub3A_200 : vector<16xi32>
      %select_n3A_213 = arith.select %select_n3A_211, %select_n3A_212, %add3A_17 : vector<16xi1>, vector<16xi32>
      %swap3A_214 = arith.index_cast %scan3A_74 : i32 to index
      %swap3A_215 = arith.constant 80 : index
      %swap3A_216 = tpu.vector_load %arg8[%swap3A_214, %swap3A_215] {strides = array<i32>} : memref<157x128xi32, #tpu.memory_space<vmem>>, vector<1x16xi32>,
      %swap3A_217 = vector.shape_cast %swap3A_216 : vector<1x16xi32> to vector<16xi32>
      %swap3A_218 = vector.shape_cast %select_n3A_213 : vector<16xi32> to vector<1x16xi32>
      tpu.vector_store %arg8[%swap3A_214, %swap3A_215], %swap3A_218 {strides = array<i32>} : memref<157x128xi32, #tpu.memory_space<vmem>>, vector<1x16xi32>,
      %get3A_219 = arith.index_cast %scan3A_74 : i32 to index
      %get3A_220 = arith.constant 96 : index
      %get3A_221 = tpu.vector_load %arg8[%get3A_219, %get3A_220] {strides = array<i32>} : memref<157x128xi32, #tpu.memory_space<vmem>>, vector<1x16xi32>,
      %get3A_222 = vector.shape_cast %get3A_221 : vector<1x16xi32> to vector<16xi32>
      %sub3A_223 = arith.constant 5000 : i32
      %sub3A_224 = vector.broadcast %sub3A_223 : i32 to vector<16xi32>
      %sub3A_225 = arith.subi %get3A_222, %sub3A_224 : vector<16xi32>
      %lt3A_226 = arith.constant 5000 : i32
      %lt3A_227 = vector.broadcast %lt3A_226 : i32 to vector<16xi32>
      %lt3A_228 = arith.cmpi slt, %get3A_222, %lt3A_227 : vector<16xi32>
      %ge3A_229 = arith.constant 0 : i32
      %ge3A_230 = vector.broadcast %ge3A_229 : i32 to vector<16xi32>
      %ge3A_231 = arith.cmpi sge, %sub3A_225, %ge3A_230 : vector<16xi32>
      %lt3A_232 = arith.constant 5000 : i32
      %lt3A_233 = vector.broadcast %lt3A_232 : i32 to vector<16xi32>
      %lt3A_234 = arith.cmpi slt, %sub3A_225, %lt3A_233 : vector<16xi32>
      %and3A_235 = arith.andi %ge3A_231, %lt3A_234 : vector<16xi1>
      %select_n3A_236 = arith.select %eq3A_13, %lt3A_228, %and3A_235 : vector<16xi1>
      %select_n3A_237 = arith.select %eq3A_13, %get3A_222, %sub3A_225 : vector<16xi32>
      %select_n3A_238 = arith.select %select_n3A_236, %select_n3A_237, %add3A_17 : vector<16xi1>, vector<16xi32>
      %swap3A_239 = arith.index_cast %scan3A_74 : i32 to index
      %swap3A_240 = arith.constant 96 : index
      %swap3A_241 = tpu.vector_load %arg8[%swap3A_239, %swap3A_240] {strides = array<i32>} : memref<157x128xi32, #tpu.memory_space<vmem>>, vector<1x16xi32>,
      %swap3A_242 = vector.shape_cast %swap3A_241 : vector<1x16xi32> to vector<16xi32>
      %swap3A_243 = vector.shape_cast %select_n3A_238 : vector<16xi32> to vector<1x16xi32>
      tpu.vector_store %arg8[%swap3A_239, %swap3A_240], %swap3A_243 {strides = array<i32>} : memref<157x128xi32, #tpu.memory_space<vmem>>, vector<1x16xi32>,
      %get3A_244 = arith.index_cast %scan3A_74 : i32 to index
      %get3A_245 = arith.constant 112 : index
      %get3A_246 = tpu.vector_load %arg8[%get3A_244, %get3A_245] {strides = array<i32>} : memref<157x128xi32, #tpu.memory_space<vmem>>, vector<1x16xi32>,
      %get3A_247 = vector.shape_cast %get3A_246 : vector<1x16xi32> to vector<16xi32>
      %sub3A_248 = arith.constant 5000 : i32
      %sub3A_249 = vector.broadcast %sub3A_248 : i32 to vector<16xi32>
      %sub3A_250 = arith.subi %get3A_247, %sub3A_249 : vector<16xi32>
      %lt3A_251 = arith.constant 5000 : i32
      %lt3A_252 = vector.broadcast %lt3A_251 : i32 to vector<16xi32>
      %lt3A_253 = arith.cmpi slt, %get3A_247, %lt3A_252 : vector<16xi32>
      %ge3A_254 = arith.constant 0 : i32
      %ge3A_255 = vector.broadcast %ge3A_254 : i32 to vector<16xi32>
      %ge3A_256 = arith.cmpi sge, %sub3A_250, %ge3A_255 : vector<16xi32>
      %lt3A_257 = arith.constant 5000 : i32
      %lt3A_258 = vector.broadcast %lt3A_257 : i32 to vector<16xi32>
      %lt3A_259 = arith.cmpi slt, %sub3A_250, %lt3A_258 : vector<16xi32>
      %and3A_260 = arith.andi %ge3A_256, %lt3A_259 : vector<16xi1>
      %select_n3A_261 = arith.select %eq3A_13, %lt3A_253, %and3A_260 : vector<16xi1>
      %select_n3A_262 = arith.select %eq3A_13, %get3A_247, %sub3A_250 : vector<16xi32>
      %select_n3A_263 = arith.select %select_n3A_261, %select_n3A_262, %add3A_17 : vector<16xi1>, vector<16xi32>
      %swap3A_264 = arith.index_cast %scan3A_74 : i32 to index
      %swap3A_265 = arith.constant 112 : index
      %swap3A_266 = tpu.vector_load %arg8[%swap3A_264, %swap3A_265] {strides = array<i32>} : memref<157x128xi32, #tpu.memory_space<vmem>>, vector<1x16xi32>,
      %swap3A_267 = vector.shape_cast %swap3A_266 : vector<1x16xi32> to vector<16xi32>
      %swap3A_268 = vector.shape_cast %select_n3A_263 : vector<16xi32> to vector<1x16xi32>
      tpu.vector_store %arg8[%swap3A_264, %swap3A_265], %swap3A_268 {strides = array<i32>} : memref<157x128xi32, #tpu.memory_space<vmem>>, vector<1x16xi32>,
    }
    %scan3A_22 = arith.constant 157 : i32
    %mul3A = arith.constant 312 : i32
    %mul3A_23 = arith.muli %arg1, %mul3A : i32
    %scan3A_24 = arith.constant 0 : i32
    %scan3A_25 = arith.constant 0 : i32
    %scan3A_26 = arith.constant 39 : i32
    %scan3A_27 = arith.addi %scan3A_25, %scan3A_26 : i32
    %scan3A_28 = arith.constant 1 : i32
    scf.for %scan3A_74 = %scan3A_25 to %scan3A_27 step %scan3A_28  : i32 {
      %mul3A_75 = arith.constant 8 : i32
      %mul3A_76 = arith.muli %scan3A_74, %mul3A_75 : i32
      %add3A_77 = arith.addi %mul3A_23, %mul3A_76 : i32
      "tpu.region"() ({
        %run_scoped3A = tpu.sem_alloc : memref<!tpu.dma_semaphore, #tpu.memory_space<semaphore_mem>>
        %dma_start3A_78 = arith.constant 0 : i32
        %dma_start3A_79 = tpu.memref_slice %arg18[%add3A_77, %dma_start3A_78] : memref<5008x128xf32, #tpu.memory_space<vmem_shared>> -> memref<8x128xf32, #tpu.memory_space<vmem_shared>>
        tpu.enqueue_dma source(%arg5 : memref<8x128xf32, #tpu.memory_space<hbm>>) target(%dma_start3A_79 : memref<8x128xf32, #tpu.memory_space<vmem_shared>>) target_semaphore(%run_scoped3A : memref<!tpu.dma_semaphore, #tpu.memory_space<semaphore_mem>>)
        %dma_wait3A_80 = arith.constant 0 : i32
        %dma_wait3A_81 = tpu.memref_slice %arg18[%add3A_77, %dma_wait3A_80] : memref<5008x128xf32, #tpu.memory_space<vmem_shared>> -> memref<8x128xf32, #tpu.memory_space<vmem_shared>>
        tpu.wait_dma2 semaphore(%run_scoped3A : memref<!tpu.dma_semaphore, #tpu.memory_space<semaphore_mem>>) src(%arg5 : memref<8x128xf32, #tpu.memory_space<hbm>>) dst(%dma_wait3A_81 : memref<8x128xf32, #tpu.memory_space<vmem_shared>>)
        tpu.yield
      }) : () -> ()
    }
    %scan3A_29 = arith.constant 39 : i32
    %eq3A_30 = arith.constant 15 : i32
    %eq3A_31 = arith.cmpi eq, %arg1, %eq3A_30 : i32
    %convert_element_type3A = arith.extui %eq3A_31 : i1 to i32
    %cond3A = arith.constant 0 : i32
    %cond3A_32 = arith.cmpi ne, %convert_element_type3A, %cond3A : i32
    scf.if %cond3A_32 {
      %scan3A_74 = arith.constant 0 : i32
      %scan3A_75 = arith.constant 0 : i32
      %scan3A_76 = arith.constant 2 : i32
      %scan3A_77 = arith.addi %scan3A_75, %scan3A_76 : i32
      %scan3A_78 = arith.constant 1 : i32
      scf.for %scan3A_80 = %scan3A_75 to %scan3A_77 step %scan3A_78  : i32 {
        %mul3A_81 = arith.constant 8 : i32
        %mul3A_82 = arith.muli %scan3A_80, %mul3A_81 : i32
        %add3A_83 = arith.constant 4992 : i32
        %add3A_84 = arith.addi %add3A_83, %mul3A_82 : i32
        "tpu.region"() ({
          %run_scoped3A = tpu.sem_alloc : memref<!tpu.dma_semaphore, #tpu.memory_space<semaphore_mem>>
          %dma_start3A_85 = arith.constant 0 : i32
          %dma_start3A_86 = tpu.memref_slice %arg18[%add3A_84, %dma_start3A_85] : memref<5008x128xf32, #tpu.memory_space<vmem_shared>> -> memref<8x128xf32, #tpu.memory_space<vmem_shared>>
          tpu.enqueue_dma source(%arg5 : memref<8x128xf32, #tpu.memory_space<hbm>>) target(%dma_start3A_86 : memref<8x128xf32, #tpu.memory_space<vmem_shared>>) target_semaphore(%run_scoped3A : memref<!tpu.dma_semaphore, #tpu.memory_space<semaphore_mem>>)
          %dma_wait3A_87 = arith.constant 0 : i32
          %dma_wait3A_88 = tpu.memref_slice %arg18[%add3A_84, %dma_wait3A_87] : memref<5008x128xf32, #tpu.memory_space<vmem_shared>> -> memref<8x128xf32, #tpu.memory_space<vmem_shared>>
          tpu.wait_dma2 semaphore(%run_scoped3A : memref<!tpu.dma_semaphore, #tpu.memory_space<semaphore_mem>>) src(%arg5 : memref<8x128xf32, #tpu.memory_space<hbm>>) dst(%dma_wait3A_88 : memref<8x128xf32, #tpu.memory_space<vmem_shared>>)
          tpu.yield
        }) : () -> ()
      }
      %scan3A_79 = arith.constant 2 : i32
    } else {
    }
    %barrier3A = arith.constant 0 : index
    tpu.barrier barrier_id(%barrier3A)
    %scan3A_33 = arith.constant 0 : i32
    %scan3A_34 = arith.constant 0 : i32
    %scan3A_35 = arith.constant 52 : i32
    %scan3A_36 = arith.addi %scan3A_34, %scan3A_35 : i32
    %scan3A_37 = arith.constant 1 : i32
    scf.for %scan3A_74 = %scan3A_34 to %scan3A_36 step %scan3A_37  : i32 {
      %mul3A_75 = arith.constant 3 : i32
      %mul3A_76 = arith.muli %mul3A_75, %scan3A_74 : i32
      %add3A_77 = arith.constant 0 : i32
      %add3A_78 = arith.addi %mul3A_76, %add3A_77 : i32
      %dma_wait3A_79 = arith.constant 0 : i32
      %dma_wait3A_80 = tpu.memref_slice %arg7[%add3A_78, %dma_wait3A_79] : memref<157x128xi32, #tpu.memory_space<vmem>> -> memref<1x128xi32, #tpu.memory_space<vmem>>
      %dma_wait3A_81 = tpu.memref_squeeze %dma_wait3A_80 : memref<1x128xi32, #tpu.memory_space<vmem>> -> memref<128xi32, #tpu.memory_space<vmem>>
      %dma_wait3A_82 = arith.constant 0 : i32
      %dma_wait3A_83 = arith.constant 0 : i32
      %dma_wait3A_84 = tpu.memref_slice %arg2[%dma_wait3A_82, %dma_wait3A_83] : memref<10000x128xf32, #tpu.memory_space<hbm>> -> memref<10000x128xf32, #tpu.memory_space<hbm>>
      tpu.wait_indirect_dma semaphore(%arg12 : memref<!tpu.dma_semaphore, #tpu.memory_space<semaphore_mem>>) src(%dma_wait3A_84 : memref<10000x128xf32, #tpu.memory_space<hbm>>) dst(%arg9 : memref<128x128xf32, #tpu.memory_space<vmem>>)
      %dma_start3A_85 = arith.constant 0 : i32
      %dma_start3A_86 = tpu.memref_slice %arg8[%add3A_78, %dma_start3A_85] : memref<157x128xi32, #tpu.memory_space<vmem>> -> memref<1x128xi32, #tpu.memory_space<vmem>>
      %dma_start3A_87 = tpu.memref_squeeze %dma_start3A_86 : memref<1x128xi32, #tpu.memory_space<vmem>> -> memref<128xi32, #tpu.memory_space<vmem>>
      %dma_start3A_88 = arith.constant 0 : i32
      %dma_start3A_89 = arith.constant 0 : i32
      %dma_start3A_90 = tpu.memref_slice %arg18[%dma_start3A_88, %dma_start3A_89] : memref<5008x128xf32, #tpu.memory_space<vmem_shared>> -> memref<5008x128xf32, #tpu.memory_space<vmem_shared>>
      tpu.enqueue_indirect_dma source(%arg9 : memref<128x128xf32, #tpu.memory_space<vmem>>) target(%dma_start3A_90 : memref<5008x128xf32, #tpu.memory_space<vmem_shared>>) offsets(%dma_start3A_87 : memref<128xi32, #tpu.memory_space<vmem>>) semaphore(%arg15 : memref<!tpu.dma_semaphore, #tpu.memory_space<semaphore_mem>>) {add = true}
      %ge3A = arith.constant 1 : i32
      %ge3A_91 = arith.cmpi sge, %add3A_78, %ge3A : i32
      %convert_element_type3A_92 = arith.extui %ge3A_91 : i1 to i32
      %cond3A_93 = arith.constant 0 : i32
      %cond3A_94 = arith.cmpi ne, %convert_element_type3A_92, %cond3A_93 : i32
      scf.if %cond3A_94 {
        %sub3A = arith.constant 1 : i32
        %sub3A_157 = arith.subi %add3A_78, %sub3A : i32
        %dma_wait3A_158 = arith.constant 0 : i32
        %dma_wait3A_159 = tpu.memref_slice %arg8[%sub3A_157, %dma_wait3A_158] : memref<157x128xi32, #tpu.memory_space<vmem>> -> memref<1x128xi32, #tpu.memory_space<vmem>>
        %dma_wait3A_160 = tpu.memref_squeeze %dma_wait3A_159 : memref<1x128xi32, #tpu.memory_space<vmem>> -> memref<128xi32, #tpu.memory_space<vmem>>
        %dma_wait3A_161 = arith.constant 0 : i32
        %dma_wait3A_162 = arith.constant 0 : i32
        %dma_wait3A_163 = tpu.memref_slice %arg18[%dma_wait3A_161, %dma_wait3A_162] : memref<5008x128xf32, #tpu.memory_space<vmem_shared>> -> memref<5008x128xf32, #tpu.memory_space<vmem_shared>>
        tpu.wait_indirect_dma semaphore(%arg17 : memref<!tpu.dma_semaphore, #tpu.memory_space<semaphore_mem>>) src(%arg11 : memref<128x128xf32, #tpu.memory_space<vmem>>) dst(%dma_wait3A_163 : memref<5008x128xf32, #tpu.memory_space<vmem_shared>>)
      } else {
      }
      %add3A_95 = arith.constant 2 : i32
      %add3A_96 = arith.addi %add3A_78, %add3A_95 : i32
      %lt3A = arith.constant 157 : i32
      %lt3A_97 = arith.cmpi slt, %add3A_96, %lt3A : i32
      %convert_element_type3A_98 = arith.extui %lt3A_97 : i1 to i32
      %cond3A_99 = arith.constant 0 : i32
      %cond3A_100 = arith.cmpi ne, %convert_element_type3A_98, %cond3A_99 : i32
      scf.if %cond3A_100 {
        %add3A_157 = arith.constant 2 : i32
        %add3A_158 = arith.addi %add3A_78, %add3A_157 : i32
        %dma_start3A_159 = arith.constant 0 : i32
        %dma_start3A_160 = tpu.memref_slice %arg7[%add3A_158, %dma_start3A_159] : memref<157x128xi32, #tpu.memory_space<vmem>> -> memref<1x128xi32, #tpu.memory_space<vmem>>
        %dma_start3A_161 = tpu.memref_squeeze %dma_start3A_160 : memref<1x128xi32, #tpu.memory_space<vmem>> -> memref<128xi32, #tpu.memory_space<vmem>>
        %dma_start3A_162 = arith.constant 0 : i32
        %dma_start3A_163 = arith.constant 0 : i32
        %dma_start3A_164 = tpu.memref_slice %arg2[%dma_start3A_162, %dma_start3A_163] : memref<10000x128xf32, #tpu.memory_space<hbm>> -> memref<10000x128xf32, #tpu.memory_space<hbm>>
        tpu.enqueue_indirect_dma source(%dma_start3A_164 : memref<10000x128xf32, #tpu.memory_space<hbm>>) target(%arg11 : memref<128x128xf32, #tpu.memory_space<vmem>>) offsets(%dma_start3A_161 : memref<128xi32, #tpu.memory_space<vmem>>) semaphore(%arg14 : memref<!tpu.dma_semaphore, #tpu.memory_space<semaphore_mem>>)
      } else {
      }
      %mul3A_101 = arith.constant 3 : i32
      %mul3A_102 = arith.muli %mul3A_101, %scan3A_74 : i32
      %add3A_103 = arith.constant 1 : i32
      %add3A_104 = arith.addi %mul3A_102, %add3A_103 : i32
      %dma_wait3A_105 = arith.constant 0 : i32
      %dma_wait3A_106 = tpu.memref_slice %arg7[%add3A_104, %dma_wait3A_105] : memref<157x128xi32, #tpu.memory_space<vmem>> -> memref<1x128xi32, #tpu.memory_space<vmem>>
      %dma_wait3A_107 = tpu.memref_squeeze %dma_wait3A_106 : memref<1x128xi32, #tpu.memory_space<vmem>> -> memref<128xi32, #tpu.memory_space<vmem>>
      %dma_wait3A_108 = arith.constant 0 : i32
      %dma_wait3A_109 = arith.constant 0 : i32
      %dma_wait3A_110 = tpu.memref_slice %arg2[%dma_wait3A_108, %dma_wait3A_109] : memref<10000x128xf32, #tpu.memory_space<hbm>> -> memref<10000x128xf32, #tpu.memory_space<hbm>>
      tpu.wait_indirect_dma semaphore(%arg13 : memref<!tpu.dma_semaphore, #tpu.memory_space<semaphore_mem>>) src(%dma_wait3A_110 : memref<10000x128xf32, #tpu.memory_space<hbm>>) dst(%arg10 : memref<128x128xf32, #tpu.memory_space<vmem>>)
      %dma_start3A_111 = arith.constant 0 : i32
      %dma_start3A_112 = tpu.memref_slice %arg8[%add3A_104, %dma_start3A_111] : memref<157x128xi32, #tpu.memory_space<vmem>> -> memref<1x128xi32, #tpu.memory_space<vmem>>
      %dma_start3A_113 = tpu.memref_squeeze %dma_start3A_112 : memref<1x128xi32, #tpu.memory_space<vmem>> -> memref<128xi32, #tpu.memory_space<vmem>>
      %dma_start3A_114 = arith.constant 0 : i32
      %dma_start3A_115 = arith.constant 0 : i32
      %dma_start3A_116 = tpu.memref_slice %arg18[%dma_start3A_114, %dma_start3A_115] : memref<5008x128xf32, #tpu.memory_space<vmem_shared>> -> memref<5008x128xf32, #tpu.memory_space<vmem_shared>>
      tpu.enqueue_indirect_dma source(%arg10 : memref<128x128xf32, #tpu.memory_space<vmem>>) target(%dma_start3A_116 : memref<5008x128xf32, #tpu.memory_space<vmem_shared>>) offsets(%dma_start3A_113 : memref<128xi32, #tpu.memory_space<vmem>>) semaphore(%arg16 : memref<!tpu.dma_semaphore, #tpu.memory_space<semaphore_mem>>) {add = true}
      %ge3A_117 = arith.constant 1 : i32
      %ge3A_118 = arith.cmpi sge, %add3A_104, %ge3A_117 : i32
      %convert_element_type3A_119 = arith.extui %ge3A_118 : i1 to i32
      %cond3A_120 = arith.constant 0 : i32
      %cond3A_121 = arith.cmpi ne, %convert_element_type3A_119, %cond3A_120 : i32
      scf.if %cond3A_121 {
        %sub3A = arith.constant 1 : i32
        %sub3A_157 = arith.subi %add3A_104, %sub3A : i32
        %dma_wait3A_158 = arith.constant 0 : i32
        %dma_wait3A_159 = tpu.memref_slice %arg8[%sub3A_157, %dma_wait3A_158] : memref<157x128xi32, #tpu.memory_space<vmem>> -> memref<1x128xi32, #tpu.memory_space<vmem>>
        %dma_wait3A_160 = tpu.memref_squeeze %dma_wait3A_159 : memref<1x128xi32, #tpu.memory_space<vmem>> -> memref<128xi32, #tpu.memory_space<vmem>>
        %dma_wait3A_161 = arith.constant 0 : i32
        %dma_wait3A_162 = arith.constant 0 : i32
        %dma_wait3A_163 = tpu.memref_slice %arg18[%dma_wait3A_161, %dma_wait3A_162] : memref<5008x128xf32, #tpu.memory_space<vmem_shared>> -> memref<5008x128xf32, #tpu.memory_space<vmem_shared>>
        tpu.wait_indirect_dma semaphore(%arg15 : memref<!tpu.dma_semaphore, #tpu.memory_space<semaphore_mem>>) src(%arg9 : memref<128x128xf32, #tpu.memory_space<vmem>>) dst(%dma_wait3A_163 : memref<5008x128xf32, #tpu.memory_space<vmem_shared>>)
      } else {
      }
      %add3A_122 = arith.constant 2 : i32
      %add3A_123 = arith.addi %add3A_104, %add3A_122 : i32
      %lt3A_124 = arith.constant 157 : i32
      %lt3A_125 = arith.cmpi slt, %add3A_123, %lt3A_124 : i32
      %convert_element_type3A_126 = arith.extui %lt3A_125 : i1 to i32
      %cond3A_127 = arith.constant 0 : i32
      %cond3A_128 = arith.cmpi ne, %convert_element_type3A_126, %cond3A_127 : i32
      scf.if %cond3A_128 {
        %add3A_157 = arith.constant 2 : i32
        %add3A_158 = arith.addi %add3A_104, %add3A_157 : i32
        %dma_start3A_159 = arith.constant 0 : i32
        %dma_start3A_160 = tpu.memref_slice %arg7[%add3A_158, %dma_start3A_159] : memref<157x128xi32, #tpu.memory_space<vmem>> -> memref<1x128xi32, #tpu.memory_space<vmem>>
        %dma_start3A_161 = tpu.memref_squeeze %dma_start3A_160 : memref<1x128xi32, #tpu.memory_space<vmem>> -> memref<128xi32, #tpu.memory_space<vmem>>
        %dma_start3A_162 = arith.constant 0 : i32
        %dma_start3A_163 = arith.constant 0 : i32
        %dma_start3A_164 = tpu.memref_slice %arg2[%dma_start3A_162, %dma_start3A_163] : memref<10000x128xf32, #tpu.memory_space<hbm>> -> memref<10000x128xf32, #tpu.memory_space<hbm>>
        tpu.enqueue_indirect_dma source(%dma_start3A_164 : memref<10000x128xf32, #tpu.memory_space<hbm>>) target(%arg9 : memref<128x128xf32, #tpu.memory_space<vmem>>) offsets(%dma_start3A_161 : memref<128xi32, #tpu.memory_space<vmem>>) semaphore(%arg12 : memref<!tpu.dma_semaphore, #tpu.memory_space<semaphore_mem>>)
      } else {
      }
      %mul3A_129 = arith.constant 3 : i32
      %mul3A_130 = arith.muli %mul3A_129, %scan3A_74 : i32
      %add3A_131 = arith.constant 2 : i32
      %add3A_132 = arith.addi %mul3A_130, %add3A_131 : i32
      %dma_wait3A_133 = arith.constant 0 : i32
      %dma_wait3A_134 = tpu.memref_slice %arg7[%add3A_132, %dma_wait3A_133] : memref<157x128xi32, #tpu.memory_space<vmem>> -> memref<1x128xi32, #tpu.memory_space<vmem>>
      %dma_wait3A_135 = tpu.memref_squeeze %dma_wait3A_134 : memref<1x128xi32, #tpu.memory_space<vmem>> -> memref<128xi32, #tpu.memory_space<vmem>>
      %dma_wait3A_136 = arith.constant 0 : i32
      %dma_wait3A_137 = arith.constant 0 : i32
      %dma_wait3A_138 = tpu.memref_slice %arg2[%dma_wait3A_136, %dma_wait3A_137] : memref<10000x128xf32, #tpu.memory_space<hbm>> -> memref<10000x128xf32, #tpu.memory_space<hbm>>
      tpu.wait_indirect_dma semaphore(%arg14 : memref<!tpu.dma_semaphore, #tpu.memory_space<semaphore_mem>>) src(%dma_wait3A_138 : memref<10000x128xf32, #tpu.memory_space<hbm>>) dst(%arg11 : memref<128x128xf32, #tpu.memory_space<vmem>>)
      %dma_start3A_139 = arith.constant 0 : i32
      %dma_start3A_140 = tpu.memref_slice %arg8[%add3A_132, %dma_start3A_139] : memref<157x128xi32, #tpu.memory_space<vmem>> -> memref<1x128xi32, #tpu.memory_space<vmem>>
      %dma_start3A_141 = tpu.memref_squeeze %dma_start3A_140 : memref<1x128xi32, #tpu.memory_space<vmem>> -> memref<128xi32, #tpu.memory_space<vmem>>
      %dma_start3A_142 = arith.constant 0 : i32
      %dma_start3A_143 = arith.constant 0 : i32
      %dma_start3A_144 = tpu.memref_slice %arg18[%dma_start3A_142, %dma_start3A_143] : memref<5008x128xf32, #tpu.memory_space<vmem_shared>> -> memref<5008x128xf32, #tpu.memory_space<vmem_shared>>
      tpu.enqueue_indirect_dma source(%arg11 : memref<128x128xf32, #tpu.memory_space<vmem>>) target(%dma_start3A_144 : memref<5008x128xf32, #tpu.memory_space<vmem_shared>>) offsets(%dma_start3A_141 : memref<128xi32, #tpu.memory_space<vmem>>) semaphore(%arg17 : memref<!tpu.dma_semaphore, #tpu.memory_space<semaphore_mem>>) {add = true}
      %ge3A_145 = arith.constant 1 : i32
      %ge3A_146 = arith.cmpi sge, %add3A_132, %ge3A_145 : i32
      %convert_element_type3A_147 = arith.extui %ge3A_146 : i1 to i32
      %cond3A_148 = arith.constant 0 : i32
      %cond3A_149 = arith.cmpi ne, %convert_element_type3A_147, %cond3A_148 : i32
      scf.if %cond3A_149 {
        %sub3A = arith.constant 1 : i32
        %sub3A_157 = arith.subi %add3A_132, %sub3A : i32
        %dma_wait3A_158 = arith.constant 0 : i32
        %dma_wait3A_159 = tpu.memref_slice %arg8[%sub3A_157, %dma_wait3A_158] : memref<157x128xi32, #tpu.memory_space<vmem>> -> memref<1x128xi32, #tpu.memory_space<vmem>>
        %dma_wait3A_160 = tpu.memref_squeeze %dma_wait3A_159 : memref<1x128xi32, #tpu.memory_space<vmem>> -> memref<128xi32, #tpu.memory_space<vmem>>
        %dma_wait3A_161 = arith.constant 0 : i32
        %dma_wait3A_162 = arith.constant 0 : i32
        %dma_wait3A_163 = tpu.memref_slice %arg18[%dma_wait3A_161, %dma_wait3A_162] : memref<5008x128xf32, #tpu.memory_space<vmem_shared>> -> memref<5008x128xf32, #tpu.memory_space<vmem_shared>>
        tpu.wait_indirect_dma semaphore(%arg16 : memref<!tpu.dma_semaphore, #tpu.memory_space<semaphore_mem>>) src(%arg10 : memref<128x128xf32, #tpu.memory_space<vmem>>) dst(%dma_wait3A_163 : memref<5008x128xf32, #tpu.memory_space<vmem_shared>>)
      } else {
      }
      %add3A_150 = arith.constant 2 : i32
      %add3A_151 = arith.addi %add3A_132, %add3A_150 : i32
      %lt3A_152 = arith.constant 157 : i32
      %lt3A_153 = arith.cmpi slt, %add3A_151, %lt3A_152 : i32
      %convert_element_type3A_154 = arith.extui %lt3A_153 : i1 to i32
      %cond3A_155 = arith.constant 0 : i32
      %cond3A_156 = arith.cmpi ne, %convert_element_type3A_154, %cond3A_155 : i32
      scf.if %cond3A_156 {
        %add3A_157 = arith.constant 2 : i32
        %add3A_158 = arith.addi %add3A_132, %add3A_157 : i32
        %dma_start3A_159 = arith.constant 0 : i32
        %dma_start3A_160 = tpu.memref_slice %arg7[%add3A_158, %dma_start3A_159] : memref<157x128xi32, #tpu.memory_space<vmem>> -> memref<1x128xi32, #tpu.memory_space<vmem>>
        %dma_start3A_161 = tpu.memref_squeeze %dma_start3A_160 : memref<1x128xi32, #tpu.memory_space<vmem>> -> memref<128xi32, #tpu.memory_space<vmem>>
        %dma_start3A_162 = arith.constant 0 : i32
        %dma_start3A_163 = arith.constant 0 : i32
        %dma_start3A_164 = tpu.memref_slice %arg2[%dma_start3A_162, %dma_start3A_163] : memref<10000x128xf32, #tpu.memory_space<hbm>> -> memref<10000x128xf32, #tpu.memory_space<hbm>>
        tpu.enqueue_indirect_dma source(%dma_start3A_164 : memref<10000x128xf32, #tpu.memory_space<hbm>>) target(%arg10 : memref<128x128xf32, #tpu.memory_space<vmem>>) offsets(%dma_start3A_161 : memref<128xi32, #tpu.memory_space<vmem>>) semaphore(%arg13 : memref<!tpu.dma_semaphore, #tpu.memory_space<semaphore_mem>>)
      } else {
      }
    }
    %scan3A_38 = arith.constant 52 : i32
    %dma_wait3A = arith.constant 156 : i32
    %dma_wait3A_39 = arith.constant 0 : i32
    %dma_wait3A_40 = tpu.memref_slice %arg7[%dma_wait3A, %dma_wait3A_39] : memref<157x128xi32, #tpu.memory_space<vmem>> -> memref<1x128xi32, #tpu.memory_space<vmem>>
    %dma_wait3A_41 = tpu.memref_squeeze %dma_wait3A_40 : memref<1x128xi32, #tpu.memory_space<vmem>> -> memref<128xi32, #tpu.memory_space<vmem>>
    %dma_wait3A_42 = arith.constant 0 : i32
    %dma_wait3A_43 = arith.constant 0 : i32
    %dma_wait3A_44 = tpu.memref_slice %arg2[%dma_wait3A_42, %dma_wait3A_43] : memref<10000x128xf32, #tpu.memory_space<hbm>> -> memref<10000x128xf32, #tpu.memory_space<hbm>>
    tpu.wait_indirect_dma semaphore(%arg12 : memref<!tpu.dma_semaphore, #tpu.memory_space<semaphore_mem>>) src(%dma_wait3A_44 : memref<10000x128xf32, #tpu.memory_space<hbm>>) dst(%arg9 : memref<128x128xf32, #tpu.memory_space<vmem>>)
    %dma_start3A_45 = arith.constant 156 : i32
    %dma_start3A_46 = arith.constant 0 : i32
    %dma_start3A_47 = tpu.memref_slice %arg8[%dma_start3A_45, %dma_start3A_46] : memref<157x128xi32, #tpu.memory_space<vmem>> -> memref<1x128xi32, #tpu.memory_space<vmem>>
    %dma_start3A_48 = tpu.memref_squeeze %dma_start3A_47 : memref<1x128xi32, #tpu.memory_space<vmem>> -> memref<128xi32, #tpu.memory_space<vmem>>
    %dma_start3A_49 = arith.constant 0 : i32
    %dma_start3A_50 = arith.constant 0 : i32
    %dma_start3A_51 = tpu.memref_slice %arg18[%dma_start3A_49, %dma_start3A_50] : memref<5008x128xf32, #tpu.memory_space<vmem_shared>> -> memref<5008x128xf32, #tpu.memory_space<vmem_shared>>
    tpu.enqueue_indirect_dma source(%arg9 : memref<128x128xf32, #tpu.memory_space<vmem>>) target(%dma_start3A_51 : memref<5008x128xf32, #tpu.memory_space<vmem_shared>>) offsets(%dma_start3A_48 : memref<128xi32, #tpu.memory_space<vmem>>) semaphore(%arg15 : memref<!tpu.dma_semaphore, #tpu.memory_space<semaphore_mem>>) {add = true}
    %dma_wait3A_52 = arith.constant 155 : i32
    %dma_wait3A_53 = arith.constant 0 : i32
    %dma_wait3A_54 = tpu.memref_slice %arg8[%dma_wait3A_52, %dma_wait3A_53] : memref<157x128xi32, #tpu.memory_space<vmem>> -> memref<1x128xi32, #tpu.memory_space<vmem>>
    %dma_wait3A_55 = tpu.memref_squeeze %dma_wait3A_54 : memref<1x128xi32, #tpu.memory_space<vmem>> -> memref<128xi32, #tpu.memory_space<vmem>>
    %dma_wait3A_56 = arith.constant 0 : i32
    %dma_wait3A_57 = arith.constant 0 : i32
    %dma_wait3A_58 = tpu.memref_slice %arg18[%dma_wait3A_56, %dma_wait3A_57] : memref<5008x128xf32, #tpu.memory_space<vmem_shared>> -> memref<5008x128xf32, #tpu.memory_space<vmem_shared>>
    tpu.wait_indirect_dma semaphore(%arg17 : memref<!tpu.dma_semaphore, #tpu.memory_space<semaphore_mem>>) src(%arg11 : memref<128x128xf32, #tpu.memory_space<vmem>>) dst(%dma_wait3A_58 : memref<5008x128xf32, #tpu.memory_space<vmem_shared>>)
    %dma_wait3A_59 = arith.constant 156 : i32
    %dma_wait3A_60 = arith.constant 0 : i32
    %dma_wait3A_61 = tpu.memref_slice %arg8[%dma_wait3A_59, %dma_wait3A_60] : memref<157x128xi32, #tpu.memory_space<vmem>> -> memref<1x128xi32, #tpu.memory_space<vmem>>
    %dma_wait3A_62 = tpu.memref_squeeze %dma_wait3A_61 : memref<1x128xi32, #tpu.memory_space<vmem>> -> memref<128xi32, #tpu.memory_space<vmem>>
    %dma_wait3A_63 = arith.constant 0 : i32
    %dma_wait3A_64 = arith.constant 0 : i32
    %dma_wait3A_65 = tpu.memref_slice %arg18[%dma_wait3A_63, %dma_wait3A_64] : memref<5008x128xf32, #tpu.memory_space<vmem_shared>> -> memref<5008x128xf32, #tpu.memory_space<vmem_shared>>
    tpu.wait_indirect_dma semaphore(%arg15 : memref<!tpu.dma_semaphore, #tpu.memory_space<semaphore_mem>>) src(%arg9 : memref<128x128xf32, #tpu.memory_space<vmem>>) dst(%dma_wait3A_65 : memref<5008x128xf32, #tpu.memory_space<vmem_shared>>)
    %barrier3A_66 = arith.constant 0 : index
    tpu.barrier barrier_id(%barrier3A_66)
    %mul3A_67 = arith.constant 312 : i32
    %mul3A_68 = arith.muli %arg1, %mul3A_67 : i32
    "tpu.region"() ({
      %run_scoped3A = tpu.sem_alloc : memref<!tpu.dma_semaphore, #tpu.memory_space<semaphore_mem>>
      %dma_start3A_74 = arith.constant 0 : i32
      %dma_start3A_75 = tpu.memref_slice %arg6[%arg0, %mul3A_68, %dma_start3A_74] : memref<2x5000x128xf32, #tpu.memory_space<hbm>> -> memref<1x312x128xf32, #tpu.memory_space<hbm>>
      %dma_start3A_76 = tpu.memref_squeeze %dma_start3A_75 : memref<1x312x128xf32, #tpu.memory_space<hbm>> -> memref<312x128xf32, #tpu.memory_space<hbm>>
      %dma_start3A_77 = arith.constant 0 : i32
      %dma_start3A_78 = tpu.memref_slice %arg18[%mul3A_68, %dma_start3A_77] : memref<5008x128xf32, #tpu.memory_space<vmem_shared>> -> memref<312x128xf32, #tpu.memory_space<vmem_shared>>
      tpu.enqueue_dma source(%dma_start3A_78 : memref<312x128xf32, #tpu.memory_space<vmem_shared>>) target(%dma_start3A_76 : memref<312x128xf32, #tpu.memory_space<hbm>>) target_semaphore(%run_scoped3A : memref<!tpu.dma_semaphore, #tpu.memory_space<semaphore_mem>>)
      %dma_wait3A_79 = arith.constant 0 : i32
      %dma_wait3A_80 = tpu.memref_slice %arg6[%arg0, %mul3A_68, %dma_wait3A_79] : memref<2x5000x128xf32, #tpu.memory_space<hbm>> -> memref<1x312x128xf32, #tpu.memory_space<hbm>>
      %dma_wait3A_81 = tpu.memref_squeeze %dma_wait3A_80 : memref<1x312x128xf32, #tpu.memory_space<hbm>> -> memref<312x128xf32, #tpu.memory_space<hbm>>
      %dma_wait3A_82 = arith.constant 0 : i32
      %dma_wait3A_83 = tpu.memref_slice %arg18[%mul3A_68, %dma_wait3A_82] : memref<5008x128xf32, #tpu.memory_space<vmem_shared>> -> memref<312x128xf32, #tpu.memory_space<vmem_shared>>
      tpu.wait_dma2 semaphore(%run_scoped3A : memref<!tpu.dma_semaphore, #tpu.memory_space<semaphore_mem>>) src(%dma_wait3A_83 : memref<312x128xf32, #tpu.memory_space<vmem_shared>>) dst(%dma_wait3A_81 : memref<312x128xf32, #tpu.memory_space<hbm>>)
      tpu.yield
    }) : () -> ()
    %eq3A_69 = arith.constant 15 : i32
    %eq3A_70 = arith.cmpi eq, %arg1, %eq3A_69 : i32
    %convert_element_type3A_71 = arith.extui %eq3A_70 : i1 to i32
    %cond3A_72 = arith.constant 0 : i32
    %cond3A_73 = arith.cmpi ne, %convert_element_type3A_71, %cond3A_72 : i32
    scf.if %cond3A_73 {
      "tpu.region"() ({
        %run_scoped3A = tpu.sem_alloc : memref<!tpu.dma_semaphore, #tpu.memory_space<semaphore_mem>>
        %dma_start3A_74 = arith.constant 4992 : i32
        %dma_start3A_75 = arith.constant 0 : i32
        %dma_start3A_76 = tpu.memref_slice %arg6[%arg0, %dma_start3A_74, %dma_start3A_75] : memref<2x5000x128xf32, #tpu.memory_space<hbm>> -> memref<1x8x128xf32, #tpu.memory_space<hbm>>
        %dma_start3A_77 = tpu.memref_squeeze %dma_start3A_76 : memref<1x8x128xf32, #tpu.memory_space<hbm>> -> memref<8x128xf32, #tpu.memory_space<hbm>>
        %dma_start3A_78 = arith.constant 4992 : i32
        %dma_start3A_79 = arith.constant 0 : i32
        %dma_start3A_80 = tpu.memref_slice %arg18[%dma_start3A_78, %dma_start3A_79] : memref<5008x128xf32, #tpu.memory_space<vmem_shared>> -> memref<8x128xf32, #tpu.memory_space<vmem_shared>>
        tpu.enqueue_dma source(%dma_start3A_80 : memref<8x128xf32, #tpu.memory_space<vmem_shared>>) target(%dma_start3A_77 : memref<8x128xf32, #tpu.memory_space<hbm>>) target_semaphore(%run_scoped3A : memref<!tpu.dma_semaphore, #tpu.memory_space<semaphore_mem>>)
        %dma_wait3A_81 = arith.constant 4992 : i32
        %dma_wait3A_82 = arith.constant 0 : i32
        %dma_wait3A_83 = tpu.memref_slice %arg6[%arg0, %dma_wait3A_81, %dma_wait3A_82] : memref<2x5000x128xf32, #tpu.memory_space<hbm>> -> memref<1x8x128xf32, #tpu.memory_space<hbm>>
        %dma_wait3A_84 = tpu.memref_squeeze %dma_wait3A_83 : memref<1x8x128xf32, #tpu.memory_space<hbm>> -> memref<8x128xf32, #tpu.memory_space<hbm>>
        %dma_wait3A_85 = arith.constant 4992 : i32
        %dma_wait3A_86 = arith.constant 0 : i32
        %dma_wait3A_87 = tpu.memref_slice %arg18[%dma_wait3A_85, %dma_wait3A_86] : memref<5008x128xf32, #tpu.memory_space<vmem_shared>> -> memref<8x128xf32, #tpu.memory_space<vmem_shared>>
        tpu.wait_dma2 semaphore(%run_scoped3A : memref<!tpu.dma_semaphore, #tpu.memory_space<semaphore_mem>>) src(%dma_wait3A_87 : memref<8x128xf32, #tpu.memory_space<vmem_shared>>) dst(%dma_wait3A_84 : memref<8x128xf32, #tpu.memory_space<hbm>>)
        tpu.yield
      }) : () -> ()
    } else {
    }
    return
  }
}

#map = affine_map<(d0, d1) -> (0, 0)>
#map1 = affine_map<(d0, d1) -> (0, 0, 0)>
module attributes {stable_mosaic.version = 14 : i64} {
  func.func @_sc_msg_body(%arg0: i32, %arg1: i32, %arg2: memref<10000x128xf32, #tpu.memory_space<hbm>>, %arg3: memref<16x157x128xi32, #tpu.memory_space<hbm>>, %arg4: memref<16x157x128xi32, #tpu.memory_space<hbm>>, %arg5: memref<8x128xf32, #tpu.memory_space<hbm>>, %arg6: memref<2x5000x128xf32, #tpu.memory_space<hbm>>, %arg7: memref<157x128xi32, #tpu.memory_space<vmem>>, %arg8: memref<157x128xi32, #tpu.memory_space<vmem>>, %arg9: memref<128x128xf32, #tpu.memory_space<vmem>>, %arg10: memref<128x128xf32, #tpu.memory_space<vmem>>, %arg11: memref<128x128xf32, #tpu.memory_space<vmem>>, %arg12: memref<!tpu.dma_semaphore, #tpu.memory_space<semaphore_mem>>, %arg13: memref<!tpu.dma_semaphore, #tpu.memory_space<semaphore_mem>>, %arg14: memref<!tpu.dma_semaphore, #tpu.memory_space<semaphore_mem>>, %arg15: memref<!tpu.dma_semaphore, #tpu.memory_space<semaphore_mem>>, %arg16: memref<!tpu.dma_semaphore, #tpu.memory_space<semaphore_mem>>, %arg17: memref<!tpu.dma_semaphore, #tpu.memory_space<semaphore_mem>>, %arg18: memref<5008x128xf32, #tpu.memory_space<vmem_shared>>) attributes {dimension_semantics = [#tpu.dimension_semantics<core_parallel>, #tpu.dimension_semantics<subcore_parallel>], iteration_bounds = array<i64: 2, 16>, scalar_prefetch = 0 : i64, scratch_operands = 12 : i64, tpu.core_type = #tpu.core_type<sc_vector_subcore>, window_params = [{transform_indices = #map}, {transform_indices = #map1}, {transform_indices = #map1}, {transform_indices = #map}, {transform_indices = #map1}]} {
    "tpu.region"() ({
      %run_scoped3A = tpu.sem_alloc : memref<!tpu.dma_semaphore, #tpu.memory_space<semaphore_mem>>
      %dma_start3A_74 = arith.constant 0 : i32
      %dma_start3A_75 = arith.constant 0 : i32
      %dma_start3A_76 = tpu.memref_slice %arg3[%arg1, %dma_start3A_74, %dma_start3A_75] : memref<16x157x128xi32, #tpu.memory_space<hbm>> -> memref<1x157x128xi32, #tpu.memory_space<hbm>>
      %dma_start3A_77 = tpu.memref_squeeze %dma_start3A_76 : memref<1x157x128xi32, #tpu.memory_space<hbm>> -> memref<157x128xi32, #tpu.memory_space<hbm>>
      %dma_start3A_78 = arith.constant 0 : i32
      %dma_start3A_79 = arith.constant 0 : i32
      %dma_start3A_80 = tpu.memref_slice %arg3[%arg1, %dma_start3A_78, %dma_start3A_79] : memref<16x157x128xi32, #tpu.memory_space<hbm>> -> memref<1x157x128xi32, #tpu.memory_space<hbm>>
      %dma_start3A_81 = tpu.memref_squeeze %dma_start3A_80 : memref<1x157x128xi32, #tpu.memory_space<hbm>> -> memref<157x128xi32, #tpu.memory_space<hbm>>
      tpu.enqueue_dma source(%dma_start3A_81 : memref<157x128xi32, #tpu.memory_space<hbm>>) target(%arg7 : memref<157x128xi32, #tpu.memory_space<vmem>>) target_semaphore(%run_scoped3A : memref<!tpu.dma_semaphore, #tpu.memory_space<semaphore_mem>>)
      %dma_wait3A_82 = arith.constant 0 : i32
      %dma_wait3A_83 = arith.constant 0 : i32
      %dma_wait3A_84 = tpu.memref_slice %arg3[%arg1, %dma_wait3A_82, %dma_wait3A_83] : memref<16x157x128xi32, #tpu.memory_space<hbm>> -> memref<1x157x128xi32, #tpu.memory_space<hbm>>
      %dma_wait3A_85 = tpu.memref_squeeze %dma_wait3A_84 : memref<1x157x128xi32, #tpu.memory_space<hbm>> -> memref<157x128xi32, #tpu.memory_space<hbm>>
      %dma_wait3A_86 = arith.constant 0 : i32
      %dma_wait3A_87 = arith.constant 0 : i32
      %dma_wait3A_88 = tpu.memref_slice %arg3[%arg1, %dma_wait3A_86, %dma_wait3A_87] : memref<16x157x128xi32, #tpu.memory_space<hbm>> -> memref<1x157x128xi32, #tpu.memory_space<hbm>>
      %dma_wait3A_89 = tpu.memref_squeeze %dma_wait3A_88 : memref<1x157x128xi32, #tpu.memory_space<hbm>> -> memref<157x128xi32, #tpu.memory_space<hbm>>
      tpu.wait_dma2 semaphore(%run_scoped3A : memref<!tpu.dma_semaphore, #tpu.memory_space<semaphore_mem>>) src(%dma_wait3A_89 : memref<157x128xi32, #tpu.memory_space<hbm>>) dst(%arg7 : memref<157x128xi32, #tpu.memory_space<vmem>>)
      tpu.yield
    }) : () -> ()
    %dma_start3A = arith.constant 0 : i32
    %dma_start3A_0 = arith.constant 0 : i32
    %dma_start3A_1 = tpu.memref_slice %arg7[%dma_start3A, %dma_start3A_0] : memref<157x128xi32, #tpu.memory_space<vmem>> -> memref<1x128xi32, #tpu.memory_space<vmem>>
    %dma_start3A_2 = tpu.memref_squeeze %dma_start3A_1 : memref<1x128xi32, #tpu.memory_space<vmem>> -> memref<128xi32, #tpu.memory_space<vmem>>
    %dma_start3A_3 = arith.constant 0 : i32
    %dma_start3A_4 = arith.constant 0 : i32
    %dma_start3A_5 = tpu.memref_slice %arg2[%dma_start3A_3, %dma_start3A_4] : memref<10000x128xf32, #tpu.memory_space<hbm>> -> memref<10000x128xf32, #tpu.memory_space<hbm>>
    tpu.enqueue_indirect_dma source(%dma_start3A_5 : memref<10000x128xf32, #tpu.memory_space<hbm>>) target(%arg9 : memref<128x128xf32, #tpu.memory_space<vmem>>) offsets(%dma_start3A_2 : memref<128xi32, #tpu.memory_space<vmem>>) semaphore(%arg12 : memref<!tpu.dma_semaphore, #tpu.memory_space<semaphore_mem>>)
    %dma_start3A_6 = arith.constant 1 : i32
    %dma_start3A_7 = arith.constant 0 : i32
    %dma_start3A_8 = tpu.memref_slice %arg7[%dma_start3A_6, %dma_start3A_7] : memref<157x128xi32, #tpu.memory_space<vmem>> -> memref<1x128xi32, #tpu.memory_space<vmem>>
    %dma_start3A_9 = tpu.memref_squeeze %dma_start3A_8 : memref<1x128xi32, #tpu.memory_space<vmem>> -> memref<128xi32, #tpu.memory_space<vmem>>
    %dma_start3A_10 = arith.constant 0 : i32
    %dma_start3A_11 = arith.constant 0 : i32
    %dma_start3A_12 = tpu.memref_slice %arg2[%dma_start3A_10, %dma_start3A_11] : memref<10000x128xf32, #tpu.memory_space<hbm>> -> memref<10000x128xf32, #tpu.memory_space<hbm>>
    tpu.enqueue_indirect_dma source(%dma_start3A_12 : memref<10000x128xf32, #tpu.memory_space<hbm>>) target(%arg10 : memref<128x128xf32, #tpu.memory_space<vmem>>) offsets(%dma_start3A_9 : memref<128xi32, #tpu.memory_space<vmem>>) semaphore(%arg13 : memref<!tpu.dma_semaphore, #tpu.memory_space<semaphore_mem>>)
    "tpu.region"() ({
      %run_scoped3A = tpu.sem_alloc : memref<!tpu.dma_semaphore, #tpu.memory_space<semaphore_mem>>
      %dma_start3A_74 = arith.constant 0 : i32
      %dma_start3A_75 = arith.constant 0 : i32
      %dma_start3A_76 = tpu.memref_slice %arg4[%arg1, %dma_start3A_74, %dma_start3A_75] : memref<16x157x128xi32, #tpu.memory_space<hbm>> -> memref<1x157x128xi32, #tpu.memory_space<hbm>>
      %dma_start3A_77 = tpu.memref_squeeze %dma_start3A_76 : memref<1x157x128xi32, #tpu.memory_space<hbm>> -> memref<157x128xi32, #tpu.memory_space<hbm>>
      %dma_start3A_78 = arith.constant 0 : i32
      %dma_start3A_79 = arith.constant 0 : i32
      %dma_start3A_80 = tpu.memref_slice %arg4[%arg1, %dma_start3A_78, %dma_start3A_79] : memref<16x157x128xi32, #tpu.memory_space<hbm>> -> memref<1x157x128xi32, #tpu.memory_space<hbm>>
      %dma_start3A_81 = tpu.memref_squeeze %dma_start3A_80 : memref<1x157x128xi32, #tpu.memory_space<hbm>> -> memref<157x128xi32, #tpu.memory_space<hbm>>
      tpu.enqueue_dma source(%dma_start3A_81 : memref<157x128xi32, #tpu.memory_space<hbm>>) target(%arg8 : memref<157x128xi32, #tpu.memory_space<vmem>>) target_semaphore(%run_scoped3A : memref<!tpu.dma_semaphore, #tpu.memory_space<semaphore_mem>>)
      %dma_wait3A_82 = arith.constant 0 : i32
      %dma_wait3A_83 = arith.constant 0 : i32
      %dma_wait3A_84 = tpu.memref_slice %arg4[%arg1, %dma_wait3A_82, %dma_wait3A_83] : memref<16x157x128xi32, #tpu.memory_space<hbm>> -> memref<1x157x128xi32, #tpu.memory_space<hbm>>
      %dma_wait3A_85 = tpu.memref_squeeze %dma_wait3A_84 : memref<1x157x128xi32, #tpu.memory_space<hbm>> -> memref<157x128xi32, #tpu.memory_space<hbm>>
      %dma_wait3A_86 = arith.constant 0 : i32
      %dma_wait3A_87 = arith.constant 0 : i32
      %dma_wait3A_88 = tpu.memref_slice %arg4[%arg1, %dma_wait3A_86, %dma_wait3A_87] : memref<16x157x128xi32, #tpu.memory_space<hbm>> -> memref<1x157x128xi32, #tpu.memory_space<hbm>>
      %dma_wait3A_89 = tpu.memref_squeeze %dma_wait3A_88 : memref<1x157x128xi32, #tpu.memory_space<hbm>> -> memref<157x128xi32, #tpu.memory_space<hbm>>
      tpu.wait_dma2 semaphore(%run_scoped3A : memref<!tpu.dma_semaphore, #tpu.memory_space<semaphore_mem>>) src(%dma_wait3A_89 : memref<157x128xi32, #tpu.memory_space<hbm>>) dst(%arg8 : memref<157x128xi32, #tpu.memory_space<vmem>>)
      tpu.yield
    }) : () -> ()
    %eq3A = arith.constant 0 : i32
    %eq3A_13 = arith.cmpi eq, %arg0, %eq3A : i32
    %iota3A = tpu.iota {dimensions = array<i32: 0>} : vector<16xi32>
    %and3A = arith.constant 7 : i32
    %and3A_14 = vector.broadcast %and3A : i32 to vector<16xi32>
    %and3A_15 = arith.andi %iota3A, %and3A_14 : vector<16xi32>
    %add3A = arith.constant 5000 : i32
    %add3A_16 = vector.broadcast %add3A : i32 to vector<16xi32>
    %add3A_17 = arith.addi %add3A_16, %and3A_15 : vector<16xi32>
    %scan3A = arith.constant 0 : i32
    %scan3A_18 = arith.constant 0 : i32
    %scan3A_19 = arith.constant 157 : i32
    %scan3A_20 = arith.addi %scan3A_18, %scan3A_19 : i32
    %scan3A_21 = arith.constant 1 : i32
    scf.for %scan3A_74 = %scan3A_18 to %scan3A_20 step %scan3A_21  : i32 {
      %get3A = arith.index_cast %scan3A_74 : i32 to index
      %get3A_75 = arith.constant 0 : index
      %get3A_76 = tpu.vector_load %arg8[%get3A, %get3A_75] {strides = array<i32>} : memref<157x128xi32, #tpu.memory_space<vmem>>, vector<1x16xi32>,
      %get3A_77 = vector.shape_cast %get3A_76 : vector<1x16xi32> to vector<16xi32>
      %sub3A = arith.constant 5000 : i32
      %sub3A_78 = vector.broadcast %sub3A : i32 to vector<16xi32>
      %sub3A_79 = arith.subi %get3A_77, %sub3A_78 : vector<16xi32>
      %lt3A = arith.constant 5000 : i32
      %lt3A_80 = vector.broadcast %lt3A : i32 to vector<16xi32>
      %lt3A_81 = arith.cmpi slt, %get3A_77, %lt3A_80 : vector<16xi32>
      %ge3A = arith.constant 0 : i32
      %ge3A_82 = vector.broadcast %ge3A : i32 to vector<16xi32>
      %ge3A_83 = arith.cmpi sge, %sub3A_79, %ge3A_82 : vector<16xi32>
      %lt3A_84 = arith.constant 5000 : i32
      %lt3A_85 = vector.broadcast %lt3A_84 : i32 to vector<16xi32>
      %lt3A_86 = arith.cmpi slt, %sub3A_79, %lt3A_85 : vector<16xi32>
      %and3A_87 = arith.andi %ge3A_83, %lt3A_86 : vector<16xi1>
      %select_n3A = arith.select %eq3A_13, %lt3A_81, %and3A_87 : vector<16xi1>
      %select_n3A_88 = arith.select %eq3A_13, %get3A_77, %sub3A_79 : vector<16xi32>
      %select_n3A_89 = arith.select %select_n3A, %select_n3A_88, %add3A_17 : vector<16xi1>, vector<16xi32>
      %swap3A = arith.index_cast %scan3A_74 : i32 to index
      %swap3A_90 = arith.constant 0 : index
      %swap3A_91 = tpu.vector_load %arg8[%swap3A, %swap3A_90] {strides = array<i32>} : memref<157x128xi32, #tpu.memory_space<vmem>>, vector<1x16xi32>,
      %swap3A_92 = vector.shape_cast %swap3A_91 : vector<1x16xi32> to vector<16xi32>
      %swap3A_93 = vector.shape_cast %select_n3A_89 : vector<16xi32> to vector<1x16xi32>
      tpu.vector_store %arg8[%swap3A, %swap3A_90], %swap3A_93 {strides = array<i32>} : memref<157x128xi32, #tpu.memory_space<vmem>>, vector<1x16xi32>,
      %get3A_94 = arith.index_cast %scan3A_74 : i32 to index
      %get3A_95 = arith.constant 16 : index
      %get3A_96 = tpu.vector_load %arg8[%get3A_94, %get3A_95] {strides = array<i32>} : memref<157x128xi32, #tpu.memory_space<vmem>>, vector<1x16xi32>,
      %get3A_97 = vector.shape_cast %get3A_96 : vector<1x16xi32> to vector<16xi32>
      %sub3A_98 = arith.constant 5000 : i32
      %sub3A_99 = vector.broadcast %sub3A_98 : i32 to vector<16xi32>
      %sub3A_100 = arith.subi %get3A_97, %sub3A_99 : vector<16xi32>
      %lt3A_101 = arith.constant 5000 : i32
      %lt3A_102 = vector.broadcast %lt3A_101 : i32 to vector<16xi32>
      %lt3A_103 = arith.cmpi slt, %get3A_97, %lt3A_102 : vector<16xi32>
      %ge3A_104 = arith.constant 0 : i32
      %ge3A_105 = vector.broadcast %ge3A_104 : i32 to vector<16xi32>
      %ge3A_106 = arith.cmpi sge, %sub3A_100, %ge3A_105 : vector<16xi32>
      %lt3A_107 = arith.constant 5000 : i32
      %lt3A_108 = vector.broadcast %lt3A_107 : i32 to vector<16xi32>
      %lt3A_109 = arith.cmpi slt, %sub3A_100, %lt3A_108 : vector<16xi32>
      %and3A_110 = arith.andi %ge3A_106, %lt3A_109 : vector<16xi1>
      %select_n3A_111 = arith.select %eq3A_13, %lt3A_103, %and3A_110 : vector<16xi1>
      %select_n3A_112 = arith.select %eq3A_13, %get3A_97, %sub3A_100 : vector<16xi32>
      %select_n3A_113 = arith.select %select_n3A_111, %select_n3A_112, %add3A_17 : vector<16xi1>, vector<16xi32>
      %swap3A_114 = arith.index_cast %scan3A_74 : i32 to index
      %swap3A_115 = arith.constant 16 : index
      %swap3A_116 = tpu.vector_load %arg8[%swap3A_114, %swap3A_115] {strides = array<i32>} : memref<157x128xi32, #tpu.memory_space<vmem>>, vector<1x16xi32>,
      %swap3A_117 = vector.shape_cast %swap3A_116 : vector<1x16xi32> to vector<16xi32>
      %swap3A_118 = vector.shape_cast %select_n3A_113 : vector<16xi32> to vector<1x16xi32>
      tpu.vector_store %arg8[%swap3A_114, %swap3A_115], %swap3A_118 {strides = array<i32>} : memref<157x128xi32, #tpu.memory_space<vmem>>, vector<1x16xi32>,
      %get3A_119 = arith.index_cast %scan3A_74 : i32 to index
      %get3A_120 = arith.constant 32 : index
      %get3A_121 = tpu.vector_load %arg8[%get3A_119, %get3A_120] {strides = array<i32>} : memref<157x128xi32, #tpu.memory_space<vmem>>, vector<1x16xi32>,
      %get3A_122 = vector.shape_cast %get3A_121 : vector<1x16xi32> to vector<16xi32>
      %sub3A_123 = arith.constant 5000 : i32
      %sub3A_124 = vector.broadcast %sub3A_123 : i32 to vector<16xi32>
      %sub3A_125 = arith.subi %get3A_122, %sub3A_124 : vector<16xi32>
      %lt3A_126 = arith.constant 5000 : i32
      %lt3A_127 = vector.broadcast %lt3A_126 : i32 to vector<16xi32>
      %lt3A_128 = arith.cmpi slt, %get3A_122, %lt3A_127 : vector<16xi32>
      %ge3A_129 = arith.constant 0 : i32
      %ge3A_130 = vector.broadcast %ge3A_129 : i32 to vector<16xi32>
      %ge3A_131 = arith.cmpi sge, %sub3A_125, %ge3A_130 : vector<16xi32>
      %lt3A_132 = arith.constant 5000 : i32
      %lt3A_133 = vector.broadcast %lt3A_132 : i32 to vector<16xi32>
      %lt3A_134 = arith.cmpi slt, %sub3A_125, %lt3A_133 : vector<16xi32>
      %and3A_135 = arith.andi %ge3A_131, %lt3A_134 : vector<16xi1>
      %select_n3A_136 = arith.select %eq3A_13, %lt3A_128, %and3A_135 : vector<16xi1>
      %select_n3A_137 = arith.select %eq3A_13, %get3A_122, %sub3A_125 : vector<16xi32>
      %select_n3A_138 = arith.select %select_n3A_136, %select_n3A_137, %add3A_17 : vector<16xi1>, vector<16xi32>
      %swap3A_139 = arith.index_cast %scan3A_74 : i32 to index
      %swap3A_140 = arith.constant 32 : index
      %swap3A_141 = tpu.vector_load %arg8[%swap3A_139, %swap3A_140] {strides = array<i32>} : memref<157x128xi32, #tpu.memory_space<vmem>>, vector<1x16xi32>,
      %swap3A_142 = vector.shape_cast %swap3A_141 : vector<1x16xi32> to vector<16xi32>
      %swap3A_143 = vector.shape_cast %select_n3A_138 : vector<16xi32> to vector<1x16xi32>
      tpu.vector_store %arg8[%swap3A_139, %swap3A_140], %swap3A_143 {strides = array<i32>} : memref<157x128xi32, #tpu.memory_space<vmem>>, vector<1x16xi32>,
      %get3A_144 = arith.index_cast %scan3A_74 : i32 to index
      %get3A_145 = arith.constant 48 : index
      %get3A_146 = tpu.vector_load %arg8[%get3A_144, %get3A_145] {strides = array<i32>} : memref<157x128xi32, #tpu.memory_space<vmem>>, vector<1x16xi32>,
      %get3A_147 = vector.shape_cast %get3A_146 : vector<1x16xi32> to vector<16xi32>
      %sub3A_148 = arith.constant 5000 : i32
      %sub3A_149 = vector.broadcast %sub3A_148 : i32 to vector<16xi32>
      %sub3A_150 = arith.subi %get3A_147, %sub3A_149 : vector<16xi32>
      %lt3A_151 = arith.constant 5000 : i32
      %lt3A_152 = vector.broadcast %lt3A_151 : i32 to vector<16xi32>
      %lt3A_153 = arith.cmpi slt, %get3A_147, %lt3A_152 : vector<16xi32>
      %ge3A_154 = arith.constant 0 : i32
      %ge3A_155 = vector.broadcast %ge3A_154 : i32 to vector<16xi32>
      %ge3A_156 = arith.cmpi sge, %sub3A_150, %ge3A_155 : vector<16xi32>
      %lt3A_157 = arith.constant 5000 : i32
      %lt3A_158 = vector.broadcast %lt3A_157 : i32 to vector<16xi32>
      %lt3A_159 = arith.cmpi slt, %sub3A_150, %lt3A_158 : vector<16xi32>
      %and3A_160 = arith.andi %ge3A_156, %lt3A_159 : vector<16xi1>
      %select_n3A_161 = arith.select %eq3A_13, %lt3A_153, %and3A_160 : vector<16xi1>
      %select_n3A_162 = arith.select %eq3A_13, %get3A_147, %sub3A_150 : vector<16xi32>
      %select_n3A_163 = arith.select %select_n3A_161, %select_n3A_162, %add3A_17 : vector<16xi1>, vector<16xi32>
      %swap3A_164 = arith.index_cast %scan3A_74 : i32 to index
      %swap3A_165 = arith.constant 48 : index
      %swap3A_166 = tpu.vector_load %arg8[%swap3A_164, %swap3A_165] {strides = array<i32>} : memref<157x128xi32, #tpu.memory_space<vmem>>, vector<1x16xi32>,
      %swap3A_167 = vector.shape_cast %swap3A_166 : vector<1x16xi32> to vector<16xi32>
      %swap3A_168 = vector.shape_cast %select_n3A_163 : vector<16xi32> to vector<1x16xi32>
      tpu.vector_store %arg8[%swap3A_164, %swap3A_165], %swap3A_168 {strides = array<i32>} : memref<157x128xi32, #tpu.memory_space<vmem>>, vector<1x16xi32>,
      %get3A_169 = arith.index_cast %scan3A_74 : i32 to index
      %get3A_170 = arith.constant 64 : index
      %get3A_171 = tpu.vector_load %arg8[%get3A_169, %get3A_170] {strides = array<i32>} : memref<157x128xi32, #tpu.memory_space<vmem>>, vector<1x16xi32>,
      %get3A_172 = vector.shape_cast %get3A_171 : vector<1x16xi32> to vector<16xi32>
      %sub3A_173 = arith.constant 5000 : i32
      %sub3A_174 = vector.broadcast %sub3A_173 : i32 to vector<16xi32>
      %sub3A_175 = arith.subi %get3A_172, %sub3A_174 : vector<16xi32>
      %lt3A_176 = arith.constant 5000 : i32
      %lt3A_177 = vector.broadcast %lt3A_176 : i32 to vector<16xi32>
      %lt3A_178 = arith.cmpi slt, %get3A_172, %lt3A_177 : vector<16xi32>
      %ge3A_179 = arith.constant 0 : i32
      %ge3A_180 = vector.broadcast %ge3A_179 : i32 to vector<16xi32>
      %ge3A_181 = arith.cmpi sge, %sub3A_175, %ge3A_180 : vector<16xi32>
      %lt3A_182 = arith.constant 5000 : i32
      %lt3A_183 = vector.broadcast %lt3A_182 : i32 to vector<16xi32>
      %lt3A_184 = arith.cmpi slt, %sub3A_175, %lt3A_183 : vector<16xi32>
      %and3A_185 = arith.andi %ge3A_181, %lt3A_184 : vector<16xi1>
      %select_n3A_186 = arith.select %eq3A_13, %lt3A_178, %and3A_185 : vector<16xi1>
      %select_n3A_187 = arith.select %eq3A_13, %get3A_172, %sub3A_175 : vector<16xi32>
      %select_n3A_188 = arith.select %select_n3A_186, %select_n3A_187, %add3A_17 : vector<16xi1>, vector<16xi32>
      %swap3A_189 = arith.index_cast %scan3A_74 : i32 to index
      %swap3A_190 = arith.constant 64 : index
      %swap3A_191 = tpu.vector_load %arg8[%swap3A_189, %swap3A_190] {strides = array<i32>} : memref<157x128xi32, #tpu.memory_space<vmem>>, vector<1x16xi32>,
      %swap3A_192 = vector.shape_cast %swap3A_191 : vector<1x16xi32> to vector<16xi32>
      %swap3A_193 = vector.shape_cast %select_n3A_188 : vector<16xi32> to vector<1x16xi32>
      tpu.vector_store %arg8[%swap3A_189, %swap3A_190], %swap3A_193 {strides = array<i32>} : memref<157x128xi32, #tpu.memory_space<vmem>>, vector<1x16xi32>,
      %get3A_194 = arith.index_cast %scan3A_74 : i32 to index
      %get3A_195 = arith.constant 80 : index
      %get3A_196 = tpu.vector_load %arg8[%get3A_194, %get3A_195] {strides = array<i32>} : memref<157x128xi32, #tpu.memory_space<vmem>>, vector<1x16xi32>,
      %get3A_197 = vector.shape_cast %get3A_196 : vector<1x16xi32> to vector<16xi32>
      %sub3A_198 = arith.constant 5000 : i32
      %sub3A_199 = vector.broadcast %sub3A_198 : i32 to vector<16xi32>
      %sub3A_200 = arith.subi %get3A_197, %sub3A_199 : vector<16xi32>
      %lt3A_201 = arith.constant 5000 : i32
      %lt3A_202 = vector.broadcast %lt3A_201 : i32 to vector<16xi32>
      %lt3A_203 = arith.cmpi slt, %get3A_197, %lt3A_202 : vector<16xi32>
      %ge3A_204 = arith.constant 0 : i32
      %ge3A_205 = vector.broadcast %ge3A_204 : i32 to vector<16xi32>
      %ge3A_206 = arith.cmpi sge, %sub3A_200, %ge3A_205 : vector<16xi32>
      %lt3A_207 = arith.constant 5000 : i32
      %lt3A_208 = vector.broadcast %lt3A_207 : i32 to vector<16xi32>
      %lt3A_209 = arith.cmpi slt, %sub3A_200, %lt3A_208 : vector<16xi32>
      %and3A_210 = arith.andi %ge3A_206, %lt3A_209 : vector<16xi1>
      %select_n3A_211 = arith.select %eq3A_13, %lt3A_203, %and3A_210 : vector<16xi1>
      %select_n3A_212 = arith.select %eq3A_13, %get3A_197, %sub3A_200 : vector<16xi32>
      %select_n3A_213 = arith.select %select_n3A_211, %select_n3A_212, %add3A_17 : vector<16xi1>, vector<16xi32>
      %swap3A_214 = arith.index_cast %scan3A_74 : i32 to index
      %swap3A_215 = arith.constant 80 : index
      %swap3A_216 = tpu.vector_load %arg8[%swap3A_214, %swap3A_215] {strides = array<i32>} : memref<157x128xi32, #tpu.memory_space<vmem>>, vector<1x16xi32>,
      %swap3A_217 = vector.shape_cast %swap3A_216 : vector<1x16xi32> to vector<16xi32>
      %swap3A_218 = vector.shape_cast %select_n3A_213 : vector<16xi32> to vector<1x16xi32>
      tpu.vector_store %arg8[%swap3A_214, %swap3A_215], %swap3A_218 {strides = array<i32>} : memref<157x128xi32, #tpu.memory_space<vmem>>, vector<1x16xi32>,
      %get3A_219 = arith.index_cast %scan3A_74 : i32 to index
      %get3A_220 = arith.constant 96 : index
      %get3A_221 = tpu.vector_load %arg8[%get3A_219, %get3A_220] {strides = array<i32>} : memref<157x128xi32, #tpu.memory_space<vmem>>, vector<1x16xi32>,
      %get3A_222 = vector.shape_cast %get3A_221 : vector<1x16xi32> to vector<16xi32>
      %sub3A_223 = arith.constant 5000 : i32
      %sub3A_224 = vector.broadcast %sub3A_223 : i32 to vector<16xi32>
      %sub3A_225 = arith.subi %get3A_222, %sub3A_224 : vector<16xi32>
      %lt3A_226 = arith.constant 5000 : i32
      %lt3A_227 = vector.broadcast %lt3A_226 : i32 to vector<16xi32>
      %lt3A_228 = arith.cmpi slt, %get3A_222, %lt3A_227 : vector<16xi32>
      %ge3A_229 = arith.constant 0 : i32
      %ge3A_230 = vector.broadcast %ge3A_229 : i32 to vector<16xi32>
      %ge3A_231 = arith.cmpi sge, %sub3A_225, %ge3A_230 : vector<16xi32>
      %lt3A_232 = arith.constant 5000 : i32
      %lt3A_233 = vector.broadcast %lt3A_232 : i32 to vector<16xi32>
      %lt3A_234 = arith.cmpi slt, %sub3A_225, %lt3A_233 : vector<16xi32>
      %and3A_235 = arith.andi %ge3A_231, %lt3A_234 : vector<16xi1>
      %select_n3A_236 = arith.select %eq3A_13, %lt3A_228, %and3A_235 : vector<16xi1>
      %select_n3A_237 = arith.select %eq3A_13, %get3A_222, %sub3A_225 : vector<16xi32>
      %select_n3A_238 = arith.select %select_n3A_236, %select_n3A_237, %add3A_17 : vector<16xi1>, vector<16xi32>
      %swap3A_239 = arith.index_cast %scan3A_74 : i32 to index
      %swap3A_240 = arith.constant 96 : index
      %swap3A_241 = tpu.vector_load %arg8[%swap3A_239, %swap3A_240] {strides = array<i32>} : memref<157x128xi32, #tpu.memory_space<vmem>>, vector<1x16xi32>,
      %swap3A_242 = vector.shape_cast %swap3A_241 : vector<1x16xi32> to vector<16xi32>
      %swap3A_243 = vector.shape_cast %select_n3A_238 : vector<16xi32> to vector<1x16xi32>
      tpu.vector_store %arg8[%swap3A_239, %swap3A_240], %swap3A_243 {strides = array<i32>} : memref<157x128xi32, #tpu.memory_space<vmem>>, vector<1x16xi32>,
      %get3A_244 = arith.index_cast %scan3A_74 : i32 to index
      %get3A_245 = arith.constant 112 : index
      %get3A_246 = tpu.vector_load %arg8[%get3A_244, %get3A_245] {strides = array<i32>} : memref<157x128xi32, #tpu.memory_space<vmem>>, vector<1x16xi32>,
      %get3A_247 = vector.shape_cast %get3A_246 : vector<1x16xi32> to vector<16xi32>
      %sub3A_248 = arith.constant 5000 : i32
      %sub3A_249 = vector.broadcast %sub3A_248 : i32 to vector<16xi32>
      %sub3A_250 = arith.subi %get3A_247, %sub3A_249 : vector<16xi32>
      %lt3A_251 = arith.constant 5000 : i32
      %lt3A_252 = vector.broadcast %lt3A_251 : i32 to vector<16xi32>
      %lt3A_253 = arith.cmpi slt, %get3A_247, %lt3A_252 : vector<16xi32>
      %ge3A_254 = arith.constant 0 : i32
      %ge3A_255 = vector.broadcast %ge3A_254 : i32 to vector<16xi32>
      %ge3A_256 = arith.cmpi sge, %sub3A_250, %ge3A_255 : vector<16xi32>
      %lt3A_257 = arith.constant 5000 : i32
      %lt3A_258 = vector.broadcast %lt3A_257 : i32 to vector<16xi32>
      %lt3A_259 = arith.cmpi slt, %sub3A_250, %lt3A_258 : vector<16xi32>
      %and3A_260 = arith.andi %ge3A_256, %lt3A_259 : vector<16xi1>
      %select_n3A_261 = arith.select %eq3A_13, %lt3A_253, %and3A_260 : vector<16xi1>
      %select_n3A_262 = arith.select %eq3A_13, %get3A_247, %sub3A_250 : vector<16xi32>
      %select_n3A_263 = arith.select %select_n3A_261, %select_n3A_262, %add3A_17 : vector<16xi1>, vector<16xi32>
      %swap3A_264 = arith.index_cast %scan3A_74 : i32 to index
      %swap3A_265 = arith.constant 112 : index
      %swap3A_266 = tpu.vector_load %arg8[%swap3A_264, %swap3A_265] {strides = array<i32>} : memref<157x128xi32, #tpu.memory_space<vmem>>, vector<1x16xi32>,
      %swap3A_267 = vector.shape_cast %swap3A_266 : vector<1x16xi32> to vector<16xi32>
      %swap3A_268 = vector.shape_cast %select_n3A_263 : vector<16xi32> to vector<1x16xi32>
      tpu.vector_store %arg8[%swap3A_264, %swap3A_265], %swap3A_268 {strides = array<i32>} : memref<157x128xi32, #tpu.memory_space<vmem>>, vector<1x16xi32>,
    }
    %scan3A_22 = arith.constant 157 : i32
    %mul3A = arith.constant 312 : i32
    %mul3A_23 = arith.muli %arg1, %mul3A : i32
    %scan3A_24 = arith.constant 0 : i32
    %scan3A_25 = arith.constant 0 : i32
    %scan3A_26 = arith.constant 39 : i32
    %scan3A_27 = arith.addi %scan3A_25, %scan3A_26 : i32
    %scan3A_28 = arith.constant 1 : i32
    scf.for %scan3A_74 = %scan3A_25 to %scan3A_27 step %scan3A_28  : i32 {
      %mul3A_75 = arith.constant 8 : i32
      %mul3A_76 = arith.muli %scan3A_74, %mul3A_75 : i32
      %add3A_77 = arith.addi %mul3A_23, %mul3A_76 : i32
      "tpu.region"() ({
        %run_scoped3A = tpu.sem_alloc : memref<!tpu.dma_semaphore, #tpu.memory_space<semaphore_mem>>
        %dma_start3A_78 = arith.constant 0 : i32
        %dma_start3A_79 = tpu.memref_slice %arg18[%add3A_77, %dma_start3A_78] : memref<5008x128xf32, #tpu.memory_space<vmem_shared>> -> memref<8x128xf32, #tpu.memory_space<vmem_shared>>
        tpu.enqueue_dma source(%arg5 : memref<8x128xf32, #tpu.memory_space<hbm>>) target(%dma_start3A_79 : memref<8x128xf32, #tpu.memory_space<vmem_shared>>) target_semaphore(%run_scoped3A : memref<!tpu.dma_semaphore, #tpu.memory_space<semaphore_mem>>)
        %dma_wait3A_80 = arith.constant 0 : i32
        %dma_wait3A_81 = tpu.memref_slice %arg18[%add3A_77, %dma_wait3A_80] : memref<5008x128xf32, #tpu.memory_space<vmem_shared>> -> memref<8x128xf32, #tpu.memory_space<vmem_shared>>
        tpu.wait_dma2 semaphore(%run_scoped3A : memref<!tpu.dma_semaphore, #tpu.memory_space<semaphore_mem>>) src(%arg5 : memref<8x128xf32, #tpu.memory_space<hbm>>) dst(%dma_wait3A_81 : memref<8x128xf32, #tpu.memory_space<vmem_shared>>)
        tpu.yield
      }) : () -> ()
    }
    %scan3A_29 = arith.constant 39 : i32
    %eq3A_30 = arith.constant 15 : i32
    %eq3A_31 = arith.cmpi eq, %arg1, %eq3A_30 : i32
    %convert_element_type3A = arith.extui %eq3A_31 : i1 to i32
    %cond3A = arith.constant 0 : i32
    %cond3A_32 = arith.cmpi ne, %convert_element_type3A, %cond3A : i32
    scf.if %cond3A_32 {
      %scan3A_74 = arith.constant 0 : i32
      %scan3A_75 = arith.constant 0 : i32
      %scan3A_76 = arith.constant 2 : i32
      %scan3A_77 = arith.addi %scan3A_75, %scan3A_76 : i32
      %scan3A_78 = arith.constant 1 : i32
      scf.for %scan3A_80 = %scan3A_75 to %scan3A_77 step %scan3A_78  : i32 {
        %mul3A_81 = arith.constant 8 : i32
        %mul3A_82 = arith.muli %scan3A_80, %mul3A_81 : i32
        %add3A_83 = arith.constant 4992 : i32
        %add3A_84 = arith.addi %add3A_83, %mul3A_82 : i32
        "tpu.region"() ({
          %run_scoped3A = tpu.sem_alloc : memref<!tpu.dma_semaphore, #tpu.memory_space<semaphore_mem>>
          %dma_start3A_85 = arith.constant 0 : i32
          %dma_start3A_86 = tpu.memref_slice %arg18[%add3A_84, %dma_start3A_85] : memref<5008x128xf32, #tpu.memory_space<vmem_shared>> -> memref<8x128xf32, #tpu.memory_space<vmem_shared>>
          tpu.enqueue_dma source(%arg5 : memref<8x128xf32, #tpu.memory_space<hbm>>) target(%dma_start3A_86 : memref<8x128xf32, #tpu.memory_space<vmem_shared>>) target_semaphore(%run_scoped3A : memref<!tpu.dma_semaphore, #tpu.memory_space<semaphore_mem>>)
          %dma_wait3A_87 = arith.constant 0 : i32
          %dma_wait3A_88 = tpu.memref_slice %arg18[%add3A_84, %dma_wait3A_87] : memref<5008x128xf32, #tpu.memory_space<vmem_shared>> -> memref<8x128xf32, #tpu.memory_space<vmem_shared>>
          tpu.wait_dma2 semaphore(%run_scoped3A : memref<!tpu.dma_semaphore, #tpu.memory_space<semaphore_mem>>) src(%arg5 : memref<8x128xf32, #tpu.memory_space<hbm>>) dst(%dma_wait3A_88 : memref<8x128xf32, #tpu.memory_space<vmem_shared>>)
          tpu.yield
        }) : () -> ()
      }
      %scan3A_79 = arith.constant 2 : i32
    } else {
    }
    %barrier3A = arith.constant 0 : index
    tpu.barrier barrier_id(%barrier3A)
    %scan3A_33 = arith.constant 0 : i32
    %scan3A_34 = arith.constant 0 : i32
    %scan3A_35 = arith.constant 52 : i32
    %scan3A_36 = arith.addi %scan3A_34, %scan3A_35 : i32
    %scan3A_37 = arith.constant 1 : i32
    scf.for %scan3A_74 = %scan3A_34 to %scan3A_36 step %scan3A_37  : i32 {
      %mul3A_75 = arith.constant 3 : i32
      %mul3A_76 = arith.muli %mul3A_75, %scan3A_74 : i32
      %add3A_77 = arith.constant 0 : i32
      %add3A_78 = arith.addi %mul3A_76, %add3A_77 : i32
      %dma_wait3A_79 = arith.constant 0 : i32
      %dma_wait3A_80 = tpu.memref_slice %arg7[%add3A_78, %dma_wait3A_79] : memref<157x128xi32, #tpu.memory_space<vmem>> -> memref<1x128xi32, #tpu.memory_space<vmem>>
      %dma_wait3A_81 = tpu.memref_squeeze %dma_wait3A_80 : memref<1x128xi32, #tpu.memory_space<vmem>> -> memref<128xi32, #tpu.memory_space<vmem>>
      %dma_wait3A_82 = arith.constant 0 : i32
      %dma_wait3A_83 = arith.constant 0 : i32
      %dma_wait3A_84 = tpu.memref_slice %arg2[%dma_wait3A_82, %dma_wait3A_83] : memref<10000x128xf32, #tpu.memory_space<hbm>> -> memref<10000x128xf32, #tpu.memory_space<hbm>>
      tpu.wait_indirect_dma semaphore(%arg12 : memref<!tpu.dma_semaphore, #tpu.memory_space<semaphore_mem>>) src(%dma_wait3A_84 : memref<10000x128xf32, #tpu.memory_space<hbm>>) dst(%arg9 : memref<128x128xf32, #tpu.memory_space<vmem>>)
      %dma_start3A_85 = arith.constant 0 : i32
      %dma_start3A_86 = tpu.memref_slice %arg8[%add3A_78, %dma_start3A_85] : memref<157x128xi32, #tpu.memory_space<vmem>> -> memref<1x128xi32, #tpu.memory_space<vmem>>
      %dma_start3A_87 = tpu.memref_squeeze %dma_start3A_86 : memref<1x128xi32, #tpu.memory_space<vmem>> -> memref<128xi32, #tpu.memory_space<vmem>>
      %dma_start3A_88 = arith.constant 0 : i32
      %dma_start3A_89 = arith.constant 0 : i32
      %dma_start3A_90 = tpu.memref_slice %arg18[%dma_start3A_88, %dma_start3A_89] : memref<5008x128xf32, #tpu.memory_space<vmem_shared>> -> memref<5008x128xf32, #tpu.memory_space<vmem_shared>>
      tpu.enqueue_indirect_dma source(%arg9 : memref<128x128xf32, #tpu.memory_space<vmem>>) target(%dma_start3A_90 : memref<5008x128xf32, #tpu.memory_space<vmem_shared>>) offsets(%dma_start3A_87 : memref<128xi32, #tpu.memory_space<vmem>>) semaphore(%arg15 : memref<!tpu.dma_semaphore, #tpu.memory_space<semaphore_mem>>) {add = true}
      %ge3A = arith.constant 1 : i32
      %ge3A_91 = arith.cmpi sge, %add3A_78, %ge3A : i32
      %convert_element_type3A_92 = arith.extui %ge3A_91 : i1 to i32
      %cond3A_93 = arith.constant 0 : i32
      %cond3A_94 = arith.cmpi ne, %convert_element_type3A_92, %cond3A_93 : i32
      scf.if %cond3A_94 {
        %sub3A = arith.constant 1 : i32
        %sub3A_157 = arith.subi %add3A_78, %sub3A : i32
        %dma_wait3A_158 = arith.constant 0 : i32
        %dma_wait3A_159 = tpu.memref_slice %arg8[%sub3A_157, %dma_wait3A_158] : memref<157x128xi32, #tpu.memory_space<vmem>> -> memref<1x128xi32, #tpu.memory_space<vmem>>
        %dma_wait3A_160 = tpu.memref_squeeze %dma_wait3A_159 : memref<1x128xi32, #tpu.memory_space<vmem>> -> memref<128xi32, #tpu.memory_space<vmem>>
        %dma_wait3A_161 = arith.constant 0 : i32
        %dma_wait3A_162 = arith.constant 0 : i32
        %dma_wait3A_163 = tpu.memref_slice %arg18[%dma_wait3A_161, %dma_wait3A_162] : memref<5008x128xf32, #tpu.memory_space<vmem_shared>> -> memref<5008x128xf32, #tpu.memory_space<vmem_shared>>
        tpu.wait_indirect_dma semaphore(%arg17 : memref<!tpu.dma_semaphore, #tpu.memory_space<semaphore_mem>>) src(%arg11 : memref<128x128xf32, #tpu.memory_space<vmem>>) dst(%dma_wait3A_163 : memref<5008x128xf32, #tpu.memory_space<vmem_shared>>)
      } else {
      }
      %add3A_95 = arith.constant 2 : i32
      %add3A_96 = arith.addi %add3A_78, %add3A_95 : i32
      %lt3A = arith.constant 157 : i32
      %lt3A_97 = arith.cmpi slt, %add3A_96, %lt3A : i32
      %convert_element_type3A_98 = arith.extui %lt3A_97 : i1 to i32
      %cond3A_99 = arith.constant 0 : i32
      %cond3A_100 = arith.cmpi ne, %convert_element_type3A_98, %cond3A_99 : i32
      scf.if %cond3A_100 {
        %add3A_157 = arith.constant 2 : i32
        %add3A_158 = arith.addi %add3A_78, %add3A_157 : i32
        %dma_start3A_159 = arith.constant 0 : i32
        %dma_start3A_160 = tpu.memref_slice %arg7[%add3A_158, %dma_start3A_159] : memref<157x128xi32, #tpu.memory_space<vmem>> -> memref<1x128xi32, #tpu.memory_space<vmem>>
        %dma_start3A_161 = tpu.memref_squeeze %dma_start3A_160 : memref<1x128xi32, #tpu.memory_space<vmem>> -> memref<128xi32, #tpu.memory_space<vmem>>
        %dma_start3A_162 = arith.constant 0 : i32
        %dma_start3A_163 = arith.constant 0 : i32
        %dma_start3A_164 = tpu.memref_slice %arg2[%dma_start3A_162, %dma_start3A_163] : memref<10000x128xf32, #tpu.memory_space<hbm>> -> memref<10000x128xf32, #tpu.memory_space<hbm>>
        tpu.enqueue_indirect_dma source(%dma_start3A_164 : memref<10000x128xf32, #tpu.memory_space<hbm>>) target(%arg11 : memref<128x128xf32, #tpu.memory_space<vmem>>) offsets(%dma_start3A_161 : memref<128xi32, #tpu.memory_space<vmem>>) semaphore(%arg14 : memref<!tpu.dma_semaphore, #tpu.memory_space<semaphore_mem>>)
      } else {
      }
      %mul3A_101 = arith.constant 3 : i32
      %mul3A_102 = arith.muli %mul3A_101, %scan3A_74 : i32
      %add3A_103 = arith.constant 1 : i32
      %add3A_104 = arith.addi %mul3A_102, %add3A_103 : i32
      %dma_wait3A_105 = arith.constant 0 : i32
      %dma_wait3A_106 = tpu.memref_slice %arg7[%add3A_104, %dma_wait3A_105] : memref<157x128xi32, #tpu.memory_space<vmem>> -> memref<1x128xi32, #tpu.memory_space<vmem>>
      %dma_wait3A_107 = tpu.memref_squeeze %dma_wait3A_106 : memref<1x128xi32, #tpu.memory_space<vmem>> -> memref<128xi32, #tpu.memory_space<vmem>>
      %dma_wait3A_108 = arith.constant 0 : i32
      %dma_wait3A_109 = arith.constant 0 : i32
      %dma_wait3A_110 = tpu.memref_slice %arg2[%dma_wait3A_108, %dma_wait3A_109] : memref<10000x128xf32, #tpu.memory_space<hbm>> -> memref<10000x128xf32, #tpu.memory_space<hbm>>
      tpu.wait_indirect_dma semaphore(%arg13 : memref<!tpu.dma_semaphore, #tpu.memory_space<semaphore_mem>>) src(%dma_wait3A_110 : memref<10000x128xf32, #tpu.memory_space<hbm>>) dst(%arg10 : memref<128x128xf32, #tpu.memory_space<vmem>>)
      %dma_start3A_111 = arith.constant 0 : i32
      %dma_start3A_112 = tpu.memref_slice %arg8[%add3A_104, %dma_start3A_111] : memref<157x128xi32, #tpu.memory_space<vmem>> -> memref<1x128xi32, #tpu.memory_space<vmem>>
      %dma_start3A_113 = tpu.memref_squeeze %dma_start3A_112 : memref<1x128xi32, #tpu.memory_space<vmem>> -> memref<128xi32, #tpu.memory_space<vmem>>
      %dma_start3A_114 = arith.constant 0 : i32
      %dma_start3A_115 = arith.constant 0 : i32
      %dma_start3A_116 = tpu.memref_slice %arg18[%dma_start3A_114, %dma_start3A_115] : memref<5008x128xf32, #tpu.memory_space<vmem_shared>> -> memref<5008x128xf32, #tpu.memory_space<vmem_shared>>
      tpu.enqueue_indirect_dma source(%arg10 : memref<128x128xf32, #tpu.memory_space<vmem>>) target(%dma_start3A_116 : memref<5008x128xf32, #tpu.memory_space<vmem_shared>>) offsets(%dma_start3A_113 : memref<128xi32, #tpu.memory_space<vmem>>) semaphore(%arg16 : memref<!tpu.dma_semaphore, #tpu.memory_space<semaphore_mem>>) {add = true}
      %ge3A_117 = arith.constant 1 : i32
      %ge3A_118 = arith.cmpi sge, %add3A_104, %ge3A_117 : i32
      %convert_element_type3A_119 = arith.extui %ge3A_118 : i1 to i32
      %cond3A_120 = arith.constant 0 : i32
      %cond3A_121 = arith.cmpi ne, %convert_element_type3A_119, %cond3A_120 : i32
      scf.if %cond3A_121 {
        %sub3A = arith.constant 1 : i32
        %sub3A_157 = arith.subi %add3A_104, %sub3A : i32
        %dma_wait3A_158 = arith.constant 0 : i32
        %dma_wait3A_159 = tpu.memref_slice %arg8[%sub3A_157, %dma_wait3A_158] : memref<157x128xi32, #tpu.memory_space<vmem>> -> memref<1x128xi32, #tpu.memory_space<vmem>>
        %dma_wait3A_160 = tpu.memref_squeeze %dma_wait3A_159 : memref<1x128xi32, #tpu.memory_space<vmem>> -> memref<128xi32, #tpu.memory_space<vmem>>
        %dma_wait3A_161 = arith.constant 0 : i32
        %dma_wait3A_162 = arith.constant 0 : i32
        %dma_wait3A_163 = tpu.memref_slice %arg18[%dma_wait3A_161, %dma_wait3A_162] : memref<5008x128xf32, #tpu.memory_space<vmem_shared>> -> memref<5008x128xf32, #tpu.memory_space<vmem_shared>>
        tpu.wait_indirect_dma semaphore(%arg15 : memref<!tpu.dma_semaphore, #tpu.memory_space<semaphore_mem>>) src(%arg9 : memref<128x128xf32, #tpu.memory_space<vmem>>) dst(%dma_wait3A_163 : memref<5008x128xf32, #tpu.memory_space<vmem_shared>>)
      } else {
      }
      %add3A_122 = arith.constant 2 : i32
      %add3A_123 = arith.addi %add3A_104, %add3A_122 : i32
      %lt3A_124 = arith.constant 157 : i32
      %lt3A_125 = arith.cmpi slt, %add3A_123, %lt3A_124 : i32
      %convert_element_type3A_126 = arith.extui %lt3A_125 : i1 to i32
      %cond3A_127 = arith.constant 0 : i32
      %cond3A_128 = arith.cmpi ne, %convert_element_type3A_126, %cond3A_127 : i32
      scf.if %cond3A_128 {
        %add3A_157 = arith.constant 2 : i32
        %add3A_158 = arith.addi %add3A_104, %add3A_157 : i32
        %dma_start3A_159 = arith.constant 0 : i32
        %dma_start3A_160 = tpu.memref_slice %arg7[%add3A_158, %dma_start3A_159] : memref<157x128xi32, #tpu.memory_space<vmem>> -> memref<1x128xi32, #tpu.memory_space<vmem>>
        %dma_start3A_161 = tpu.memref_squeeze %dma_start3A_160 : memref<1x128xi32, #tpu.memory_space<vmem>> -> memref<128xi32, #tpu.memory_space<vmem>>
        %dma_start3A_162 = arith.constant 0 : i32
        %dma_start3A_163 = arith.constant 0 : i32
        %dma_start3A_164 = tpu.memref_slice %arg2[%dma_start3A_162, %dma_start3A_163] : memref<10000x128xf32, #tpu.memory_space<hbm>> -> memref<10000x128xf32, #tpu.memory_space<hbm>>
        tpu.enqueue_indirect_dma source(%dma_start3A_164 : memref<10000x128xf32, #tpu.memory_space<hbm>>) target(%arg9 : memref<128x128xf32, #tpu.memory_space<vmem>>) offsets(%dma_start3A_161 : memref<128xi32, #tpu.memory_space<vmem>>) semaphore(%arg12 : memref<!tpu.dma_semaphore, #tpu.memory_space<semaphore_mem>>)
      } else {
      }
      %mul3A_129 = arith.constant 3 : i32
      %mul3A_130 = arith.muli %mul3A_129, %scan3A_74 : i32
      %add3A_131 = arith.constant 2 : i32
      %add3A_132 = arith.addi %mul3A_130, %add3A_131 : i32
      %dma_wait3A_133 = arith.constant 0 : i32
      %dma_wait3A_134 = tpu.memref_slice %arg7[%add3A_132, %dma_wait3A_133] : memref<157x128xi32, #tpu.memory_space<vmem>> -> memref<1x128xi32, #tpu.memory_space<vmem>>
      %dma_wait3A_135 = tpu.memref_squeeze %dma_wait3A_134 : memref<1x128xi32, #tpu.memory_space<vmem>> -> memref<128xi32, #tpu.memory_space<vmem>>
      %dma_wait3A_136 = arith.constant 0 : i32
      %dma_wait3A_137 = arith.constant 0 : i32
      %dma_wait3A_138 = tpu.memref_slice %arg2[%dma_wait3A_136, %dma_wait3A_137] : memref<10000x128xf32, #tpu.memory_space<hbm>> -> memref<10000x128xf32, #tpu.memory_space<hbm>>
      tpu.wait_indirect_dma semaphore(%arg14 : memref<!tpu.dma_semaphore, #tpu.memory_space<semaphore_mem>>) src(%dma_wait3A_138 : memref<10000x128xf32, #tpu.memory_space<hbm>>) dst(%arg11 : memref<128x128xf32, #tpu.memory_space<vmem>>)
      %dma_start3A_139 = arith.constant 0 : i32
      %dma_start3A_140 = tpu.memref_slice %arg8[%add3A_132, %dma_start3A_139] : memref<157x128xi32, #tpu.memory_space<vmem>> -> memref<1x128xi32, #tpu.memory_space<vmem>>
      %dma_start3A_141 = tpu.memref_squeeze %dma_start3A_140 : memref<1x128xi32, #tpu.memory_space<vmem>> -> memref<128xi32, #tpu.memory_space<vmem>>
      %dma_start3A_142 = arith.constant 0 : i32
      %dma_start3A_143 = arith.constant 0 : i32
      %dma_start3A_144 = tpu.memref_slice %arg18[%dma_start3A_142, %dma_start3A_143] : memref<5008x128xf32, #tpu.memory_space<vmem_shared>> -> memref<5008x128xf32, #tpu.memory_space<vmem_shared>>
      tpu.enqueue_indirect_dma source(%arg11 : memref<128x128xf32, #tpu.memory_space<vmem>>) target(%dma_start3A_144 : memref<5008x128xf32, #tpu.memory_space<vmem_shared>>) offsets(%dma_start3A_141 : memref<128xi32, #tpu.memory_space<vmem>>) semaphore(%arg17 : memref<!tpu.dma_semaphore, #tpu.memory_space<semaphore_mem>>) {add = true}
      %ge3A_145 = arith.constant 1 : i32
      %ge3A_146 = arith.cmpi sge, %add3A_132, %ge3A_145 : i32
      %convert_element_type3A_147 = arith.extui %ge3A_146 : i1 to i32
      %cond3A_148 = arith.constant 0 : i32
      %cond3A_149 = arith.cmpi ne, %convert_element_type3A_147, %cond3A_148 : i32
      scf.if %cond3A_149 {
        %sub3A = arith.constant 1 : i32
        %sub3A_157 = arith.subi %add3A_132, %sub3A : i32
        %dma_wait3A_158 = arith.constant 0 : i32
        %dma_wait3A_159 = tpu.memref_slice %arg8[%sub3A_157, %dma_wait3A_158] : memref<157x128xi32, #tpu.memory_space<vmem>> -> memref<1x128xi32, #tpu.memory_space<vmem>>
        %dma_wait3A_160 = tpu.memref_squeeze %dma_wait3A_159 : memref<1x128xi32, #tpu.memory_space<vmem>> -> memref<128xi32, #tpu.memory_space<vmem>>
        %dma_wait3A_161 = arith.constant 0 : i32
        %dma_wait3A_162 = arith.constant 0 : i32
        %dma_wait3A_163 = tpu.memref_slice %arg18[%dma_wait3A_161, %dma_wait3A_162] : memref<5008x128xf32, #tpu.memory_space<vmem_shared>> -> memref<5008x128xf32, #tpu.memory_space<vmem_shared>>
        tpu.wait_indirect_dma semaphore(%arg16 : memref<!tpu.dma_semaphore, #tpu.memory_space<semaphore_mem>>) src(%arg10 : memref<128x128xf32, #tpu.memory_space<vmem>>) dst(%dma_wait3A_163 : memref<5008x128xf32, #tpu.memory_space<vmem_shared>>)
      } else {
      }
      %add3A_150 = arith.constant 2 : i32
      %add3A_151 = arith.addi %add3A_132, %add3A_150 : i32
      %lt3A_152 = arith.constant 157 : i32
      %lt3A_153 = arith.cmpi slt, %add3A_151, %lt3A_152 : i32
      %convert_element_type3A_154 = arith.extui %lt3A_153 : i1 to i32
      %cond3A_155 = arith.constant 0 : i32
      %cond3A_156 = arith.cmpi ne, %convert_element_type3A_154, %cond3A_155 : i32
      scf.if %cond3A_156 {
        %add3A_157 = arith.constant 2 : i32
        %add3A_158 = arith.addi %add3A_132, %add3A_157 : i32
        %dma_start3A_159 = arith.constant 0 : i32
        %dma_start3A_160 = tpu.memref_slice %arg7[%add3A_158, %dma_start3A_159] : memref<157x128xi32, #tpu.memory_space<vmem>> -> memref<1x128xi32, #tpu.memory_space<vmem>>
        %dma_start3A_161 = tpu.memref_squeeze %dma_start3A_160 : memref<1x128xi32, #tpu.memory_space<vmem>> -> memref<128xi32, #tpu.memory_space<vmem>>
        %dma_start3A_162 = arith.constant 0 : i32
        %dma_start3A_163 = arith.constant 0 : i32
        %dma_start3A_164 = tpu.memref_slice %arg2[%dma_start3A_162, %dma_start3A_163] : memref<10000x128xf32, #tpu.memory_space<hbm>> -> memref<10000x128xf32, #tpu.memory_space<hbm>>
        tpu.enqueue_indirect_dma source(%dma_start3A_164 : memref<10000x128xf32, #tpu.memory_space<hbm>>) target(%arg10 : memref<128x128xf32, #tpu.memory_space<vmem>>) offsets(%dma_start3A_161 : memref<128xi32, #tpu.memory_space<vmem>>) semaphore(%arg13 : memref<!tpu.dma_semaphore, #tpu.memory_space<semaphore_mem>>)
      } else {
      }
    }
    %scan3A_38 = arith.constant 52 : i32
    %dma_wait3A = arith.constant 156 : i32
    %dma_wait3A_39 = arith.constant 0 : i32
    %dma_wait3A_40 = tpu.memref_slice %arg7[%dma_wait3A, %dma_wait3A_39] : memref<157x128xi32, #tpu.memory_space<vmem>> -> memref<1x128xi32, #tpu.memory_space<vmem>>
    %dma_wait3A_41 = tpu.memref_squeeze %dma_wait3A_40 : memref<1x128xi32, #tpu.memory_space<vmem>> -> memref<128xi32, #tpu.memory_space<vmem>>
    %dma_wait3A_42 = arith.constant 0 : i32
    %dma_wait3A_43 = arith.constant 0 : i32
    %dma_wait3A_44 = tpu.memref_slice %arg2[%dma_wait3A_42, %dma_wait3A_43] : memref<10000x128xf32, #tpu.memory_space<hbm>> -> memref<10000x128xf32, #tpu.memory_space<hbm>>
    tpu.wait_indirect_dma semaphore(%arg12 : memref<!tpu.dma_semaphore, #tpu.memory_space<semaphore_mem>>) src(%dma_wait3A_44 : memref<10000x128xf32, #tpu.memory_space<hbm>>) dst(%arg9 : memref<128x128xf32, #tpu.memory_space<vmem>>)
    %dma_start3A_45 = arith.constant 156 : i32
    %dma_start3A_46 = arith.constant 0 : i32
    %dma_start3A_47 = tpu.memref_slice %arg8[%dma_start3A_45, %dma_start3A_46] : memref<157x128xi32, #tpu.memory_space<vmem>> -> memref<1x128xi32, #tpu.memory_space<vmem>>
    %dma_start3A_48 = tpu.memref_squeeze %dma_start3A_47 : memref<1x128xi32, #tpu.memory_space<vmem>> -> memref<128xi32, #tpu.memory_space<vmem>>
    %dma_start3A_49 = arith.constant 0 : i32
    %dma_start3A_50 = arith.constant 0 : i32
    %dma_start3A_51 = tpu.memref_slice %arg18[%dma_start3A_49, %dma_start3A_50] : memref<5008x128xf32, #tpu.memory_space<vmem_shared>> -> memref<5008x128xf32, #tpu.memory_space<vmem_shared>>
    tpu.enqueue_indirect_dma source(%arg9 : memref<128x128xf32, #tpu.memory_space<vmem>>) target(%dma_start3A_51 : memref<5008x128xf32, #tpu.memory_space<vmem_shared>>) offsets(%dma_start3A_48 : memref<128xi32, #tpu.memory_space<vmem>>) semaphore(%arg15 : memref<!tpu.dma_semaphore, #tpu.memory_space<semaphore_mem>>) {add = true}
    %dma_wait3A_52 = arith.constant 155 : i32
    %dma_wait3A_53 = arith.constant 0 : i32
    %dma_wait3A_54 = tpu.memref_slice %arg8[%dma_wait3A_52, %dma_wait3A_53] : memref<157x128xi32, #tpu.memory_space<vmem>> -> memref<1x128xi32, #tpu.memory_space<vmem>>
    %dma_wait3A_55 = tpu.memref_squeeze %dma_wait3A_54 : memref<1x128xi32, #tpu.memory_space<vmem>> -> memref<128xi32, #tpu.memory_space<vmem>>
    %dma_wait3A_56 = arith.constant 0 : i32
    %dma_wait3A_57 = arith.constant 0 : i32
    %dma_wait3A_58 = tpu.memref_slice %arg18[%dma_wait3A_56, %dma_wait3A_57] : memref<5008x128xf32, #tpu.memory_space<vmem_shared>> -> memref<5008x128xf32, #tpu.memory_space<vmem_shared>>
    tpu.wait_indirect_dma semaphore(%arg17 : memref<!tpu.dma_semaphore, #tpu.memory_space<semaphore_mem>>) src(%arg11 : memref<128x128xf32, #tpu.memory_space<vmem>>) dst(%dma_wait3A_58 : memref<5008x128xf32, #tpu.memory_space<vmem_shared>>)
    %dma_wait3A_59 = arith.constant 156 : i32
    %dma_wait3A_60 = arith.constant 0 : i32
    %dma_wait3A_61 = tpu.memref_slice %arg8[%dma_wait3A_59, %dma_wait3A_60] : memref<157x128xi32, #tpu.memory_space<vmem>> -> memref<1x128xi32, #tpu.memory_space<vmem>>
    %dma_wait3A_62 = tpu.memref_squeeze %dma_wait3A_61 : memref<1x128xi32, #tpu.memory_space<vmem>> -> memref<128xi32, #tpu.memory_space<vmem>>
    %dma_wait3A_63 = arith.constant 0 : i32
    %dma_wait3A_64 = arith.constant 0 : i32
    %dma_wait3A_65 = tpu.memref_slice %arg18[%dma_wait3A_63, %dma_wait3A_64] : memref<5008x128xf32, #tpu.memory_space<vmem_shared>> -> memref<5008x128xf32, #tpu.memory_space<vmem_shared>>
    tpu.wait_indirect_dma semaphore(%arg15 : memref<!tpu.dma_semaphore, #tpu.memory_space<semaphore_mem>>) src(%arg9 : memref<128x128xf32, #tpu.memory_space<vmem>>) dst(%dma_wait3A_65 : memref<5008x128xf32, #tpu.memory_space<vmem_shared>>)
    %barrier3A_66 = arith.constant 0 : index
    tpu.barrier barrier_id(%barrier3A_66)
    %mul3A_67 = arith.constant 312 : i32
    %mul3A_68 = arith.muli %arg1, %mul3A_67 : i32
    "tpu.region"() ({
      %run_scoped3A = tpu.sem_alloc : memref<!tpu.dma_semaphore, #tpu.memory_space<semaphore_mem>>
      %dma_start3A_74 = arith.constant 0 : i32
      %dma_start3A_75 = tpu.memref_slice %arg6[%arg0, %mul3A_68, %dma_start3A_74] : memref<2x5000x128xf32, #tpu.memory_space<hbm>> -> memref<1x312x128xf32, #tpu.memory_space<hbm>>
      %dma_start3A_76 = tpu.memref_squeeze %dma_start3A_75 : memref<1x312x128xf32, #tpu.memory_space<hbm>> -> memref<312x128xf32, #tpu.memory_space<hbm>>
      %dma_start3A_77 = arith.constant 0 : i32
      %dma_start3A_78 = tpu.memref_slice %arg18[%mul3A_68, %dma_start3A_77] : memref<5008x128xf32, #tpu.memory_space<vmem_shared>> -> memref<312x128xf32, #tpu.memory_space<vmem_shared>>
      tpu.enqueue_dma source(%dma_start3A_78 : memref<312x128xf32, #tpu.memory_space<vmem_shared>>) target(%dma_start3A_76 : memref<312x128xf32, #tpu.memory_space<hbm>>) target_semaphore(%run_scoped3A : memref<!tpu.dma_semaphore, #tpu.memory_space<semaphore_mem>>)
      %dma_wait3A_79 = arith.constant 0 : i32
      %dma_wait3A_80 = tpu.memref_slice %arg6[%arg0, %mul3A_68, %dma_wait3A_79] : memref<2x5000x128xf32, #tpu.memory_space<hbm>> -> memref<1x312x128xf32, #tpu.memory_space<hbm>>
      %dma_wait3A_81 = tpu.memref_squeeze %dma_wait3A_80 : memref<1x312x128xf32, #tpu.memory_space<hbm>> -> memref<312x128xf32, #tpu.memory_space<hbm>>
      %dma_wait3A_82 = arith.constant 0 : i32
      %dma_wait3A_83 = tpu.memref_slice %arg18[%mul3A_68, %dma_wait3A_82] : memref<5008x128xf32, #tpu.memory_space<vmem_shared>> -> memref<312x128xf32, #tpu.memory_space<vmem_shared>>
      tpu.wait_dma2 semaphore(%run_scoped3A : memref<!tpu.dma_semaphore, #tpu.memory_space<semaphore_mem>>) src(%dma_wait3A_83 : memref<312x128xf32, #tpu.memory_space<vmem_shared>>) dst(%dma_wait3A_81 : memref<312x128xf32, #tpu.memory_space<hbm>>)
      tpu.yield
    }) : () -> ()
    %eq3A_69 = arith.constant 15 : i32
    %eq3A_70 = arith.cmpi eq, %arg1, %eq3A_69 : i32
    %convert_element_type3A_71 = arith.extui %eq3A_70 : i1 to i32
    %cond3A_72 = arith.constant 0 : i32
    %cond3A_73 = arith.cmpi ne, %convert_element_type3A_71, %cond3A_72 : i32
    scf.if %cond3A_73 {
      "tpu.region"() ({
        %run_scoped3A = tpu.sem_alloc : memref<!tpu.dma_semaphore, #tpu.memory_space<semaphore_mem>>
        %dma_start3A_74 = arith.constant 4992 : i32
        %dma_start3A_75 = arith.constant 0 : i32
        %dma_start3A_76 = tpu.memref_slice %arg6[%arg0, %dma_start3A_74, %dma_start3A_75] : memref<2x5000x128xf32, #tpu.memory_space<hbm>> -> memref<1x8x128xf32, #tpu.memory_space<hbm>>
        %dma_start3A_77 = tpu.memref_squeeze %dma_start3A_76 : memref<1x8x128xf32, #tpu.memory_space<hbm>> -> memref<8x128xf32, #tpu.memory_space<hbm>>
        %dma_start3A_78 = arith.constant 4992 : i32
        %dma_start3A_79 = arith.constant 0 : i32
        %dma_start3A_80 = tpu.memref_slice %arg18[%dma_start3A_78, %dma_start3A_79] : memref<5008x128xf32, #tpu.memory_space<vmem_shared>> -> memref<8x128xf32, #tpu.memory_space<vmem_shared>>
        tpu.enqueue_dma source(%dma_start3A_80 : memref<8x128xf32, #tpu.memory_space<vmem_shared>>) target(%dma_start3A_77 : memref<8x128xf32, #tpu.memory_space<hbm>>) target_semaphore(%run_scoped3A : memref<!tpu.dma_semaphore, #tpu.memory_space<semaphore_mem>>)
        %dma_wait3A_81 = arith.constant 4992 : i32
        %dma_wait3A_82 = arith.constant 0 : i32
        %dma_wait3A_83 = tpu.memref_slice %arg6[%arg0, %dma_wait3A_81, %dma_wait3A_82] : memref<2x5000x128xf32, #tpu.memory_space<hbm>> -> memref<1x8x128xf32, #tpu.memory_space<hbm>>
        %dma_wait3A_84 = tpu.memref_squeeze %dma_wait3A_83 : memref<1x8x128xf32, #tpu.memory_space<hbm>> -> memref<8x128xf32, #tpu.memory_space<hbm>>
        %dma_wait3A_85 = arith.constant 4992 : i32
        %dma_wait3A_86 = arith.constant 0 : i32
        %dma_wait3A_87 = tpu.memref_slice %arg18[%dma_wait3A_85, %dma_wait3A_86] : memref<5008x128xf32, #tpu.memory_space<vmem_shared>> -> memref<8x128xf32, #tpu.memory_space<vmem_shared>>
        tpu.wait_dma2 semaphore(%run_scoped3A : memref<!tpu.dma_semaphore, #tpu.memory_space<semaphore_mem>>) src(%dma_wait3A_87 : memref<8x128xf32, #tpu.memory_space<vmem_shared>>) dst(%dma_wait3A_84 : memref<8x128xf32, #tpu.memory_space<hbm>>)
        tpu.yield
      }) : () -> ()
    } else {
    }
    return
  }
}

#map = affine_map<(d0, d1) -> (0, 0)>
#map1 = affine_map<(d0, d1) -> (0, 0, 0)>
module attributes {stable_mosaic.version = 14 : i64} {
  func.func @_sc_msg_body(%arg0: i32, %arg1: i32, %arg2: memref<10000x128xf32, #tpu.memory_space<hbm>>, %arg3: memref<16x157x128xi32, #tpu.memory_space<hbm>>, %arg4: memref<16x157x128xi32, #tpu.memory_space<hbm>>, %arg5: memref<8x128xf32, #tpu.memory_space<hbm>>, %arg6: memref<2x5000x128xf32, #tpu.memory_space<hbm>>, %arg7: memref<157x128xi32, #tpu.memory_space<vmem>>, %arg8: memref<157x128xi32, #tpu.memory_space<vmem>>, %arg9: memref<128x128xf32, #tpu.memory_space<vmem>>, %arg10: memref<128x128xf32, #tpu.memory_space<vmem>>, %arg11: memref<128x128xf32, #tpu.memory_space<vmem>>, %arg12: memref<!tpu.dma_semaphore, #tpu.memory_space<semaphore_mem>>, %arg13: memref<!tpu.dma_semaphore, #tpu.memory_space<semaphore_mem>>, %arg14: memref<!tpu.dma_semaphore, #tpu.memory_space<semaphore_mem>>, %arg15: memref<!tpu.dma_semaphore, #tpu.memory_space<semaphore_mem>>, %arg16: memref<!tpu.dma_semaphore, #tpu.memory_space<semaphore_mem>>, %arg17: memref<!tpu.dma_semaphore, #tpu.memory_space<semaphore_mem>>, %arg18: memref<5008x128xf32, #tpu.memory_space<vmem_shared>>) attributes {dimension_semantics = [#tpu.dimension_semantics<core_parallel>, #tpu.dimension_semantics<subcore_parallel>], iteration_bounds = array<i64: 2, 16>, scalar_prefetch = 0 : i64, scratch_operands = 12 : i64, tpu.core_type = #tpu.core_type<sc_vector_subcore>, window_params = [{transform_indices = #map}, {transform_indices = #map1}, {transform_indices = #map1}, {transform_indices = #map}, {transform_indices = #map1}]} {
    "tpu.region"() ({
      %run_scoped3A = tpu.sem_alloc : memref<!tpu.dma_semaphore, #tpu.memory_space<semaphore_mem>>
      %dma_start3A_74 = arith.constant 0 : i32
      %dma_start3A_75 = arith.constant 0 : i32
      %dma_start3A_76 = tpu.memref_slice %arg3[%arg1, %dma_start3A_74, %dma_start3A_75] : memref<16x157x128xi32, #tpu.memory_space<hbm>> -> memref<1x157x128xi32, #tpu.memory_space<hbm>>
      %dma_start3A_77 = tpu.memref_squeeze %dma_start3A_76 : memref<1x157x128xi32, #tpu.memory_space<hbm>> -> memref<157x128xi32, #tpu.memory_space<hbm>>
      %dma_start3A_78 = arith.constant 0 : i32
      %dma_start3A_79 = arith.constant 0 : i32
      %dma_start3A_80 = tpu.memref_slice %arg3[%arg1, %dma_start3A_78, %dma_start3A_79] : memref<16x157x128xi32, #tpu.memory_space<hbm>> -> memref<1x157x128xi32, #tpu.memory_space<hbm>>
      %dma_start3A_81 = tpu.memref_squeeze %dma_start3A_80 : memref<1x157x128xi32, #tpu.memory_space<hbm>> -> memref<157x128xi32, #tpu.memory_space<hbm>>
      tpu.enqueue_dma source(%dma_start3A_81 : memref<157x128xi32, #tpu.memory_space<hbm>>) target(%arg7 : memref<157x128xi32, #tpu.memory_space<vmem>>) target_semaphore(%run_scoped3A : memref<!tpu.dma_semaphore, #tpu.memory_space<semaphore_mem>>)
      %dma_wait3A_82 = arith.constant 0 : i32
      %dma_wait3A_83 = arith.constant 0 : i32
      %dma_wait3A_84 = tpu.memref_slice %arg3[%arg1, %dma_wait3A_82, %dma_wait3A_83] : memref<16x157x128xi32, #tpu.memory_space<hbm>> -> memref<1x157x128xi32, #tpu.memory_space<hbm>>
      %dma_wait3A_85 = tpu.memref_squeeze %dma_wait3A_84 : memref<1x157x128xi32, #tpu.memory_space<hbm>> -> memref<157x128xi32, #tpu.memory_space<hbm>>
      %dma_wait3A_86 = arith.constant 0 : i32
      %dma_wait3A_87 = arith.constant 0 : i32
      %dma_wait3A_88 = tpu.memref_slice %arg3[%arg1, %dma_wait3A_86, %dma_wait3A_87] : memref<16x157x128xi32, #tpu.memory_space<hbm>> -> memref<1x157x128xi32, #tpu.memory_space<hbm>>
      %dma_wait3A_89 = tpu.memref_squeeze %dma_wait3A_88 : memref<1x157x128xi32, #tpu.memory_space<hbm>> -> memref<157x128xi32, #tpu.memory_space<hbm>>
      tpu.wait_dma2 semaphore(%run_scoped3A : memref<!tpu.dma_semaphore, #tpu.memory_space<semaphore_mem>>) src(%dma_wait3A_89 : memref<157x128xi32, #tpu.memory_space<hbm>>) dst(%arg7 : memref<157x128xi32, #tpu.memory_space<vmem>>)
      tpu.yield
    }) : () -> ()
    %dma_start3A = arith.constant 0 : i32
    %dma_start3A_0 = arith.constant 0 : i32
    %dma_start3A_1 = tpu.memref_slice %arg7[%dma_start3A, %dma_start3A_0] : memref<157x128xi32, #tpu.memory_space<vmem>> -> memref<1x128xi32, #tpu.memory_space<vmem>>
    %dma_start3A_2 = tpu.memref_squeeze %dma_start3A_1 : memref<1x128xi32, #tpu.memory_space<vmem>> -> memref<128xi32, #tpu.memory_space<vmem>>
    %dma_start3A_3 = arith.constant 0 : i32
    %dma_start3A_4 = arith.constant 0 : i32
    %dma_start3A_5 = tpu.memref_slice %arg2[%dma_start3A_3, %dma_start3A_4] : memref<10000x128xf32, #tpu.memory_space<hbm>> -> memref<10000x128xf32, #tpu.memory_space<hbm>>
    tpu.enqueue_indirect_dma source(%dma_start3A_5 : memref<10000x128xf32, #tpu.memory_space<hbm>>) target(%arg9 : memref<128x128xf32, #tpu.memory_space<vmem>>) offsets(%dma_start3A_2 : memref<128xi32, #tpu.memory_space<vmem>>) semaphore(%arg12 : memref<!tpu.dma_semaphore, #tpu.memory_space<semaphore_mem>>)
    %dma_start3A_6 = arith.constant 1 : i32
    %dma_start3A_7 = arith.constant 0 : i32
    %dma_start3A_8 = tpu.memref_slice %arg7[%dma_start3A_6, %dma_start3A_7] : memref<157x128xi32, #tpu.memory_space<vmem>> -> memref<1x128xi32, #tpu.memory_space<vmem>>
    %dma_start3A_9 = tpu.memref_squeeze %dma_start3A_8 : memref<1x128xi32, #tpu.memory_space<vmem>> -> memref<128xi32, #tpu.memory_space<vmem>>
    %dma_start3A_10 = arith.constant 0 : i32
    %dma_start3A_11 = arith.constant 0 : i32
    %dma_start3A_12 = tpu.memref_slice %arg2[%dma_start3A_10, %dma_start3A_11] : memref<10000x128xf32, #tpu.memory_space<hbm>> -> memref<10000x128xf32, #tpu.memory_space<hbm>>
    tpu.enqueue_indirect_dma source(%dma_start3A_12 : memref<10000x128xf32, #tpu.memory_space<hbm>>) target(%arg10 : memref<128x128xf32, #tpu.memory_space<vmem>>) offsets(%dma_start3A_9 : memref<128xi32, #tpu.memory_space<vmem>>) semaphore(%arg13 : memref<!tpu.dma_semaphore, #tpu.memory_space<semaphore_mem>>)
    "tpu.region"() ({
      %run_scoped3A = tpu.sem_alloc : memref<!tpu.dma_semaphore, #tpu.memory_space<semaphore_mem>>
      %dma_start3A_74 = arith.constant 0 : i32
      %dma_start3A_75 = arith.constant 0 : i32
      %dma_start3A_76 = tpu.memref_slice %arg4[%arg1, %dma_start3A_74, %dma_start3A_75] : memref<16x157x128xi32, #tpu.memory_space<hbm>> -> memref<1x157x128xi32, #tpu.memory_space<hbm>>
      %dma_start3A_77 = tpu.memref_squeeze %dma_start3A_76 : memref<1x157x128xi32, #tpu.memory_space<hbm>> -> memref<157x128xi32, #tpu.memory_space<hbm>>
      %dma_start3A_78 = arith.constant 0 : i32
      %dma_start3A_79 = arith.constant 0 : i32
      %dma_start3A_80 = tpu.memref_slice %arg4[%arg1, %dma_start3A_78, %dma_start3A_79] : memref<16x157x128xi32, #tpu.memory_space<hbm>> -> memref<1x157x128xi32, #tpu.memory_space<hbm>>
      %dma_start3A_81 = tpu.memref_squeeze %dma_start3A_80 : memref<1x157x128xi32, #tpu.memory_space<hbm>> -> memref<157x128xi32, #tpu.memory_space<hbm>>
      tpu.enqueue_dma source(%dma_start3A_81 : memref<157x128xi32, #tpu.memory_space<hbm>>) target(%arg8 : memref<157x128xi32, #tpu.memory_space<vmem>>) target_semaphore(%run_scoped3A : memref<!tpu.dma_semaphore, #tpu.memory_space<semaphore_mem>>)
      %dma_wait3A_82 = arith.constant 0 : i32
      %dma_wait3A_83 = arith.constant 0 : i32
      %dma_wait3A_84 = tpu.memref_slice %arg4[%arg1, %dma_wait3A_82, %dma_wait3A_83] : memref<16x157x128xi32, #tpu.memory_space<hbm>> -> memref<1x157x128xi32, #tpu.memory_space<hbm>>
      %dma_wait3A_85 = tpu.memref_squeeze %dma_wait3A_84 : memref<1x157x128xi32, #tpu.memory_space<hbm>> -> memref<157x128xi32, #tpu.memory_space<hbm>>
      %dma_wait3A_86 = arith.constant 0 : i32
      %dma_wait3A_87 = arith.constant 0 : i32
      %dma_wait3A_88 = tpu.memref_slice %arg4[%arg1, %dma_wait3A_86, %dma_wait3A_87] : memref<16x157x128xi32, #tpu.memory_space<hbm>> -> memref<1x157x128xi32, #tpu.memory_space<hbm>>
      %dma_wait3A_89 = tpu.memref_squeeze %dma_wait3A_88 : memref<1x157x128xi32, #tpu.memory_space<hbm>> -> memref<157x128xi32, #tpu.memory_space<hbm>>
      tpu.wait_dma2 semaphore(%run_scoped3A : memref<!tpu.dma_semaphore, #tpu.memory_space<semaphore_mem>>) src(%dma_wait3A_89 : memref<157x128xi32, #tpu.memory_space<hbm>>) dst(%arg8 : memref<157x128xi32, #tpu.memory_space<vmem>>)
      tpu.yield
    }) : () -> ()
    %eq3A = arith.constant 0 : i32
    %eq3A_13 = arith.cmpi eq, %arg0, %eq3A : i32
    %iota3A = tpu.iota {dimensions = array<i32: 0>} : vector<16xi32>
    %and3A = arith.constant 7 : i32
    %and3A_14 = vector.broadcast %and3A : i32 to vector<16xi32>
    %and3A_15 = arith.andi %iota3A, %and3A_14 : vector<16xi32>
    %add3A = arith.constant 5000 : i32
    %add3A_16 = vector.broadcast %add3A : i32 to vector<16xi32>
    %add3A_17 = arith.addi %add3A_16, %and3A_15 : vector<16xi32>
    %scan3A = arith.constant 0 : i32
    %scan3A_18 = arith.constant 0 : i32
    %scan3A_19 = arith.constant 157 : i32
    %scan3A_20 = arith.addi %scan3A_18, %scan3A_19 : i32
    %scan3A_21 = arith.constant 1 : i32
    scf.for %scan3A_74 = %scan3A_18 to %scan3A_20 step %scan3A_21  : i32 {
      %get3A = arith.index_cast %scan3A_74 : i32 to index
      %get3A_75 = arith.constant 0 : index
      %get3A_76 = tpu.vector_load %arg8[%get3A, %get3A_75] {strides = array<i32>} : memref<157x128xi32, #tpu.memory_space<vmem>>, vector<1x16xi32>,
      %get3A_77 = vector.shape_cast %get3A_76 : vector<1x16xi32> to vector<16xi32>
      %sub3A = arith.constant 5000 : i32
      %sub3A_78 = vector.broadcast %sub3A : i32 to vector<16xi32>
      %sub3A_79 = arith.subi %get3A_77, %sub3A_78 : vector<16xi32>
      %lt3A = arith.constant 5000 : i32
      %lt3A_80 = vector.broadcast %lt3A : i32 to vector<16xi32>
      %lt3A_81 = arith.cmpi slt, %get3A_77, %lt3A_80 : vector<16xi32>
      %ge3A = arith.constant 0 : i32
      %ge3A_82 = vector.broadcast %ge3A : i32 to vector<16xi32>
      %ge3A_83 = arith.cmpi sge, %sub3A_79, %ge3A_82 : vector<16xi32>
      %lt3A_84 = arith.constant 5000 : i32
      %lt3A_85 = vector.broadcast %lt3A_84 : i32 to vector<16xi32>
      %lt3A_86 = arith.cmpi slt, %sub3A_79, %lt3A_85 : vector<16xi32>
      %and3A_87 = arith.andi %ge3A_83, %lt3A_86 : vector<16xi1>
      %select_n3A = arith.select %eq3A_13, %lt3A_81, %and3A_87 : vector<16xi1>
      %select_n3A_88 = arith.select %eq3A_13, %get3A_77, %sub3A_79 : vector<16xi32>
      %select_n3A_89 = arith.select %select_n3A, %select_n3A_88, %add3A_17 : vector<16xi1>, vector<16xi32>
      %swap3A = arith.index_cast %scan3A_74 : i32 to index
      %swap3A_90 = arith.constant 0 : index
      %swap3A_91 = tpu.vector_load %arg8[%swap3A, %swap3A_90] {strides = array<i32>} : memref<157x128xi32, #tpu.memory_space<vmem>>, vector<1x16xi32>,
      %swap3A_92 = vector.shape_cast %swap3A_91 : vector<1x16xi32> to vector<16xi32>
      %swap3A_93 = vector.shape_cast %select_n3A_89 : vector<16xi32> to vector<1x16xi32>
      tpu.vector_store %arg8[%swap3A, %swap3A_90], %swap3A_93 {strides = array<i32>} : memref<157x128xi32, #tpu.memory_space<vmem>>, vector<1x16xi32>,
      %get3A_94 = arith.index_cast %scan3A_74 : i32 to index
      %get3A_95 = arith.constant 16 : index
      %get3A_96 = tpu.vector_load %arg8[%get3A_94, %get3A_95] {strides = array<i32>} : memref<157x128xi32, #tpu.memory_space<vmem>>, vector<1x16xi32>,
      %get3A_97 = vector.shape_cast %get3A_96 : vector<1x16xi32> to vector<16xi32>
      %sub3A_98 = arith.constant 5000 : i32
      %sub3A_99 = vector.broadcast %sub3A_98 : i32 to vector<16xi32>
      %sub3A_100 = arith.subi %get3A_97, %sub3A_99 : vector<16xi32>
      %lt3A_101 = arith.constant 5000 : i32
      %lt3A_102 = vector.broadcast %lt3A_101 : i32 to vector<16xi32>
      %lt3A_103 = arith.cmpi slt, %get3A_97, %lt3A_102 : vector<16xi32>
      %ge3A_104 = arith.constant 0 : i32
      %ge3A_105 = vector.broadcast %ge3A_104 : i32 to vector<16xi32>
      %ge3A_106 = arith.cmpi sge, %sub3A_100, %ge3A_105 : vector<16xi32>
      %lt3A_107 = arith.constant 5000 : i32
      %lt3A_108 = vector.broadcast %lt3A_107 : i32 to vector<16xi32>
      %lt3A_109 = arith.cmpi slt, %sub3A_100, %lt3A_108 : vector<16xi32>
      %and3A_110 = arith.andi %ge3A_106, %lt3A_109 : vector<16xi1>
      %select_n3A_111 = arith.select %eq3A_13, %lt3A_103, %and3A_110 : vector<16xi1>
      %select_n3A_112 = arith.select %eq3A_13, %get3A_97, %sub3A_100 : vector<16xi32>
      %select_n3A_113 = arith.select %select_n3A_111, %select_n3A_112, %add3A_17 : vector<16xi1>, vector<16xi32>
      %swap3A_114 = arith.index_cast %scan3A_74 : i32 to index
      %swap3A_115 = arith.constant 16 : index
      %swap3A_116 = tpu.vector_load %arg8[%swap3A_114, %swap3A_115] {strides = array<i32>} : memref<157x128xi32, #tpu.memory_space<vmem>>, vector<1x16xi32>,
      %swap3A_117 = vector.shape_cast %swap3A_116 : vector<1x16xi32> to vector<16xi32>
      %swap3A_118 = vector.shape_cast %select_n3A_113 : vector<16xi32> to vector<1x16xi32>
      tpu.vector_store %arg8[%swap3A_114, %swap3A_115], %swap3A_118 {strides = array<i32>} : memref<157x128xi32, #tpu.memory_space<vmem>>, vector<1x16xi32>,
      %get3A_119 = arith.index_cast %scan3A_74 : i32 to index
      %get3A_120 = arith.constant 32 : index
      %get3A_121 = tpu.vector_load %arg8[%get3A_119, %get3A_120] {strides = array<i32>} : memref<157x128xi32, #tpu.memory_space<vmem>>, vector<1x16xi32>,
      %get3A_122 = vector.shape_cast %get3A_121 : vector<1x16xi32> to vector<16xi32>
      %sub3A_123 = arith.constant 5000 : i32
      %sub3A_124 = vector.broadcast %sub3A_123 : i32 to vector<16xi32>
      %sub3A_125 = arith.subi %get3A_122, %sub3A_124 : vector<16xi32>
      %lt3A_126 = arith.constant 5000 : i32
      %lt3A_127 = vector.broadcast %lt3A_126 : i32 to vector<16xi32>
      %lt3A_128 = arith.cmpi slt, %get3A_122, %lt3A_127 : vector<16xi32>
      %ge3A_129 = arith.constant 0 : i32
      %ge3A_130 = vector.broadcast %ge3A_129 : i32 to vector<16xi32>
      %ge3A_131 = arith.cmpi sge, %sub3A_125, %ge3A_130 : vector<16xi32>
      %lt3A_132 = arith.constant 5000 : i32
      %lt3A_133 = vector.broadcast %lt3A_132 : i32 to vector<16xi32>
      %lt3A_134 = arith.cmpi slt, %sub3A_125, %lt3A_133 : vector<16xi32>
      %and3A_135 = arith.andi %ge3A_131, %lt3A_134 : vector<16xi1>
      %select_n3A_136 = arith.select %eq3A_13, %lt3A_128, %and3A_135 : vector<16xi1>
      %select_n3A_137 = arith.select %eq3A_13, %get3A_122, %sub3A_125 : vector<16xi32>
      %select_n3A_138 = arith.select %select_n3A_136, %select_n3A_137, %add3A_17 : vector<16xi1>, vector<16xi32>
      %swap3A_139 = arith.index_cast %scan3A_74 : i32 to index
      %swap3A_140 = arith.constant 32 : index
      %swap3A_141 = tpu.vector_load %arg8[%swap3A_139, %swap3A_140] {strides = array<i32>} : memref<157x128xi32, #tpu.memory_space<vmem>>, vector<1x16xi32>,
      %swap3A_142 = vector.shape_cast %swap3A_141 : vector<1x16xi32> to vector<16xi32>
      %swap3A_143 = vector.shape_cast %select_n3A_138 : vector<16xi32> to vector<1x16xi32>
      tpu.vector_store %arg8[%swap3A_139, %swap3A_140], %swap3A_143 {strides = array<i32>} : memref<157x128xi32, #tpu.memory_space<vmem>>, vector<1x16xi32>,
      %get3A_144 = arith.index_cast %scan3A_74 : i32 to index
      %get3A_145 = arith.constant 48 : index
      %get3A_146 = tpu.vector_load %arg8[%get3A_144, %get3A_145] {strides = array<i32>} : memref<157x128xi32, #tpu.memory_space<vmem>>, vector<1x16xi32>,
      %get3A_147 = vector.shape_cast %get3A_146 : vector<1x16xi32> to vector<16xi32>
      %sub3A_148 = arith.constant 5000 : i32
      %sub3A_149 = vector.broadcast %sub3A_148 : i32 to vector<16xi32>
      %sub3A_150 = arith.subi %get3A_147, %sub3A_149 : vector<16xi32>
      %lt3A_151 = arith.constant 5000 : i32
      %lt3A_152 = vector.broadcast %lt3A_151 : i32 to vector<16xi32>
      %lt3A_153 = arith.cmpi slt, %get3A_147, %lt3A_152 : vector<16xi32>
      %ge3A_154 = arith.constant 0 : i32
      %ge3A_155 = vector.broadcast %ge3A_154 : i32 to vector<16xi32>
      %ge3A_156 = arith.cmpi sge, %sub3A_150, %ge3A_155 : vector<16xi32>
      %lt3A_157 = arith.constant 5000 : i32
      %lt3A_158 = vector.broadcast %lt3A_157 : i32 to vector<16xi32>
      %lt3A_159 = arith.cmpi slt, %sub3A_150, %lt3A_158 : vector<16xi32>
      %and3A_160 = arith.andi %ge3A_156, %lt3A_159 : vector<16xi1>
      %select_n3A_161 = arith.select %eq3A_13, %lt3A_153, %and3A_160 : vector<16xi1>
      %select_n3A_162 = arith.select %eq3A_13, %get3A_147, %sub3A_150 : vector<16xi32>
      %select_n3A_163 = arith.select %select_n3A_161, %select_n3A_162, %add3A_17 : vector<16xi1>, vector<16xi32>
      %swap3A_164 = arith.index_cast %scan3A_74 : i32 to index
      %swap3A_165 = arith.constant 48 : index
      %swap3A_166 = tpu.vector_load %arg8[%swap3A_164, %swap3A_165] {strides = array<i32>} : memref<157x128xi32, #tpu.memory_space<vmem>>, vector<1x16xi32>,
      %swap3A_167 = vector.shape_cast %swap3A_166 : vector<1x16xi32> to vector<16xi32>
      %swap3A_168 = vector.shape_cast %select_n3A_163 : vector<16xi32> to vector<1x16xi32>
      tpu.vector_store %arg8[%swap3A_164, %swap3A_165], %swap3A_168 {strides = array<i32>} : memref<157x128xi32, #tpu.memory_space<vmem>>, vector<1x16xi32>,
      %get3A_169 = arith.index_cast %scan3A_74 : i32 to index
      %get3A_170 = arith.constant 64 : index
      %get3A_171 = tpu.vector_load %arg8[%get3A_169, %get3A_170] {strides = array<i32>} : memref<157x128xi32, #tpu.memory_space<vmem>>, vector<1x16xi32>,
      %get3A_172 = vector.shape_cast %get3A_171 : vector<1x16xi32> to vector<16xi32>
      %sub3A_173 = arith.constant 5000 : i32
      %sub3A_174 = vector.broadcast %sub3A_173 : i32 to vector<16xi32>
      %sub3A_175 = arith.subi %get3A_172, %sub3A_174 : vector<16xi32>
      %lt3A_176 = arith.constant 5000 : i32
      %lt3A_177 = vector.broadcast %lt3A_176 : i32 to vector<16xi32>
      %lt3A_178 = arith.cmpi slt, %get3A_172, %lt3A_177 : vector<16xi32>
      %ge3A_179 = arith.constant 0 : i32
      %ge3A_180 = vector.broadcast %ge3A_179 : i32 to vector<16xi32>
      %ge3A_181 = arith.cmpi sge, %sub3A_175, %ge3A_180 : vector<16xi32>
      %lt3A_182 = arith.constant 5000 : i32
      %lt3A_183 = vector.broadcast %lt3A_182 : i32 to vector<16xi32>
      %lt3A_184 = arith.cmpi slt, %sub3A_175, %lt3A_183 : vector<16xi32>
      %and3A_185 = arith.andi %ge3A_181, %lt3A_184 : vector<16xi1>
      %select_n3A_186 = arith.select %eq3A_13, %lt3A_178, %and3A_185 : vector<16xi1>
      %select_n3A_187 = arith.select %eq3A_13, %get3A_172, %sub3A_175 : vector<16xi32>
      %select_n3A_188 = arith.select %select_n3A_186, %select_n3A_187, %add3A_17 : vector<16xi1>, vector<16xi32>
      %swap3A_189 = arith.index_cast %scan3A_74 : i32 to index
      %swap3A_190 = arith.constant 64 : index
      %swap3A_191 = tpu.vector_load %arg8[%swap3A_189, %swap3A_190] {strides = array<i32>} : memref<157x128xi32, #tpu.memory_space<vmem>>, vector<1x16xi32>,
      %swap3A_192 = vector.shape_cast %swap3A_191 : vector<1x16xi32> to vector<16xi32>
      %swap3A_193 = vector.shape_cast %select_n3A_188 : vector<16xi32> to vector<1x16xi32>
      tpu.vector_store %arg8[%swap3A_189, %swap3A_190], %swap3A_193 {strides = array<i32>} : memref<157x128xi32, #tpu.memory_space<vmem>>, vector<1x16xi32>,
      %get3A_194 = arith.index_cast %scan3A_74 : i32 to index
      %get3A_195 = arith.constant 80 : index
      %get3A_196 = tpu.vector_load %arg8[%get3A_194, %get3A_195] {strides = array<i32>} : memref<157x128xi32, #tpu.memory_space<vmem>>, vector<1x16xi32>,
      %get3A_197 = vector.shape_cast %get3A_196 : vector<1x16xi32> to vector<16xi32>
      %sub3A_198 = arith.constant 5000 : i32
      %sub3A_199 = vector.broadcast %sub3A_198 : i32 to vector<16xi32>
      %sub3A_200 = arith.subi %get3A_197, %sub3A_199 : vector<16xi32>
      %lt3A_201 = arith.constant 5000 : i32
      %lt3A_202 = vector.broadcast %lt3A_201 : i32 to vector<16xi32>
      %lt3A_203 = arith.cmpi slt, %get3A_197, %lt3A_202 : vector<16xi32>
      %ge3A_204 = arith.constant 0 : i32
      %ge3A_205 = vector.broadcast %ge3A_204 : i32 to vector<16xi32>
      %ge3A_206 = arith.cmpi sge, %sub3A_200, %ge3A_205 : vector<16xi32>
      %lt3A_207 = arith.constant 5000 : i32
      %lt3A_208 = vector.broadcast %lt3A_207 : i32 to vector<16xi32>
      %lt3A_209 = arith.cmpi slt, %sub3A_200, %lt3A_208 : vector<16xi32>
      %and3A_210 = arith.andi %ge3A_206, %lt3A_209 : vector<16xi1>
      %select_n3A_211 = arith.select %eq3A_13, %lt3A_203, %and3A_210 : vector<16xi1>
      %select_n3A_212 = arith.select %eq3A_13, %get3A_197, %sub3A_200 : vector<16xi32>
      %select_n3A_213 = arith.select %select_n3A_211, %select_n3A_212, %add3A_17 : vector<16xi1>, vector<16xi32>
      %swap3A_214 = arith.index_cast %scan3A_74 : i32 to index
      %swap3A_215 = arith.constant 80 : index
      %swap3A_216 = tpu.vector_load %arg8[%swap3A_214, %swap3A_215] {strides = array<i32>} : memref<157x128xi32, #tpu.memory_space<vmem>>, vector<1x16xi32>,
      %swap3A_217 = vector.shape_cast %swap3A_216 : vector<1x16xi32> to vector<16xi32>
      %swap3A_218 = vector.shape_cast %select_n3A_213 : vector<16xi32> to vector<1x16xi32>
      tpu.vector_store %arg8[%swap3A_214, %swap3A_215], %swap3A_218 {strides = array<i32>} : memref<157x128xi32, #tpu.memory_space<vmem>>, vector<1x16xi32>,
      %get3A_219 = arith.index_cast %scan3A_74 : i32 to index
      %get3A_220 = arith.constant 96 : index
      %get3A_221 = tpu.vector_load %arg8[%get3A_219, %get3A_220] {strides = array<i32>} : memref<157x128xi32, #tpu.memory_space<vmem>>, vector<1x16xi32>,
      %get3A_222 = vector.shape_cast %get3A_221 : vector<1x16xi32> to vector<16xi32>
      %sub3A_223 = arith.constant 5000 : i32
      %sub3A_224 = vector.broadcast %sub3A_223 : i32 to vector<16xi32>
      %sub3A_225 = arith.subi %get3A_222, %sub3A_224 : vector<16xi32>
      %lt3A_226 = arith.constant 5000 : i32
      %lt3A_227 = vector.broadcast %lt3A_226 : i32 to vector<16xi32>
      %lt3A_228 = arith.cmpi slt, %get3A_222, %lt3A_227 : vector<16xi32>
      %ge3A_229 = arith.constant 0 : i32
      %ge3A_230 = vector.broadcast %ge3A_229 : i32 to vector<16xi32>
      %ge3A_231 = arith.cmpi sge, %sub3A_225, %ge3A_230 : vector<16xi32>
      %lt3A_232 = arith.constant 5000 : i32
      %lt3A_233 = vector.broadcast %lt3A_232 : i32 to vector<16xi32>
      %lt3A_234 = arith.cmpi slt, %sub3A_225, %lt3A_233 : vector<16xi32>
      %and3A_235 = arith.andi %ge3A_231, %lt3A_234 : vector<16xi1>
      %select_n3A_236 = arith.select %eq3A_13, %lt3A_228, %and3A_235 : vector<16xi1>
      %select_n3A_237 = arith.select %eq3A_13, %get3A_222, %sub3A_225 : vector<16xi32>
      %select_n3A_238 = arith.select %select_n3A_236, %select_n3A_237, %add3A_17 : vector<16xi1>, vector<16xi32>
      %swap3A_239 = arith.index_cast %scan3A_74 : i32 to index
      %swap3A_240 = arith.constant 96 : index
      %swap3A_241 = tpu.vector_load %arg8[%swap3A_239, %swap3A_240] {strides = array<i32>} : memref<157x128xi32, #tpu.memory_space<vmem>>, vector<1x16xi32>,
      %swap3A_242 = vector.shape_cast %swap3A_241 : vector<1x16xi32> to vector<16xi32>
      %swap3A_243 = vector.shape_cast %select_n3A_238 : vector<16xi32> to vector<1x16xi32>
      tpu.vector_store %arg8[%swap3A_239, %swap3A_240], %swap3A_243 {strides = array<i32>} : memref<157x128xi32, #tpu.memory_space<vmem>>, vector<1x16xi32>,
      %get3A_244 = arith.index_cast %scan3A_74 : i32 to index
      %get3A_245 = arith.constant 112 : index
      %get3A_246 = tpu.vector_load %arg8[%get3A_244, %get3A_245] {strides = array<i32>} : memref<157x128xi32, #tpu.memory_space<vmem>>, vector<1x16xi32>,
      %get3A_247 = vector.shape_cast %get3A_246 : vector<1x16xi32> to vector<16xi32>
      %sub3A_248 = arith.constant 5000 : i32
      %sub3A_249 = vector.broadcast %sub3A_248 : i32 to vector<16xi32>
      %sub3A_250 = arith.subi %get3A_247, %sub3A_249 : vector<16xi32>
      %lt3A_251 = arith.constant 5000 : i32
      %lt3A_252 = vector.broadcast %lt3A_251 : i32 to vector<16xi32>
      %lt3A_253 = arith.cmpi slt, %get3A_247, %lt3A_252 : vector<16xi32>
      %ge3A_254 = arith.constant 0 : i32
      %ge3A_255 = vector.broadcast %ge3A_254 : i32 to vector<16xi32>
      %ge3A_256 = arith.cmpi sge, %sub3A_250, %ge3A_255 : vector<16xi32>
      %lt3A_257 = arith.constant 5000 : i32
      %lt3A_258 = vector.broadcast %lt3A_257 : i32 to vector<16xi32>
      %lt3A_259 = arith.cmpi slt, %sub3A_250, %lt3A_258 : vector<16xi32>
      %and3A_260 = arith.andi %ge3A_256, %lt3A_259 : vector<16xi1>
      %select_n3A_261 = arith.select %eq3A_13, %lt3A_253, %and3A_260 : vector<16xi1>
      %select_n3A_262 = arith.select %eq3A_13, %get3A_247, %sub3A_250 : vector<16xi32>
      %select_n3A_263 = arith.select %select_n3A_261, %select_n3A_262, %add3A_17 : vector<16xi1>, vector<16xi32>
      %swap3A_264 = arith.index_cast %scan3A_74 : i32 to index
      %swap3A_265 = arith.constant 112 : index
      %swap3A_266 = tpu.vector_load %arg8[%swap3A_264, %swap3A_265] {strides = array<i32>} : memref<157x128xi32, #tpu.memory_space<vmem>>, vector<1x16xi32>,
      %swap3A_267 = vector.shape_cast %swap3A_266 : vector<1x16xi32> to vector<16xi32>
      %swap3A_268 = vector.shape_cast %select_n3A_263 : vector<16xi32> to vector<1x16xi32>
      tpu.vector_store %arg8[%swap3A_264, %swap3A_265], %swap3A_268 {strides = array<i32>} : memref<157x128xi32, #tpu.memory_space<vmem>>, vector<1x16xi32>,
    }
    %scan3A_22 = arith.constant 157 : i32
    %mul3A = arith.constant 312 : i32
    %mul3A_23 = arith.muli %arg1, %mul3A : i32
    %scan3A_24 = arith.constant 0 : i32
    %scan3A_25 = arith.constant 0 : i32
    %scan3A_26 = arith.constant 39 : i32
    %scan3A_27 = arith.addi %scan3A_25, %scan3A_26 : i32
    %scan3A_28 = arith.constant 1 : i32
    scf.for %scan3A_74 = %scan3A_25 to %scan3A_27 step %scan3A_28  : i32 {
      %mul3A_75 = arith.constant 8 : i32
      %mul3A_76 = arith.muli %scan3A_74, %mul3A_75 : i32
      %add3A_77 = arith.addi %mul3A_23, %mul3A_76 : i32
      "tpu.region"() ({
        %run_scoped3A = tpu.sem_alloc : memref<!tpu.dma_semaphore, #tpu.memory_space<semaphore_mem>>
        %dma_start3A_78 = arith.constant 0 : i32
        %dma_start3A_79 = tpu.memref_slice %arg18[%add3A_77, %dma_start3A_78] : memref<5008x128xf32, #tpu.memory_space<vmem_shared>> -> memref<8x128xf32, #tpu.memory_space<vmem_shared>>
        tpu.enqueue_dma source(%arg5 : memref<8x128xf32, #tpu.memory_space<hbm>>) target(%dma_start3A_79 : memref<8x128xf32, #tpu.memory_space<vmem_shared>>) target_semaphore(%run_scoped3A : memref<!tpu.dma_semaphore, #tpu.memory_space<semaphore_mem>>)
        %dma_wait3A_80 = arith.constant 0 : i32
        %dma_wait3A_81 = tpu.memref_slice %arg18[%add3A_77, %dma_wait3A_80] : memref<5008x128xf32, #tpu.memory_space<vmem_shared>> -> memref<8x128xf32, #tpu.memory_space<vmem_shared>>
        tpu.wait_dma2 semaphore(%run_scoped3A : memref<!tpu.dma_semaphore, #tpu.memory_space<semaphore_mem>>) src(%arg5 : memref<8x128xf32, #tpu.memory_space<hbm>>) dst(%dma_wait3A_81 : memref<8x128xf32, #tpu.memory_space<vmem_shared>>)
        tpu.yield
      }) : () -> ()
    }
    %scan3A_29 = arith.constant 39 : i32
    %eq3A_30 = arith.constant 15 : i32
    %eq3A_31 = arith.cmpi eq, %arg1, %eq3A_30 : i32
    %convert_element_type3A = arith.extui %eq3A_31 : i1 to i32
    %cond3A = arith.constant 0 : i32
    %cond3A_32 = arith.cmpi ne, %convert_element_type3A, %cond3A : i32
    scf.if %cond3A_32 {
      %scan3A_74 = arith.constant 0 : i32
      %scan3A_75 = arith.constant 0 : i32
      %scan3A_76 = arith.constant 2 : i32
      %scan3A_77 = arith.addi %scan3A_75, %scan3A_76 : i32
      %scan3A_78 = arith.constant 1 : i32
      scf.for %scan3A_80 = %scan3A_75 to %scan3A_77 step %scan3A_78  : i32 {
        %mul3A_81 = arith.constant 8 : i32
        %mul3A_82 = arith.muli %scan3A_80, %mul3A_81 : i32
        %add3A_83 = arith.constant 4992 : i32
        %add3A_84 = arith.addi %add3A_83, %mul3A_82 : i32
        "tpu.region"() ({
          %run_scoped3A = tpu.sem_alloc : memref<!tpu.dma_semaphore, #tpu.memory_space<semaphore_mem>>
          %dma_start3A_85 = arith.constant 0 : i32
          %dma_start3A_86 = tpu.memref_slice %arg18[%add3A_84, %dma_start3A_85] : memref<5008x128xf32, #tpu.memory_space<vmem_shared>> -> memref<8x128xf32, #tpu.memory_space<vmem_shared>>
          tpu.enqueue_dma source(%arg5 : memref<8x128xf32, #tpu.memory_space<hbm>>) target(%dma_start3A_86 : memref<8x128xf32, #tpu.memory_space<vmem_shared>>) target_semaphore(%run_scoped3A : memref<!tpu.dma_semaphore, #tpu.memory_space<semaphore_mem>>)
          %dma_wait3A_87 = arith.constant 0 : i32
          %dma_wait3A_88 = tpu.memref_slice %arg18[%add3A_84, %dma_wait3A_87] : memref<5008x128xf32, #tpu.memory_space<vmem_shared>> -> memref<8x128xf32, #tpu.memory_space<vmem_shared>>
          tpu.wait_dma2 semaphore(%run_scoped3A : memref<!tpu.dma_semaphore, #tpu.memory_space<semaphore_mem>>) src(%arg5 : memref<8x128xf32, #tpu.memory_space<hbm>>) dst(%dma_wait3A_88 : memref<8x128xf32, #tpu.memory_space<vmem_shared>>)
          tpu.yield
        }) : () -> ()
      }
      %scan3A_79 = arith.constant 2 : i32
    } else {
    }
    %barrier3A = arith.constant 0 : index
    tpu.barrier barrier_id(%barrier3A)
    %scan3A_33 = arith.constant 0 : i32
    %scan3A_34 = arith.constant 0 : i32
    %scan3A_35 = arith.constant 52 : i32
    %scan3A_36 = arith.addi %scan3A_34, %scan3A_35 : i32
    %scan3A_37 = arith.constant 1 : i32
    scf.for %scan3A_74 = %scan3A_34 to %scan3A_36 step %scan3A_37  : i32 {
      %mul3A_75 = arith.constant 3 : i32
      %mul3A_76 = arith.muli %mul3A_75, %scan3A_74 : i32
      %add3A_77 = arith.constant 0 : i32
      %add3A_78 = arith.addi %mul3A_76, %add3A_77 : i32
      %dma_wait3A_79 = arith.constant 0 : i32
      %dma_wait3A_80 = tpu.memref_slice %arg7[%add3A_78, %dma_wait3A_79] : memref<157x128xi32, #tpu.memory_space<vmem>> -> memref<1x128xi32, #tpu.memory_space<vmem>>
      %dma_wait3A_81 = tpu.memref_squeeze %dma_wait3A_80 : memref<1x128xi32, #tpu.memory_space<vmem>> -> memref<128xi32, #tpu.memory_space<vmem>>
      %dma_wait3A_82 = arith.constant 0 : i32
      %dma_wait3A_83 = arith.constant 0 : i32
      %dma_wait3A_84 = tpu.memref_slice %arg2[%dma_wait3A_82, %dma_wait3A_83] : memref<10000x128xf32, #tpu.memory_space<hbm>> -> memref<10000x128xf32, #tpu.memory_space<hbm>>
      tpu.wait_indirect_dma semaphore(%arg12 : memref<!tpu.dma_semaphore, #tpu.memory_space<semaphore_mem>>) src(%dma_wait3A_84 : memref<10000x128xf32, #tpu.memory_space<hbm>>) dst(%arg9 : memref<128x128xf32, #tpu.memory_space<vmem>>)
      %dma_start3A_85 = arith.constant 0 : i32
      %dma_start3A_86 = tpu.memref_slice %arg8[%add3A_78, %dma_start3A_85] : memref<157x128xi32, #tpu.memory_space<vmem>> -> memref<1x128xi32, #tpu.memory_space<vmem>>
      %dma_start3A_87 = tpu.memref_squeeze %dma_start3A_86 : memref<1x128xi32, #tpu.memory_space<vmem>> -> memref<128xi32, #tpu.memory_space<vmem>>
      %dma_start3A_88 = arith.constant 0 : i32
      %dma_start3A_89 = arith.constant 0 : i32
      %dma_start3A_90 = tpu.memref_slice %arg18[%dma_start3A_88, %dma_start3A_89] : memref<5008x128xf32, #tpu.memory_space<vmem_shared>> -> memref<5008x128xf32, #tpu.memory_space<vmem_shared>>
      tpu.enqueue_indirect_dma source(%arg9 : memref<128x128xf32, #tpu.memory_space<vmem>>) target(%dma_start3A_90 : memref<5008x128xf32, #tpu.memory_space<vmem_shared>>) offsets(%dma_start3A_87 : memref<128xi32, #tpu.memory_space<vmem>>) semaphore(%arg15 : memref<!tpu.dma_semaphore, #tpu.memory_space<semaphore_mem>>) {add = true}
      %ge3A = arith.constant 1 : i32
      %ge3A_91 = arith.cmpi sge, %add3A_78, %ge3A : i32
      %convert_element_type3A_92 = arith.extui %ge3A_91 : i1 to i32
      %cond3A_93 = arith.constant 0 : i32
      %cond3A_94 = arith.cmpi ne, %convert_element_type3A_92, %cond3A_93 : i32
      scf.if %cond3A_94 {
        %sub3A = arith.constant 1 : i32
        %sub3A_157 = arith.subi %add3A_78, %sub3A : i32
        %dma_wait3A_158 = arith.constant 0 : i32
        %dma_wait3A_159 = tpu.memref_slice %arg8[%sub3A_157, %dma_wait3A_158] : memref<157x128xi32, #tpu.memory_space<vmem>> -> memref<1x128xi32, #tpu.memory_space<vmem>>
        %dma_wait3A_160 = tpu.memref_squeeze %dma_wait3A_159 : memref<1x128xi32, #tpu.memory_space<vmem>> -> memref<128xi32, #tpu.memory_space<vmem>>
        %dma_wait3A_161 = arith.constant 0 : i32
        %dma_wait3A_162 = arith.constant 0 : i32
        %dma_wait3A_163 = tpu.memref_slice %arg18[%dma_wait3A_161, %dma_wait3A_162] : memref<5008x128xf32, #tpu.memory_space<vmem_shared>> -> memref<5008x128xf32, #tpu.memory_space<vmem_shared>>
        tpu.wait_indirect_dma semaphore(%arg17 : memref<!tpu.dma_semaphore, #tpu.memory_space<semaphore_mem>>) src(%arg11 : memref<128x128xf32, #tpu.memory_space<vmem>>) dst(%dma_wait3A_163 : memref<5008x128xf32, #tpu.memory_space<vmem_shared>>)
      } else {
      }
      %add3A_95 = arith.constant 2 : i32
      %add3A_96 = arith.addi %add3A_78, %add3A_95 : i32
      %lt3A = arith.constant 157 : i32
      %lt3A_97 = arith.cmpi slt, %add3A_96, %lt3A : i32
      %convert_element_type3A_98 = arith.extui %lt3A_97 : i1 to i32
      %cond3A_99 = arith.constant 0 : i32
      %cond3A_100 = arith.cmpi ne, %convert_element_type3A_98, %cond3A_99 : i32
      scf.if %cond3A_100 {
        %add3A_157 = arith.constant 2 : i32
        %add3A_158 = arith.addi %add3A_78, %add3A_157 : i32
        %dma_start3A_159 = arith.constant 0 : i32
        %dma_start3A_160 = tpu.memref_slice %arg7[%add3A_158, %dma_start3A_159] : memref<157x128xi32, #tpu.memory_space<vmem>> -> memref<1x128xi32, #tpu.memory_space<vmem>>
        %dma_start3A_161 = tpu.memref_squeeze %dma_start3A_160 : memref<1x128xi32, #tpu.memory_space<vmem>> -> memref<128xi32, #tpu.memory_space<vmem>>
        %dma_start3A_162 = arith.constant 0 : i32
        %dma_start3A_163 = arith.constant 0 : i32
        %dma_start3A_164 = tpu.memref_slice %arg2[%dma_start3A_162, %dma_start3A_163] : memref<10000x128xf32, #tpu.memory_space<hbm>> -> memref<10000x128xf32, #tpu.memory_space<hbm>>
        tpu.enqueue_indirect_dma source(%dma_start3A_164 : memref<10000x128xf32, #tpu.memory_space<hbm>>) target(%arg11 : memref<128x128xf32, #tpu.memory_space<vmem>>) offsets(%dma_start3A_161 : memref<128xi32, #tpu.memory_space<vmem>>) semaphore(%arg14 : memref<!tpu.dma_semaphore, #tpu.memory_space<semaphore_mem>>)
      } else {
      }
      %mul3A_101 = arith.constant 3 : i32
      %mul3A_102 = arith.muli %mul3A_101, %scan3A_74 : i32
      %add3A_103 = arith.constant 1 : i32
      %add3A_104 = arith.addi %mul3A_102, %add3A_103 : i32
      %dma_wait3A_105 = arith.constant 0 : i32
      %dma_wait3A_106 = tpu.memref_slice %arg7[%add3A_104, %dma_wait3A_105] : memref<157x128xi32, #tpu.memory_space<vmem>> -> memref<1x128xi32, #tpu.memory_space<vmem>>
      %dma_wait3A_107 = tpu.memref_squeeze %dma_wait3A_106 : memref<1x128xi32, #tpu.memory_space<vmem>> -> memref<128xi32, #tpu.memory_space<vmem>>
      %dma_wait3A_108 = arith.constant 0 : i32
      %dma_wait3A_109 = arith.constant 0 : i32
      %dma_wait3A_110 = tpu.memref_slice %arg2[%dma_wait3A_108, %dma_wait3A_109] : memref<10000x128xf32, #tpu.memory_space<hbm>> -> memref<10000x128xf32, #tpu.memory_space<hbm>>
      tpu.wait_indirect_dma semaphore(%arg13 : memref<!tpu.dma_semaphore, #tpu.memory_space<semaphore_mem>>) src(%dma_wait3A_110 : memref<10000x128xf32, #tpu.memory_space<hbm>>) dst(%arg10 : memref<128x128xf32, #tpu.memory_space<vmem>>)
      %dma_start3A_111 = arith.constant 0 : i32
      %dma_start3A_112 = tpu.memref_slice %arg8[%add3A_104, %dma_start3A_111] : memref<157x128xi32, #tpu.memory_space<vmem>> -> memref<1x128xi32, #tpu.memory_space<vmem>>
      %dma_start3A_113 = tpu.memref_squeeze %dma_start3A_112 : memref<1x128xi32, #tpu.memory_space<vmem>> -> memref<128xi32, #tpu.memory_space<vmem>>
      %dma_start3A_114 = arith.constant 0 : i32
      %dma_start3A_115 = arith.constant 0 : i32
      %dma_start3A_116 = tpu.memref_slice %arg18[%dma_start3A_114, %dma_start3A_115] : memref<5008x128xf32, #tpu.memory_space<vmem_shared>> -> memref<5008x128xf32, #tpu.memory_space<vmem_shared>>
      tpu.enqueue_indirect_dma source(%arg10 : memref<128x128xf32, #tpu.memory_space<vmem>>) target(%dma_start3A_116 : memref<5008x128xf32, #tpu.memory_space<vmem_shared>>) offsets(%dma_start3A_113 : memref<128xi32, #tpu.memory_space<vmem>>) semaphore(%arg16 : memref<!tpu.dma_semaphore, #tpu.memory_space<semaphore_mem>>) {add = true}
      %ge3A_117 = arith.constant 1 : i32
      %ge3A_118 = arith.cmpi sge, %add3A_104, %ge3A_117 : i32
      %convert_element_type3A_119 = arith.extui %ge3A_118 : i1 to i32
      %cond3A_120 = arith.constant 0 : i32
      %cond3A_121 = arith.cmpi ne, %convert_element_type3A_119, %cond3A_120 : i32
      scf.if %cond3A_121 {
        %sub3A = arith.constant 1 : i32
        %sub3A_157 = arith.subi %add3A_104, %sub3A : i32
        %dma_wait3A_158 = arith.constant 0 : i32
        %dma_wait3A_159 = tpu.memref_slice %arg8[%sub3A_157, %dma_wait3A_158] : memref<157x128xi32, #tpu.memory_space<vmem>> -> memref<1x128xi32, #tpu.memory_space<vmem>>
        %dma_wait3A_160 = tpu.memref_squeeze %dma_wait3A_159 : memref<1x128xi32, #tpu.memory_space<vmem>> -> memref<128xi32, #tpu.memory_space<vmem>>
        %dma_wait3A_161 = arith.constant 0 : i32
        %dma_wait3A_162 = arith.constant 0 : i32
        %dma_wait3A_163 = tpu.memref_slice %arg18[%dma_wait3A_161, %dma_wait3A_162] : memref<5008x128xf32, #tpu.memory_space<vmem_shared>> -> memref<5008x128xf32, #tpu.memory_space<vmem_shared>>
        tpu.wait_indirect_dma semaphore(%arg15 : memref<!tpu.dma_semaphore, #tpu.memory_space<semaphore_mem>>) src(%arg9 : memref<128x128xf32, #tpu.memory_space<vmem>>) dst(%dma_wait3A_163 : memref<5008x128xf32, #tpu.memory_space<vmem_shared>>)
      } else {
      }
      %add3A_122 = arith.constant 2 : i32
      %add3A_123 = arith.addi %add3A_104, %add3A_122 : i32
      %lt3A_124 = arith.constant 157 : i32
      %lt3A_125 = arith.cmpi slt, %add3A_123, %lt3A_124 : i32
      %convert_element_type3A_126 = arith.extui %lt3A_125 : i1 to i32
      %cond3A_127 = arith.constant 0 : i32
      %cond3A_128 = arith.cmpi ne, %convert_element_type3A_126, %cond3A_127 : i32
      scf.if %cond3A_128 {
        %add3A_157 = arith.constant 2 : i32
        %add3A_158 = arith.addi %add3A_104, %add3A_157 : i32
        %dma_start3A_159 = arith.constant 0 : i32
        %dma_start3A_160 = tpu.memref_slice %arg7[%add3A_158, %dma_start3A_159] : memref<157x128xi32, #tpu.memory_space<vmem>> -> memref<1x128xi32, #tpu.memory_space<vmem>>
        %dma_start3A_161 = tpu.memref_squeeze %dma_start3A_160 : memref<1x128xi32, #tpu.memory_space<vmem>> -> memref<128xi32, #tpu.memory_space<vmem>>
        %dma_start3A_162 = arith.constant 0 : i32
        %dma_start3A_163 = arith.constant 0 : i32
        %dma_start3A_164 = tpu.memref_slice %arg2[%dma_start3A_162, %dma_start3A_163] : memref<10000x128xf32, #tpu.memory_space<hbm>> -> memref<10000x128xf32, #tpu.memory_space<hbm>>
        tpu.enqueue_indirect_dma source(%dma_start3A_164 : memref<10000x128xf32, #tpu.memory_space<hbm>>) target(%arg9 : memref<128x128xf32, #tpu.memory_space<vmem>>) offsets(%dma_start3A_161 : memref<128xi32, #tpu.memory_space<vmem>>) semaphore(%arg12 : memref<!tpu.dma_semaphore, #tpu.memory_space<semaphore_mem>>)
      } else {
      }
      %mul3A_129 = arith.constant 3 : i32
      %mul3A_130 = arith.muli %mul3A_129, %scan3A_74 : i32
      %add3A_131 = arith.constant 2 : i32
      %add3A_132 = arith.addi %mul3A_130, %add3A_131 : i32
      %dma_wait3A_133 = arith.constant 0 : i32
      %dma_wait3A_134 = tpu.memref_slice %arg7[%add3A_132, %dma_wait3A_133] : memref<157x128xi32, #tpu.memory_space<vmem>> -> memref<1x128xi32, #tpu.memory_space<vmem>>
      %dma_wait3A_135 = tpu.memref_squeeze %dma_wait3A_134 : memref<1x128xi32, #tpu.memory_space<vmem>> -> memref<128xi32, #tpu.memory_space<vmem>>
      %dma_wait3A_136 = arith.constant 0 : i32
      %dma_wait3A_137 = arith.constant 0 : i32
      %dma_wait3A_138 = tpu.memref_slice %arg2[%dma_wait3A_136, %dma_wait3A_137] : memref<10000x128xf32, #tpu.memory_space<hbm>> -> memref<10000x128xf32, #tpu.memory_space<hbm>>
      tpu.wait_indirect_dma semaphore(%arg14 : memref<!tpu.dma_semaphore, #tpu.memory_space<semaphore_mem>>) src(%dma_wait3A_138 : memref<10000x128xf32, #tpu.memory_space<hbm>>) dst(%arg11 : memref<128x128xf32, #tpu.memory_space<vmem>>)
      %dma_start3A_139 = arith.constant 0 : i32
      %dma_start3A_140 = tpu.memref_slice %arg8[%add3A_132, %dma_start3A_139] : memref<157x128xi32, #tpu.memory_space<vmem>> -> memref<1x128xi32, #tpu.memory_space<vmem>>
      %dma_start3A_141 = tpu.memref_squeeze %dma_start3A_140 : memref<1x128xi32, #tpu.memory_space<vmem>> -> memref<128xi32, #tpu.memory_space<vmem>>
      %dma_start3A_142 = arith.constant 0 : i32
      %dma_start3A_143 = arith.constant 0 : i32
      %dma_start3A_144 = tpu.memref_slice %arg18[%dma_start3A_142, %dma_start3A_143] : memref<5008x128xf32, #tpu.memory_space<vmem_shared>> -> memref<5008x128xf32, #tpu.memory_space<vmem_shared>>
      tpu.enqueue_indirect_dma source(%arg11 : memref<128x128xf32, #tpu.memory_space<vmem>>) target(%dma_start3A_144 : memref<5008x128xf32, #tpu.memory_space<vmem_shared>>) offsets(%dma_start3A_141 : memref<128xi32, #tpu.memory_space<vmem>>) semaphore(%arg17 : memref<!tpu.dma_semaphore, #tpu.memory_space<semaphore_mem>>) {add = true}
      %ge3A_145 = arith.constant 1 : i32
      %ge3A_146 = arith.cmpi sge, %add3A_132, %ge3A_145 : i32
      %convert_element_type3A_147 = arith.extui %ge3A_146 : i1 to i32
      %cond3A_148 = arith.constant 0 : i32
      %cond3A_149 = arith.cmpi ne, %convert_element_type3A_147, %cond3A_148 : i32
      scf.if %cond3A_149 {
        %sub3A = arith.constant 1 : i32
        %sub3A_157 = arith.subi %add3A_132, %sub3A : i32
        %dma_wait3A_158 = arith.constant 0 : i32
        %dma_wait3A_159 = tpu.memref_slice %arg8[%sub3A_157, %dma_wait3A_158] : memref<157x128xi32, #tpu.memory_space<vmem>> -> memref<1x128xi32, #tpu.memory_space<vmem>>
        %dma_wait3A_160 = tpu.memref_squeeze %dma_wait3A_159 : memref<1x128xi32, #tpu.memory_space<vmem>> -> memref<128xi32, #tpu.memory_space<vmem>>
        %dma_wait3A_161 = arith.constant 0 : i32
        %dma_wait3A_162 = arith.constant 0 : i32
        %dma_wait3A_163 = tpu.memref_slice %arg18[%dma_wait3A_161, %dma_wait3A_162] : memref<5008x128xf32, #tpu.memory_space<vmem_shared>> -> memref<5008x128xf32, #tpu.memory_space<vmem_shared>>
        tpu.wait_indirect_dma semaphore(%arg16 : memref<!tpu.dma_semaphore, #tpu.memory_space<semaphore_mem>>) src(%arg10 : memref<128x128xf32, #tpu.memory_space<vmem>>) dst(%dma_wait3A_163 : memref<5008x128xf32, #tpu.memory_space<vmem_shared>>)
      } else {
      }
      %add3A_150 = arith.constant 2 : i32
      %add3A_151 = arith.addi %add3A_132, %add3A_150 : i32
      %lt3A_152 = arith.constant 157 : i32
      %lt3A_153 = arith.cmpi slt, %add3A_151, %lt3A_152 : i32
      %convert_element_type3A_154 = arith.extui %lt3A_153 : i1 to i32
      %cond3A_155 = arith.constant 0 : i32
      %cond3A_156 = arith.cmpi ne, %convert_element_type3A_154, %cond3A_155 : i32
      scf.if %cond3A_156 {
        %add3A_157 = arith.constant 2 : i32
        %add3A_158 = arith.addi %add3A_132, %add3A_157 : i32
        %dma_start3A_159 = arith.constant 0 : i32
        %dma_start3A_160 = tpu.memref_slice %arg7[%add3A_158, %dma_start3A_159] : memref<157x128xi32, #tpu.memory_space<vmem>> -> memref<1x128xi32, #tpu.memory_space<vmem>>
        %dma_start3A_161 = tpu.memref_squeeze %dma_start3A_160 : memref<1x128xi32, #tpu.memory_space<vmem>> -> memref<128xi32, #tpu.memory_space<vmem>>
        %dma_start3A_162 = arith.constant 0 : i32
        %dma_start3A_163 = arith.constant 0 : i32
        %dma_start3A_164 = tpu.memref_slice %arg2[%dma_start3A_162, %dma_start3A_163] : memref<10000x128xf32, #tpu.memory_space<hbm>> -> memref<10000x128xf32, #tpu.memory_space<hbm>>
        tpu.enqueue_indirect_dma source(%dma_start3A_164 : memref<10000x128xf32, #tpu.memory_space<hbm>>) target(%arg10 : memref<128x128xf32, #tpu.memory_space<vmem>>) offsets(%dma_start3A_161 : memref<128xi32, #tpu.memory_space<vmem>>) semaphore(%arg13 : memref<!tpu.dma_semaphore, #tpu.memory_space<semaphore_mem>>)
      } else {
      }
    }
    %scan3A_38 = arith.constant 52 : i32
    %dma_wait3A = arith.constant 156 : i32
    %dma_wait3A_39 = arith.constant 0 : i32
    %dma_wait3A_40 = tpu.memref_slice %arg7[%dma_wait3A, %dma_wait3A_39] : memref<157x128xi32, #tpu.memory_space<vmem>> -> memref<1x128xi32, #tpu.memory_space<vmem>>
    %dma_wait3A_41 = tpu.memref_squeeze %dma_wait3A_40 : memref<1x128xi32, #tpu.memory_space<vmem>> -> memref<128xi32, #tpu.memory_space<vmem>>
    %dma_wait3A_42 = arith.constant 0 : i32
    %dma_wait3A_43 = arith.constant 0 : i32
    %dma_wait3A_44 = tpu.memref_slice %arg2[%dma_wait3A_42, %dma_wait3A_43] : memref<10000x128xf32, #tpu.memory_space<hbm>> -> memref<10000x128xf32, #tpu.memory_space<hbm>>
    tpu.wait_indirect_dma semaphore(%arg12 : memref<!tpu.dma_semaphore, #tpu.memory_space<semaphore_mem>>) src(%dma_wait3A_44 : memref<10000x128xf32, #tpu.memory_space<hbm>>) dst(%arg9 : memref<128x128xf32, #tpu.memory_space<vmem>>)
    %dma_start3A_45 = arith.constant 156 : i32
    %dma_start3A_46 = arith.constant 0 : i32
    %dma_start3A_47 = tpu.memref_slice %arg8[%dma_start3A_45, %dma_start3A_46] : memref<157x128xi32, #tpu.memory_space<vmem>> -> memref<1x128xi32, #tpu.memory_space<vmem>>
    %dma_start3A_48 = tpu.memref_squeeze %dma_start3A_47 : memref<1x128xi32, #tpu.memory_space<vmem>> -> memref<128xi32, #tpu.memory_space<vmem>>
    %dma_start3A_49 = arith.constant 0 : i32
    %dma_start3A_50 = arith.constant 0 : i32
    %dma_start3A_51 = tpu.memref_slice %arg18[%dma_start3A_49, %dma_start3A_50] : memref<5008x128xf32, #tpu.memory_space<vmem_shared>> -> memref<5008x128xf32, #tpu.memory_space<vmem_shared>>
    tpu.enqueue_indirect_dma source(%arg9 : memref<128x128xf32, #tpu.memory_space<vmem>>) target(%dma_start3A_51 : memref<5008x128xf32, #tpu.memory_space<vmem_shared>>) offsets(%dma_start3A_48 : memref<128xi32, #tpu.memory_space<vmem>>) semaphore(%arg15 : memref<!tpu.dma_semaphore, #tpu.memory_space<semaphore_mem>>) {add = true}
    %dma_wait3A_52 = arith.constant 155 : i32
    %dma_wait3A_53 = arith.constant 0 : i32
    %dma_wait3A_54 = tpu.memref_slice %arg8[%dma_wait3A_52, %dma_wait3A_53] : memref<157x128xi32, #tpu.memory_space<vmem>> -> memref<1x128xi32, #tpu.memory_space<vmem>>
    %dma_wait3A_55 = tpu.memref_squeeze %dma_wait3A_54 : memref<1x128xi32, #tpu.memory_space<vmem>> -> memref<128xi32, #tpu.memory_space<vmem>>
    %dma_wait3A_56 = arith.constant 0 : i32
    %dma_wait3A_57 = arith.constant 0 : i32
    %dma_wait3A_58 = tpu.memref_slice %arg18[%dma_wait3A_56, %dma_wait3A_57] : memref<5008x128xf32, #tpu.memory_space<vmem_shared>> -> memref<5008x128xf32, #tpu.memory_space<vmem_shared>>
    tpu.wait_indirect_dma semaphore(%arg17 : memref<!tpu.dma_semaphore, #tpu.memory_space<semaphore_mem>>) src(%arg11 : memref<128x128xf32, #tpu.memory_space<vmem>>) dst(%dma_wait3A_58 : memref<5008x128xf32, #tpu.memory_space<vmem_shared>>)
    %dma_wait3A_59 = arith.constant 156 : i32
    %dma_wait3A_60 = arith.constant 0 : i32
    %dma_wait3A_61 = tpu.memref_slice %arg8[%dma_wait3A_59, %dma_wait3A_60] : memref<157x128xi32, #tpu.memory_space<vmem>> -> memref<1x128xi32, #tpu.memory_space<vmem>>
    %dma_wait3A_62 = tpu.memref_squeeze %dma_wait3A_61 : memref<1x128xi32, #tpu.memory_space<vmem>> -> memref<128xi32, #tpu.memory_space<vmem>>
    %dma_wait3A_63 = arith.constant 0 : i32
    %dma_wait3A_64 = arith.constant 0 : i32
    %dma_wait3A_65 = tpu.memref_slice %arg18[%dma_wait3A_63, %dma_wait3A_64] : memref<5008x128xf32, #tpu.memory_space<vmem_shared>> -> memref<5008x128xf32, #tpu.memory_space<vmem_shared>>
    tpu.wait_indirect_dma semaphore(%arg15 : memref<!tpu.dma_semaphore, #tpu.memory_space<semaphore_mem>>) src(%arg9 : memref<128x128xf32, #tpu.memory_space<vmem>>) dst(%dma_wait3A_65 : memref<5008x128xf32, #tpu.memory_space<vmem_shared>>)
    %barrier3A_66 = arith.constant 0 : index
    tpu.barrier barrier_id(%barrier3A_66)
    %mul3A_67 = arith.constant 312 : i32
    %mul3A_68 = arith.muli %arg1, %mul3A_67 : i32
    "tpu.region"() ({
      %run_scoped3A = tpu.sem_alloc : memref<!tpu.dma_semaphore, #tpu.memory_space<semaphore_mem>>
      %dma_start3A_74 = arith.constant 0 : i32
      %dma_start3A_75 = tpu.memref_slice %arg6[%arg0, %mul3A_68, %dma_start3A_74] : memref<2x5000x128xf32, #tpu.memory_space<hbm>> -> memref<1x312x128xf32, #tpu.memory_space<hbm>>
      %dma_start3A_76 = tpu.memref_squeeze %dma_start3A_75 : memref<1x312x128xf32, #tpu.memory_space<hbm>> -> memref<312x128xf32, #tpu.memory_space<hbm>>
      %dma_start3A_77 = arith.constant 0 : i32
      %dma_start3A_78 = tpu.memref_slice %arg18[%mul3A_68, %dma_start3A_77] : memref<5008x128xf32, #tpu.memory_space<vmem_shared>> -> memref<312x128xf32, #tpu.memory_space<vmem_shared>>
      tpu.enqueue_dma source(%dma_start3A_78 : memref<312x128xf32, #tpu.memory_space<vmem_shared>>) target(%dma_start3A_76 : memref<312x128xf32, #tpu.memory_space<hbm>>) target_semaphore(%run_scoped3A : memref<!tpu.dma_semaphore, #tpu.memory_space<semaphore_mem>>)
      %dma_wait3A_79 = arith.constant 0 : i32
      %dma_wait3A_80 = tpu.memref_slice %arg6[%arg0, %mul3A_68, %dma_wait3A_79] : memref<2x5000x128xf32, #tpu.memory_space<hbm>> -> memref<1x312x128xf32, #tpu.memory_space<hbm>>
      %dma_wait3A_81 = tpu.memref_squeeze %dma_wait3A_80 : memref<1x312x128xf32, #tpu.memory_space<hbm>> -> memref<312x128xf32, #tpu.memory_space<hbm>>
      %dma_wait3A_82 = arith.constant 0 : i32
      %dma_wait3A_83 = tpu.memref_slice %arg18[%mul3A_68, %dma_wait3A_82] : memref<5008x128xf32, #tpu.memory_space<vmem_shared>> -> memref<312x128xf32, #tpu.memory_space<vmem_shared>>
      tpu.wait_dma2 semaphore(%run_scoped3A : memref<!tpu.dma_semaphore, #tpu.memory_space<semaphore_mem>>) src(%dma_wait3A_83 : memref<312x128xf32, #tpu.memory_space<vmem_shared>>) dst(%dma_wait3A_81 : memref<312x128xf32, #tpu.memory_space<hbm>>)
      tpu.yield
    }) : () -> ()
    %eq3A_69 = arith.constant 15 : i32
    %eq3A_70 = arith.cmpi eq, %arg1, %eq3A_69 : i32
    %convert_element_type3A_71 = arith.extui %eq3A_70 : i1 to i32
    %cond3A_72 = arith.constant 0 : i32
    %cond3A_73 = arith.cmpi ne, %convert_element_type3A_71, %cond3A_72 : i32
    scf.if %cond3A_73 {
      "tpu.region"() ({
        %run_scoped3A = tpu.sem_alloc : memref<!tpu.dma_semaphore, #tpu.memory_space<semaphore_mem>>
        %dma_start3A_74 = arith.constant 4992 : i32
        %dma_start3A_75 = arith.constant 0 : i32
        %dma_start3A_76 = tpu.memref_slice %arg6[%arg0, %dma_start3A_74, %dma_start3A_75] : memref<2x5000x128xf32, #tpu.memory_space<hbm>> -> memref<1x8x128xf32, #tpu.memory_space<hbm>>
        %dma_start3A_77 = tpu.memref_squeeze %dma_start3A_76 : memref<1x8x128xf32, #tpu.memory_space<hbm>> -> memref<8x128xf32, #tpu.memory_space<hbm>>
        %dma_start3A_78 = arith.constant 4992 : i32
        %dma_start3A_79 = arith.constant 0 : i32
        %dma_start3A_80 = tpu.memref_slice %arg18[%dma_start3A_78, %dma_start3A_79] : memref<5008x128xf32, #tpu.memory_space<vmem_shared>> -> memref<8x128xf32, #tpu.memory_space<vmem_shared>>
        tpu.enqueue_dma source(%dma_start3A_80 : memref<8x128xf32, #tpu.memory_space<vmem_shared>>) target(%dma_start3A_77 : memref<8x128xf32, #tpu.memory_space<hbm>>) target_semaphore(%run_scoped3A : memref<!tpu.dma_semaphore, #tpu.memory_space<semaphore_mem>>)
        %dma_wait3A_81 = arith.constant 4992 : i32
        %dma_wait3A_82 = arith.constant 0 : i32
        %dma_wait3A_83 = tpu.memref_slice %arg6[%arg0, %dma_wait3A_81, %dma_wait3A_82] : memref<2x5000x128xf32, #tpu.memory_space<hbm>> -> memref<1x8x128xf32, #tpu.memory_space<hbm>>
        %dma_wait3A_84 = tpu.memref_squeeze %dma_wait3A_83 : memref<1x8x128xf32, #tpu.memory_space<hbm>> -> memref<8x128xf32, #tpu.memory_space<hbm>>
        %dma_wait3A_85 = arith.constant 4992 : i32
        %dma_wait3A_86 = arith.constant 0 : i32
        %dma_wait3A_87 = tpu.memref_slice %arg18[%dma_wait3A_85, %dma_wait3A_86] : memref<5008x128xf32, #tpu.memory_space<vmem_shared>> -> memref<8x128xf32, #tpu.memory_space<vmem_shared>>
        tpu.wait_dma2 semaphore(%run_scoped3A : memref<!tpu.dma_semaphore, #tpu.memory_space<semaphore_mem>>) src(%dma_wait3A_87 : memref<8x128xf32, #tpu.memory_space<vmem_shared>>) dst(%dma_wait3A_84 : memref<8x128xf32, #tpu.memory_space<hbm>>)
        tpu.yield
      }) : () -> ()
    } else {
    }
    return
  }
}

module attributes {stable_mosaic.version = 14 : i64} {
  func.func @_tc_h_body(%arg0: i32, %arg1: memref<1000x128xf32, #tpu.memory_space<vmem>>, %arg2: memref<128x128xf32, #tpu.memory_space<vmem>>, %arg3: memref<1x128xf32, #tpu.memory_space<vmem>>, %arg4: memref<1000x128xf32, #tpu.memory_space<vmem>>) attributes {dimension_semantics = [#tpu.dimension_semantics<arbitrary>], iteration_bounds = array<i64: 10>, scalar_prefetch = 0 : i64, scratch_operands = 0 : i64, tpu.core_type = #tpu.core_type<tc>, window_params = [{transform_indices = @transform_0, window_bounds = array<i64: 1000, 128>}, {pipeline_mode = #tpu.pipeline_mode<synchronous>, transform_indices = @transform_1, window_bounds = array<i64: 128, 128>}, {pipeline_mode = #tpu.pipeline_mode<synchronous>, transform_indices = @transform_2, window_bounds = array<i64: 1, 128>}, {transform_indices = @transform_3, window_bounds = array<i64: 1000, 128>}]} {
    %get3A = arith.constant 0 : index
    %get3A_0 = arith.constant 0 : index
    %get3A_1 = vector.load %arg1[%get3A, %get3A_0] : memref<1000x128xf32, #tpu.memory_space<vmem>>, vector<1000x128xf32>
    %get3A_2 = arith.constant 0 : index
    %get3A_3 = arith.constant 0 : index
    %get3A_4 = vector.load %arg2[%get3A_2, %get3A_3] : memref<128x128xf32, #tpu.memory_space<vmem>>, vector<128x128xf32>
    %dot_general3A = arith.constant dense<0.000000e+00> : vector<1000x128xf32>
    %dot_general3A_5 = tpu.matmul %get3A_1, %get3A_4, %dot_general3A {dimension_numbers = #tpu.dot_dimension_numbers<[1], [1], [0], [0], [0, 0, 1, 0], [], []>, transpose_lhs_hint = false} : vector<1000x128xf32>, vector<128x128xf32>, vector<1000x128xf32> -> vector<1000x128xf32>
    %get3A_6 = arith.constant 0 : index
    %get3A_7 = arith.constant 0 : index
    %get3A_8 = vector.load %arg3[%get3A_6, %get3A_7] : memref<1x128xf32, #tpu.memory_space<vmem>>, vector<1x128xf32>
    %add3A = vector.broadcast %get3A_8 : vector<1x128xf32> to vector<1000x128xf32>
    %add3A_9 = arith.addf %dot_general3A_5, %add3A : vector<1000x128xf32>
    %swap3A = arith.constant 0 : index
    %swap3A_10 = arith.constant 0 : index
    %swap3A_11 = vector.load %arg4[%swap3A, %swap3A_10] : memref<1000x128xf32, #tpu.memory_space<vmem>>, vector<1000x128xf32>
    tpu.vector_store %arg4[%swap3A, %swap3A_10], %add3A_9 {strides = array<i32>} : memref<1000x128xf32, #tpu.memory_space<vmem>>, vector<1000x128xf32>,
    return
  }
  func.func @transform_0(%arg0: i32) -> (i32, i32) {
    %c0_i32 = arith.constant 0 : i32
    %c0_i32_0 = arith.constant 0 : i32
    return %arg0, %c0_i32 : i32, i32
  }
  func.func @transform_1(%arg0: i32) -> (i32, i32) {
    %c0_i32 = arith.constant 0 : i32
    %c0_i32_0 = arith.constant 0 : i32
    %c0_i32_1 = arith.constant 0 : i32
    return %c0_i32, %c0_i32_0 : i32, i32
  }
  func.func @transform_2(%arg0: i32) -> (i32, i32) {
    %c0_i32 = arith.constant 0 : i32
    %c0_i32_0 = arith.constant 0 : i32
    %c0_i32_1 = arith.constant 0 : i32
    return %c0_i32, %c0_i32_0 : i32, i32
  }
  func.func @transform_3(%arg0: i32) -> (i32, i32) {
    %c0_i32 = arith.constant 0 : i32
    %c0_i32_0 = arith.constant 0 : i32
    return %arg0, %c0_i32 : i32, i32
  }
}

module attributes {stable_mosaic.version = 14 : i64} {
  func.func @_tc_u0_body(%arg0: i32, %arg1: memref<1000x128xf32, #tpu.memory_space<vmem>>, %arg2: memref<1000x128xf32, #tpu.memory_space<vmem>>, %arg3: memref<128x128xf32, #tpu.memory_space<vmem>>, %arg4: memref<1000x128xf32, #tpu.memory_space<vmem>>, %arg5: memref<1000x8xf32, #tpu.memory_space<vmem>>) attributes {dimension_semantics = [#tpu.dimension_semantics<arbitrary>], iteration_bounds = array<i64: 10>, scalar_prefetch = 0 : i64, scratch_operands = 0 : i64, tpu.core_type = #tpu.core_type<tc>, window_params = [{transform_indices = @transform_0, window_bounds = array<i64: 1000, 128>}, {transform_indices = @transform_1, window_bounds = array<i64: 1000, 128>}, {pipeline_mode = #tpu.pipeline_mode<synchronous>, transform_indices = @transform_2, window_bounds = array<i64: 128, 128>}, {transform_indices = @transform_3, window_bounds = array<i64: 1000, 128>}, {transform_indices = @transform_4, window_bounds = array<i64: 1000, 8>}]} {
    %get3A = arith.constant 0 : index
    %get3A_0 = arith.constant 0 : index
    %get3A_1 = vector.load %arg2[%get3A, %get3A_0] : memref<1000x128xf32, #tpu.memory_space<vmem>>, vector<1000x1xf32>
    %add3A = arith.constant 1.000000e+00 : f32
    %add3A_2 = vector.broadcast %add3A : f32 to vector<1000x1xf32>
    %add3A_3 = arith.addf %get3A_1, %add3A_2 : vector<1000x1xf32>
    %rsqrt3A = math.rsqrt %add3A_3 : vector<1000x1xf32>
    %broadcast_in_dim3A = vector.shape_cast %rsqrt3A : vector<1000x1xf32> to vector<1000x1xf32>
    %broadcast_in_dim3A_4 = vector.broadcast %broadcast_in_dim3A : vector<1000x1xf32> to vector<1000x8xf32>
    %swap3A = arith.constant 0 : index
    %swap3A_5 = arith.constant 0 : index
    %swap3A_6 = vector.load %arg5[%swap3A, %swap3A_5] : memref<1000x8xf32, #tpu.memory_space<vmem>>, vector<1000x8xf32>
    tpu.vector_store %arg5[%swap3A, %swap3A_5], %broadcast_in_dim3A_4 {strides = array<i32>} : memref<1000x8xf32, #tpu.memory_space<vmem>>, vector<1000x8xf32>,
    %get3A_7 = arith.constant 0 : index
    %get3A_8 = arith.constant 0 : index
    %get3A_9 = vector.load %arg1[%get3A_7, %get3A_8] : memref<1000x128xf32, #tpu.memory_space<vmem>>, vector<1000x128xf32>
    %get3A_10 = arith.constant 0 : index
    %get3A_11 = arith.constant 0 : index
    %get3A_12 = vector.load %arg3[%get3A_10, %get3A_11] : memref<128x128xf32, #tpu.memory_space<vmem>>, vector<128x128xf32>
    %dot_general3A = arith.constant dense<0.000000e+00> : vector<1000x128xf32>
    %dot_general3A_13 = tpu.matmul %get3A_9, %get3A_12, %dot_general3A {dimension_numbers = #tpu.dot_dimension_numbers<[1], [1], [0], [0], [0, 0, 1, 0], [], []>, transpose_lhs_hint = false} : vector<1000x128xf32>, vector<128x128xf32>, vector<1000x128xf32> -> vector<1000x128xf32>
    %mul3A = vector.broadcast %rsqrt3A : vector<1000x1xf32> to vector<1000x128xf32>
    %mul3A_14 = arith.mulf %dot_general3A_13, %mul3A : vector<1000x128xf32>
    %swap3A_15 = arith.constant 0 : index
    %swap3A_16 = arith.constant 0 : index
    %swap3A_17 = vector.load %arg4[%swap3A_15, %swap3A_16] : memref<1000x128xf32, #tpu.memory_space<vmem>>, vector<1000x128xf32>
    tpu.vector_store %arg4[%swap3A_15, %swap3A_16], %mul3A_14 {strides = array<i32>} : memref<1000x128xf32, #tpu.memory_space<vmem>>, vector<1000x128xf32>,
    return
  }
  func.func @transform_0(%arg0: i32) -> (i32, i32) {
    %c0_i32 = arith.constant 0 : i32
    %c0_i32_0 = arith.constant 0 : i32
    return %arg0, %c0_i32 : i32, i32
  }
  func.func @transform_1(%arg0: i32) -> (i32, i32) {
    %c0_i32 = arith.constant 0 : i32
    %c0_i32_0 = arith.constant 0 : i32
    return %arg0, %c0_i32 : i32, i32
  }
  func.func @transform_2(%arg0: i32) -> (i32, i32) {
    %c0_i32 = arith.constant 0 : i32
    %c0_i32_0 = arith.constant 0 : i32
    %c0_i32_1 = arith.constant 0 : i32
    return %c0_i32, %c0_i32_0 : i32, i32
  }
  func.func @transform_3(%arg0: i32) -> (i32, i32) {
    %c0_i32 = arith.constant 0 : i32
    %c0_i32_0 = arith.constant 0 : i32
    return %arg0, %c0_i32 : i32, i32
  }
  func.func @transform_4(%arg0: i32) -> (i32, i32) {
    %c0_i32 = arith.constant 0 : i32
    %c0_i32_0 = arith.constant 0 : i32
    return %arg0, %c0_i32 : i32, i32
  }
}

module attributes {stable_mosaic.version = 14 : i64} {
  func.func @_tc_layer_body(%arg0: i32, %arg1: memref<1000x128xf32, #tpu.memory_space<vmem>>, %arg2: memref<1000x128xf32, #tpu.memory_space<vmem>>, %arg3: memref<1000x128xf32, #tpu.memory_space<vmem>>, %arg4: memref<1000x8xf32, #tpu.memory_space<vmem>>, %arg5: memref<1x128xf32, #tpu.memory_space<vmem>>, %arg6: memref<1x128xf32, #tpu.memory_space<vmem>>, %arg7: memref<1x128xf32, #tpu.memory_space<vmem>>, %arg8: memref<128x128xf32, #tpu.memory_space<vmem>>, %arg9: memref<1000x128xf32, #tpu.memory_space<vmem>>, %arg10: memref<1000x128xf32, #tpu.memory_space<vmem>>) attributes {dimension_semantics = [#tpu.dimension_semantics<arbitrary>], iteration_bounds = array<i64: 10>, scalar_prefetch = 0 : i64, scratch_operands = 0 : i64, tpu.core_type = #tpu.core_type<tc>, window_params = [{transform_indices = @transform_0, window_bounds = array<i64: 1000, 128>}, {transform_indices = @transform_1, window_bounds = array<i64: 1000, 128>}, {transform_indices = @transform_2, window_bounds = array<i64: 1000, 128>}, {transform_indices = @transform_3, window_bounds = array<i64: 1000, 8>}, {pipeline_mode = #tpu.pipeline_mode<synchronous>, transform_indices = @transform_4, window_bounds = array<i64: 1, 128>}, {pipeline_mode = #tpu.pipeline_mode<synchronous>, transform_indices = @transform_5, window_bounds = array<i64: 1, 128>}, {pipeline_mode = #tpu.pipeline_mode<synchronous>, transform_indices = @transform_6, window_bounds = array<i64: 1, 128>}, {pipeline_mode = #tpu.pipeline_mode<synchronous>, transform_indices = @transform_7, window_bounds = array<i64: 128, 128>}, {transform_indices = @transform_8, window_bounds = array<i64: 1000, 128>}, {transform_indices = @transform_9, window_bounds = array<i64: 1000, 128>}]} {
    %get3A = arith.constant 0 : index
    %get3A_0 = arith.constant 0 : index
    %get3A_1 = vector.load %arg4[%get3A, %get3A_0] : memref<1000x8xf32, #tpu.memory_space<vmem>>, vector<1000x1xf32>
    %get3A_2 = arith.constant 0 : index
    %get3A_3 = arith.constant 0 : index
    %get3A_4 = vector.load %arg2[%get3A_2, %get3A_3] : memref<1000x128xf32, #tpu.memory_space<vmem>>, vector<1000x128xf32>
    %get3A_5 = arith.constant 0 : index
    %get3A_6 = arith.constant 0 : index
    %get3A_7 = vector.load %arg3[%get3A_5, %get3A_6] : memref<1000x128xf32, #tpu.memory_space<vmem>>, vector<1000x128xf32>
    %add3A = arith.addf %get3A_4, %get3A_7 : vector<1000x128xf32>
    %mul3A = vector.broadcast %get3A_1 : vector<1000x1xf32> to vector<1000x128xf32>
    %mul3A_8 = arith.mulf %add3A, %mul3A : vector<1000x128xf32>
    %get3A_9 = arith.constant 0 : index
    %get3A_10 = arith.constant 0 : index
    %get3A_11 = vector.load %arg5[%get3A_9, %get3A_10] : memref<1x128xf32, #tpu.memory_space<vmem>>, vector<1x128xf32>
    %add3A_12 = vector.broadcast %get3A_11 : vector<1x128xf32> to vector<1000x128xf32>
    %add3A_13 = arith.addf %mul3A_8, %add3A_12 : vector<1000x128xf32>
    %neg3A = arith.constant 0.000000e+00 : f32
    %neg3A_14 = vector.broadcast %neg3A : f32 to vector<1000x128xf32>
    %neg3A_15 = arith.subf %neg3A_14, %add3A_13 : vector<1000x128xf32>
    %exp3A = math.exp %neg3A_15 : vector<1000x128xf32>
    %add3A_16 = arith.constant 1.000000e+00 : f32
    %add3A_17 = vector.broadcast %add3A_16 : f32 to vector<1000x128xf32>
    %add3A_18 = arith.addf %add3A_17, %exp3A : vector<1000x128xf32>
    %div3A = arith.divf %add3A_13, %add3A_18 : vector<1000x128xf32>
    %reduce_sum3A = arith.constant dense<0.000000e+00> : vector<1000xf32>
    %reduce_sum3A_19 = vector.multi_reduction <add>, %div3A, %reduce_sum3A [1] : vector<1000x128xf32> to vector<1000xf32>
    %broadcast_in_dim3A = vector.shape_cast %reduce_sum3A_19 : vector<1000xf32> to vector<1000x1xf32>
    %div3A_20 = arith.constant 1.280000e+02 : f32
    %div3A_21 = vector.broadcast %div3A_20 : f32 to vector<1000x1xf32>
    %div3A_22 = arith.divf %broadcast_in_dim3A, %div3A_21 : vector<1000x1xf32>
    %sub3A = vector.broadcast %div3A_22 : vector<1000x1xf32> to vector<1000x128xf32>
    %sub3A_23 = arith.subf %div3A, %sub3A : vector<1000x128xf32>
    %integer_pow3A = arith.mulf %sub3A_23, %sub3A_23 : vector<1000x128xf32>
    %reduce_sum3A_24 = arith.constant dense<0.000000e+00> : vector<1000xf32>
    %reduce_sum3A_25 = vector.multi_reduction <add>, %integer_pow3A, %reduce_sum3A_24 [1] : vector<1000x128xf32> to vector<1000xf32>
    %broadcast_in_dim3A_26 = vector.shape_cast %reduce_sum3A_25 : vector<1000xf32> to vector<1000x1xf32>
    %div3A_27 = arith.constant 1.280000e+02 : f32
    %div3A_28 = vector.broadcast %div3A_27 : f32 to vector<1000x1xf32>
    %div3A_29 = arith.divf %broadcast_in_dim3A_26, %div3A_28 : vector<1000x1xf32>
    %sub3A_30 = vector.broadcast %div3A_22 : vector<1000x1xf32> to vector<1000x128xf32>
    %sub3A_31 = arith.subf %div3A, %sub3A_30 : vector<1000x128xf32>
    %add3A_32 = arith.constant 9.99999974E-6 : f32
    %add3A_33 = vector.broadcast %add3A_32 : f32 to vector<1000x1xf32>
    %add3A_34 = arith.addf %div3A_29, %add3A_33 : vector<1000x1xf32>
    %rsqrt3A = math.rsqrt %add3A_34 : vector<1000x1xf32>
    %mul3A_35 = vector.broadcast %rsqrt3A : vector<1000x1xf32> to vector<1000x128xf32>
    %mul3A_36 = arith.mulf %sub3A_31, %mul3A_35 : vector<1000x128xf32>
    %get3A_37 = arith.constant 0 : index
    %get3A_38 = arith.constant 0 : index
    %get3A_39 = vector.load %arg6[%get3A_37, %get3A_38] : memref<1x128xf32, #tpu.memory_space<vmem>>, vector<1x128xf32>
    %mul3A_40 = vector.broadcast %get3A_39 : vector<1x128xf32> to vector<1000x128xf32>
    %mul3A_41 = arith.mulf %mul3A_36, %mul3A_40 : vector<1000x128xf32>
    %get3A_42 = arith.constant 0 : index
    %get3A_43 = arith.constant 0 : index
    %get3A_44 = vector.load %arg7[%get3A_42, %get3A_43] : memref<1x128xf32, #tpu.memory_space<vmem>>, vector<1x128xf32>
    %add3A_45 = vector.broadcast %get3A_44 : vector<1x128xf32> to vector<1000x128xf32>
    %add3A_46 = arith.addf %mul3A_41, %add3A_45 : vector<1000x128xf32>
    %get3A_47 = arith.constant 0 : index
    %get3A_48 = arith.constant 0 : index
    %get3A_49 = vector.load %arg1[%get3A_47, %get3A_48] : memref<1000x128xf32, #tpu.memory_space<vmem>>, vector<1000x128xf32>
    %add3A_50 = arith.addf %get3A_49, %add3A_46 : vector<1000x128xf32>
    %swap3A = arith.constant 0 : index
    %swap3A_51 = arith.constant 0 : index
    %swap3A_52 = vector.load %arg9[%swap3A, %swap3A_51] : memref<1000x128xf32, #tpu.memory_space<vmem>>, vector<1000x128xf32>
    tpu.vector_store %arg9[%swap3A, %swap3A_51], %add3A_50 {strides = array<i32>} : memref<1000x128xf32, #tpu.memory_space<vmem>>, vector<1000x128xf32>,
    %get3A_53 = arith.constant 0 : index
    %get3A_54 = arith.constant 0 : index
    %get3A_55 = vector.load %arg8[%get3A_53, %get3A_54] : memref<128x128xf32, #tpu.memory_space<vmem>>, vector<128x128xf32>
    %dot_general3A = arith.constant dense<0.000000e+00> : vector<1000x128xf32>
    %dot_general3A_56 = tpu.matmul %add3A_50, %get3A_55, %dot_general3A {dimension_numbers = #tpu.dot_dimension_numbers<[1], [1], [0], [0], [0, 0, 1, 0], [], []>, transpose_lhs_hint = false} : vector<1000x128xf32>, vector<128x128xf32>, vector<1000x128xf32> -> vector<1000x128xf32>
    %mul3A_57 = vector.broadcast %get3A_1 : vector<1000x1xf32> to vector<1000x128xf32>
    %mul3A_58 = arith.mulf %dot_general3A_56, %mul3A_57 : vector<1000x128xf32>
    %swap3A_59 = arith.constant 0 : index
    %swap3A_60 = arith.constant 0 : index
    %swap3A_61 = vector.load %arg10[%swap3A_59, %swap3A_60] : memref<1000x128xf32, #tpu.memory_space<vmem>>, vector<1000x128xf32>
    tpu.vector_store %arg10[%swap3A_59, %swap3A_60], %mul3A_58 {strides = array<i32>} : memref<1000x128xf32, #tpu.memory_space<vmem>>, vector<1000x128xf32>,
    return
  }
  func.func @transform_0(%arg0: i32) -> (i32, i32) {
    %c0_i32 = arith.constant 0 : i32
    %c0_i32_0 = arith.constant 0 : i32
    return %arg0, %c0_i32 : i32, i32
  }
  func.func @transform_1(%arg0: i32) -> (i32, i32) {
    %c0_i32 = arith.constant 0 : i32
    %c0_i32_0 = arith.constant 0 : i32
    return %arg0, %c0_i32 : i32, i32
  }
  func.func @transform_2(%arg0: i32) -> (i32, i32) {
    %c0_i32 = arith.constant 0 : i32
    %c0_i32_0 = arith.constant 0 : i32
    return %arg0, %c0_i32 : i32, i32
  }
  func.func @transform_3(%arg0: i32) -> (i32, i32) {
    %c0_i32 = arith.constant 0 : i32
    %c0_i32_0 = arith.constant 0 : i32
    return %arg0, %c0_i32 : i32, i32
  }
  func.func @transform_4(%arg0: i32) -> (i32, i32) {
    %c0_i32 = arith.constant 0 : i32
    %c0_i32_0 = arith.constant 0 : i32
    %c0_i32_1 = arith.constant 0 : i32
    return %c0_i32, %c0_i32_0 : i32, i32
  }
  func.func @transform_5(%arg0: i32) -> (i32, i32) {
    %c0_i32 = arith.constant 0 : i32
    %c0_i32_0 = arith.constant 0 : i32
    %c0_i32_1 = arith.constant 0 : i32
    return %c0_i32, %c0_i32_0 : i32, i32
  }
  func.func @transform_6(%arg0: i32) -> (i32, i32) {
    %c0_i32 = arith.constant 0 : i32
    %c0_i32_0 = arith.constant 0 : i32
    %c0_i32_1 = arith.constant 0 : i32
    return %c0_i32, %c0_i32_0 : i32, i32
  }
  func.func @transform_7(%arg0: i32) -> (i32, i32) {
    %c0_i32 = arith.constant 0 : i32
    %c0_i32_0 = arith.constant 0 : i32
    %c0_i32_1 = arith.constant 0 : i32
    return %c0_i32, %c0_i32_0 : i32, i32
  }
  func.func @transform_8(%arg0: i32) -> (i32, i32) {
    %c0_i32 = arith.constant 0 : i32
    %c0_i32_0 = arith.constant 0 : i32
    return %arg0, %c0_i32 : i32, i32
  }
  func.func @transform_9(%arg0: i32) -> (i32, i32) {
    %c0_i32 = arith.constant 0 : i32
    %c0_i32_0 = arith.constant 0 : i32
    return %arg0, %c0_i32 : i32, i32
  }
}

module attributes {stable_mosaic.version = 14 : i64} {
  func.func @_tc_last_body(%arg0: i32, %arg1: memref<1000x128xf32, #tpu.memory_space<vmem>>, %arg2: memref<1000x128xf32, #tpu.memory_space<vmem>>, %arg3: memref<1000x128xf32, #tpu.memory_space<vmem>>, %arg4: memref<1000x8xf32, #tpu.memory_space<vmem>>, %arg5: memref<1x128xf32, #tpu.memory_space<vmem>>, %arg6: memref<1x128xf32, #tpu.memory_space<vmem>>, %arg7: memref<1x128xf32, #tpu.memory_space<vmem>>, %arg8: memref<1000x128xf32, #tpu.memory_space<vmem>>) attributes {dimension_semantics = [#tpu.dimension_semantics<arbitrary>], iteration_bounds = array<i64: 10>, scalar_prefetch = 0 : i64, scratch_operands = 0 : i64, tpu.core_type = #tpu.core_type<tc>, window_params = [{transform_indices = @transform_0, window_bounds = array<i64: 1000, 128>}, {transform_indices = @transform_1, window_bounds = array<i64: 1000, 128>}, {transform_indices = @transform_2, window_bounds = array<i64: 1000, 128>}, {transform_indices = @transform_3, window_bounds = array<i64: 1000, 8>}, {pipeline_mode = #tpu.pipeline_mode<synchronous>, transform_indices = @transform_4, window_bounds = array<i64: 1, 128>}, {pipeline_mode = #tpu.pipeline_mode<synchronous>, transform_indices = @transform_5, window_bounds = array<i64: 1, 128>}, {pipeline_mode = #tpu.pipeline_mode<synchronous>, transform_indices = @transform_6, window_bounds = array<i64: 1, 128>}, {transform_indices = @transform_7, window_bounds = array<i64: 1000, 128>}]} {
    %get3A = arith.constant 0 : index
    %get3A_0 = arith.constant 0 : index
    %get3A_1 = vector.load %arg4[%get3A, %get3A_0] : memref<1000x8xf32, #tpu.memory_space<vmem>>, vector<1000x1xf32>
    %get3A_2 = arith.constant 0 : index
    %get3A_3 = arith.constant 0 : index
    %get3A_4 = vector.load %arg2[%get3A_2, %get3A_3] : memref<1000x128xf32, #tpu.memory_space<vmem>>, vector<1000x128xf32>
    %get3A_5 = arith.constant 0 : index
    %get3A_6 = arith.constant 0 : index
    %get3A_7 = vector.load %arg3[%get3A_5, %get3A_6] : memref<1000x128xf32, #tpu.memory_space<vmem>>, vector<1000x128xf32>
    %add3A = arith.addf %get3A_4, %get3A_7 : vector<1000x128xf32>
    %mul3A = vector.broadcast %get3A_1 : vector<1000x1xf32> to vector<1000x128xf32>
    %mul3A_8 = arith.mulf %add3A, %mul3A : vector<1000x128xf32>
    %get3A_9 = arith.constant 0 : index
    %get3A_10 = arith.constant 0 : index
    %get3A_11 = vector.load %arg5[%get3A_9, %get3A_10] : memref<1x128xf32, #tpu.memory_space<vmem>>, vector<1x128xf32>
    %add3A_12 = vector.broadcast %get3A_11 : vector<1x128xf32> to vector<1000x128xf32>
    %add3A_13 = arith.addf %mul3A_8, %add3A_12 : vector<1000x128xf32>
    %neg3A = arith.constant 0.000000e+00 : f32
    %neg3A_14 = vector.broadcast %neg3A : f32 to vector<1000x128xf32>
    %neg3A_15 = arith.subf %neg3A_14, %add3A_13 : vector<1000x128xf32>
    %exp3A = math.exp %neg3A_15 : vector<1000x128xf32>
    %add3A_16 = arith.constant 1.000000e+00 : f32
    %add3A_17 = vector.broadcast %add3A_16 : f32 to vector<1000x128xf32>
    %add3A_18 = arith.addf %add3A_17, %exp3A : vector<1000x128xf32>
    %div3A = arith.divf %add3A_13, %add3A_18 : vector<1000x128xf32>
    %reduce_sum3A = arith.constant dense<0.000000e+00> : vector<1000xf32>
    %reduce_sum3A_19 = vector.multi_reduction <add>, %div3A, %reduce_sum3A [1] : vector<1000x128xf32> to vector<1000xf32>
    %broadcast_in_dim3A = vector.shape_cast %reduce_sum3A_19 : vector<1000xf32> to vector<1000x1xf32>
    %div3A_20 = arith.constant 1.280000e+02 : f32
    %div3A_21 = vector.broadcast %div3A_20 : f32 to vector<1000x1xf32>
    %div3A_22 = arith.divf %broadcast_in_dim3A, %div3A_21 : vector<1000x1xf32>
    %sub3A = vector.broadcast %div3A_22 : vector<1000x1xf32> to vector<1000x128xf32>
    %sub3A_23 = arith.subf %div3A, %sub3A : vector<1000x128xf32>
    %integer_pow3A = arith.mulf %sub3A_23, %sub3A_23 : vector<1000x128xf32>
    %reduce_sum3A_24 = arith.constant dense<0.000000e+00> : vector<1000xf32>
    %reduce_sum3A_25 = vector.multi_reduction <add>, %integer_pow3A, %reduce_sum3A_24 [1] : vector<1000x128xf32> to vector<1000xf32>
    %broadcast_in_dim3A_26 = vector.shape_cast %reduce_sum3A_25 : vector<1000xf32> to vector<1000x1xf32>
    %div3A_27 = arith.constant 1.280000e+02 : f32
    %div3A_28 = vector.broadcast %div3A_27 : f32 to vector<1000x1xf32>
    %div3A_29 = arith.divf %broadcast_in_dim3A_26, %div3A_28 : vector<1000x1xf32>
    %sub3A_30 = vector.broadcast %div3A_22 : vector<1000x1xf32> to vector<1000x128xf32>
    %sub3A_31 = arith.subf %div3A, %sub3A_30 : vector<1000x128xf32>
    %add3A_32 = arith.constant 9.99999974E-6 : f32
    %add3A_33 = vector.broadcast %add3A_32 : f32 to vector<1000x1xf32>
    %add3A_34 = arith.addf %div3A_29, %add3A_33 : vector<1000x1xf32>
    %rsqrt3A = math.rsqrt %add3A_34 : vector<1000x1xf32>
    %mul3A_35 = vector.broadcast %rsqrt3A : vector<1000x1xf32> to vector<1000x128xf32>
    %mul3A_36 = arith.mulf %sub3A_31, %mul3A_35 : vector<1000x128xf32>
    %get3A_37 = arith.constant 0 : index
    %get3A_38 = arith.constant 0 : index
    %get3A_39 = vector.load %arg6[%get3A_37, %get3A_38] : memref<1x128xf32, #tpu.memory_space<vmem>>, vector<1x128xf32>
    %mul3A_40 = vector.broadcast %get3A_39 : vector<1x128xf32> to vector<1000x128xf32>
    %mul3A_41 = arith.mulf %mul3A_36, %mul3A_40 : vector<1000x128xf32>
    %get3A_42 = arith.constant 0 : index
    %get3A_43 = arith.constant 0 : index
    %get3A_44 = vector.load %arg7[%get3A_42, %get3A_43] : memref<1x128xf32, #tpu.memory_space<vmem>>, vector<1x128xf32>
    %add3A_45 = vector.broadcast %get3A_44 : vector<1x128xf32> to vector<1000x128xf32>
    %add3A_46 = arith.addf %mul3A_41, %add3A_45 : vector<1000x128xf32>
    %get3A_47 = arith.constant 0 : index
    %get3A_48 = arith.constant 0 : index
    %get3A_49 = vector.load %arg1[%get3A_47, %get3A_48] : memref<1000x128xf32, #tpu.memory_space<vmem>>, vector<1000x128xf32>
    %add3A_50 = arith.addf %get3A_49, %add3A_46 : vector<1000x128xf32>
    %swap3A = arith.constant 0 : index
    %swap3A_51 = arith.constant 0 : index
    %swap3A_52 = vector.load %arg8[%swap3A, %swap3A_51] : memref<1000x128xf32, #tpu.memory_space<vmem>>, vector<1000x128xf32>
    tpu.vector_store %arg8[%swap3A, %swap3A_51], %add3A_50 {strides = array<i32>} : memref<1000x128xf32, #tpu.memory_space<vmem>>, vector<1000x128xf32>,
    return
  }
  func.func @transform_0(%arg0: i32) -> (i32, i32) {
    %c0_i32 = arith.constant 0 : i32
    %c0_i32_0 = arith.constant 0 : i32
    return %arg0, %c0_i32 : i32, i32
  }
  func.func @transform_1(%arg0: i32) -> (i32, i32) {
    %c0_i32 = arith.constant 0 : i32
    %c0_i32_0 = arith.constant 0 : i32
    return %arg0, %c0_i32 : i32, i32
  }
  func.func @transform_2(%arg0: i32) -> (i32, i32) {
    %c0_i32 = arith.constant 0 : i32
    %c0_i32_0 = arith.constant 0 : i32
    return %arg0, %c0_i32 : i32, i32
  }
  func.func @transform_3(%arg0: i32) -> (i32, i32) {
    %c0_i32 = arith.constant 0 : i32
    %c0_i32_0 = arith.constant 0 : i32
    return %arg0, %c0_i32 : i32, i32
  }
  func.func @transform_4(%arg0: i32) -> (i32, i32) {
    %c0_i32 = arith.constant 0 : i32
    %c0_i32_0 = arith.constant 0 : i32
    %c0_i32_1 = arith.constant 0 : i32
    return %c0_i32, %c0_i32_0 : i32, i32
  }
  func.func @transform_5(%arg0: i32) -> (i32, i32) {
    %c0_i32 = arith.constant 0 : i32
    %c0_i32_0 = arith.constant 0 : i32
    %c0_i32_1 = arith.constant 0 : i32
    return %c0_i32, %c0_i32_0 : i32, i32
  }
  func.func @transform_6(%arg0: i32) -> (i32, i32) {
    %c0_i32 = arith.constant 0 : i32
    %c0_i32_0 = arith.constant 0 : i32
    %c0_i32_1 = arith.constant 0 : i32
    return %c0_i32, %c0_i32_0 : i32, i32
  }
  func.func @transform_7(%arg0: i32) -> (i32, i32) {
    %c0_i32 = arith.constant 0 : i32
    %c0_i32_0 = arith.constant 0 : i32
    return %arg0, %c0_i32 : i32, i32
  }
}

module attributes {stable_mosaic.version = 14 : i64} {
  func.func @_tc_pool_body(%arg0: i32, %arg1: memref<1000x128xf32, #tpu.memory_space<vmem>>, %arg2: memref<1x1x1000xi32, #tpu.memory_space<vmem>>, %arg3: memref<64x128xf32, #tpu.memory_space<vmem>>, %arg4: memref<64x128xf32, #tpu.memory_space<vmem>>, %arg5: memref<64x8xf32, #tpu.memory_space<vmem>>) attributes {dimension_semantics = [#tpu.dimension_semantics<arbitrary>], iteration_bounds = array<i64: 10>, scalar_prefetch = 0 : i64, scratch_operands = 2 : i64, tpu.core_type = #tpu.core_type<tc>, window_params = [{transform_indices = @transform_0, window_bounds = array<i64: 1000, 128>}, {transform_indices = @transform_1, window_bounds = array<i64: 1, 1, 1000>}, {pipeline_mode = #tpu.pipeline_mode<synchronous>, transform_indices = @transform_2, window_bounds = array<i64: 64, 128>}]} {
    %eq3A = arith.constant 0 : i32
    %eq3A_0 = arith.cmpi eq, %arg0, %eq3A : i32
    %convert_element_type3A = arith.extui %eq3A_0 : i1 to i32
    %cond3A = arith.constant 0 : i32
    %cond3A_1 = arith.cmpi ne, %convert_element_type3A, %cond3A : i32
    scf.if %cond3A_1 {
      %broadcast_in_dim3A_35 = arith.constant 0.000000e+00 : f32
      %broadcast_in_dim3A_36 = vector.broadcast %broadcast_in_dim3A_35 : f32 to vector<64x128xf32>
      %swap3A_37 = arith.constant 0 : index
      %swap3A_38 = arith.constant 0 : index
      %swap3A_39 = vector.load %arg4[%swap3A_37, %swap3A_38] : memref<64x128xf32, #tpu.memory_space<vmem>>, vector<64x128xf32>
      tpu.vector_store %arg4[%swap3A_37, %swap3A_38], %broadcast_in_dim3A_36 {strides = array<i32>} : memref<64x128xf32, #tpu.memory_space<vmem>>, vector<64x128xf32>,
      %broadcast_in_dim3A_40 = arith.constant 0.000000e+00 : f32
      %broadcast_in_dim3A_41 = vector.broadcast %broadcast_in_dim3A_40 : f32 to vector<64x8xf32>
      %swap3A_42 = arith.constant 0 : index
      %swap3A_43 = arith.constant 0 : index
      %swap3A_44 = vector.load %arg5[%swap3A_42, %swap3A_43] : memref<64x8xf32, #tpu.memory_space<vmem>>, vector<64x8xf32>
      tpu.vector_store %arg5[%swap3A_42, %swap3A_43], %broadcast_in_dim3A_41 {strides = array<i32>} : memref<64x8xf32, #tpu.memory_space<vmem>>, vector<64x8xf32>,
    } else {
    }
    %get3A = arith.constant 0 : index
    %get3A_2 = arith.constant 0 : index
    %get3A_3 = arith.constant 0 : index
    %get3A_4 = vector.load %arg2[%get3A, %get3A_2, %get3A_3] : memref<1x1x1000xi32, #tpu.memory_space<vmem>>, vector<1x1x1000xi32>
    %get3A_5 = vector.shape_cast %get3A_4 : vector<1x1x1000xi32> to vector<1000xi32>
    %broadcast_in_dim3A = vector.shape_cast %get3A_5 : vector<1000xi32> to vector<1000x1xi32>
    %iota3A = tpu.iota {dimensions = array<i32: 1>} : vector<1000x64xi32>
    %eq3A_6 = vector.broadcast %broadcast_in_dim3A : vector<1000x1xi32> to vector<1000x64xi32>
    %eq3A_7 = arith.cmpi eq, %eq3A_6, %iota3A : vector<1000x64xi32>
    %convert_element_type3A_8 = arith.extui %eq3A_7 : vector<1000x64xi1> to vector<1000x64xi32>
    %convert_element_type3A_9 = arith.sitofp %convert_element_type3A_8 : vector<1000x64xi32> to vector<1000x64xf32>
    %get3A_10 = arith.constant 0 : index
    %get3A_11 = arith.constant 0 : index
    %get3A_12 = vector.load %arg4[%get3A_10, %get3A_11] : memref<64x128xf32, #tpu.memory_space<vmem>>, vector<64x128xf32>
    %get3A_13 = arith.constant 0 : index
    %get3A_14 = arith.constant 0 : index
    %get3A_15 = vector.load %arg1[%get3A_13, %get3A_14] : memref<1000x128xf32, #tpu.memory_space<vmem>>, vector<1000x128xf32>
    %dot_general3A = arith.constant dense<0.000000e+00> : vector<64x128xf32>
    %dot_general3A_16 = tpu.matmul %convert_element_type3A_9, %get3A_15, %dot_general3A {dimension_numbers = #tpu.dot_dimension_numbers<[0], [0], [1], [1], [0, 1, 1, 1], [], []>, transpose_lhs_hint = false} : vector<1000x64xf32>, vector<1000x128xf32>, vector<64x128xf32> -> vector<64x128xf32>
    %add3A = arith.addf %get3A_12, %dot_general3A_16 : vector<64x128xf32>
    %swap3A = arith.constant 0 : index
    %swap3A_17 = arith.constant 0 : index
    %swap3A_18 = vector.load %arg4[%swap3A, %swap3A_17] : memref<64x128xf32, #tpu.memory_space<vmem>>, vector<64x128xf32>
    tpu.vector_store %arg4[%swap3A, %swap3A_17], %add3A {strides = array<i32>} : memref<64x128xf32, #tpu.memory_space<vmem>>, vector<64x128xf32>,
    %get3A_19 = arith.constant 0 : index
    %get3A_20 = arith.constant 0 : index
    %get3A_21 = vector.load %arg5[%get3A_19, %get3A_20] : memref<64x8xf32, #tpu.memory_space<vmem>>, vector<64x8xf32>
    %broadcast_in_dim3A_22 = arith.constant 1.000000e+00 : f32
    %broadcast_in_dim3A_23 = vector.broadcast %broadcast_in_dim3A_22 : f32 to vector<1000x8xf32>
    %dot_general3A_24 = arith.constant dense<0.000000e+00> : vector<64x8xf32>
    %dot_general3A_25 = tpu.matmul %convert_element_type3A_9, %broadcast_in_dim3A_23, %dot_general3A_24 {dimension_numbers = #tpu.dot_dimension_numbers<[0], [0], [1], [1], [0, 1, 1, 1], [], []>, transpose_lhs_hint = false} : vector<1000x64xf32>, vector<1000x8xf32>, vector<64x8xf32> -> vector<64x8xf32>
    %add3A_26 = arith.addf %get3A_21, %dot_general3A_25 : vector<64x8xf32>
    %swap3A_27 = arith.constant 0 : index
    %swap3A_28 = arith.constant 0 : index
    %swap3A_29 = vector.load %arg5[%swap3A_27, %swap3A_28] : memref<64x8xf32, #tpu.memory_space<vmem>>, vector<64x8xf32>
    tpu.vector_store %arg5[%swap3A_27, %swap3A_28], %add3A_26 {strides = array<i32>} : memref<64x8xf32, #tpu.memory_space<vmem>>, vector<64x8xf32>,
    %eq3A_30 = arith.constant 9 : i32
    %eq3A_31 = arith.cmpi eq, %arg0, %eq3A_30 : i32
    %convert_element_type3A_32 = arith.extui %eq3A_31 : i1 to i32
    %cond3A_33 = arith.constant 0 : i32
    %cond3A_34 = arith.cmpi ne, %convert_element_type3A_32, %cond3A_33 : i32
    scf.if %cond3A_34 {
      %get3A_35 = arith.constant 0 : index
      %get3A_36 = arith.constant 0 : index
      %get3A_37 = vector.load %arg4[%get3A_35, %get3A_36] : memref<64x128xf32, #tpu.memory_space<vmem>>, vector<64x128xf32>
      %get3A_38 = arith.constant 0 : index
      %get3A_39 = arith.constant 0 : index
      %get3A_40 = vector.load %arg5[%get3A_38, %get3A_39] : memref<64x8xf32, #tpu.memory_space<vmem>>, vector<64x8xf32>
      %slice3A = vector.extract_strided_slice %get3A_40 {offsets = [0, 0], sizes = [64, 1], strides = [1, 1]} : vector<64x8xf32> to vector<64x1xf32>
      %max3A = arith.constant 1.000000e+00 : f32
      %max3A_41 = vector.broadcast %max3A : f32 to vector<64x1xf32>
      %max3A_42 = arith.maximumf %slice3A, %max3A_41 : vector<64x1xf32>
      %div3A = vector.broadcast %max3A_42 : vector<64x1xf32> to vector<64x128xf32>
      %div3A_43 = arith.divf %get3A_37, %div3A : vector<64x128xf32>
      %swap3A_44 = arith.constant 0 : index
      %swap3A_45 = arith.constant 0 : index
      %swap3A_46 = vector.load %arg3[%swap3A_44, %swap3A_45] : memref<64x128xf32, #tpu.memory_space<vmem>>, vector<64x128xf32>
      tpu.vector_store %arg3[%swap3A_44, %swap3A_45], %div3A_43 {strides = array<i32>} : memref<64x128xf32, #tpu.memory_space<vmem>>, vector<64x128xf32>,
    } else {
    }
    return
  }
  func.func @transform_0(%arg0: i32) -> (i32, i32) {
    %c0_i32 = arith.constant 0 : i32
    %c0_i32_0 = arith.constant 0 : i32
    return %arg0, %c0_i32 : i32, i32
  }
  func.func @transform_1(%arg0: i32) -> (i32, i32, i32) {
    %c0_i32 = arith.constant 0 : i32
    %c0_i32_0 = arith.constant 0 : i32
    %c0_i32_1 = arith.constant 0 : i32
    return %arg0, %c0_i32, %c0_i32_0 : i32, i32, i32
  }
  func.func @transform_2(%arg0: i32) -> (i32, i32) {
    %c0_i32 = arith.constant 0 : i32
    %c0_i32_0 = arith.constant 0 : i32
    %c0_i32_1 = arith.constant 0 : i32
    return %c0_i32, %c0_i32_0 : i32, i32
  }
}

module attributes {stable_mosaic.version = 14 : i64} {
  func.func @_tc_head_body(%arg0: i32, %arg1: memref<1000x128xf32, #tpu.memory_space<vmem>>, %arg2: memref<1x1x1000xi32, #tpu.memory_space<vmem>>, %arg3: memref<64x128xf32, #tpu.memory_space<vmem>>, %arg4: memref<128x128xf32, #tpu.memory_space<vmem>>, %arg5: memref<1x128xf32, #tpu.memory_space<vmem>>, %arg6: memref<128x128xf32, #tpu.memory_space<vmem>>, %arg7: memref<1x128xf32, #tpu.memory_space<vmem>>, %arg8: memref<128x128xf32, #tpu.memory_space<vmem>>, %arg9: memref<128x128xf32, #tpu.memory_space<vmem>>, %arg10: memref<1x128xf32, #tpu.memory_space<vmem>>, %arg11: memref<1x128xf32, #tpu.memory_space<vmem>>, %arg12: memref<1x1xf32, #tpu.memory_space<vmem>>, %arg13: memref<1000x1xf32, #tpu.memory_space<vmem>>) attributes {dimension_semantics = [#tpu.dimension_semantics<arbitrary>], iteration_bounds = array<i64: 10>, scalar_prefetch = 0 : i64, scratch_operands = 0 : i64, tpu.core_type = #tpu.core_type<tc>, window_params = [{transform_indices = @transform_0, window_bounds = array<i64: 1000, 128>}, {transform_indices = @transform_1, window_bounds = array<i64: 1, 1, 1000>}, {pipeline_mode = #tpu.pipeline_mode<synchronous>, transform_indices = @transform_2, window_bounds = array<i64: 64, 128>}, {pipeline_mode = #tpu.pipeline_mode<synchronous>, transform_indices = @transform_3, window_bounds = array<i64: 128, 128>}, {pipeline_mode = #tpu.pipeline_mode<synchronous>, transform_indices = @transform_4, window_bounds = array<i64: 1, 128>}, {pipeline_mode = #tpu.pipeline_mode<synchronous>, transform_indices = @transform_5, window_bounds = array<i64: 128, 128>}, {pipeline_mode = #tpu.pipeline_mode<synchronous>, transform_indices = @transform_6, window_bounds = array<i64: 1, 128>}, {pipeline_mode = #tpu.pipeline_mode<synchronous>, transform_indices = @transform_7, window_bounds = array<i64: 128, 128>}, {pipeline_mode = #tpu.pipeline_mode<synchronous>, transform_indices = @transform_8, window_bounds = array<i64: 128, 128>}, {pipeline_mode = #tpu.pipeline_mode<synchronous>, transform_indices = @transform_9, window_bounds = array<i64: 1, 128>}, {pipeline_mode = #tpu.pipeline_mode<synchronous>, transform_indices = @transform_10, window_bounds = array<i64: 1, 128>}, {pipeline_mode = #tpu.pipeline_mode<synchronous>, transform_indices = @transform_11, window_bounds = array<i64: 1, 1>}, {transform_indices = @transform_12, window_bounds = array<i64: 1000, 1>}]} {
    %get3A = arith.constant 0 : index
    %get3A_0 = arith.constant 0 : index
    %get3A_1 = vector.load %arg1[%get3A, %get3A_0] : memref<1000x128xf32, #tpu.memory_space<vmem>>, vector<1000x128xf32>
    %get3A_2 = arith.constant 0 : index
    %get3A_3 = arith.constant 0 : index
    %get3A_4 = vector.load %arg4[%get3A_2, %get3A_3] : memref<128x128xf32, #tpu.memory_space<vmem>>, vector<128x128xf32>
    %dot_general3A = arith.constant dense<0.000000e+00> : vector<1000x128xf32>
    %dot_general3A_5 = tpu.matmul %get3A_1, %get3A_4, %dot_general3A {dimension_numbers = #tpu.dot_dimension_numbers<[1], [1], [0], [0], [0, 0, 1, 0], [], []>, transpose_lhs_hint = false} : vector<1000x128xf32>, vector<128x128xf32>, vector<1000x128xf32> -> vector<1000x128xf32>
    %get3A_6 = arith.constant 0 : index
    %get3A_7 = arith.constant 0 : index
    %get3A_8 = vector.load %arg5[%get3A_6, %get3A_7] : memref<1x128xf32, #tpu.memory_space<vmem>>, vector<1x128xf32>
    %add3A = vector.broadcast %get3A_8 : vector<1x128xf32> to vector<1000x128xf32>
    %add3A_9 = arith.addf %dot_general3A_5, %add3A : vector<1000x128xf32>
    %neg3A = arith.constant 0.000000e+00 : f32
    %neg3A_10 = vector.broadcast %neg3A : f32 to vector<1000x128xf32>
    %neg3A_11 = arith.subf %neg3A_10, %add3A_9 : vector<1000x128xf32>
    %exp3A = math.exp %neg3A_11 : vector<1000x128xf32>
    %add3A_12 = arith.constant 1.000000e+00 : f32
    %add3A_13 = vector.broadcast %add3A_12 : f32 to vector<1000x128xf32>
    %add3A_14 = arith.addf %add3A_13, %exp3A : vector<1000x128xf32>
    %div3A = arith.divf %add3A_9, %add3A_14 : vector<1000x128xf32>
    %get3A_15 = arith.constant 0 : index
    %get3A_16 = arith.constant 0 : index
    %get3A_17 = vector.load %arg6[%get3A_15, %get3A_16] : memref<128x128xf32, #tpu.memory_space<vmem>>, vector<128x128xf32>
    %dot_general3A_18 = arith.constant dense<0.000000e+00> : vector<1000x128xf32>
    %dot_general3A_19 = tpu.matmul %div3A, %get3A_17, %dot_general3A_18 {dimension_numbers = #tpu.dot_dimension_numbers<[1], [1], [0], [0], [0, 0, 1, 0], [], []>, transpose_lhs_hint = false} : vector<1000x128xf32>, vector<128x128xf32>, vector<1000x128xf32> -> vector<1000x128xf32>
    %get3A_20 = arith.constant 0 : index
    %get3A_21 = arith.constant 0 : index
    %get3A_22 = vector.load %arg7[%get3A_20, %get3A_21] : memref<1x128xf32, #tpu.memory_space<vmem>>, vector<1x128xf32>
    %add3A_23 = vector.broadcast %get3A_22 : vector<1x128xf32> to vector<1000x128xf32>
    %add3A_24 = arith.addf %dot_general3A_19, %add3A_23 : vector<1000x128xf32>
    %add3A_25 = arith.addf %get3A_1, %add3A_24 : vector<1000x128xf32>
    %get3A_26 = arith.constant 0 : index
    %get3A_27 = arith.constant 0 : index
    %get3A_28 = arith.constant 0 : index
    %get3A_29 = vector.load %arg2[%get3A_26, %get3A_27, %get3A_28] : memref<1x1x1000xi32, #tpu.memory_space<vmem>>, vector<1x1x1000xi32>
    %get3A_30 = vector.shape_cast %get3A_29 : vector<1x1x1000xi32> to vector<1000xi32>
    %broadcast_in_dim3A = vector.shape_cast %get3A_30 : vector<1000xi32> to vector<1000x1xi32>
    %iota3A = tpu.iota {dimensions = array<i32: 1>} : vector<1000x64xi32>
    %eq3A = vector.broadcast %broadcast_in_dim3A : vector<1000x1xi32> to vector<1000x64xi32>
    %eq3A_31 = arith.cmpi eq, %eq3A, %iota3A : vector<1000x64xi32>
    %convert_element_type3A = arith.extui %eq3A_31 : vector<1000x64xi1> to vector<1000x64xi32>
    %convert_element_type3A_32 = arith.sitofp %convert_element_type3A : vector<1000x64xi32> to vector<1000x64xf32>
    %get3A_33 = arith.constant 0 : index
    %get3A_34 = arith.constant 0 : index
    %get3A_35 = vector.load %arg3[%get3A_33, %get3A_34] : memref<64x128xf32, #tpu.memory_space<vmem>>, vector<64x128xf32>
    %dot_general3A_36 = arith.constant dense<0.000000e+00> : vector<1000x128xf32>
    %dot_general3A_37 = tpu.matmul %convert_element_type3A_32, %get3A_35, %dot_general3A_36 {dimension_numbers = #tpu.dot_dimension_numbers<[1], [0], [0], [1], [0, 0, 1, 1], [], []>, transpose_lhs_hint = false} : vector<1000x64xf32>, vector<64x128xf32>, vector<1000x128xf32> -> vector<1000x128xf32>
    %get3A_38 = arith.constant 0 : index
    %get3A_39 = arith.constant 0 : index
    %get3A_40 = vector.load %arg8[%get3A_38, %get3A_39] : memref<128x128xf32, #tpu.memory_space<vmem>>, vector<128x128xf32>
    %dot_general3A_41 = arith.constant dense<0.000000e+00> : vector<1000x128xf32>
    %dot_general3A_42 = tpu.matmul %add3A_25, %get3A_40, %dot_general3A_41 {dimension_numbers = #tpu.dot_dimension_numbers<[1], [1], [0], [0], [0, 0, 1, 0], [], []>, transpose_lhs_hint = false} : vector<1000x128xf32>, vector<128x128xf32>, vector<1000x128xf32> -> vector<1000x128xf32>
    %get3A_43 = arith.constant 0 : index
    %get3A_44 = arith.constant 0 : index
    %get3A_45 = vector.load %arg9[%get3A_43, %get3A_44] : memref<128x128xf32, #tpu.memory_space<vmem>>, vector<128x128xf32>
    %dot_general3A_46 = arith.constant dense<0.000000e+00> : vector<1000x128xf32>
    %dot_general3A_47 = tpu.matmul %dot_general3A_37, %get3A_45, %dot_general3A_46 {dimension_numbers = #tpu.dot_dimension_numbers<[1], [1], [0], [0], [0, 0, 1, 0], [], []>, transpose_lhs_hint = false} : vector<1000x128xf32>, vector<128x128xf32>, vector<1000x128xf32> -> vector<1000x128xf32>
    %add3A_48 = arith.addf %dot_general3A_42, %dot_general3A_47 : vector<1000x128xf32>
    %get3A_49 = arith.constant 0 : index
    %get3A_50 = arith.constant 0 : index
    %get3A_51 = vector.load %arg10[%get3A_49, %get3A_50] : memref<1x128xf32, #tpu.memory_space<vmem>>, vector<1x128xf32>
    %add3A_52 = vector.broadcast %get3A_51 : vector<1x128xf32> to vector<1000x128xf32>
    %add3A_53 = arith.addf %add3A_48, %add3A_52 : vector<1000x128xf32>
    %neg3A_54 = arith.constant 0.000000e+00 : f32
    %neg3A_55 = vector.broadcast %neg3A_54 : f32 to vector<1000x128xf32>
    %neg3A_56 = arith.subf %neg3A_55, %add3A_53 : vector<1000x128xf32>
    %exp3A_57 = math.exp %neg3A_56 : vector<1000x128xf32>
    %add3A_58 = arith.constant 1.000000e+00 : f32
    %add3A_59 = vector.broadcast %add3A_58 : f32 to vector<1000x128xf32>
    %add3A_60 = arith.addf %add3A_59, %exp3A_57 : vector<1000x128xf32>
    %div3A_61 = arith.divf %add3A_53, %add3A_60 : vector<1000x128xf32>
    %get3A_62 = arith.constant 0 : index
    %get3A_63 = arith.constant 0 : index
    %get3A_64 = vector.load %arg11[%get3A_62, %get3A_63] : memref<1x128xf32, #tpu.memory_space<vmem>>, vector<1x128xf32>
    %mul3A = vector.broadcast %get3A_64 : vector<1x128xf32> to vector<1000x128xf32>
    %mul3A_65 = arith.mulf %div3A_61, %mul3A : vector<1000x128xf32>
    %reduce_sum3A = arith.constant dense<0.000000e+00> : vector<1000xf32>
    %reduce_sum3A_66 = vector.multi_reduction <add>, %mul3A_65, %reduce_sum3A [1] : vector<1000x128xf32> to vector<1000xf32>
    %broadcast_in_dim3A_67 = vector.shape_cast %reduce_sum3A_66 : vector<1000xf32> to vector<1000x1xf32>
    %get3A_68 = arith.constant 0 : index
    %get3A_69 = arith.constant 0 : index
    %get3A_70 = vector.load %arg12[%get3A_68, %get3A_69] : memref<1x1xf32, #tpu.memory_space<vmem>>, vector<1x1xf32>
    %get3A_71 = vector.extract %get3A_70[0, 0] : f32 from vector<1x1xf32>
    %add3A_72 = vector.broadcast %get3A_71 : f32 to vector<1000x1xf32>
    %add3A_73 = arith.addf %broadcast_in_dim3A_67, %add3A_72 : vector<1000x1xf32>
    %swap3A = arith.constant 0 : index
    %swap3A_74 = arith.constant 0 : index
    %swap3A_75 = vector.load %arg13[%swap3A, %swap3A_74] : memref<1000x1xf32, #tpu.memory_space<vmem>>, vector<1000x1xf32>
    tpu.vector_store %arg13[%swap3A, %swap3A_74], %add3A_73 {strides = array<i32>} : memref<1000x1xf32, #tpu.memory_space<vmem>>, vector<1000x1xf32>,
    return
  }
  func.func @transform_0(%arg0: i32) -> (i32, i32) {
    %c0_i32 = arith.constant 0 : i32
    %c0_i32_0 = arith.constant 0 : i32
    return %arg0, %c0_i32 : i32, i32
  }
  func.func @transform_1(%arg0: i32) -> (i32, i32, i32) {
    %c0_i32 = arith.constant 0 : i32
    %c0_i32_0 = arith.constant 0 : i32
    %c0_i32_1 = arith.constant 0 : i32
    return %arg0, %c0_i32, %c0_i32_0 : i32, i32, i32
  }
  func.func @transform_2(%arg0: i32) -> (i32, i32) {
    %c0_i32 = arith.constant 0 : i32
    %c0_i32_0 = arith.constant 0 : i32
    %c0_i32_1 = arith.constant 0 : i32
    return %c0_i32, %c0_i32_0 : i32, i32
  }
  func.func @transform_3(%arg0: i32) -> (i32, i32) {
    %c0_i32 = arith.constant 0 : i32
    %c0_i32_0 = arith.constant 0 : i32
    %c0_i32_1 = arith.constant 0 : i32
    return %c0_i32, %c0_i32_0 : i32, i32
  }
  func.func @transform_4(%arg0: i32) -> (i32, i32) {
    %c0_i32 = arith.constant 0 : i32
    %c0_i32_0 = arith.constant 0 : i32
    %c0_i32_1 = arith.constant 0 : i32
    return %c0_i32, %c0_i32_0 : i32, i32
  }
  func.func @transform_5(%arg0: i32) -> (i32, i32) {
    %c0_i32 = arith.constant 0 : i32
    %c0_i32_0 = arith.constant 0 : i32
    %c0_i32_1 = arith.constant 0 : i32
    return %c0_i32, %c0_i32_0 : i32, i32
  }
  func.func @transform_6(%arg0: i32) -> (i32, i32) {
    %c0_i32 = arith.constant 0 : i32
    %c0_i32_0 = arith.constant 0 : i32
    %c0_i32_1 = arith.constant 0 : i32
    return %c0_i32, %c0_i32_0 : i32, i32
  }
  func.func @transform_7(%arg0: i32) -> (i32, i32) {
    %c0_i32 = arith.constant 0 : i32
    %c0_i32_0 = arith.constant 0 : i32
    %c0_i32_1 = arith.constant 0 : i32
    return %c0_i32, %c0_i32_0 : i32, i32
  }
  func.func @transform_8(%arg0: i32) -> (i32, i32) {
    %c0_i32 = arith.constant 0 : i32
    %c0_i32_0 = arith.constant 0 : i32
    %c0_i32_1 = arith.constant 0 : i32
    return %c0_i32, %c0_i32_0 : i32, i32
  }
  func.func @transform_9(%arg0: i32) -> (i32, i32) {
    %c0_i32 = arith.constant 0 : i32
    %c0_i32_0 = arith.constant 0 : i32
    %c0_i32_1 = arith.constant 0 : i32
    return %c0_i32, %c0_i32_0 : i32, i32
  }
  func.func @transform_10(%arg0: i32) -> (i32, i32) {
    %c0_i32 = arith.constant 0 : i32
    %c0_i32_0 = arith.constant 0 : i32
    %c0_i32_1 = arith.constant 0 : i32
    return %c0_i32, %c0_i32_0 : i32, i32
  }
  func.func @transform_11(%arg0: i32) -> (i32, i32) {
    %c0_i32 = arith.constant 0 : i32
    %c0_i32_0 = arith.constant 0 : i32
    %c0_i32_1 = arith.constant 0 : i32
    return %c0_i32, %c0_i32_0 : i32, i32
  }
  func.func @transform_12(%arg0: i32) -> (i32, i32) {
    %c0_i32 = arith.constant 0 : i32
    %c0_i32_0 = arith.constant 0 : i32
    return %arg0, %c0_i32 : i32, i32
  }
}

</mosaic_0001>

<sc_bundles>
// kernel: kernel.13.cloned.1.call-start
scs
__scs_entry_jumppad:
0x0: {  	(pc) =	sbr.rel $0x88, $3  }
0x1: {  	(tag) =	ssettag $0x0;
	lr =	simm.s32 $0x1  }
0x2: {  	[smem:$0x3F90] =	sst lr;
	_ =	strace $0xD0000000  }
0x3: {  	_ = 	snop  }
0x4: {  	_ = 	snop  }
0x5: {  	_ = 	snop  }
0x6: {  	_ = 	snop  }
0x7: {  	_ = 	snop  }
__scs_overlays_trampoline_lowered:
0x8: {  	[smem:$0x3F9F] =	sst s0  }
0x9: {  	[smem:$0x3FA0] =	sst s1  }
0xa: {  	[smem:$0x3FA1] =	sst s2  }
0xb: {  	[smem:$0x3FA2] =	sst s3  }
0xc: {  	[smem:$0x3FA3] =	sst s4  }
0xd: {  	[smem:$0x3FA4] =	sst s5  }
0xe: {  	[smem:$0x3FA5] =	sst s6  }
0xf: {  	[smem:$0x3FA6] =	sst s7  }
0x10: {  	[smem:$0x3FA7] =	sst s8  }
0x11: {  	[smem:$0x3FA8] =	sst s9;
	s0 =	simm.s32 @!p0 $0x0  }
0x12: {  	s1 =	sld [smem:$0x3F8E];
	s0 =	simm.s32 @p0 $0x1  }
0x13: {  	[smem:$0x3FA9] =	sst s0;
	s0 =	simm.s32 @!p1 $0x0  }
0x14: {  	s2 =	sld [smem:$0x3F8D];
	s0 =	simm.s32 @p1 $0x1  }
0x15: {  	[smem:$0x3FAA] =	sst s0;
	s0 =	simm.s32 @!p2 $0x0  }
0x16: {  	s3 =	sld [smem:$0x3FDB];
	s0 =	simm.s32 @p2 $0x1  }
0x17: {  	s4 =	simm.s32 $0x1BF5;
	[smem:$0x3FAC] =	sst s0  }
0x18: {  	s0 =	sld [smem:$0x3F8F];
	_ =	swait.ge [sflag:s4], $0x0  }
0x19: {  	s7 =	sld [smem:$0x3F90]  }
0x1a: {  	s8 =	sadd.s32 $0xFFFFE003, lr  }
0x1b: {  	s9 =	sadd.s32 $0xFFFFFEF7, lr;
	s5 =	simm.s32 $0xFFFFFFFF;
	p2 =	slt.u32 s8, $0xFFFFF086  }
0x1c: {  	p1 =	slt.u32 s9, $0xF7A;
	s5 =	simm.s32 @!p2 $0x0  }
0x1d: {  	s5 =	simm.s32 @p1 $0x1;
	p0 =	seq.s32 s7, s2  }
0x1e: {  	s7 =	smul.u32 @!p0 $0xF7A, s2;
	p2 =	seq.s32 @!p0 s5, $0x0  }
0x1f: {  	s9 =	smul.u32 $0xF7A, s1;
	s8 =	simm.s32 @!p0 $0x1BF5;
	p2 =	por !p2, p0  }
0x20: {  	[sflag:s8] =	ssyncset.s32 @!p0 $0xFFFFF086;
	s6 =	sadd.s32 @!p0 s3, s7;
	s7 =	simm.s32 @!p0 $0x108  }
0x21: {  	s3 =	sadd.s32 s3, s9;
	s6 =	sadd.s32 @!p0 $0x88, s6;
	s7 =	simm.s32 @p2 $0x1082  }
0x22: {  	[simem:s7], [sflag:s8] =	dma.local @!p0 [hbm:s6], $0xF7A  }
0x23: {  	s9 =	sor.u32 $0xD0000000, s2;
	s6 =	simm.s32 $0x108;
	_ =	swait.ge @!p0 [sflag:s8], $0x0  }
0x24: {  	s3 =	sadd.s32 $0x88, s3;
	s6 =	simm.s32 @!p1 $0x1082;
	[sflag:s4] =	ssyncset.s32 $0xFFFFF086  }
0x25: {  	[simem:s6], [sflag:s4] =	dma.local [hbm:s3], $0xF7A  }
0x26: {  	[smem:$0x3F90] =	sst s1;
	(tag) =	ssettag s2;
	_ =	strace s9  }
0x27: {  	s1 =	sld [smem:$0x3FA0]  }
0x28: {  	s2 =	sld [smem:$0x3FA1]  }
0x29: {  	s4 =	sld [smem:$0x3FA3]  }
0x2a: {  	p0 =	seq.s32 s5, $0x0;
	s5 =	sld [smem:$0x3FA4]  }
0x2b: {  	s6 =	sld [smem:$0x3FA5]  }
0x2c: {  	s7 =	sld [smem:$0x3FA6]  }
0x2d: {  	s3 =	simm.s32 $0x108;
	s8 =	sld [smem:$0x3FA7]  }
0x2e: {  	s3 =	simm.s32 @!p0 $0x1082;
	s9 =	sld [smem:$0x3FA8]  }
0x2f: {  	lr =	sadd.s32 s0, s3;
	s0 =	sld [smem:$0x3F9F]  }
0x30: {  	s3 =	sld [smem:$0x3FA2]  }
0x31: {  	[smem:$0x3FAB] =	sst s10  }
0x32: {  	s10 =	sld [smem:$0x3FA9];
	_ =	sdelay $0x3  }
0x33: {  	p0 =	seq.s32 s10, $0x1;
	s10 =	sld [smem:$0x3FAB];
	_ =	sdelay $0x3  }
0x34: {  	[smem:$0x3FAB] =	sst s10  }
0x35: {  	s10 =	sld [smem:$0x3FAA];
	_ =	sdelay $0x3  }
0x36: {  	p1 =	seq.s32 s10, $0x1;
	s10 =	sld [smem:$0x3FAB];
	_ =	sdelay $0x3  }
0x37: {  	[smem:$0x3FAB] =	sst s10  }
0x38: {  	s10 =	sld [smem:$0x3FAC]  }
0x39: {  	_ = 	snop;
	(pc) =	sbr.ind lr, $3  }
0x3a: {  	_ = 	snop  }
0x3b: {  	_ = 	snop  }
0x3c: {  	p2 =	seq.s32 s10, $0x1;
	s10 =	sld [smem:$0x3FAB]  }
0x3d: {  	_ =	shalt  }
0x3e: {  	_ =	shalt  }
0x3f: {  	_ =	shalt  }
0x40: {  	_ =	shalt  }
0x41: {  	_ =	shalt  }
0x42: {  	_ =	shalt  }
0x43: {  	_ =	shalt  }
0x44: {  	_ =	shalt  }
0x45: {  	_ =	shalt  }
0x46: {  	_ =	shalt  }
0x47: {  	_ =	shalt  }
0x48: {  	_ =	shalt  }
0x49: {  	_ =	shalt  }
0x4a: {  	_ =	shalt  }
0x4b: {  	_ =	shalt  }
0x4c: {  	_ =	shalt  }
0x4d: {  	_ =	shalt  }
0x4e: {  	_ =	shalt  }
0x4f: {  	_ =	shalt  }
0x50: {  	_ =	shalt  }
0x51: {  	_ =	shalt  }
0x52: {  	_ =	shalt  }
0x53: {  	_ =	shalt  }
0x54: {  	_ =	shalt  }
0x55: {  	_ =	shalt  }
0x56: {  	_ =	shalt  }
0x57: {  	_ =	shalt  }
0x58: {  	_ =	shalt  }
0x59: {  	_ =	shalt  }
0x5a: {  	_ =	shalt  }
0x5b: {  	_ =	shalt  }
0x5c: {  	_ =	shalt  }
0x5d: {  	_ =	shalt  }
0x5e: {  	_ =	shalt  }
0x5f: {  	_ =	shalt  }
0x60: {  	_ =	shalt  }
0x61: {  	_ =	shalt  }
0x62: {  	_ =	shalt  }
0x63: {  	_ =	shalt  }
0x64: {  	_ =	shalt  }
0x65: {  	_ =	shalt  }
0x66: {  	_ =	shalt  }
0x67: {  	_ =	shalt  }
0x68: {  	_ =	shalt  }
0x69: {  	_ =	shalt  }
0x6a: {  	_ =	shalt  }
0x6b: {  	_ =	shalt  }
0x6c: {  	_ =	shalt  }
0x6d: {  	_ =	shalt  }
0x6e: {  	_ =	shalt  }
0x6f: {  	_ =	shalt  }
0x70: {  	_ =	shalt  }
0x71: {  	_ =	shalt  }
0x72: {  	_ =	shalt  }
0x73: {  	_ =	shalt  }
0x74: {  	_ =	shalt  }
0x75: {  	_ =	shalt  }
0x76: {  	_ =	shalt  }
0x77: {  	_ =	shalt  }
0x78: {  	_ =	shalt  }
0x79: {  	_ =	shalt  }
0x7a: {  	_ =	shalt  }
0x7b: {  	_ =	shalt  }
0x7c: {  	_ =	shalt  }
0x7d: {  	_ =	shalt  }
0x7e: {  	_ =	shalt  }
0x7f: {  	_ =	shalt  }
0x80: {  	_ =	shalt  }
0x81: {  	_ =	shalt  }
0x82: {  	_ =	shalt  }
0x83: {  	_ =	shalt  }
0x84: {  	_ =	shalt  }
0x85: {  	_ =	shalt  }
0x86: {  	_ =	shalt  }
0x87: {  	_ =	shalt  }
.Lfunc_end0:
.L_simem_size_0:
called_computation_lowered:
.L_overlay_start_0:
0x88: {  	s2 =	sld [smem:$0x3FD9]  }
0x89: {  	s3 =	sld [smem:$0x3FFE];
	_ =	sdelay $0x1  }
0x8a: {  	s1 =	srdreg.scid  }
0x8b: {  	s0 =	sand.u32 $0x1, s1  }
0x8c: {  	s17 =	sshll.u32 s0, $0xA;
	s2 =	sadd.s32 s3, s2  }
0x8d: {  	s2 =	sadd.s32 s2, s17  }
0x8e: {  	[smem:$0x3FB7] =	sst s2  }
0x8f: {  	_ = 	snop  }
0x90: {  	s2 =	sld [smem:$0x3FD0];
	(tm) =	ssettm $0x1  }
0x91: {  	s18 =	sld [smem:$0x3FFB];
	_ =	sdelay $0x3  }
0x92: {  	_ =	strace s18  }
0x93: {  	s3 =	sld [smem:$0x3FFC];
	_ =	sdelay $0x3  }
0x94: {  	_ =	strace s3  }
0x95: {  	s3 =	sld [smem:$0x3FFD];
	_ =	sdelay $0x3  }
0x96: {  	_ =	strace s3  }
0x97: {  	_ =	strace $0x8FFFFFFF  }
0x98: {  	s19 =	sld [smem:$0x3FDB];
	_ =	sdelay $0x1  }
0x99: {  	s4 =	simm.s32 $_scs_section_size  }
0x9a: {  	s5 =	simm.s32 $_size__tile_overlayer_lowered;
	s6 =	simm.s32 $_tile_overlayer_lowered  }
0x9b: {  	s22 =	simm.s32 $0x1BFF;
	s21 =	sshll.u32 s6, $0x1;
	s3 =	sadd.s32 s4, s19  }
0x9c: {  	s7 =	simm.s32 $0x0;
	s20 =	sshll.u32 s5, $0x1;
	s5 =	sadd.s32 s21, s3  }
0x9d: {  	[timem:s7], [sflag:s22] =	dma.local [hbm:s5], s20  }
0x9e: {  	_ =	swait.ge [sflag:s22], s20  }
0x9f: {  	s4 =	ssub.s32 $0x0, s20;
	[sflag:s22] =	ssyncset.done $0x0  }
0xa0: {  	[sflag:s22] =	ssyncadd.s32 s4;
	_ =	sdelay $0x1  }
0xa1: {  	s23 =	simm.s32 $0x1B8B  }
0xa2: {  	_ =	swait.ge [sflag:s23], $0x1  }
0xa3: {  	[sflag:s23] =	ssyncset.done $0x0  }
0xa4: {  	s25 =	simm.s32 $0x1B8E;
	s24 =	sld [smem:$0x3FFE];
	[sflag:s23] =	ssyncadd.s32 $0xFFFFFFFF  }
0xa5: {  	s26 =	simm.s32 $execute0_lowered;
	[smem:$0x3FD2] =	sst s25  }
0xa6: {  	s5 =	sshll.u32 s26, $0x1;
	_ =	strace $0x80000046;
	[dreg:$0x1] =	wrdreg $0xFFFFFFFF  }
0xa7: {  	s28 =	simm.s32 $_size_execute0_lowered;
	s3 =	sadd.s32 s3, s5;
	[dreg:$0x0] =	wrdreg $0x0  }
0xa8: {  	s5 =	sshll.u32 s28, $0x1;
	[dreg:$0x2] =	wrdreg s3  }
0xa9: {  	[dreg:$0x3] =	wrdreg s5  }
0xaa: {  	[dreg:$0x4] =	wrdreg $0xC0  }
0xab: {  	_ =	task [dreg:s7], $0x5FFFF  }
0xac: {  	[dreg:$0x1] =	wrdreg $0xFFFFFFFF  }
0xad: {  	[dreg:$0x0] =	wrdreg $0x60  }
0xae: {  	[dreg:$0x2] =	wrdreg s24  }
0xaf: {  	[dreg:$0x3] =	wrdreg s2  }
0xb0: {  	[dreg:$0x4] =	wrdreg $0x90000  }
0xb1: {  	[dreg:$0x5] =	wrdreg $0x9  }
0xb2: {  	_ =	task.clear_ibuf [dreg:s7], $0x6FFFF;
	_ =	strace $0x90000046  }
0xb3: {  	s29 =	simm.s32 $0x9;
	_ =	strace $0x80000048  }
0xb4: {  	_ =	swait.ge [sflag:s29], $0x1  }
0xb5: {  	[sflag:s29] =	ssyncadd.s32 $0xFFFFFFFF  }
0xb6: {  	_ =	strace $0x90000048  }
0xb7: {  	_ =	sfence  }
0xb8: {  	s30 =	sld [smem:$0x0];
	_ =	sdelay $0x2  }
0xb9: {  	s31 =	sshll.u32 s1, $0xD;
	s1 =	sshrl.u32 s1, $0x2  }
0xba: {  	s3 =	sand.u32 $0x4000, s31;
	s1 =	sadd.s32 s1, s30  }
0xbb: {  	s0 =	sor.u32 s3, s0;
	s1 =	sshll.u32 s1, $0x11  }
0xbc: {  	s0 =	sor.u32 s1, s0  }
0xbd: {  	s0 =	sadd.s32 $0x8F2B, s0  }
0xbe: {  	[sflag:s0] =	ssyncadd.remote.s32 $0x1  }
0xbf: {  	_ =	sfence.sel $0xFFFF  }
0xc0: {  	[dreg:$0x0] =	wrdreg $0xFFFFFFFF;
	(pc) =	sbr.abs _section_cstart, $3  }
0xc1: {  	[dreg:$0x1] =	wrdreg $0xFFFFFFFF  }
0xc2: {  	_ =	task.clear_ibuf [dreg:s7], $0x2FFFF;
	_ =	strace $0x9FFFFFFF  }
0xc3: {  	(tm) =	ssettm $0x7FFFFFFF  }
tec
execute0_lowered:
.L_overlay_start_1:
0x0: {  	(tag) =	ssettag $0x1  }
0x1: {  	s6 =	rddreg [dreg:$0x0]  }
0x2: {  	s1 =	rddreg [dreg:$0x1]  }
0x3: {  	s3 =	rddreg [dreg:$0x2]  }
0x4: {  	s0 =	rddreg [dreg:$0x3];
	s4 =	simm.s32 $0x0;
	s2 =	stileid.u32  }
0x5: {  	s7 =	srdreg.scid;
	s17 =	simm.s32 $0x1;
	s18 =	simm.s32 $0x4C00  }
0x6: {  	s19 =	simm.s32 $0x4C80;
	s20 =	simm.s32 $0x4D00;
	s21 =	simm.s32 $0x4D80  }
0x7: {  	s22 =	simm.s32 $0x4E00;
	s23 =	simm.s32 $0x0;
	s5 =	smul.u32 $0xA00, s2  }
0x8: {  	[smem:$0x7FF] =	sst s4;
	s13 =	sand.u32 $0x1, s7;
	s29 =	smul.u32 $0x27000, s2  }
0x9: {  	s12 =	smul.u32 $0x9C00, s2;
	s14 =	sadd.s32 $0xEE00, s6;
	s15 =	sadd.s32 $0x9C400, s3  }
0xa: {  	s16 =	sshll.u32 s2, $0x6;
	p0 =	sne.s32 s2, $0xF;
	_ =	strace $0x80000047  }
0xb: {  	s9 =	ssub.s32 $0x2, s13;
	s10 =	smul.u32 $0x9C400, s13;
	p1 =	seq.s32 s13, $0x0  }
0xc: {  	s13 =	sor.u32 $0x1C02, s16;
	s15 =	sshrl.u32 @!p0 s15, $0x3;
	s16 =	simm.s32 $0x80  }
0xd: {  	s8 =	sadd.s32 s5, s6;
	s5 =	sadd.s32 $0xE600, s6;
	s11 =	sshrl.u32 s9, $0x1  }
0xe: {  	s7 =	sshrl.u32 s29, $0x2;
	s11 =	ssub.s32 s9, s11;
	s6 =	sadd.s32 $0x4600, s8  }
0xf: {  	s30 =	sadd.s32 s12, s10;
	s31 =	sshrl.u32 s10, $0x3;
	s7 =	sadd.s32 s7, s3  }
0x10: {  	s12 =	simm.s32 $0x5000;
	s8 =	sshrl.u32 s30, $0x3;
	s9 =	sadd.s32 s14, s31  }
0x11: {  	v0 =	vlaneseq.u32;
	s10 =	smax.u32 s11, $0x1;
	s8 =	sadd.s32 s14, s8;
	s14 =	sadd.s32 $0x9C000, s3  }
0x12: {  	v0 =	vor.u32 $0x1388, v0;
	s11 =	simm.s32 $0x2;
	s9 =	sadd.s32 $0x13800, s9;
	s14 =	sshrl.u32 @!p0 s14, $0x3  }
.LBB2_1:
0x13: {  	[tilespmem:s4], [sflag:$0x2] =	stream.linear.gather [hbm4b:s6+s4], $0x4E80, $0x38;
	[tilespmem:$0x12C80] =	vst v63  }
0x14: {  	_ =	swait.ge [sflag:s11], $0x4E80  }
0x15: {  	[sflag:s11] =	ssyncset.done $0x0  }
0x16: {  	[sflag:s11] =	ssyncadd.s32 $0xFFFFB180  }
0x17: {  	[tilespmem:s12], [sflag:$0x2] =	stream.linear.gather [hbm4b:s5+s4], $0x4000, $0x38;
	[tilespmem:$0x12C80] =	vst v63  }
0x18: {  	_ =	swait.ge [sflag:s11], $0x4000  }
0x19: {  	[sflag:s11] =	ssyncset.done $0x0  }
0x1a: {  	s24 =	simm.s32 $0x0;
	[sflag:s11] =	ssyncadd.s32 $0xFFFFC000  }
0x1b: {  	v1 =	vld [tilespmem:s24+$0x0];
	_ =	sdelay $0x1  }
0x1c: {  	v3 =	vld [tilespmem:s24+$0x10];
	_ =	sdelay $0x1  }
0x1d: {  	v4 =	vld [tilespmem:s24+$0x20]  }
0x1e: {  	v2 =	vadd.s32 $0xFFFFEC78, v1  }
0x1f: {  	v7 =	vld [tilespmem:s24+$0x30];
	vm0 =	vlt.s32 v1, $0x1388;
	vm1 =	vlt.u32 v2, $0x1388  }
0x20: {  	v5 =	vadd.s32 $0xFFFFEC78, v3;
	v1 =	vpsel p1, v1, v2;
	vm1 =	vmmov @p1 vm0  }
0x21: {  	vm2 =	vlt.u32 v5, $0x1388;
	vm0 =	vlt.s32 v3, $0x1388;
	v2 =	vsel vm1, v1, v0  }
0x22: {  	v6 =	vld [tilespmem:s24+$0x40];
	vm2 =	vmmov @p1 vm0;
	v1 =	vpsel p1, v3, v5;
	v3 =	vadd.s32 $0xFFFFEC78, v4  }
0x23: {  	vm0 =	vlt.s32 v4, $0x1388;
	vm1 =	vlt.u32 v3, $0x1388;
	v4 =	vpsel p1, v4, v3;
	v3 =	vld [tilespmem:s24+$0x50]  }
0x24: {  	v8 =	vadd.s32 $0xFFFFEC78, v7;
	v1 =	vsel vm2, v1, v0  }
0x25: {  	vm2 =	vlt.s32 v7, $0x1388;
	vm1 =	vmmov @p1 vm0;
	vm0 =	vlt.u32 v8, $0x1388  }
0x26: {  	s25 =	simm.s32 $0x200;
	v7 =	vpsel p1, v7, v8;
	v5 =	vsel vm1, v4, v0;
	vm0 =	vmmov @p1 vm2;
	v4 =	vld [tilespmem:s24+$0x60]  }
.LBB2_2:
0x27: {  	p2 =	seq.s32 s25, $0x13800;
	v7 =	vsel vm0, v7, v0;
	v8 =	vadd.s32 $0xFFFFEC78, v6;
	vm0 =	vlt.s32 v6, $0x1388;
	v9 =	vld [tilespmem:s24+$0x70]  }
0x28: {  	vm1 =	vlt.u32 v8, $0x1388;
	v6 =	vpsel p1, v6, v8;
	v8 =	vadd.s32 $0xFFFFEC78, v3  }
0x29: {  	s26 =	sshra.s32 s25, $0x2;
	[tilespmem:s24+$0x0] =	vst v2;
	vm1 =	vmmov @p1 vm0;
	vm0 =	vlt.s32 v3, $0x1388;
	vm2 =	vlt.u32 v8, $0x1388  }
0x2a: {  	v3 =	vpsel p1, v3, v8;
	v2 =	vld [tilespmem:s26+$0x0];
	[tilespmem:s24+$0x10] =	vst v1;
	v1 =	vsel vm1, v6, v0;
	vm2 =	vmmov @p1 vm0  }
0x2b: {  	v6 =	vld [tilespmem:s26+$0x10];
	[tilespmem:s24+$0x20] =	vst v5;
	v3 =	vsel vm2, v3, v0;
	v5 =	vadd.s32 $0xFFFFEC78, v4;
	vm0 =	vlt.s32 v4, $0x1388  }
0x2c: {  	[tilespmem:s24+$0x30] =	vst v7;
	vm1 =	vlt.u32 v5, $0x1388;
	v4 =	vpsel p1, v4, v5;
	v5 =	vadd.s32 $0xFFFFEC78, v9  }
0x2d: {  	[tilespmem:s24+$0x40] =	vst v1;
	vm1 =	vmmov @p1 vm0;
	vm0 =	vlt.s32 v9, $0x1388;
	vm2 =	vlt.u32 v5, $0x1388  }
0x2e: {  	v7 =	vld [tilespmem:s26+$0x20];
	[tilespmem:s24+$0x50] =	vst v3;
	v1 =	vsel vm1, v4, v0;
	vm2 =	vmmov @p1 vm0;
	v3 =	vpsel p1, v9, v5  }
0x2f: {  	v4 =	vadd.s32 $0xFFFFEC78, v2;
	vm0 =	vlt.s32 v2, $0x1388;
	v8 =	vld [tilespmem:s26+$0x30];
	[tilespmem:s24+$0x60] =	vst v1;
	v1 =	vsel vm2, v3, v0  }
0x30: {  	vm1 =	vlt.u32 v4, $0x1388;
	v2 =	vpsel p1, v2, v4;
	v3 =	vadd.s32 $0xFFFFEC78, v6;
	[tilespmem:s24+$0x70] =	vst v1;
	s24 =	smov.u32 s26  }
0x31: {  	vm1 =	vmmov @p1 vm0;
	vm0 =	vlt.s32 v6, $0x1388;
	vm2 =	vlt.u32 v3, $0x1388  }
.Ltmp0:
0x32: {  	v1 =	vpsel p1, v6, v3;
	v2 =	vsel vm1, v2, v0;
	vm2 =	vmmov @p1 vm0;
	v6 =	vld [tilespmem:s24+$0x40];
	(pc) =	sbr.rel @!p2 .LBB2_2-.Ltmp0, $4  }
0x33: {  	v1 =	vsel vm2, v1, v0;
	v4 =	vadd.s32 $0xFFFFEC78, v7;
	vm0 =	vlt.s32 v7, $0x1388;
	v3 =	vld [tilespmem:s24+$0x50]  }
0x34: {  	vm1 =	vlt.u32 v4, $0x1388;
	v4 =	vpsel p1, v7, v4;
	v7 =	vadd.s32 $0xFFFFEC78, v8  }
0x35: {  	vm2 =	vlt.s32 v8, $0x1388;
	vm1 =	vmmov @p1 vm0;
	vm0 =	vlt.u32 v7, $0x1388  }
0x36: {  	s25 =	sadd.s32 $0x200, s25;
	v7 =	vpsel p1, v8, v7;
	v5 =	vsel vm1, v4, v0;
	vm0 =	vmmov @p1 vm2;
	v4 =	vld [tilespmem:s24+$0x60]  }
0x37: {  	v7 =	vsel vm0, v7, v0;
	v8 =	vadd.s32 $0xFFFFEC78, v6;
	vm0 =	vlt.s32 v6, $0x1388;
	v9 =	vld [tilespmem:s24+$0x70]  }
0x38: {  	vm1 =	vlt.u32 v8, $0x1388;
	v61 =	vpsel p1, v6, v8;
	v62 =	vadd.s32 $0xFFFFEC78, v3  }
0x39: {  	[tilespmem:s24+$0x0] =	vst v2;
	vm1 =	vmmov @p1 vm0;
	vm0 =	vlt.s32 v3, $0x1388;
	vm2 =	vlt.u32 v62, $0x1388  }
0x3a: {  	[tilespmem:s24+$0x10] =	vst v1;
	v2 =	vpsel p1, v3, v62;
	v1 =	vsel vm1, v61, v0;
	vm2 =	vmmov @p1 vm0  }
0x3b: {  	[tilespmem:s24+$0x20] =	vst v5;
	v2 =	vsel vm2, v2, v0;
	v3 =	vadd.s32 $0xFFFFEC78, v4;
	vm0 =	vlt.s32 v4, $0x1388  }
0x3c: {  	[tilespmem:s24+$0x30] =	vst v7;
	vm1 =	vlt.u32 v3, $0x1388;
	v3 =	vpsel p1, v4, v3;
	v63 =	vadd.s32 $0xFFFFEC78, v9  }
0x3d: {  	[tilespmem:s24+$0x40] =	vst v1;
	vm1 =	vmmov @p1 vm0;
	vm0 =	vlt.s32 v9, $0x1388;
	vm2 =	vlt.u32 v63, $0x1388  }
0x3e: {  	[tilespmem:s24+$0x50] =	vst v2;
	v2 =	vpsel p1, v9, v63;
	v1 =	vsel vm1, v3, v0;
	vm2 =	vmmov @p1 vm0  }
0x3f: {  	s31 =	sadd.s32 $0x0, s7;
	[tilespmem:s24+$0x60] =	vst v1;
	v1 =	vsel vm2, v2, v0  }
0x40: {  	[tilespmem:s24+$0x70] =	vst v1;
	s24 =	sshrl.u32 s31, $0x3  }
0x41: {  	[spmem:s24], [sflag:s13] =	dma.local [hbm:s1], $0x80  }
0x42: {  	s24 =	simm.s32 $0x1000;
	_ =	swait.ge [sflag:s11], $0x80  }
.LBB2_4:
0x43: {  	s25 =	sshra.s32 s24, $0x2;
	[sflag:s11] =	ssyncset.done $0x0;
	p2 =	sne.s32 s24, $0x26000  }
.Ltmp1:
0x44: {  	s25 =	sadd.s32 s25, s7;
	[sflag:s11] =	ssyncadd.s32 $0xFFFFFF80;
	(pc) =	sbr.rel @p2 .LBB2_4-.Ltmp1, $4  }
0x45: {  	s24 =	sadd.s32 $0x1000, s24;
	s25 =	sshrl.u32 s25, $0x3  }
0x46: {  	[spmem:s25], [sflag:s13] =	dma.local [hbm:s1], $0x80  }
0x47: {  	_ = 	snop  }
0x48: {  	_ =	swait.ge [sflag:s11], $0x80  }
0x49: {  	[sflag:s11] =	ssyncset.done $0x0  }
0x4a: {  	s24 =	simm.s32 @!p0 $0x1FC2;
	s25 =	simm.s32 @!p0 $0x2;
	[sflag:s11] =	ssyncadd.s32 $0xFFFFFF80  }
0x4b: {  	[spmem:s14], [sflag:s24] =	dma.local @!p0 [hbm:s1], $0x80  }
0x4c: {  	_ =	swait.ge @!p0 [sflag:s25], $0x80  }
0x4d: {  	[sflag:s25] =	ssyncset.done @!p0 $0x0  }
0x4e: {  	[sflag:s25] =	ssyncadd.s32 @!p0 $0xFFFFFF80  }
0x4f: {  	[spmem:s15], [sflag:s24] =	dma.local @!p0 [hbm:s1], $0x80  }
0x50: {  	_ =	swait.ge @!p0 [sflag:s25], $0x80  }
0x51: {  	[sflag:s25] =	ssyncset.done @!p0 $0x0  }
0x52: {  	[sflag:s25] =	ssyncadd.s32 @!p0 $0xFFFFFF80  }
0x53: {  	s30 =	simm.s32 $0x0;
	[bflag:$0x0] =	sbarrier.arrive $0xFFFF  }
0x54: {  	[spmem:s3] =	stream.indirect.scatter.add.f32 [tilespmem:s12], [sflag:$0x1], $0x80, s30, s16, $0xb8;
	[tilespmem:$0x12C80] =	vst v63  }
0x55: {  	s31 =	simm.s32 $0x80  }
0x56: {  	[spmem:s3] =	stream.indirect.scatter.add.f32 [tilespmem:s12], [sflag:$0x1], $0x80, s31, s16, $0xb8;
	[tilespmem:$0x12C80] =	vst v63  }
0x57: {  	s25 =	simm.s32 $0x100  }
0x58: {  	[spmem:s3] =	stream.indirect.scatter.add.f32 [tilespmem:s12], [sflag:$0x1], $0x80, s25, s16, $0xb8;
	[tilespmem:$0x12C80] =	vst v63  }
0x59: {  	s26 =	simm.s32 $0x180  }
0x5a: {  	[spmem:s3] =	stream.indirect.scatter.add.f32 [tilespmem:s12], [sflag:$0x1], $0x80, s26, s16, $0xb8;
	[tilespmem:$0x12C80] =	vst v63  }
0x5b: {  	s28 =	simm.s32 $0x200  }
0x5c: {  	[spmem:s3] =	stream.indirect.scatter.add.f32 [tilespmem:s12], [sflag:$0x1], $0x80, s28, s16, $0xb8;
	[tilespmem:$0x12C80] =	vst v63  }
0x5d: {  	s29 =	simm.s32 $0x280  }
0x5e: {  	[spmem:s3] =	stream.indirect.scatter.add.f32 [tilespmem:s12], [sflag:$0x1], $0x80, s29, s16, $0xb8;
	[tilespmem:$0x12C80] =	vst v63  }
0x5f: {  	s30 =	simm.s32 $0x300  }
0x60: {  	[spmem:s3] =	stream.indirect.scatter.add.f32 [tilespmem:s12], [sflag:$0x1], $0x80, s30, s16, $0xb8;
	[tilespmem:$0x12C80] =	vst v63  }
0x61: {  	s31 =	simm.s32 $0x380  }
0x62: {  	[spmem:s3] =	stream.indirect.scatter.add.f32 [tilespmem:s12], [sflag:$0x1], $0x80, s31, s16, $0xb8;
	[tilespmem:$0x12C80] =	vst v63  }
0x63: {  	_ =	swait.ge [sflag:s17], $0x4000  }
0x64: {  	[sflag:s17] =	ssyncset.done $0x0  }
0x65: {  	[sflag:s17] =	ssyncadd.s32 $0xFFFFC000  }
0x66: {  	_ =	swait.ge [sflag:s17], $0x4000  }
0x67: {  	[sflag:s17] =	ssyncset.done $0x0  }
0x68: {  	[sflag:s17] =	ssyncadd.s32 $0xFFFFC000  }
0x69: {  	_ =	swait.ge [sflag:s17], $0x4000  }
0x6a: {  	[sflag:s17] =	ssyncset.done $0x0  }
0x6b: {  	[sflag:s17] =	ssyncadd.s32 $0xFFFFC000  }
0x6c: {  	_ =	swait.ge [sflag:s17], $0x4000  }
0x6d: {  	[sflag:s17] =	ssyncset.done $0x0  }
0x6e: {  	[sflag:s17] =	ssyncadd.s32 $0xFFFFC000  }
0x6f: {  	_ =	swait.ge [sflag:s17], $0x4000  }
0x70: {  	[sflag:s17] =	ssyncset.done $0x0  }
0x71: {  	[sflag:s17] =	ssyncadd.s32 $0xFFFFC000  }
0x72: {  	_ =	swait.ge [sflag:s17], $0x4000  }
0x73: {  	[sflag:s17] =	ssyncset.done $0x0  }
0x74: {  	[sflag:s17] =	ssyncadd.s32 $0xFFFFC000  }
0x75: {  	_ =	swait.ge [sflag:s17], $0x4000  }
0x76: {  	[sflag:s17] =	ssyncset.done $0x0  }
0x77: {  	[sflag:s17] =	ssyncadd.s32 $0xFFFFC000  }
0x78: {  	_ =	swait.ge [sflag:s17], $0x4000  }
0x79: {  	s24 =	simm.s32 $0x1000;
	s26 =	simm.s32 $0x2000;
	[sflag:s17] =	ssyncset.done $0x0  }
.LBB2_6:
0x7a: {  	s28 =	sshra.s32 s24, $0x2  }
0x7b: {  	[sflag:s17] =	ssyncadd.s32 $0xFFFFC000;
	s24 =	smov.u32 s26;
	s25 =	sadd.s32 $0x1000, s26  }
0x7c: {  	[spmem:s3] =	stream.indirect.scatter.add.f32 [tilespmem:s12], [sflag:$0x1], $0x80, s28, s16, $0xb8;
	[tilespmem:$0x12C80] =	vst v63  }
0x7d: {  	p2 =	sne.s32 s26, $0x12000;
	s26 =	sadd.s32 $0x80, s28  }
0x7e: {  	[spmem:s3] =	stream.indirect.scatter.add.f32 [tilespmem:s12], [sflag:$0x1], $0x80, s26, s16, $0xb8;
	[tilespmem:$0x12C80] =	vst v63  }
0x7f: {  	s26 =	sadd.s32 $0x100, s28  }
0x80: {  	[spmem:s3] =	stream.indirect.scatter.add.f32 [tilespmem:s12], [sflag:$0x1], $0x80, s26, s16, $0xb8;
	[tilespmem:$0x12C80] =	vst v63  }
0x81: {  	s26 =	sadd.s32 $0x180, s28  }
0x82: {  	[spmem:s3] =	stream.indirect.scatter.add.f32 [tilespmem:s12], [sflag:$0x1], $0x80, s26, s16, $0xb8;
	[tilespmem:$0x12C80] =	vst v63  }
0x83: {  	s26 =	sadd.s32 $0x200, s28  }
0x84: {  	[spmem:s3] =	stream.indirect.scatter.add.f32 [tilespmem:s12], [sflag:$0x1], $0x80, s26, s16, $0xb8;
	[tilespmem:$0x12C80] =	vst v63  }
0x85: {  	s26 =	sadd.s32 $0x280, s28  }
0x86: {  	[spmem:s3] =	stream.indirect.scatter.add.f32 [tilespmem:s12], [sflag:$0x1], $0x80, s26, s16, $0xb8;
	[tilespmem:$0x12C80] =	vst v63  }
0x87: {  	s26 =	sadd.s32 $0x300, s28  }
0x88: {  	[spmem:s3] =	stream.indirect.scatter.add.f32 [tilespmem:s12], [sflag:$0x1], $0x80, s26, s16, $0xb8;
	[tilespmem:$0x12C80] =	vst v63  }
0x89: {  	s26 =	sadd.s32 $0x380, s28  }
0x8a: {  	[spmem:s3] =	stream.indirect.scatter.add.f32 [tilespmem:s12], [sflag:$0x1], $0x80, s26, s16, $0xb8;
	[tilespmem:$0x12C80] =	vst v63  }
0x8b: {  	_ =	swait.ge [sflag:s17], $0x4000  }
0x8c: {  	[sflag:s17] =	ssyncset.done $0x0  }
0x8d: {  	[sflag:s17] =	ssyncadd.s32 $0xFFFFC000  }
0x8e: {  	_ =	swait.ge [sflag:s17], $0x4000  }
0x8f: {  	[sflag:s17] =	ssyncset.done $0x0  }
0x90: {  	[sflag:s17] =	ssyncadd.s32 $0xFFFFC000  }
0x91: {  	_ =	swait.ge [sflag:s17], $0x4000  }
0x92: {  	[sflag:s17] =	ssyncset.done $0x0  }
0x93: {  	[sflag:s17] =	ssyncadd.s32 $0xFFFFC000  }
0x94: {  	_ =	swait.ge [sflag:s17], $0x4000  }
0x95: {  	[sflag:s17] =	ssyncset.done $0x0  }
0x96: {  	[sflag:s17] =	ssyncadd.s32 $0xFFFFC000  }
0x97: {  	_ =	swait.ge [sflag:s17], $0x4000  }
0x98: {  	[sflag:s17] =	ssyncset.done $0x0  }
0x99: {  	[sflag:s17] =	ssyncadd.s32 $0xFFFFC000  }
0x9a: {  	_ =	swait.ge [sflag:s17], $0x4000  }
0x9b: {  	[sflag:s17] =	ssyncset.done $0x0  }
0x9c: {  	[sflag:s17] =	ssyncadd.s32 $0xFFFFC000  }
.Ltmp2:
0x9d: {  	_ =	swait.ge [sflag:s17], $0x4000;
	(pc) =	sbr.rel @p2 .LBB2_6-.Ltmp2, $4  }
0x9e: {  	[sflag:s17] =	ssyncset.done $0x0  }
0x9f: {  	[sflag:s17] =	ssyncadd.s32 $0xFFFFC000  }
0xa0: {  	_ =	swait.ge [sflag:s17], $0x4000  }
0xa1: {  	s26 =	smov.u32 s25;
	[sflag:s17] =	ssyncset.done $0x0  }
0xa2: {  	s24 =	sshra.s32 s24, $0x2;
	[sflag:s17] =	ssyncadd.s32 $0xFFFFC000  }
0xa3: {  	[spmem:s3] =	stream.indirect.scatter.add.f32 [tilespmem:s12], [sflag:$0x1], $0x80, s24, s16, $0xb8;
	[tilespmem:$0x12C80] =	vst v63  }
0xa4: {  	s25 =	sadd.s32 $0x80, s24  }
0xa5: {  	[spmem:s3] =	stream.indirect.scatter.add.f32 [tilespmem:s12], [sflag:$0x1], $0x80, s25, s16, $0xb8;
	[tilespmem:$0x12C80] =	vst v63  }
0xa6: {  	s31 =	sadd.s32 $0x100, s24  }
0xa7: {  	[spmem:s3] =	stream.indirect.scatter.add.f32 [tilespmem:s12], [sflag:$0x1], $0x80, s31, s16, $0xb8;
	[tilespmem:$0x12C80] =	vst v63  }
0xa8: {  	s26 =	sadd.s32 $0x180, s24  }
0xa9: {  	[spmem:s3] =	stream.indirect.scatter.add.f32 [tilespmem:s12], [sflag:$0x1], $0x80, s26, s16, $0xb8;
	[tilespmem:$0x12C80] =	vst v63  }
0xaa: {  	s28 =	sadd.s32 $0x200, s24  }
0xab: {  	[spmem:s3] =	stream.indirect.scatter.add.f32 [tilespmem:s12], [sflag:$0x1], $0x80, s28, s16, $0xb8;
	[tilespmem:$0x12C80] =	vst v63  }
0xac: {  	s29 =	sadd.s32 $0x280, s24  }
0xad: {  	[spmem:s3] =	stream.indirect.scatter.add.f32 [tilespmem:s12], [sflag:$0x1], $0x80, s29, s16, $0xb8;
	[tilespmem:$0x12C80] =	vst v63  }
0xae: {  	s30 =	sadd.s32 $0x300, s24  }
0xaf: {  	[spmem:s3] =	stream.indirect.scatter.add.f32 [tilespmem:s12], [sflag:$0x1], $0x80, s30, s16, $0xb8;
	[tilespmem:$0x12C80] =	vst v63  }
0xb0: {  	s24 =	sadd.s32 $0x380, s24  }
0xb1: {  	[spmem:s3] =	stream.indirect.scatter.add.f32 [tilespmem:s12], [sflag:$0x1], $0x80, s24, s16, $0xb8;
	[tilespmem:$0x12C80] =	vst v63  }
0xb2: {  	_ =	swait.ge [sflag:s17], $0x4000  }
0xb3: {  	[sflag:s17] =	ssyncset.done $0x0  }
0xb4: {  	[sflag:s17] =	ssyncadd.s32 $0xFFFFC000  }
0xb5: {  	_ =	swait.ge [sflag:s17], $0x4000  }
0xb6: {  	[sflag:s17] =	ssyncset.done $0x0  }
0xb7: {  	[sflag:s17] =	ssyncadd.s32 $0xFFFFC000  }
0xb8: {  	_ =	swait.ge [sflag:s17], $0x4000  }
0xb9: {  	[sflag:s17] =	ssyncset.done $0x0  }
0xba: {  	[sflag:s17] =	ssyncadd.s32 $0xFFFFC000  }
0xbb: {  	_ =	swait.ge [sflag:s17], $0x4000  }
0xbc: {  	[sflag:s17] =	ssyncset.done $0x0  }
0xbd: {  	[sflag:s17] =	ssyncadd.s32 $0xFFFFC000  }
0xbe: {  	_ =	swait.ge [sflag:s17], $0x4000  }
0xbf: {  	[sflag:s17] =	ssyncset.done $0x0  }
0xc0: {  	[sflag:s17] =	ssyncadd.s32 $0xFFFFC000  }
0xc1: {  	_ =	swait.ge [sflag:s17], $0x4000  }
0xc2: {  	[sflag:s17] =	ssyncset.done $0x0  }
0xc3: {  	[sflag:s17] =	ssyncadd.s32 $0xFFFFC000  }
0xc4: {  	_ =	swait.ge [sflag:s17], $0x4000  }
0xc5: {  	[sflag:s17] =	ssyncset.done $0x0  }
0xc6: {  	[sflag:s17] =	ssyncadd.s32 $0xFFFFC000  }
0xc7: {  	_ =	swait.ge [sflag:s17], $0x4000  }
0xc8: {  	[sflag:s17] =	ssyncset.done $0x0  }
0xc9: {  	[sflag:s17] =	ssyncadd.s32 $0xFFFFC000  }
0xca: {  	[spmem:s3] =	stream.indirect.scatter.add.f32 [tilespmem:s12], [sflag:$0x1], $0x80, s18, s16, $0xb8;
	[tilespmem:$0x12C80] =	vst v63  }
0xcb: {  	_ = 	snop  }
0xcc: {  	[spmem:s3] =	stream.indirect.scatter.add.f32 [tilespmem:s12], [sflag:$0x1], $0x80, s19, s16, $0xb8;
	[tilespmem:$0x12C80] =	vst v63  }
0xcd: {  	_ = 	snop  }
0xce: {  	[spmem:s3] =	stream.indirect.scatter.add.f32 [tilespmem:s12], [sflag:$0x1], $0x80, s20, s16, $0xb8;
	[tilespmem:$0x12C80] =	vst v63  }
0xcf: {  	_ = 	snop  }
0xd0: {  	[spmem:s3] =	stream.indirect.scatter.add.f32 [tilespmem:s12], [sflag:$0x1], $0x80, s21, s16, $0xb8;
	[tilespmem:$0x12C80] =	vst v63  }
0xd1: {  	_ = 	snop  }
0xd2: {  	[spmem:s3] =	stream.indirect.scatter.add.f32 [tilespmem:s12], [sflag:$0x1], $0x80, s22, s16, $0xb8;
	[tilespmem:$0x12C80] =	vst v63  }
0xd3: {  	_ =	swait.ge [sflag:s17], $0x4000  }
0xd4: {  	[sflag:s17] =	ssyncset.done $0x0  }
0xd5: {  	[sflag:s17] =	ssyncadd.s32 $0xFFFFC000  }
0xd6: {  	_ =	swait.ge [sflag:s17], $0x4000  }
0xd7: {  	[sflag:s17] =	ssyncset.done $0x0  }
0xd8: {  	[sflag:s17] =	ssyncadd.s32 $0xFFFFC000  }
0xd9: {  	_ =	swait.ge [sflag:s17], $0x4000  }
0xda: {  	[sflag:s17] =	ssyncset.done $0x0  }
0xdb: {  	[sflag:s17] =	ssyncadd.s32 $0xFFFFC000  }
0xdc: {  	_ =	swait.ge [sflag:s17], $0x4000  }
0xdd: {  	[sflag:s17] =	ssyncset.done $0x0  }
0xde: {  	[sflag:s17] =	ssyncadd.s32 $0xFFFFC000  }
0xdf: {  	_ =	swait.ge [sflag:s17], $0x4000  }
0xe0: {  	[sflag:s17] =	ssyncset.done $0x0  }
0xe1: {  	[sflag:s17] =	ssyncadd.s32 $0xFFFFC000  }
0xe2: {  	s31 =	sshrl.u32 s7, $0x3;
	[bflag:$0x0] =	sbarrier.arrive $0xFFFF  }
0xe3: {  	[hbm:s8], [sflag:s13] =	dma.local [spmem:s31], $0x1380  }
0xe4: {  	s23 =	sadd.s32 $0x1, s23;
	_ =	swait.ge [sflag:s11], $0x1380  }
0xe5: {  	p2 =	sne.s32 s23, s10;
	[sflag:s11] =	ssyncset.done $0x0  }
.Ltmp3:
0xe6: {  	s24 =	simm.s32 @!p0 $0x2;
	[sflag:s11] =	ssyncadd.s32 $0xFFFFEC80;
	(pc) =	sbr.rel @p2 .LBB2_1-.Ltmp3, $4  }
0xe7: {  	[hbm:s9], [sflag:s13] =	dma.local @!p0 [spmem:s14], $0x80  }
0xe8: {  	_ =	swait.ge @!p0 [sflag:s24], $0x80  }
0xe9: {  	[sflag:s24] =	ssyncset.done @!p0 $0x0  }
0xea: {  	[sflag:s24] =	ssyncadd.s32 @!p0 $0xFFFFFF80  }
0xeb: {  	_ =	sfence.sel $0x180000  }
0xec: {  	[bflag:$0x0] =	sbarrier.arrive $0xFFFF  }
0xed: {  	p0 =	sne.s32 s2, $0x0;
	_ =	strace $0x90000047  }
0xee: {  	s0 =	sadd.s32 @!p0 $0x100000, s0;
	[bflag:$0x2] =	sbarrier.arrive $0xFFFF  }
0xef: {  	[sflag:s0] =	ssyncadd.tile.s32 @!p0 $0x1;
	_ =	shalt  }
.Lfunc_end2:
_tile_overlayer_lowered:
.L_overlay_start_2:
0xf0: {  	(tag) =	ssettag $0x2  }
0xf1: {  	s0 =	rddreg [dreg:$0x0];
	s2 =	stileid.u32  }
0xf2: {  	s1 =	rddreg [dreg:$0x1];
	p0 =	sne.s32 s2, $0x0  }
0xf3: {  	s3 =	rddreg [dreg:$0x2];
	[bflag:$0x3] =	sbarrier.arrive $0xFFFF;
	s2 =	simm.s32 @!p0 $0x1C02  }
0xf4: {  	[timem:s3], [sflag:s2] =	dma.local @!p0 [hbm:s0], s1  }
0xf5: {  	s0 =	simm.s32 @!p0 $0x2  }
0xf6: {  	_ =	swait.ge @!p0 [sflag:s0], s1  }
0xf7: {  	s1 =	ssub.s32 @!p0 $0x0, s1;
	[sflag:s0] =	ssyncset.done @!p0 $0x0  }
0xf8: {  	[sflag:s0] =	ssyncadd.s32 @!p0 s1  }
0xf9: {  	[bflag:$0x3] =	sbarrier.arrive $0xFFFF  }
0xfa: {  	_ =	shalt  }

// kernel: kernel.16.cloned.1.call-start
scs
__scs_entry_jumppad:
0x0: {  	(pc) =	sbr.rel $0x88, $3  }
0x1: {  	(tag) =	ssettag $0x0;
	lr =	simm.s32 $0x1  }
0x2: {  	[smem:$0x3F90] =	sst lr;
	_ =	strace $0xD0000000  }
0x3: {  	_ = 	snop  }
0x4: {  	_ = 	snop  }
0x5: {  	_ = 	snop  }
0x6: {  	_ = 	snop  }
0x7: {  	_ = 	snop  }
__scs_overlays_trampoline_lowered:
0x8: {  	[smem:$0x3F9F] =	sst s0  }
0x9: {  	[smem:$0x3FA0] =	sst s1  }
0xa: {  	[smem:$0x3FA1] =	sst s2  }
0xb: {  	[smem:$0x3FA2] =	sst s3  }
0xc: {  	[smem:$0x3FA3] =	sst s4  }
0xd: {  	[smem:$0x3FA4] =	sst s5  }
0xe: {  	[smem:$0x3FA5] =	sst s6  }
0xf: {  	[smem:$0x3FA6] =	sst s7  }
0x10: {  	[smem:$0x3FA7] =	sst s8  }
0x11: {  	[smem:$0x3FA8] =	sst s9;
	s0 =	simm.s32 @!p0 $0x0  }
0x12: {  	s1 =	sld [smem:$0x3F8E];
	s0 =	simm.s32 @p0 $0x1  }
0x13: {  	[smem:$0x3FA9] =	sst s0;
	s0 =	simm.s32 @!p1 $0x0  }
0x14: {  	s2 =	sld [smem:$0x3F8D];
	s0 =	simm.s32 @p1 $0x1  }
0x15: {  	[smem:$0x3FAA] =	sst s0;
	s0 =	simm.s32 @!p2 $0x0  }
0x16: {  	s3 =	sld [smem:$0x3FDB];
	s0 =	simm.s32 @p2 $0x1  }
0x17: {  	s4 =	simm.s32 $0x1BF5;
	[smem:$0x3FAC] =	sst s0  }
0x18: {  	s0 =	sld [smem:$0x3F8F];
	_ =	swait.ge [sflag:s4], $0x0  }
0x19: {  	s7 =	sld [smem:$0x3F90]  }
0x1a: {  	s8 =	sadd.s32 $0xFFFFE003, lr  }
0x1b: {  	s9 =	sadd.s32 $0xFFFFFEF7, lr;
	s5 =	simm.s32 $0xFFFFFFFF;
	p2 =	slt.u32 s8, $0xFFFFF086  }
0x1c: {  	p1 =	slt.u32 s9, $0xF7A;
	s5 =	simm.s32 @!p2 $0x0  }
0x1d: {  	s5 =	simm.s32 @p1 $0x1;
	p0 =	seq.s32 s7, s2  }
0x1e: {  	s7 =	smul.u32 @!p0 $0xF7A, s2;
	p2 =	seq.s32 @!p0 s5, $0x0  }
0x1f: {  	s9 =	smul.u32 $0xF7A, s1;
	s8 =	simm.s32 @!p0 $0x1BF5;
	p2 =	por !p2, p0  }
0x20: {  	[sflag:s8] =	ssyncset.s32 @!p0 $0xFFFFF086;
	s6 =	sadd.s32 @!p0 s3, s7;
	s7 =	simm.s32 @!p0 $0x108  }
0x21: {  	s3 =	sadd.s32 s3, s9;
	s6 =	sadd.s32 @!p0 $0x88, s6;
	s7 =	simm.s32 @p2 $0x1082  }
0x22: {  	[simem:s7], [sflag:s8] =	dma.local @!p0 [hbm:s6], $0xF7A  }
0x23: {  	s9 =	sor.u32 $0xD0000000, s2;
	s6 =	simm.s32 $0x108;
	_ =	swait.ge @!p0 [sflag:s8], $0x0  }
0x24: {  	s3 =	sadd.s32 $0x88, s3;
	s6 =	simm.s32 @!p1 $0x1082;
	[sflag:s4] =	ssyncset.s32 $0xFFFFF086  }
0x25: {  	[simem:s6], [sflag:s4] =	dma.local [hbm:s3], $0xF7A  }
0x26: {  	[smem:$0x3F90] =	sst s1;
	(tag) =	ssettag s2;
	_ =	strace s9  }
0x27: {  	s1 =	sld [smem:$0x3FA0]  }
0x28: {  	s2 =	sld [smem:$0x3FA1]  }
0x29: {  	s4 =	sld [smem:$0x3FA3]  }
0x2a: {  	p0 =	seq.s32 s5, $0x0;
	s5 =	sld [smem:$0x3FA4]  }
0x2b: {  	s6 =	sld [smem:$0x3FA5]  }
0x2c: {  	s7 =	sld [smem:$0x3FA6]  }
0x2d: {  	s3 =	simm.s32 $0x108;
	s8 =	sld [smem:$0x3FA7]  }
0x2e: {  	s3 =	simm.s32 @!p0 $0x1082;
	s9 =	sld [smem:$0x3FA8]  }
0x2f: {  	lr =	sadd.s32 s0, s3;
	s0 =	sld [smem:$0x3F9F]  }
0x30: {  	s3 =	sld [smem:$0x3FA2]  }
0x31: {  	[smem:$0x3FAB] =	sst s10  }
0x32: {  	s10 =	sld [smem:$0x3FA9];
	_ =	sdelay $0x3  }
0x33: {  	p0 =	seq.s32 s10, $0x1;
	s10 =	sld [smem:$0x3FAB];
	_ =	sdelay $0x3  }
0x34: {  	[smem:$0x3FAB] =	sst s10  }
0x35: {  	s10 =	sld [smem:$0x3FAA];
	_ =	sdelay $0x3  }
0x36: {  	p1 =	seq.s32 s10, $0x1;
	s10 =	sld [smem:$0x3FAB];
	_ =	sdelay $0x3  }
0x37: {  	[smem:$0x3FAB] =	sst s10  }
0x38: {  	s10 =	sld [smem:$0x3FAC]  }
0x39: {  	_ = 	snop;
	(pc) =	sbr.ind lr, $3  }
0x3a: {  	_ = 	snop  }
0x3b: {  	_ = 	snop  }
0x3c: {  	p2 =	seq.s32 s10, $0x1;
	s10 =	sld [smem:$0x3FAB]  }
0x3d: {  	_ =	shalt  }
0x3e: {  	_ =	shalt  }
0x3f: {  	_ =	shalt  }
0x40: {  	_ =	shalt  }
0x41: {  	_ =	shalt  }
0x42: {  	_ =	shalt  }
0x43: {  	_ =	shalt  }
0x44: {  	_ =	shalt  }
0x45: {  	_ =	shalt  }
0x46: {  	_ =	shalt  }
0x47: {  	_ =	shalt  }
0x48: {  	_ =	shalt  }
0x49: {  	_ =	shalt  }
0x4a: {  	_ =	shalt  }
0x4b: {  	_ =	shalt  }
0x4c: {  	_ =	shalt  }
0x4d: {  	_ =	shalt  }
0x4e: {  	_ =	shalt  }
0x4f: {  	_ =	shalt  }
0x50: {  	_ =	shalt  }
0x51: {  	_ =	shalt  }
0x52: {  	_ =	shalt  }
0x53: {  	_ =	shalt  }
0x54: {  	_ =	shalt  }
0x55: {  	_ =	shalt  }
0x56: {  	_ =	shalt  }
0x57: {  	_ =	shalt  }
0x58: {  	_ =	shalt  }
0x59: {  	_ =	shalt  }
0x5a: {  	_ =	shalt  }
0x5b: {  	_ =	shalt  }
0x5c: {  	_ =	shalt  }
0x5d: {  	_ =	shalt  }
0x5e: {  	_ =	shalt  }
0x5f: {  	_ =	shalt  }
0x60: {  	_ =	shalt  }
0x61: {  	_ =	shalt  }
0x62: {  	_ =	shalt  }
0x63: {  	_ =	shalt  }
0x64: {  	_ =	shalt  }
0x65: {  	_ =	shalt  }
0x66: {  	_ =	shalt  }
0x67: {  	_ =	shalt  }
0x68: {  	_ =	shalt  }
0x69: {  	_ =	shalt  }
0x6a: {  	_ =	shalt  }
0x6b: {  	_ =	shalt  }
0x6c: {  	_ =	shalt  }
0x6d: {  	_ =	shalt  }
0x6e: {  	_ =	shalt  }
0x6f: {  	_ =	shalt  }
0x70: {  	_ =	shalt  }
0x71: {  	_ =	shalt  }
0x72: {  	_ =	shalt  }
0x73: {  	_ =	shalt  }
0x74: {  	_ =	shalt  }
0x75: {  	_ =	shalt  }
0x76: {  	_ =	shalt  }
0x77: {  	_ =	shalt  }
0x78: {  	_ =	shalt  }
0x79: {  	_ =	shalt  }
0x7a: {  	_ =	shalt  }
0x7b: {  	_ =	shalt  }
0x7c: {  	_ =	shalt  }
0x7d: {  	_ =	shalt  }
0x7e: {  	_ =	shalt  }
0x7f: {  	_ =	shalt  }
0x80: {  	_ =	shalt  }
0x81: {  	_ =	shalt  }
0x82: {  	_ =	shalt  }
0x83: {  	_ =	shalt  }
0x84: {  	_ =	shalt  }
0x85: {  	_ =	shalt  }
0x86: {  	_ =	shalt  }
0x87: {  	_ =	shalt  }
.Lfunc_end0:
.L_simem_size_0:
called_computation.1_lowered:
.L_overlay_start_0:
0x88: {  	s2 =	sld [smem:$0x3FD9]  }
0x89: {  	s3 =	sld [smem:$0x3FFE];
	_ =	sdelay $0x1  }
0x8a: {  	s1 =	srdreg.scid  }
0x8b: {  	s0 =	sand.u32 $0x1, s1  }
0x8c: {  	s17 =	sshll.u32 s0, $0xA;
	s2 =	sadd.s32 s3, s2  }
0x8d: {  	s2 =	sadd.s32 s2, s17  }
0x8e: {  	[smem:$0x3FB7] =	sst s2  }
0x8f: {  	_ = 	snop  }
0x90: {  	s2 =	sld [smem:$0x3FD0];
	(tm) =	ssettm $0x1  }
0x91: {  	s18 =	sld [smem:$0x3FFB];
	_ =	sdelay $0x3  }
0x92: {  	_ =	strace s18  }
0x93: {  	s3 =	sld [smem:$0x3FFC];
	_ =	sdelay $0x3  }
0x94: {  	_ =	strace s3  }
0x95: {  	s3 =	sld [smem:$0x3FFD];
	_ =	sdelay $0x3  }
0x96: {  	_ =	strace s3  }
0x97: {  	_ =	strace $0x8FFFFFFF  }
0x98: {  	s19 =	sld [smem:$0x3FDB];
	_ =	sdelay $0x1  }
0x99: {  	s4 =	simm.s32 $_scs_section_size  }
0x9a: {  	s5 =	simm.s32 $_size__tile_overlayer_lowered;
	s6 =	simm.s32 $_tile_overlayer_lowered  }
0x9b: {  	s22 =	simm.s32 $0x1BFF;
	s21 =	sshll.u32 s6, $0x1;
	s3 =	sadd.s32 s4, s19  }
0x9c: {  	s7 =	simm.s32 $0x0;
	s20 =	sshll.u32 s5, $0x1;
	s5 =	sadd.s32 s21, s3  }
0x9d: {  	[timem:s7], [sflag:s22] =	dma.local [hbm:s5], s20  }
0x9e: {  	_ =	swait.ge [sflag:s22], s20  }
0x9f: {  	s4 =	ssub.s32 $0x0, s20;
	[sflag:s22] =	ssyncset.done $0x0  }
0xa0: {  	[sflag:s22] =	ssyncadd.s32 s4;
	_ =	sdelay $0x1  }
0xa1: {  	s23 =	simm.s32 $0x1B8B  }
0xa2: {  	_ =	swait.ge [sflag:s23], $0x1  }
0xa3: {  	[sflag:s23] =	ssyncset.done $0x0  }
0xa4: {  	s25 =	simm.s32 $0x1B8E;
	s24 =	sld [smem:$0x3FFE];
	[sflag:s23] =	ssyncadd.s32 $0xFFFFFFFF  }
0xa5: {  	s26 =	simm.s32 $execute0_lowered;
	[smem:$0x3FD2] =	sst s25  }
0xa6: {  	s5 =	sshll.u32 s26, $0x1;
	_ =	strace $0x80000049;
	[dreg:$0x1] =	wrdreg $0xFFFFFFFF  }
0xa7: {  	s28 =	simm.s32 $_size_execute0_lowered;
	s3 =	sadd.s32 s3, s5;
	[dreg:$0x0] =	wrdreg $0x0  }
0xa8: {  	s5 =	sshll.u32 s28, $0x1;
	[dreg:$0x2] =	wrdreg s3  }
0xa9: {  	[dreg:$0x3] =	wrdreg s5  }
0xaa: {  	[dreg:$0x4] =	wrdreg $0xC0  }
0xab: {  	_ =	task [dreg:s7], $0x5FFFF  }
0xac: {  	[dreg:$0x1] =	wrdreg $0xFFFFFFFF  }
0xad: {  	[dreg:$0x0] =	wrdreg $0x60  }
0xae: {  	[dreg:$0x2] =	wrdreg s24  }
0xaf: {  	[dreg:$0x3] =	wrdreg s2  }
0xb0: {  	[dreg:$0x4] =	wrdreg $0x160000  }
0xb1: {  	[dreg:$0x5] =	wrdreg $0x9  }
0xb2: {  	_ =	task.clear_ibuf [dreg:s7], $0x6FFFF;
	_ =	strace $0x90000049  }
0xb3: {  	s29 =	simm.s32 $0x9;
	_ =	strace $0x8000004B  }
0xb4: {  	_ =	swait.ge [sflag:s29], $0x1  }
0xb5: {  	[sflag:s29] =	ssyncadd.s32 $0xFFFFFFFF  }
0xb6: {  	_ =	strace $0x9000004B  }
0xb7: {  	_ =	sfence  }
0xb8: {  	s30 =	sld [smem:$0x0];
	_ =	sdelay $0x2  }
0xb9: {  	s31 =	sshll.u32 s1, $0xD;
	s1 =	sshrl.u32 s1, $0x2  }
0xba: {  	s3 =	sand.u32 $0x4000, s31;
	s1 =	sadd.s32 s1, s30  }
0xbb: {  	s0 =	sor.u32 s3, s0;
	s1 =	sshll.u32 s1, $0x11  }
0xbc: {  	s0 =	sor.u32 s1, s0  }
0xbd: {  	s0 =	sadd.s32 $0x8F2B, s0  }
0xbe: {  	[sflag:s0] =	ssyncadd.remote.s32 $0x1  }
0xbf: {  	_ =	sfence.sel $0xFFFF  }
0xc0: {  	[dreg:$0x0] =	wrdreg $0xFFFFFFFF;
	(pc) =	sbr.abs _section_cstart, $3  }
0xc1: {  	[dreg:$0x1] =	wrdreg $0xFFFFFFFF  }
0xc2: {  	_ =	task.clear_ibuf [dreg:s7], $0x2FFFF;
	_ =	strace $0x9FFFFFFF  }
0xc3: {  	(tm) =	ssettm $0x7FFFFFFF  }
tec
execute0_lowered:
.L_overlay_start_1:
0x0: {  	(tag) =	ssettag $0x1  }
0x1: {  	s0 =	rddreg [dreg:$0x0]  }
0x2: {  	s1 =	rddreg [dreg:$0x1]  }
0x3: {  	s3 =	rddreg [dreg:$0x2]  }
0x4: {  	s4 =	simm.s32 $0x0;
	s19 =	stileid.u32;
	s6 =	srdreg.scid  }
0x5: {  	s12 =	simm.s32 $0x7;
	s13 =	simm.s32 $0x80;
	s14 =	simm.s32 $0xA000  }
0x6: {  	s15 =	simm.s32 $0xE000;
	s16 =	simm.s32 $0x5000;
	s20 =	simm.s32 $0x1  }
0x7: {  	s22 =	simm.s32 $0x12000;
	s23 =	simm.s32 $0x2;
	s28 =	simm.s32 $0x3  }
0x8: {  	s30 =	simm.s32 $0x5;
	s31 =	simm.s32 $0x200;
	s2 =	smul.u32 $0xA00, s19  }
0x9: {  	s21 =	simm.s32 $0x0;
	[smem:$0x7FF] =	sst s4;
	s8 =	smul.u32 $0x27000, s19  }
0xa: {  	s5 =	sadd.s32 $0xE600, s0;
	s17 =	sand.u32 $0x1, s6;
	s10 =	smul.u32 $0x9C00, s19  }
0xb: {  	s18 =	sshll.u32 s19, $0x6;
	p0 =	sne.s32 s19, $0xF;
	_ =	strace $0x8000004A  }
0xc: {  	s6 =	ssub.s32 $0x2, s17;
	s9 =	smul.u32 $0x9C400, s17;
	p1 =	seq.s32 s17, $0x0  }
0xd: {  	s17 =	sor.u32 $0x1C07, s18;
	s2 =	sadd.s32 s2, s0;
	s7 =	sshrl.u32 s6, $0x1  }
0xe: {  	s0 =	sadd.s32 $0x67200, s0;
	s25 =	sshrl.u32 s8, $0x2;
	s11 =	ssub.s32 s6, s7  }
0xf: {  	s6 =	sadd.s32 $0x36000, s2;
	s7 =	sadd.s32 $0x4600, s2;
	s10 =	sadd.s32 s10, s9  }
.Ltmp0:
0x10: {  	s9 =	sshrl.u32 s9, $0x3;
	s8 =	sadd.s32 s25, s3;
	(pc) =	sbr.rel .LBB2_1-.Ltmp0, $4  }
0x11: {  	s2 =	sadd.s32 $0x9C400, s3;
	s25 =	simm.s32 $0x4;
	s26 =	sshrl.u32 s10, $0x3  }
0x12: {  	s29 =	sadd.s32 s0, s9;
	s11 =	smax.u32 s11, $0x1;
	s19 =	sshrl.u32 @!p0 s2, $0x3  }
0x13: {  	v0 =	vlaneseq.u32;
	s2 =	simm.s32 $0x9E00;
	s9 =	sadd.s32 s0, s26;
	s0 =	sadd.s32 $0x9C000, s3  }
0x14: {  	v0 =	vor.u32 $0x1388, v0;
	s10 =	sadd.s32 $0x13800, s29;
	s18 =	sshrl.u32 @!p0 s0, $0x3;
	s0 =	simm.s32 $0x6  }
.LBB2_8:
0x15: {  	_ =	swait.ge [sflag:s20], $0x4000  }
0x16: {  	[sflag:s20] =	ssyncset.done $0x0  }
0x17: {  	[sflag:s20] =	ssyncadd.s32 $0xFFFFC000  }
0x18: {  	[spmem:s3] =	stream.indirect.scatter.add.f32 [tilespmem:s14], [sflag:$0x4], $0x80, s2, s13, $0xb8;
	[tilespmem:$0x1FC80] =	vst v63  }
0x19: {  	_ =	swait.ge [sflag:s0], $0x4000  }
0x1a: {  	[sflag:s0] =	ssyncset.done $0x0  }
0x1b: {  	[sflag:s0] =	ssyncadd.s32 $0xFFFFC000  }
0x1c: {  	_ =	swait.ge [sflag:s25], $0x4000  }
0x1d: {  	[sflag:s25] =	ssyncset.done $0x0  }
0x1e: {  	[sflag:s25] =	ssyncadd.s32 $0xFFFFC000  }
0x1f: {  	s24 =	sshrl.u32 s8, $0x3;
	[bflag:$0x0] =	sbarrier.arrive $0xFFFF  }
0x20: {  	[hbm:s9], [sflag:s17] =	dma.local [spmem:s24], $0x1380  }
0x21: {  	s21 =	sadd.s32 $0x1, s21;
	_ =	swait.ge [sflag:s12], $0x1380  }
0x22: {  	p2 =	sne.s32 s21, s11;
	[sflag:s12] =	ssyncset.done $0x0  }
.Ltmp1:
0x23: {  	s24 =	simm.s32 @!p0 $0x7;
	[sflag:s12] =	ssyncadd.s32 $0xFFFFEC80;
	(pc) =	sbr.rel @!p2 .LBB2_9-.Ltmp1, $4  }
0x24: {  	[hbm:s10], [sflag:s17] =	dma.local @!p0 [spmem:s18], $0x80  }
0x25: {  	_ =	swait.ge @!p0 [sflag:s24], $0x80  }
0x26: {  	[sflag:s24] =	ssyncset.done @!p0 $0x0  }
0x27: {  	[sflag:s24] =	ssyncadd.s32 @!p0 $0xFFFFFF80  }
.LBB2_1:
0x28: {  	[tilespmem:s4], [sflag:$0x7] =	stream.linear.gather [hbm4b:s6+s4], $0x4E80, $0x38;
	[tilespmem:$0x1FC80] =	vst v63  }
0x29: {  	_ =	swait.ge [sflag:s12], $0x4E80  }
0x2a: {  	[sflag:s12] =	ssyncset.done $0x0  }
0x2b: {  	[sflag:s12] =	ssyncadd.s32 $0xFFFFB180  }
0x2c: {  	[tilespmem:s14], [sflag:$0x1] =	stream.indirect.gather [hbm4b:s5+s13], $0x80, s4, s13, $0xb8;
	[tilespmem:$0x1FC80] =	vst v63  }
0x2d: {  	_ = 	snop  }
0x2e: {  	[tilespmem:s15], [sflag:$0x2] =	stream.indirect.gather [hbm4b:s5+s13], $0x80, s13, s13, $0xb8;
	[tilespmem:$0x1FC80] =	vst v63  }
0x2f: {  	_ = 	snop  }
0x30: {  	[tilespmem:s16], [sflag:$0x7] =	stream.linear.gather [hbm4b:s7+s4], $0x4E80, $0x38;
	[tilespmem:$0x1FC80] =	vst v63  }
0x31: {  	_ =	swait.ge [sflag:s12], $0x4E80  }
0x32: {  	[sflag:s12] =	ssyncset.done $0x0  }
0x33: {  	s24 =	simm.s32 $0x0;
	[sflag:s12] =	ssyncadd.s32 $0xFFFFB180  }
0x34: {  	v1 =	vld [tilespmem:s24+$0x5000];
	_ =	sdelay $0x1  }
0x35: {  	v3 =	vld [tilespmem:s24+$0x5010];
	_ =	sdelay $0x1  }
0x36: {  	v4 =	vld [tilespmem:s24+$0x5020]  }
0x37: {  	v2 =	vadd.s32 $0xFFFFEC78, v1  }
0x38: {  	v7 =	vld [tilespmem:s24+$0x5030];
	vm0 =	vlt.s32 v1, $0x1388;
	vm1 =	vlt.u32 v2, $0x1388  }
0x39: {  	v5 =	vadd.s32 $0xFFFFEC78, v3;
	v1 =	vpsel p1, v1, v2;
	vm1 =	vmmov @p1 vm0  }
0x3a: {  	vm2 =	vlt.u32 v5, $0x1388;
	vm0 =	vlt.s32 v3, $0x1388;
	v2 =	vsel vm1, v1, v0  }
0x3b: {  	v6 =	vld [tilespmem:s24+$0x5040];
	vm2 =	vmmov @p1 vm0;
	v1 =	vpsel p1, v3, v5;
	v3 =	vadd.s32 $0xFFFFEC78, v4  }
0x3c: {  	vm0 =	vlt.s32 v4, $0x1388;
	vm1 =	vlt.u32 v3, $0x1388;
	v4 =	vpsel p1, v4, v3;
	v3 =	vld [tilespmem:s24+$0x5050]  }
0x3d: {  	v8 =	vadd.s32 $0xFFFFEC78, v7;
	v1 =	vsel vm2, v1, v0  }
0x3e: {  	vm2 =	vlt.s32 v7, $0x1388;
	vm1 =	vmmov @p1 vm0;
	vm0 =	vlt.u32 v8, $0x1388  }
0x3f: {  	s26 =	simm.s32 $0x200;
	v7 =	vpsel p1, v7, v8;
	v5 =	vsel vm1, v4, v0;
	vm0 =	vmmov @p1 vm2;
	v4 =	vld [tilespmem:s24+$0x5060]  }
.LBB2_2:
0x40: {  	p2 =	seq.s32 s26, $0x13800;
	v7 =	vsel vm0, v7, v0;
	v8 =	vadd.s32 $0xFFFFEC78, v6;
	vm0 =	vlt.s32 v6, $0x1388;
	v9 =	vld [tilespmem:s24+$0x5070]  }
0x41: {  	vm1 =	vlt.u32 v8, $0x1388;
	v6 =	vpsel p1, v6, v8;
	v8 =	vadd.s32 $0xFFFFEC78, v3  }
0x42: {  	s29 =	sshra.s32 s26, $0x2;
	[tilespmem:s24+$0x5000] =	vst v2;
	vm1 =	vmmov @p1 vm0;
	vm0 =	vlt.s32 v3, $0x1388;
	vm2 =	vlt.u32 v8, $0x1388  }
0x43: {  	v3 =	vpsel p1, v3, v8;
	v2 =	vld [tilespmem:s29+$0x5000];
	[tilespmem:s24+$0x5010] =	vst v1;
	v1 =	vsel vm1, v6, v0;
	vm2 =	vmmov @p1 vm0  }
0x44: {  	v6 =	vld [tilespmem:s29+$0x5010];
	[tilespmem:s24+$0x5020] =	vst v5;
	v3 =	vsel vm2, v3, v0;
	v5 =	vadd.s32 $0xFFFFEC78, v4;
	vm0 =	vlt.s32 v4, $0x1388  }
0x45: {  	[tilespmem:s24+$0x5030] =	vst v7;
	vm1 =	vlt.u32 v5, $0x1388;
	v4 =	vpsel p1, v4, v5;
	v5 =	vadd.s32 $0xFFFFEC78, v9  }
0x46: {  	[tilespmem:s24+$0x5040] =	vst v1;
	vm1 =	vmmov @p1 vm0;
	vm0 =	vlt.s32 v9, $0x1388;
	vm2 =	vlt.u32 v5, $0x1388  }
0x47: {  	v7 =	vld [tilespmem:s29+$0x5020];
	[tilespmem:s24+$0x5050] =	vst v3;
	v1 =	vsel vm1, v4, v0;
	vm2 =	vmmov @p1 vm0;
	v3 =	vpsel p1, v9, v5  }
0x48: {  	v4 =	vadd.s32 $0xFFFFEC78, v2;
	vm0 =	vlt.s32 v2, $0x1388;
	v8 =	vld [tilespmem:s29+$0x5030];
	[tilespmem:s24+$0x5060] =	vst v1;
	v1 =	vsel vm2, v3, v0  }
0x49: {  	vm1 =	vlt.u32 v4, $0x1388;
	v2 =	vpsel p1, v2, v4;
	v3 =	vadd.s32 $0xFFFFEC78, v6;
	[tilespmem:s24+$0x5070] =	vst v1;
	s24 =	smov.u32 s29  }
0x4a: {  	vm1 =	vmmov @p1 vm0;
	vm0 =	vlt.s32 v6, $0x1388;
	vm2 =	vlt.u32 v3, $0x1388  }
.Ltmp2:
0x4b: {  	v1 =	vpsel p1, v6, v3;
	v2 =	vsel vm1, v2, v0;
	vm2 =	vmmov @p1 vm0;
	v6 =	vld [tilespmem:s24+$0x5040];
	(pc) =	sbr.rel @!p2 .LBB2_2-.Ltmp2, $4  }
0x4c: {  	v1 =	vsel vm2, v1, v0;
	v4 =	vadd.s32 $0xFFFFEC78, v7;
	vm0 =	vlt.s32 v7, $0x1388;
	v3 =	vld [tilespmem:s24+$0x5050]  }
0x4d: {  	vm1 =	vlt.u32 v4, $0x1388;
	v4 =	vpsel p1, v7, v4;
	v7 =	vadd.s32 $0xFFFFEC78, v8  }
0x4e: {  	vm2 =	vlt.s32 v8, $0x1388;
	vm1 =	vmmov @p1 vm0;
	vm0 =	vlt.u32 v7, $0x1388  }
0x4f: {  	s26 =	sadd.s32 $0x200, s26;
	v7 =	vpsel p1, v8, v7;
	v5 =	vsel vm1, v4, v0;
	vm0 =	vmmov @p1 vm2;
	v4 =	vld [tilespmem:s24+$0x5060]  }
0x50: {  	v7 =	vsel vm0, v7, v0;
	v8 =	vadd.s32 $0xFFFFEC78, v6;
	vm0 =	vlt.s32 v6, $0x1388;
	v9 =	vld [tilespmem:s24+$0x5070]  }
0x51: {  	vm1 =	vlt.u32 v8, $0x1388;
	v61 =	vpsel p1, v6, v8;
	v62 =	vadd.s32 $0xFFFFEC78, v3  }
0x52: {  	[tilespmem:s24+$0x5000] =	vst v2;
	vm1 =	vmmov @p1 vm0;
	vm0 =	vlt.s32 v3, $0x1388;
	vm2 =	vlt.u32 v62, $0x1388  }
0x53: {  	[tilespmem:s24+$0x5010] =	vst v1;
	v2 =	vpsel p1, v3, v62;
	v1 =	vsel vm1, v61, v0;
	vm2 =	vmmov @p1 vm0  }
0x54: {  	[tilespmem:s24+$0x5020] =	vst v5;
	v2 =	vsel vm2, v2, v0;
	v3 =	vadd.s32 $0xFFFFEC78, v4;
	vm0 =	vlt.s32 v4, $0x1388  }
0x55: {  	[tilespmem:s24+$0x5030] =	vst v7;
	vm1 =	vlt.u32 v3, $0x1388;
	v3 =	vpsel p1, v4, v3;
	v63 =	vadd.s32 $0xFFFFEC78, v9  }
0x56: {  	[tilespmem:s24+$0x5040] =	vst v1;
	vm1 =	vmmov @p1 vm0;
	vm0 =	vlt.s32 v9, $0x1388;
	vm2 =	vlt.u32 v63, $0x1388  }
0x57: {  	[tilespmem:s24+$0x5050] =	vst v2;
	v2 =	vpsel p1, v9, v63;
	v1 =	vsel vm1, v3, v0;
	vm2 =	vmmov @p1 vm0  }
0x58: {  	s29 =	sadd.s32 $0x0, s8;
	[tilespmem:s24+$0x5060] =	vst v1;
	v1 =	vsel vm2, v2, v0  }
0x59: {  	[tilespmem:s24+$0x5070] =	vst v1;
	s24 =	sshrl.u32 s29, $0x3  }
0x5a: {  	[spmem:s24], [sflag:s17] =	dma.local [hbm:s1], $0x80  }
0x5b: {  	s24 =	simm.s32 $0x1000;
	_ =	swait.ge [sflag:s12], $0x80  }
.LBB2_4:
0x5c: {  	s26 =	sshra.s32 s24, $0x2;
	[sflag:s12] =	ssyncset.done $0x0;
	p2 =	sne.s32 s24, $0x26000  }
.Ltmp3:
0x5d: {  	s26 =	sadd.s32 s26, s8;
	[sflag:s12] =	ssyncadd.s32 $0xFFFFFF80;
	(pc) =	sbr.rel @p2 .LBB2_4-.Ltmp3, $4  }
0x5e: {  	s24 =	sadd.s32 $0x1000, s24;
	s26 =	sshrl.u32 s26, $0x3  }
0x5f: {  	[spmem:s26], [sflag:s17] =	dma.local [hbm:s1], $0x80  }
0x60: {  	_ = 	snop  }
0x61: {  	_ =	swait.ge [sflag:s12], $0x80  }
0x62: {  	[sflag:s12] =	ssyncset.done $0x0  }
0x63: {  	s24 =	simm.s32 @!p0 $0x1FC7;
	s26 =	simm.s32 @!p0 $0x7;
	[sflag:s12] =	ssyncadd.s32 $0xFFFFFF80  }
0x64: {  	[spmem:s18], [sflag:s24] =	dma.local @!p0 [hbm:s1], $0x80  }
0x65: {  	_ =	swait.ge @!p0 [sflag:s26], $0x80  }
0x66: {  	[sflag:s26] =	ssyncset.done @!p0 $0x0  }
0x67: {  	[sflag:s26] =	ssyncadd.s32 @!p0 $0xFFFFFF80  }
0x68: {  	[spmem:s19], [sflag:s24] =	dma.local @!p0 [hbm:s1], $0x80  }
0x69: {  	_ =	swait.ge @!p0 [sflag:s26], $0x80  }
0x6a: {  	[sflag:s26] =	ssyncset.done @!p0 $0x0  }
0x6b: {  	[sflag:s26] =	ssyncadd.s32 @!p0 $0xFFFFFF80  }
0x6c: {  	[bflag:$0x0] =	sbarrier.arrive $0xFFFF  }
0x6d: {  	_ =	swait.ge [sflag:s20], $0x4000  }
0x6e: {  	[sflag:s20] =	ssyncset.done $0x0  }
0x6f: {  	[sflag:s20] =	ssyncadd.s32 $0xFFFFC000  }
0x70: {  	[spmem:s3] =	stream.indirect.scatter.add.f32 [tilespmem:s14], [sflag:$0x4], $0x80, s16, s13, $0xb8;
	[tilespmem:$0x1FC80] =	vst v63  }
0x71: {  	s26 =	simm.s32 $0x100  }
0x72: {  	[tilespmem:s22], [sflag:$0x3] =	stream.indirect.gather [hbm4b:s5+s13], $0x80, s26, s13, $0xb8;
	[tilespmem:$0x1FC80] =	vst v63  }
0x73: {  	_ =	swait.ge [sflag:s23], $0x4000  }
0x74: {  	[sflag:s23] =	ssyncset.done $0x0  }
0x75: {  	s29 =	simm.s32 $0x5080;
	[sflag:s23] =	ssyncadd.s32 $0xFFFFC000  }
0x76: {  	[spmem:s3] =	stream.indirect.scatter.add.f32 [tilespmem:s15], [sflag:$0x5], $0x80, s29, s13, $0xb8;
	[tilespmem:$0x1FC80] =	vst v63  }
0x77: {  	_ =	swait.ge [sflag:s25], $0x4000  }
0x78: {  	[sflag:s25] =	ssyncset.done $0x0  }
0x79: {  	s26 =	simm.s32 $0x180;
	[sflag:s25] =	ssyncadd.s32 $0xFFFFC000  }
0x7a: {  	[tilespmem:s14], [sflag:$0x1] =	stream.indirect.gather [hbm4b:s5+s13], $0x80, s26, s13, $0xb8;
	[tilespmem:$0x1FC80] =	vst v63  }
0x7b: {  	_ =	swait.ge [sflag:s28], $0x4000  }
0x7c: {  	[sflag:s28] =	ssyncset.done $0x0  }
0x7d: {  	s29 =	simm.s32 $0x5100;
	[sflag:s28] =	ssyncadd.s32 $0xFFFFC000  }
0x7e: {  	[spmem:s3] =	stream.indirect.scatter.add.f32 [tilespmem:s22], [sflag:$0x6], $0x80, s29, s13, $0xb8;
	[tilespmem:$0x1FC80] =	vst v63  }
0x7f: {  	_ =	swait.ge [sflag:s30], $0x4000  }
0x80: {  	[sflag:s30] =	ssyncset.done $0x0  }
0x81: {  	s24 =	simm.s32 $0x0;
	[sflag:s30] =	ssyncadd.s32 $0xFFFFC000  }
0x82: {  	[tilespmem:s15], [sflag:$0x2] =	stream.indirect.gather [hbm4b:s5+s13], $0x80, s31, s13, $0xb8;
	[tilespmem:$0x1FC80] =	vst v63  }
.LBB2_6:
0x83: {  	_ =	swait.ge [sflag:s20], $0x4000  }
0x84: {  	s26 =	sshra.s32 s24, $0x2;
	[sflag:s20] =	ssyncset.done $0x0  }
0x85: {  	s29 =	sadd.s32 $0x5180, s26;
	[sflag:s20] =	ssyncadd.s32 $0xFFFFC000  }
0x86: {  	[spmem:s3] =	stream.indirect.scatter.add.f32 [tilespmem:s14], [sflag:$0x4], $0x80, s29, s13, $0xb8;
	[tilespmem:$0x1FC80] =	vst v63  }
0x87: {  	_ =	swait.ge [sflag:s0], $0x4000  }
0x88: {  	[sflag:s0] =	ssyncset.done $0x0  }
0x89: {  	s29 =	sadd.s32 $0x280, s26;
	[sflag:s0] =	ssyncadd.s32 $0xFFFFC000  }
0x8a: {  	[tilespmem:s22], [sflag:$0x3] =	stream.indirect.gather [hbm4b:s5+s13], $0x80, s29, s13, $0xb8;
	[tilespmem:$0x1FC80] =	vst v63  }
0x8b: {  	_ =	swait.ge [sflag:s23], $0x4000  }
0x8c: {  	[sflag:s23] =	ssyncset.done $0x0  }
0x8d: {  	s29 =	sadd.s32 $0x5200, s26;
	[sflag:s23] =	ssyncadd.s32 $0xFFFFC000  }
0x8e: {  	[spmem:s3] =	stream.indirect.scatter.add.f32 [tilespmem:s15], [sflag:$0x5], $0x80, s29, s13, $0xb8;
	[tilespmem:$0x1FC80] =	vst v63  }
0x8f: {  	_ =	swait.ge [sflag:s25], $0x4000  }
0x90: {  	[sflag:s25] =	ssyncset.done $0x0  }
0x91: {  	s29 =	sadd.s32 $0x300, s26;
	[sflag:s25] =	ssyncadd.s32 $0xFFFFC000  }
0x92: {  	[tilespmem:s14], [sflag:$0x1] =	stream.indirect.gather [hbm4b:s5+s13], $0x80, s29, s13, $0xb8;
	[tilespmem:$0x1FC80] =	vst v63  }
0x93: {  	_ =	swait.ge [sflag:s28], $0x4000  }
0x94: {  	p2 =	seq.s32 s24, $0x12C00;
	[sflag:s28] =	ssyncset.done $0x0  }
.Ltmp4:
0x95: {  	s29 =	sadd.s32 $0x5280, s26;
	[sflag:s28] =	ssyncadd.s32 $0xFFFFC000;
	(pc) =	sbr.rel @p2 .LBB2_8-.Ltmp4, $4  }
0x96: {  	[spmem:s3] =	stream.indirect.scatter.add.f32 [tilespmem:s22], [sflag:$0x6], $0x80, s29, s13, $0xb8;
	[tilespmem:$0x1FC80] =	vst v63  }
0x97: {  	_ =	swait.ge [sflag:s30], $0x4000  }
0x98: {  	[sflag:s30] =	ssyncset.done $0x0  }
0x99: {  	[sflag:s30] =	ssyncadd.s32 $0xFFFFC000  }
.Ltmp5:
0x9a: {  	(pc) =	sbr.rel .LBB2_6-.Ltmp5, $3  }
0x9b: {  	_ =	sdelay $0x1  }
0x9c: {  	s26 =	sadd.s32 $0x380, s26;
	s24 =	sadd.s32 $0x600, s24  }
0x9d: {  	[tilespmem:s15], [sflag:$0x2] =	stream.indirect.gather [hbm4b:s5+s13], $0x80, s26, s13, $0xb8;
	[tilespmem:$0x1FC80] =	vst v63  }
.LBB2_9:
0x9e: {  	_ =	sfence.sel $0x180000  }
0x9f: {  	[bflag:$0x0] =	sbarrier.arrive $0xFFFF  }
0xa0: {  	_ =	strace $0x9000004A  }
0xa1: {  	s0 =	stileid.u32;
	[bflag:$0x2] =	sbarrier.arrive $0xFFFF  }
0xa2: {  	p0 =	sne.s32 s0, $0x0;
	s0 =	rddreg [dreg:$0x3]  }
0xa3: {  	s0 =	sadd.s32 @!p0 $0x100000, s0  }
0xa4: {  	[sflag:s0] =	ssyncadd.tile.s32 @!p0 $0x1;
	_ =	shalt  }
.Lfunc_end2:
_tile_overlayer_lowered:
.L_overlay_start_2:
0xa5: {  	(tag) =	ssettag $0x2  }
0xa6: {  	s0 =	rddreg [dreg:$0x0];
	s2 =	stileid.u32  }
0xa7: {  	s1 =	rddreg [dreg:$0x1];
	p0 =	sne.s32 s2, $0x0  }
0xa8: {  	s3 =	rddreg [dreg:$0x2];
	[bflag:$0x3] =	sbarrier.arrive $0xFFFF;
	s2 =	simm.s32 @!p0 $0x1C07  }
0xa9: {  	[timem:s3], [sflag:s2] =	dma.local @!p0 [hbm:s0], s1  }
0xaa: {  	s0 =	simm.s32 @!p0 $0x7  }
0xab: {  	_ =	swait.ge @!p0 [sflag:s0], s1  }
0xac: {  	s1 =	ssub.s32 @!p0 $0x0, s1;
	[sflag:s0] =	ssyncset.done @!p0 $0x0  }
0xad: {  	[sflag:s0] =	ssyncadd.s32 @!p0 s1  }
0xae: {  	[bflag:$0x3] =	sbarrier.arrive $0xFFFF  }
0xaf: {  	_ =	shalt  }

// kernel: kernel.19.cloned.1.call-start
scs
__scs_entry_jumppad:
0x0: {  	(pc) =	sbr.rel $0x88, $3  }
0x1: {  	(tag) =	ssettag $0x0;
	lr =	simm.s32 $0x1  }
0x2: {  	[smem:$0x3F90] =	sst lr;
	_ =	strace $0xD0000000  }
0x3: {  	_ = 	snop  }
0x4: {  	_ = 	snop  }
0x5: {  	_ = 	snop  }
0x6: {  	_ = 	snop  }
0x7: {  	_ = 	snop  }
__scs_overlays_trampoline_lowered:
0x8: {  	[smem:$0x3F9F] =	sst s0  }
0x9: {  	[smem:$0x3FA0] =	sst s1  }
0xa: {  	[smem:$0x3FA1] =	sst s2  }
0xb: {  	[smem:$0x3FA2] =	sst s3  }
0xc: {  	[smem:$0x3FA3] =	sst s4  }
0xd: {  	[smem:$0x3FA4] =	sst s5  }
0xe: {  	[smem:$0x3FA5] =	sst s6  }
0xf: {  	[smem:$0x3FA6] =	sst s7  }
0x10: {  	[smem:$0x3FA7] =	sst s8  }
0x11: {  	[smem:$0x3FA8] =	sst s9;
	s0 =	simm.s32 @!p0 $0x0  }
0x12: {  	s1 =	sld [smem:$0x3F8E];
	s0 =	simm.s32 @p0 $0x1  }
0x13: {  	[smem:$0x3FA9] =	sst s0;
	s0 =	simm.s32 @!p1 $0x0  }
0x14: {  	s2 =	sld [smem:$0x3F8D];
	s0 =	simm.s32 @p1 $0x1  }
0x15: {  	[smem:$0x3FAA] =	sst s0;
	s0 =	simm.s32 @!p2 $0x0  }
0x16: {  	s3 =	sld [smem:$0x3FDB];
	s0 =	simm.s32 @p2 $0x1  }
0x17: {  	s4 =	simm.s32 $0x1BF5;
	[smem:$0x3FAC] =	sst s0  }
0x18: {  	s0 =	sld [smem:$0x3F8F];
	_ =	swait.ge [sflag:s4], $0x0  }
0x19: {  	s7 =	sld [smem:$0x3F90]  }
0x1a: {  	s8 =	sadd.s32 $0xFFFFE003, lr  }
0x1b: {  	s9 =	sadd.s32 $0xFFFFFEF7, lr;
	s5 =	simm.s32 $0xFFFFFFFF;
	p2 =	slt.u32 s8, $0xFFFFF086  }
0x1c: {  	p1 =	slt.u32 s9, $0xF7A;
	s5 =	simm.s32 @!p2 $0x0  }
0x1d: {  	s5 =	simm.s32 @p1 $0x1;
	p0 =	seq.s32 s7, s2  }
0x1e: {  	s7 =	smul.u32 @!p0 $0xF7A, s2;
	p2 =	seq.s32 @!p0 s5, $0x0  }
0x1f: {  	s9 =	smul.u32 $0xF7A, s1;
	s8 =	simm.s32 @!p0 $0x1BF5;
	p2 =	por !p2, p0  }
0x20: {  	[sflag:s8] =	ssyncset.s32 @!p0 $0xFFFFF086;
	s6 =	sadd.s32 @!p0 s3, s7;
	s7 =	simm.s32 @!p0 $0x108  }
0x21: {  	s3 =	sadd.s32 s3, s9;
	s6 =	sadd.s32 @!p0 $0x88, s6;
	s7 =	simm.s32 @p2 $0x1082  }
0x22: {  	[simem:s7], [sflag:s8] =	dma.local @!p0 [hbm:s6], $0xF7A  }
0x23: {  	s9 =	sor.u32 $0xD0000000, s2;
	s6 =	simm.s32 $0x108;
	_ =	swait.ge @!p0 [sflag:s8], $0x0  }
0x24: {  	s3 =	sadd.s32 $0x88, s3;
	s6 =	simm.s32 @!p1 $0x1082;
	[sflag:s4] =	ssyncset.s32 $0xFFFFF086  }
0x25: {  	[simem:s6], [sflag:s4] =	dma.local [hbm:s3], $0xF7A  }
0x26: {  	[smem:$0x3F90] =	sst s1;
	(tag) =	ssettag s2;
	_ =	strace s9  }
0x27: {  	s1 =	sld [smem:$0x3FA0]  }
0x28: {  	s2 =	sld [smem:$0x3FA1]  }
0x29: {  	s4 =	sld [smem:$0x3FA3]  }
0x2a: {  	p0 =	seq.s32 s5, $0x0;
	s5 =	sld [smem:$0x3FA4]  }
0x2b: {  	s6 =	sld [smem:$0x3FA5]  }
0x2c: {  	s7 =	sld [smem:$0x3FA6]  }
0x2d: {  	s3 =	simm.s32 $0x108;
	s8 =	sld [smem:$0x3FA7]  }
0x2e: {  	s3 =	simm.s32 @!p0 $0x1082;
	s9 =	sld [smem:$0x3FA8]  }
0x2f: {  	lr =	sadd.s32 s0, s3;
	s0 =	sld [smem:$0x3F9F]  }
0x30: {  	s3 =	sld [smem:$0x3FA2]  }
0x31: {  	[smem:$0x3FAB] =	sst s10  }
0x32: {  	s10 =	sld [smem:$0x3FA9];
	_ =	sdelay $0x3  }
0x33: {  	p0 =	seq.s32 s10, $0x1;
	s10 =	sld [smem:$0x3FAB];
	_ =	sdelay $0x3  }
0x34: {  	[smem:$0x3FAB] =	sst s10  }
0x35: {  	s10 =	sld [smem:$0x3FAA];
	_ =	sdelay $0x3  }
0x36: {  	p1 =	seq.s32 s10, $0x1;
	s10 =	sld [smem:$0x3FAB];
	_ =	sdelay $0x3  }
0x37: {  	[smem:$0x3FAB] =	sst s10  }
0x38: {  	s10 =	sld [smem:$0x3FAC]  }
0x39: {  	_ = 	snop;
	(pc) =	sbr.ind lr, $3  }
0x3a: {  	_ = 	snop  }
0x3b: {  	_ = 	snop  }
0x3c: {  	p2 =	seq.s32 s10, $0x1;
	s10 =	sld [smem:$0x3FAB]  }
0x3d: {  	_ =	shalt  }
0x3e: {  	_ =	shalt  }
0x3f: {  	_ =	shalt  }
0x40: {  	_ =	shalt  }
0x41: {  	_ =	shalt  }
0x42: {  	_ =	shalt  }
0x43: {  	_ =	shalt  }
0x44: {  	_ =	shalt  }
0x45: {  	_ =	shalt  }
0x46: {  	_ =	shalt  }
0x47: {  	_ =	shalt  }
0x48: {  	_ =	shalt  }
0x49: {  	_ =	shalt  }
0x4a: {  	_ =	shalt  }
0x4b: {  	_ =	shalt  }
0x4c: {  	_ =	shalt  }
0x4d: {  	_ =	shalt  }
0x4e: {  	_ =	shalt  }
0x4f: {  	_ =	shalt  }
0x50: {  	_ =	shalt  }
0x51: {  	_ =	shalt  }
0x52: {  	_ =	shalt  }
0x53: {  	_ =	shalt  }
0x54: {  	_ =	shalt  }
0x55: {  	_ =	shalt  }
0x56: {  	_ =	shalt  }
0x57: {  	_ =	shalt  }
0x58: {  	_ =	shalt  }
0x59: {  	_ =	shalt  }
0x5a: {  	_ =	shalt  }
0x5b: {  	_ =	shalt  }
0x5c: {  	_ =	shalt  }
0x5d: {  	_ =	shalt  }
0x5e: {  	_ =	shalt  }
0x5f: {  	_ =	shalt  }
0x60: {  	_ =	shalt  }
0x61: {  	_ =	shalt  }
0x62: {  	_ =	shalt  }
0x63: {  	_ =	shalt  }
0x64: {  	_ =	shalt  }
0x65: {  	_ =	shalt  }
0x66: {  	_ =	shalt  }
0x67: {  	_ =	shalt  }
0x68: {  	_ =	shalt  }
0x69: {  	_ =	shalt  }
0x6a: {  	_ =	shalt  }
0x6b: {  	_ =	shalt  }
0x6c: {  	_ =	shalt  }
0x6d: {  	_ =	shalt  }
0x6e: {  	_ =	shalt  }
0x6f: {  	_ =	shalt  }
0x70: {  	_ =	shalt  }
0x71: {  	_ =	shalt  }
0x72: {  	_ =	shalt  }
0x73: {  	_ =	shalt  }
0x74: {  	_ =	shalt  }
0x75: {  	_ =	shalt  }
0x76: {  	_ =	shalt  }
0x77: {  	_ =	shalt  }
0x78: {  	_ =	shalt  }
0x79: {  	_ =	shalt  }
0x7a: {  	_ =	shalt  }
0x7b: {  	_ =	shalt  }
0x7c: {  	_ =	shalt  }
0x7d: {  	_ =	shalt  }
0x7e: {  	_ =	shalt  }
0x7f: {  	_ =	shalt  }
0x80: {  	_ =	shalt  }
0x81: {  	_ =	shalt  }
0x82: {  	_ =	shalt  }
0x83: {  	_ =	shalt  }
0x84: {  	_ =	shalt  }
0x85: {  	_ =	shalt  }
0x86: {  	_ =	shalt  }
0x87: {  	_ =	shalt  }
.Lfunc_end0:
.L_simem_size_0:
called_computation.2_lowered:
.L_overlay_start_0:
0x88: {  	s2 =	sld [smem:$0x3FD9]  }
0x89: {  	s3 =	sld [smem:$0x3FFE];
	_ =	sdelay $0x1  }
0x8a: {  	s1 =	srdreg.scid  }
0x8b: {  	s0 =	sand.u32 $0x1, s1  }
0x8c: {  	s17 =	sshll.u32 s0, $0xA;
	s2 =	sadd.s32 s3, s2  }
0x8d: {  	s2 =	sadd.s32 s2, s17  }
0x8e: {  	[smem:$0x3FB7] =	sst s2  }
0x8f: {  	_ = 	snop  }
0x90: {  	s2 =	sld [smem:$0x3FD0];
	(tm) =	ssettm $0x1  }
0x91: {  	s18 =	sld [smem:$0x3FFB];
	_ =	sdelay $0x3  }
0x92: {  	_ =	strace s18  }
0x93: {  	s3 =	sld [smem:$0x3FFC];
	_ =	sdelay $0x3  }
0x94: {  	_ =	strace s3  }
0x95: {  	s3 =	sld [smem:$0x3FFD];
	_ =	sdelay $0x3  }
0x96: {  	_ =	strace s3  }
0x97: {  	_ =	strace $0x8FFFFFFF  }
0x98: {  	s19 =	sld [smem:$0x3FDB];
	_ =	sdelay $0x1  }
0x99: {  	s4 =	simm.s32 $_scs_section_size  }
0x9a: {  	s5 =	simm.s32 $_size__tile_overlayer_lowered;
	s6 =	simm.s32 $_tile_overlayer_lowered  }
0x9b: {  	s22 =	simm.s32 $0x1BFF;
	s21 =	sshll.u32 s6, $0x1;
	s3 =	sadd.s32 s4, s19  }
0x9c: {  	s7 =	simm.s32 $0x0;
	s20 =	sshll.u32 s5, $0x1;
	s5 =	sadd.s32 s21, s3  }
0x9d: {  	[timem:s7], [sflag:s22] =	dma.local [hbm:s5], s20  }
0x9e: {  	_ =	swait.ge [sflag:s22], s20  }
0x9f: {  	s4 =	ssub.s32 $0x0, s20;
	[sflag:s22] =	ssyncset.done $0x0  }
0xa0: {  	[sflag:s22] =	ssyncadd.s32 s4;
	_ =	sdelay $0x1  }
0xa1: {  	s23 =	simm.s32 $0x1B8B  }
0xa2: {  	_ =	swait.ge [sflag:s23], $0x1  }
0xa3: {  	[sflag:s23] =	ssyncset.done $0x0  }
0xa4: {  	s25 =	simm.s32 $0x1B8E;
	s24 =	sld [smem:$0x3FFE];
	[sflag:s23] =	ssyncadd.s32 $0xFFFFFFFF  }
0xa5: {  	s26 =	simm.s32 $execute0_lowered;
	[smem:$0x3FD2] =	sst s25  }
0xa6: {  	s5 =	sshll.u32 s26, $0x1;
	_ =	strace $0x8000004C;
	[dreg:$0x1] =	wrdreg $0xFFFFFFFF  }
0xa7: {  	s28 =	simm.s32 $_size_execute0_lowered;
	s3 =	sadd.s32 s3, s5;
	[dreg:$0x0] =	wrdreg $0x0  }
0xa8: {  	s5 =	sshll.u32 s28, $0x1;
	[dreg:$0x2] =	wrdreg s3  }
0xa9: {  	[dreg:$0x3] =	wrdreg s5  }
0xaa: {  	[dreg:$0x4] =	wrdreg $0xC0  }
0xab: {  	_ =	task [dreg:s7], $0x5FFFF  }
0xac: {  	[dreg:$0x1] =	wrdreg $0xFFFFFFFF  }
0xad: {  	[dreg:$0x0] =	wrdreg $0x60  }
0xae: {  	[dreg:$0x2] =	wrdreg s24  }
0xaf: {  	[dreg:$0x3] =	wrdreg s2  }
0xb0: {  	[dreg:$0x4] =	wrdreg $0x160000  }
0xb1: {  	[dreg:$0x5] =	wrdreg $0x9  }
0xb2: {  	_ =	task.clear_ibuf [dreg:s7], $0x6FFFF;
	_ =	strace $0x9000004C  }
0xb3: {  	s29 =	simm.s32 $0x9;
	_ =	strace $0x8000004E  }
0xb4: {  	_ =	swait.ge [sflag:s29], $0x1  }
0xb5: {  	[sflag:s29] =	ssyncadd.s32 $0xFFFFFFFF  }
0xb6: {  	_ =	strace $0x9000004E  }
0xb7: {  	_ =	sfence  }
0xb8: {  	s30 =	sld [smem:$0x0];
	_ =	sdelay $0x2  }
0xb9: {  	s31 =	sshll.u32 s1, $0xD;
	s1 =	sshrl.u32 s1, $0x2  }
0xba: {  	s3 =	sand.u32 $0x4000, s31;
	s1 =	sadd.s32 s1, s30  }
0xbb: {  	s0 =	sor.u32 s3, s0;
	s1 =	sshll.u32 s1, $0x11  }
0xbc: {  	s0 =	sor.u32 s1, s0  }
0xbd: {  	s0 =	sadd.s32 $0x8F2B, s0  }
0xbe: {  	[sflag:s0] =	ssyncadd.remote.s32 $0x1  }
0xbf: {  	_ =	sfence.sel $0xFFFF  }
0xc0: {  	[dreg:$0x0] =	wrdreg $0xFFFFFFFF;
	(pc) =	sbr.abs _section_cstart, $3  }
0xc1: {  	[dreg:$0x1] =	wrdreg $0xFFFFFFFF  }
0xc2: {  	_ =	task.clear_ibuf [dreg:s7], $0x2FFFF;
	_ =	strace $0x9FFFFFFF  }
0xc3: {  	(tm) =	ssettm $0x7FFFFFFF  }
tec
execute0_lowered:
.L_overlay_start_1:
0x0: {  	(tag) =	ssettag $0x1  }
0x1: {  	s0 =	rddreg [dreg:$0x0]  }
0x2: {  	s1 =	rddreg [dreg:$0x1]  }
0x3: {  	s3 =	rddreg [dreg:$0x2]  }
0x4: {  	s4 =	simm.s32 $0x0;
	s19 =	stileid.u32;
	s6 =	srdreg.scid  }
0x5: {  	s12 =	simm.s32 $0x7;
	s13 =	simm.s32 $0x80;
	s14 =	simm.s32 $0xA000  }
0x6: {  	s15 =	simm.s32 $0xE000;
	s16 =	simm.s32 $0x5000;
	s20 =	simm.s32 $0x1  }
0x7: {  	s22 =	simm.s32 $0x12000;
	s23 =	simm.s32 $0x2;
	s28 =	simm.s32 $0x3  }
0x8: {  	s30 =	simm.s32 $0x5;
	s31 =	simm.s32 $0x200;
	s2 =	smul.u32 $0xA00, s19  }
0x9: {  	s21 =	simm.s32 $0x0;
	[smem:$0x7FF] =	sst s4;
	s8 =	smul.u32 $0x27000, s19  }
0xa: {  	s5 =	sadd.s32 $0xE600, s0;
	s17 =	sand.u32 $0x1, s6;
	s10 =	smul.u32 $0x9C00, s19  }
0xb: {  	s18 =	sshll.u32 s19, $0x6;
	p0 =	sne.s32 s19, $0xF;
	_ =	strace $0x8000004D  }
0xc: {  	s6 =	ssub.s32 $0x2, s17;
	s9 =	smul.u32 $0x9C400, s17;
	p1 =	seq.s32 s17, $0x0  }
0xd: {  	s17 =	sor.u32 $0x1C07, s18;
	s2 =	sadd.s32 s2, s0;
	s7 =	sshrl.u32 s6, $0x1  }
0xe: {  	s0 =	sadd.s32 $0x67200, s0;
	s25 =	sshrl.u32 s8, $0x2;
	s11 =	ssub.s32 s6, s7  }
0xf: {  	s6 =	sadd.s32 $0x36000, s2;
	s7 =	sadd.s32 $0x4600, s2;
	s10 =	sadd.s32 s10, s9  }
.Ltmp0:
0x10: {  	s9 =	sshrl.u32 s9, $0x3;
	s8 =	sadd.s32 s25, s3;
	(pc) =	sbr.rel .LBB2_1-.Ltmp0, $4  }
0x11: {  	s2 =	sadd.s32 $0x9C400, s3;
	s25 =	simm.s32 $0x4;
	s26 =	sshrl.u32 s10, $0x3  }
0x12: {  	s29 =	sadd.s32 s0, s9;
	s11 =	smax.u32 s11, $0x1;
	s19 =	sshrl.u32 @!p0 s2, $0x3  }
0x13: {  	v0 =	vlaneseq.u32;
	s2 =	simm.s32 $0x9E00;
	s9 =	sadd.s32 s0, s26;
	s0 =	sadd.s32 $0x9C000, s3  }
0x14: {  	v0 =	vor.u32 $0x1388, v0;
	s10 =	sadd.s32 $0x13800, s29;
	s18 =	sshrl.u32 @!p0 s0, $0x3;
	s0 =	simm.s32 $0x6  }
.LBB2_8:
0x15: {  	_ =	swait.ge [sflag:s20], $0x4000  }
0x16: {  	[sflag:s20] =	ssyncset.done $0x0  }
0x17: {  	[sflag:s20] =	ssyncadd.s32 $0xFFFFC000  }
0x18: {  	[spmem:s3] =	stream.indirect.scatter.add.f32 [tilespmem:s14], [sflag:$0x4], $0x80, s2, s13, $0xb8;
	[tilespmem:$0x1FC80] =	vst v63  }
0x19: {  	_ =	swait.ge [sflag:s0], $0x4000  }
0x1a: {  	[sflag:s0] =	ssyncset.done $0x0  }
0x1b: {  	[sflag:s0] =	ssyncadd.s32 $0xFFFFC000  }
0x1c: {  	_ =	swait.ge [sflag:s25], $0x4000  }
0x1d: {  	[sflag:s25] =	ssyncset.done $0x0  }
0x1e: {  	[sflag:s25] =	ssyncadd.s32 $0xFFFFC000  }
0x1f: {  	s24 =	sshrl.u32 s8, $0x3;
	[bflag:$0x0] =	sbarrier.arrive $0xFFFF  }
0x20: {  	[hbm:s9], [sflag:s17] =	dma.local [spmem:s24], $0x1380  }
0x21: {  	s21 =	sadd.s32 $0x1, s21;
	_ =	swait.ge [sflag:s12], $0x1380  }
0x22: {  	p2 =	sne.s32 s21, s11;
	[sflag:s12] =	ssyncset.done $0x0  }
.Ltmp1:
0x23: {  	s24 =	simm.s32 @!p0 $0x7;
	[sflag:s12] =	ssyncadd.s32 $0xFFFFEC80;
	(pc) =	sbr.rel @!p2 .LBB2_9-.Ltmp1, $4  }
0x24: {  	[hbm:s10], [sflag:s17] =	dma.local @!p0 [spmem:s18], $0x80  }
0x25: {  	_ =	swait.ge @!p0 [sflag:s24], $0x80  }
0x26: {  	[sflag:s24] =	ssyncset.done @!p0 $0x0  }
0x27: {  	[sflag:s24] =	ssyncadd.s32 @!p0 $0xFFFFFF80  }
.LBB2_1:
0x28: {  	[tilespmem:s4], [sflag:$0x7] =	stream.linear.gather [hbm4b:s6+s4], $0x4E80, $0x38;
	[tilespmem:$0x1FC80] =	vst v63  }
0x29: {  	_ =	swait.ge [sflag:s12], $0x4E80  }
0x2a: {  	[sflag:s12] =	ssyncset.done $0x0  }
0x2b: {  	[sflag:s12] =	ssyncadd.s32 $0xFFFFB180  }
0x2c: {  	[tilespmem:s14], [sflag:$0x1] =	stream.indirect.gather [hbm4b:s5+s13], $0x80, s4, s13, $0xb8;
	[tilespmem:$0x1FC80] =	vst v63  }
0x2d: {  	_ = 	snop  }
0x2e: {  	[tilespmem:s15], [sflag:$0x2] =	stream.indirect.gather [hbm4b:s5+s13], $0x80, s13, s13, $0xb8;
	[tilespmem:$0x1FC80] =	vst v63  }
0x2f: {  	_ = 	snop  }
0x30: {  	[tilespmem:s16], [sflag:$0x7] =	stream.linear.gather [hbm4b:s7+s4], $0x4E80, $0x38;
	[tilespmem:$0x1FC80] =	vst v63  }
0x31: {  	_ =	swait.ge [sflag:s12], $0x4E80  }
0x32: {  	[sflag:s12] =	ssyncset.done $0x0  }
0x33: {  	s24 =	simm.s32 $0x0;
	[sflag:s12] =	ssyncadd.s32 $0xFFFFB180  }
0x34: {  	v1 =	vld [tilespmem:s24+$0x5000];
	_ =	sdelay $0x1  }
0x35: {  	v3 =	vld [tilespmem:s24+$0x5010];
	_ =	sdelay $0x1  }
0x36: {  	v4 =	vld [tilespmem:s24+$0x5020]  }
0x37: {  	v2 =	vadd.s32 $0xFFFFEC78, v1  }
0x38: {  	v7 =	vld [tilespmem:s24+$0x5030];
	vm0 =	vlt.s32 v1, $0x1388;
	vm1 =	vlt.u32 v2, $0x1388  }
0x39: {  	v5 =	vadd.s32 $0xFFFFEC78, v3;
	v1 =	vpsel p1, v1, v2;
	vm1 =	vmmov @p1 vm0  }
0x3a: {  	vm2 =	vlt.u32 v5, $0x1388;
	vm0 =	vlt.s32 v3, $0x1388;
	v2 =	vsel vm1, v1, v0  }
0x3b: {  	v6 =	vld [tilespmem:s24+$0x5040];
	vm2 =	vmmov @p1 vm0;
	v1 =	vpsel p1, v3, v5;
	v3 =	vadd.s32 $0xFFFFEC78, v4  }
0x3c: {  	vm0 =	vlt.s32 v4, $0x1388;
	vm1 =	vlt.u32 v3, $0x1388;
	v4 =	vpsel p1, v4, v3;
	v3 =	vld [tilespmem:s24+$0x5050]  }
0x3d: {  	v8 =	vadd.s32 $0xFFFFEC78, v7;
	v1 =	vsel vm2, v1, v0  }
0x3e: {  	vm2 =	vlt.s32 v7, $0x1388;
	vm1 =	vmmov @p1 vm0;
	vm0 =	vlt.u32 v8, $0x1388  }
0x3f: {  	s26 =	simm.s32 $0x200;
	v7 =	vpsel p1, v7, v8;
	v5 =	vsel vm1, v4, v0;
	vm0 =	vmmov @p1 vm2;
	v4 =	vld [tilespmem:s24+$0x5060]  }
.LBB2_2:
0x40: {  	p2 =	seq.s32 s26, $0x13800;
	v7 =	vsel vm0, v7, v0;
	v8 =	vadd.s32 $0xFFFFEC78, v6;
	vm0 =	vlt.s32 v6, $0x1388;
	v9 =	vld [tilespmem:s24+$0x5070]  }
0x41: {  	vm1 =	vlt.u32 v8, $0x1388;
	v6 =	vpsel p1, v6, v8;
	v8 =	vadd.s32 $0xFFFFEC78, v3  }
0x42: {  	s29 =	sshra.s32 s26, $0x2;
	[tilespmem:s24+$0x5000] =	vst v2;
	vm1 =	vmmov @p1 vm0;
	vm0 =	vlt.s32 v3, $0x1388;
	vm2 =	vlt.u32 v8, $0x1388  }
0x43: {  	v3 =	vpsel p1, v3, v8;
	v2 =	vld [tilespmem:s29+$0x5000];
	[tilespmem:s24+$0x5010] =	vst v1;
	v1 =	vsel vm1, v6, v0;
	vm2 =	vmmov @p1 vm0  }
0x44: {  	v6 =	vld [tilespmem:s29+$0x5010];
	[tilespmem:s24+$0x5020] =	vst v5;
	v3 =	vsel vm2, v3, v0;
	v5 =	vadd.s32 $0xFFFFEC78, v4;
	vm0 =	vlt.s32 v4, $0x1388  }
0x45: {  	[tilespmem:s24+$0x5030] =	vst v7;
	vm1 =	vlt.u32 v5, $0x1388;
	v4 =	vpsel p1, v4, v5;
	v5 =	vadd.s32 $0xFFFFEC78, v9  }
0x46: {  	[tilespmem:s24+$0x5040] =	vst v1;
	vm1 =	vmmov @p1 vm0;
	vm0 =	vlt.s32 v9, $0x1388;
	vm2 =	vlt.u32 v5, $0x1388  }
0x47: {  	v7 =	vld [tilespmem:s29+$0x5020];
	[tilespmem:s24+$0x5050] =	vst v3;
	v1 =	vsel vm1, v4, v0;
	vm2 =	vmmov @p1 vm0;
	v3 =	vpsel p1, v9, v5  }
0x48: {  	v4 =	vadd.s32 $0xFFFFEC78, v2;
	vm0 =	vlt.s32 v2, $0x1388;
	v8 =	vld [tilespmem:s29+$0x5030];
	[tilespmem:s24+$0x5060] =	vst v1;
	v1 =	vsel vm2, v3, v0  }
0x49: {  	vm1 =	vlt.u32 v4, $0x1388;
	v2 =	vpsel p1, v2, v4;
	v3 =	vadd.s32 $0xFFFFEC78, v6;
	[tilespmem:s24+$0x5070] =	vst v1;
	s24 =	smov.u32 s29  }
0x4a: {  	vm1 =	vmmov @p1 vm0;
	vm0 =	vlt.s32 v6, $0x1388;
	vm2 =	vlt.u32 v3, $0x1388  }
.Ltmp2:
0x4b: {  	v1 =	vpsel p1, v6, v3;
	v2 =	vsel vm1, v2, v0;
	vm2 =	vmmov @p1 vm0;
	v6 =	vld [tilespmem:s24+$0x5040];
	(pc) =	sbr.rel @!p2 .LBB2_2-.Ltmp2, $4  }
0x4c: {  	v1 =	vsel vm2, v1, v0;
	v4 =	vadd.s32 $0xFFFFEC78, v7;
	vm0 =	vlt.s32 v7, $0x1388;
	v3 =	vld [tilespmem:s24+$0x5050]  }
0x4d: {  	vm1 =	vlt.u32 v4, $0x1388;
	v4 =	vpsel p1, v7, v4;
	v7 =	vadd.s32 $0xFFFFEC78, v8  }
0x4e: {  	vm2 =	vlt.s32 v8, $0x1388;
	vm1 =	vmmov @p1 vm0;
	vm0 =	vlt.u32 v7, $0x1388  }
0x4f: {  	s26 =	sadd.s32 $0x200, s26;
	v7 =	vpsel p1, v8, v7;
	v5 =	vsel vm1, v4, v0;
	vm0 =	vmmov @p1 vm2;
	v4 =	vld [tilespmem:s24+$0x5060]  }
0x50: {  	v7 =	vsel vm0, v7, v0;
	v8 =	vadd.s32 $0xFFFFEC78, v6;
	vm0 =	vlt.s32 v6, $0x1388;
	v9 =	vld [tilespmem:s24+$0x5070]  }
0x51: {  	vm1 =	vlt.u32 v8, $0x1388;
	v61 =	vpsel p1, v6, v8;
	v62 =	vadd.s32 $0xFFFFEC78, v3  }
0x52: {  	[tilespmem:s24+$0x5000] =	vst v2;
	vm1 =	vmmov @p1 vm0;
	vm0 =	vlt.s32 v3, $0x1388;
	vm2 =	vlt.u32 v62, $0x1388  }
0x53: {  	[tilespmem:s24+$0x5010] =	vst v1;
	v2 =	vpsel p1, v3, v62;
	v1 =	vsel vm1, v61, v0;
	vm2 =	vmmov @p1 vm0  }
0x54: {  	[tilespmem:s24+$0x5020] =	vst v5;
	v2 =	vsel vm2, v2, v0;
	v3 =	vadd.s32 $0xFFFFEC78, v4;
	vm0 =	vlt.s32 v4, $0x1388  }
0x55: {  	[tilespmem:s24+$0x5030] =	vst v7;
	vm1 =	vlt.u32 v3, $0x1388;
	v3 =	vpsel p1, v4, v3;
	v63 =	vadd.s32 $0xFFFFEC78, v9  }
0x56: {  	[tilespmem:s24+$0x5040] =	vst v1;
	vm1 =	vmmov @p1 vm0;
	vm0 =	vlt.s32 v9, $0x1388;
	vm2 =	vlt.u32 v63, $0x1388  }
0x57: {  	[tilespmem:s24+$0x5050] =	vst v2;
	v2 =	vpsel p1, v9, v63;
	v1 =	vsel vm1, v3, v0;
	vm2 =	vmmov @p1 vm0  }
0x58: {  	s29 =	sadd.s32 $0x0, s8;
	[tilespmem:s24+$0x5060] =	vst v1;
	v1 =	vsel vm2, v2, v0  }
0x59: {  	[tilespmem:s24+$0x5070] =	vst v1;
	s24 =	sshrl.u32 s29, $0x3  }
0x5a: {  	[spmem:s24], [sflag:s17] =	dma.local [hbm:s1], $0x80  }
0x5b: {  	s24 =	simm.s32 $0x1000;
	_ =	swait.ge [sflag:s12], $0x80  }
.LBB2_4:
0x5c: {  	s26 =	sshra.s32 s24, $0x2;
	[sflag:s12] =	ssyncset.done $0x0;
	p2 =	sne.s32 s24, $0x26000  }
.Ltmp3:
0x5d: {  	s26 =	sadd.s32 s26, s8;
	[sflag:s12] =	ssyncadd.s32 $0xFFFFFF80;
	(pc) =	sbr.rel @p2 .LBB2_4-.Ltmp3, $4  }
0x5e: {  	s24 =	sadd.s32 $0x1000, s24;
	s26 =	sshrl.u32 s26, $0x3  }
0x5f: {  	[spmem:s26], [sflag:s17] =	dma.local [hbm:s1], $0x80  }
0x60: {  	_ = 	snop  }
0x61: {  	_ =	swait.ge [sflag:s12], $0x80  }
0x62: {  	[sflag:s12] =	ssyncset.done $0x0  }
0x63: {  	s24 =	simm.s32 @!p0 $0x1FC7;
	s26 =	simm.s32 @!p0 $0x7;
	[sflag:s12] =	ssyncadd.s32 $0xFFFFFF80  }
0x64: {  	[spmem:s18], [sflag:s24] =	dma.local @!p0 [hbm:s1], $0x80  }
0x65: {  	_ =	swait.ge @!p0 [sflag:s26], $0x80  }
0x66: {  	[sflag:s26] =	ssyncset.done @!p0 $0x0  }
0x67: {  	[sflag:s26] =	ssyncadd.s32 @!p0 $0xFFFFFF80  }
0x68: {  	[spmem:s19], [sflag:s24] =	dma.local @!p0 [hbm:s1], $0x80  }
0x69: {  	_ =	swait.ge @!p0 [sflag:s26], $0x80  }
0x6a: {  	[sflag:s26] =	ssyncset.done @!p0 $0x0  }
0x6b: {  	[sflag:s26] =	ssyncadd.s32 @!p0 $0xFFFFFF80  }
0x6c: {  	[bflag:$0x0] =	sbarrier.arrive $0xFFFF  }
0x6d: {  	_ =	swait.ge [sflag:s20], $0x4000  }
0x6e: {  	[sflag:s20] =	ssyncset.done $0x0  }
0x6f: {  	[sflag:s20] =	ssyncadd.s32 $0xFFFFC000  }
0x70: {  	[spmem:s3] =	stream.indirect.scatter.add.f32 [tilespmem:s14], [sflag:$0x4], $0x80, s16, s13, $0xb8;
	[tilespmem:$0x1FC80] =	vst v63  }
0x71: {  	s26 =	simm.s32 $0x100  }
0x72: {  	[tilespmem:s22], [sflag:$0x3] =	stream.indirect.gather [hbm4b:s5+s13], $0x80, s26, s13, $0xb8;
	[tilespmem:$0x1FC80] =	vst v63  }
0x73: {  	_ =	swait.ge [sflag:s23], $0x4000  }
0x74: {  	[sflag:s23] =	ssyncset.done $0x0  }
0x75: {  	s29 =	simm.s32 $0x5080;
	[sflag:s23] =	ssyncadd.s32 $0xFFFFC000  }
0x76: {  	[spmem:s3] =	stream.indirect.scatter.add.f32 [tilespmem:s15], [sflag:$0x5], $0x80, s29, s13, $0xb8;
	[tilespmem:$0x1FC80] =	vst v63  }
0x77: {  	_ =	swait.ge [sflag:s25], $0x4000  }
0x78: {  	[sflag:s25] =	ssyncset.done $0x0  }
0x79: {  	s26 =	simm.s32 $0x180;
	[sflag:s25] =	ssyncadd.s32 $0xFFFFC000  }
0x7a: {  	[tilespmem:s14], [sflag:$0x1] =	stream.indirect.gather [hbm4b:s5+s13], $0x80, s26, s13, $0xb8;
	[tilespmem:$0x1FC80] =	vst v63  }
0x7b: {  	_ =	swait.ge [sflag:s28], $0x4000  }
0x7c: {  	[sflag:s28] =	ssyncset.done $0x0  }
0x7d: {  	s29 =	simm.s32 $0x5100;
	[sflag:s28] =	ssyncadd.s32 $0xFFFFC000  }
0x7e: {  	[spmem:s3] =	stream.indirect.scatter.add.f32 [tilespmem:s22], [sflag:$0x6], $0x80, s29, s13, $0xb8;
	[tilespmem:$0x1FC80] =	vst v63  }
0x7f: {  	_ =	swait.ge [sflag:s30], $0x4000  }
0x80: {  	[sflag:s30] =	ssyncset.done $0x0  }
0x81: {  	s24 =	simm.s32 $0x0;
	[sflag:s30] =	ssyncadd.s32 $0xFFFFC000  }
0x82: {  	[tilespmem:s15], [sflag:$0x2] =	stream.indirect.gather [hbm4b:s5+s13], $0x80, s31, s13, $0xb8;
	[tilespmem:$0x1FC80] =	vst v63  }
.LBB2_6:
0x83: {  	_ =	swait.ge [sflag:s20], $0x4000  }
0x84: {  	s26 =	sshra.s32 s24, $0x2;
	[sflag:s20] =	ssyncset.done $0x0  }
0x85: {  	s29 =	sadd.s32 $0x5180, s26;
	[sflag:s20] =	ssyncadd.s32 $0xFFFFC000  }
0x86: {  	[spmem:s3] =	stream.indirect.scatter.add.f32 [tilespmem:s14], [sflag:$0x4], $0x80, s29, s13, $0xb8;
	[tilespmem:$0x1FC80] =	vst v63  }
0x87: {  	_ =	swait.ge [sflag:s0], $0x4000  }
0x88: {  	[sflag:s0] =	ssyncset.done $0x0  }
0x89: {  	s29 =	sadd.s32 $0x280, s26;
	[sflag:s0] =	ssyncadd.s32 $0xFFFFC000  }
0x8a: {  	[tilespmem:s22], [sflag:$0x3] =	stream.indirect.gather [hbm4b:s5+s13], $0x80, s29, s13, $0xb8;
	[tilespmem:$0x1FC80] =	vst v63  }
0x8b: {  	_ =	swait.ge [sflag:s23], $0x4000  }
0x8c: {  	[sflag:s23] =	ssyncset.done $0x0  }
0x8d: {  	s29 =	sadd.s32 $0x5200, s26;
	[sflag:s23] =	ssyncadd.s32 $0xFFFFC000  }
0x8e: {  	[spmem:s3] =	stream.indirect.scatter.add.f32 [tilespmem:s15], [sflag:$0x5], $0x80, s29, s13, $0xb8;
	[tilespmem:$0x1FC80] =	vst v63  }
0x8f: {  	_ =	swait.ge [sflag:s25], $0x4000  }
0x90: {  	[sflag:s25] =	ssyncset.done $0x0  }
0x91: {  	s29 =	sadd.s32 $0x300, s26;
	[sflag:s25] =	ssyncadd.s32 $0xFFFFC000  }
0x92: {  	[tilespmem:s14], [sflag:$0x1] =	stream.indirect.gather [hbm4b:s5+s13], $0x80, s29, s13, $0xb8;
	[tilespmem:$0x1FC80] =	vst v63  }
0x93: {  	_ =	swait.ge [sflag:s28], $0x4000  }
0x94: {  	p2 =	seq.s32 s24, $0x12C00;
	[sflag:s28] =	ssyncset.done $0x0  }
.Ltmp4:
0x95: {  	s29 =	sadd.s32 $0x5280, s26;
	[sflag:s28] =	ssyncadd.s32 $0xFFFFC000;
	(pc) =	sbr.rel @p2 .LBB2_8-.Ltmp4, $4  }
0x96: {  	[spmem:s3] =	stream.indirect.scatter.add.f32 [tilespmem:s22], [sflag:$0x6], $0x80, s29, s13, $0xb8;
	[tilespmem:$0x1FC80] =	vst v63  }
0x97: {  	_ =	swait.ge [sflag:s30], $0x4000  }
0x98: {  	[sflag:s30] =	ssyncset.done $0x0  }
0x99: {  	[sflag:s30] =	ssyncadd.s32 $0xFFFFC000  }
.Ltmp5:
0x9a: {  	(pc) =	sbr.rel .LBB2_6-.Ltmp5, $3  }
0x9b: {  	_ =	sdelay $0x1  }
0x9c: {  	s26 =	sadd.s32 $0x380, s26;
	s24 =	sadd.s32 $0x600, s24  }
0x9d: {  	[tilespmem:s15], [sflag:$0x2] =	stream.indirect.gather [hbm4b:s5+s13], $0x80, s26, s13, $0xb8;
	[tilespmem:$0x1FC80] =	vst v63  }
.LBB2_9:
0x9e: {  	_ =	sfence.sel $0x180000  }
0x9f: {  	[bflag:$0x0] =	sbarrier.arrive $0xFFFF  }
0xa0: {  	_ =	strace $0x9000004D  }
0xa1: {  	s0 =	stileid.u32;
	[bflag:$0x2] =	sbarrier.arrive $0xFFFF  }
0xa2: {  	p0 =	sne.s32 s0, $0x0;
	s0 =	rddreg [dreg:$0x3]  }
0xa3: {  	s0 =	sadd.s32 @!p0 $0x100000, s0  }
0xa4: {  	[sflag:s0] =	ssyncadd.tile.s32 @!p0 $0x1;
	_ =	shalt  }
.Lfunc_end2:
_tile_overlayer_lowered:
.L_overlay_start_2:
0xa5: {  	(tag) =	ssettag $0x2  }
0xa6: {  	s0 =	rddreg [dreg:$0x0];
	s2 =	stileid.u32  }
0xa7: {  	s1 =	rddreg [dreg:$0x1];
	p0 =	sne.s32 s2, $0x0  }
0xa8: {  	s3 =	rddreg [dreg:$0x2];
	[bflag:$0x3] =	sbarrier.arrive $0xFFFF;
	s2 =	simm.s32 @!p0 $0x1C07  }
0xa9: {  	[timem:s3], [sflag:s2] =	dma.local @!p0 [hbm:s0], s1  }
0xaa: {  	s0 =	simm.s32 @!p0 $0x7  }
0xab: {  	_ =	swait.ge @!p0 [sflag:s0], s1  }
0xac: {  	s1 =	ssub.s32 @!p0 $0x0, s1;
	[sflag:s0] =	ssyncset.done @!p0 $0x0  }
0xad: {  	[sflag:s0] =	ssyncadd.s32 @!p0 s1  }
0xae: {  	[bflag:$0x3] =	sbarrier.arrive $0xFFFF  }
0xaf: {  	_ =	shalt  }

// kernel: kernel.22.cloned.1.call-start
scs
__scs_entry_jumppad:
0x0: {  	(pc) =	sbr.rel $0x88, $3  }
0x1: {  	(tag) =	ssettag $0x0;
	lr =	simm.s32 $0x1  }
0x2: {  	[smem:$0x3F90] =	sst lr;
	_ =	strace $0xD0000000  }
0x3: {  	_ = 	snop  }
0x4: {  	_ = 	snop  }
0x5: {  	_ = 	snop  }
0x6: {  	_ = 	snop  }
0x7: {  	_ = 	snop  }
__scs_overlays_trampoline_lowered:
0x8: {  	[smem:$0x3F9F] =	sst s0  }
0x9: {  	[smem:$0x3FA0] =	sst s1  }
0xa: {  	[smem:$0x3FA1] =	sst s2  }
0xb: {  	[smem:$0x3FA2] =	sst s3  }
0xc: {  	[smem:$0x3FA3] =	sst s4  }
0xd: {  	[smem:$0x3FA4] =	sst s5  }
0xe: {  	[smem:$0x3FA5] =	sst s6  }
0xf: {  	[smem:$0x3FA6] =	sst s7  }
0x10: {  	[smem:$0x3FA7] =	sst s8  }
0x11: {  	[smem:$0x3FA8] =	sst s9;
	s0 =	simm.s32 @!p0 $0x0  }
0x12: {  	s1 =	sld [smem:$0x3F8E];
	s0 =	simm.s32 @p0 $0x1  }
0x13: {  	[smem:$0x3FA9] =	sst s0;
	s0 =	simm.s32 @!p1 $0x0  }
0x14: {  	s2 =	sld [smem:$0x3F8D];
	s0 =	simm.s32 @p1 $0x1  }
0x15: {  	[smem:$0x3FAA] =	sst s0;
	s0 =	simm.s32 @!p2 $0x0  }
0x16: {  	s3 =	sld [smem:$0x3FDB];
	s0 =	simm.s32 @p2 $0x1  }
0x17: {  	s4 =	simm.s32 $0x1BF5;
	[smem:$0x3FAC] =	sst s0  }
0x18: {  	s0 =	sld [smem:$0x3F8F];
	_ =	swait.ge [sflag:s4], $0x0  }
0x19: {  	s7 =	sld [smem:$0x3F90]  }
0x1a: {  	s8 =	sadd.s32 $0xFFFFE003, lr  }
0x1b: {  	s9 =	sadd.s32 $0xFFFFFEF7, lr;
	s5 =	simm.s32 $0xFFFFFFFF;
	p2 =	slt.u32 s8, $0xFFFFF086  }
0x1c: {  	p1 =	slt.u32 s9, $0xF7A;
	s5 =	simm.s32 @!p2 $0x0  }
0x1d: {  	s5 =	simm.s32 @p1 $0x1;
	p0 =	seq.s32 s7, s2  }
0x1e: {  	s7 =	smul.u32 @!p0 $0xF7A, s2;
	p2 =	seq.s32 @!p0 s5, $0x0  }
0x1f: {  	s9 =	smul.u32 $0xF7A, s1;
	s8 =	simm.s32 @!p0 $0x1BF5;
	p2 =	por !p2, p0  }
0x20: {  	[sflag:s8] =	ssyncset.s32 @!p0 $0xFFFFF086;
	s6 =	sadd.s32 @!p0 s3, s7;
	s7 =	simm.s32 @!p0 $0x108  }
0x21: {  	s3 =	sadd.s32 s3, s9;
	s6 =	sadd.s32 @!p0 $0x88, s6;
	s7 =	simm.s32 @p2 $0x1082  }
0x22: {  	[simem:s7], [sflag:s8] =	dma.local @!p0 [hbm:s6], $0xF7A  }
0x23: {  	s9 =	sor.u32 $0xD0000000, s2;
	s6 =	simm.s32 $0x108;
	_ =	swait.ge @!p0 [sflag:s8], $0x0  }
0x24: {  	s3 =	sadd.s32 $0x88, s3;
	s6 =	simm.s32 @!p1 $0x1082;
	[sflag:s4] =	ssyncset.s32 $0xFFFFF086  }
0x25: {  	[simem:s6], [sflag:s4] =	dma.local [hbm:s3], $0xF7A  }
0x26: {  	[smem:$0x3F90] =	sst s1;
	(tag) =	ssettag s2;
	_ =	strace s9  }
0x27: {  	s1 =	sld [smem:$0x3FA0]  }
0x28: {  	s2 =	sld [smem:$0x3FA1]  }
0x29: {  	s4 =	sld [smem:$0x3FA3]  }
0x2a: {  	p0 =	seq.s32 s5, $0x0;
	s5 =	sld [smem:$0x3FA4]  }
0x2b: {  	s6 =	sld [smem:$0x3FA5]  }
0x2c: {  	s7 =	sld [smem:$0x3FA6]  }
0x2d: {  	s3 =	simm.s32 $0x108;
	s8 =	sld [smem:$0x3FA7]  }
0x2e: {  	s3 =	simm.s32 @!p0 $0x1082;
	s9 =	sld [smem:$0x3FA8]  }
0x2f: {  	lr =	sadd.s32 s0, s3;
	s0 =	sld [smem:$0x3F9F]  }
0x30: {  	s3 =	sld [smem:$0x3FA2]  }
0x31: {  	[smem:$0x3FAB] =	sst s10  }
0x32: {  	s10 =	sld [smem:$0x3FA9];
	_ =	sdelay $0x3  }
0x33: {  	p0 =	seq.s32 s10, $0x1;
	s10 =	sld [smem:$0x3FAB];
	_ =	sdelay $0x3  }
0x34: {  	[smem:$0x3FAB] =	sst s10  }
0x35: {  	s10 =	sld [smem:$0x3FAA];
	_ =	sdelay $0x3  }
0x36: {  	p1 =	seq.s32 s10, $0x1;
	s10 =	sld [smem:$0x3FAB];
	_ =	sdelay $0x3  }
0x37: {  	[smem:$0x3FAB] =	sst s10  }
0x38: {  	s10 =	sld [smem:$0x3FAC]  }
0x39: {  	_ = 	snop;
	(pc) =	sbr.ind lr, $3  }
0x3a: {  	_ = 	snop  }
0x3b: {  	_ = 	snop  }
0x3c: {  	p2 =	seq.s32 s10, $0x1;
	s10 =	sld [smem:$0x3FAB]  }
0x3d: {  	_ =	shalt  }
0x3e: {  	_ =	shalt  }
0x3f: {  	_ =	shalt  }
0x40: {  	_ =	shalt  }
0x41: {  	_ =	shalt  }
0x42: {  	_ =	shalt  }
0x43: {  	_ =	shalt  }
0x44: {  	_ =	shalt  }
0x45: {  	_ =	shalt  }
0x46: {  	_ =	shalt  }
0x47: {  	_ =	shalt  }
0x48: {  	_ =	shalt  }
0x49: {  	_ =	shalt  }
0x4a: {  	_ =	shalt  }
0x4b: {  	_ =	shalt  }
0x4c: {  	_ =	shalt  }
0x4d: {  	_ =	shalt  }
0x4e: {  	_ =	shalt  }
0x4f: {  	_ =	shalt  }
0x50: {  	_ =	shalt  }
0x51: {  	_ =	shalt  }
0x52: {  	_ =	shalt  }
0x53: {  	_ =	shalt  }
0x54: {  	_ =	shalt  }
0x55: {  	_ =	shalt  }
0x56: {  	_ =	shalt  }
0x57: {  	_ =	shalt  }
0x58: {  	_ =	shalt  }
0x59: {  	_ =	shalt  }
0x5a: {  	_ =	shalt  }
0x5b: {  	_ =	shalt  }
0x5c: {  	_ =	shalt  }
0x5d: {  	_ =	shalt  }
0x5e: {  	_ =	shalt  }
0x5f: {  	_ =	shalt  }
0x60: {  	_ =	shalt  }
0x61: {  	_ =	shalt  }
0x62: {  	_ =	shalt  }
0x63: {  	_ =	shalt  }
0x64: {  	_ =	shalt  }
0x65: {  	_ =	shalt  }
0x66: {  	_ =	shalt  }
0x67: {  	_ =	shalt  }
0x68: {  	_ =	shalt  }
0x69: {  	_ =	shalt  }
0x6a: {  	_ =	shalt  }
0x6b: {  	_ =	shalt  }
0x6c: {  	_ =	shalt  }
0x6d: {  	_ =	shalt  }
0x6e: {  	_ =	shalt  }
0x6f: {  	_ =	shalt  }
0x70: {  	_ =	shalt  }
0x71: {  	_ =	shalt  }
0x72: {  	_ =	shalt  }
0x73: {  	_ =	shalt  }
0x74: {  	_ =	shalt  }
0x75: {  	_ =	shalt  }
0x76: {  	_ =	shalt  }
0x77: {  	_ =	shalt  }
0x78: {  	_ =	shalt  }
0x79: {  	_ =	shalt  }
0x7a: {  	_ =	shalt  }
0x7b: {  	_ =	shalt  }
0x7c: {  	_ =	shalt  }
0x7d: {  	_ =	shalt  }
0x7e: {  	_ =	shalt  }
0x7f: {  	_ =	shalt  }
0x80: {  	_ =	shalt  }
0x81: {  	_ =	shalt  }
0x82: {  	_ =	shalt  }
0x83: {  	_ =	shalt  }
0x84: {  	_ =	shalt  }
0x85: {  	_ =	shalt  }
0x86: {  	_ =	shalt  }
0x87: {  	_ =	shalt  }
.Lfunc_end0:
.L_simem_size_0:
called_computation.3_lowered:
.L_overlay_start_0:
0x88: {  	s2 =	sld [smem:$0x3FD9]  }
0x89: {  	s3 =	sld [smem:$0x3FFE];
	_ =	sdelay $0x1  }
0x8a: {  	s1 =	srdreg.scid  }
0x8b: {  	s0 =	sand.u32 $0x1, s1  }
0x8c: {  	s17 =	sshll.u32 s0, $0xA;
	s2 =	sadd.s32 s3, s2  }
0x8d: {  	s2 =	sadd.s32 s2, s17  }
0x8e: {  	[smem:$0x3FB7] =	sst s2  }
0x8f: {  	_ = 	snop  }
0x90: {  	s2 =	sld [smem:$0x3FD0];
	(tm) =	ssettm $0x1  }
0x91: {  	s18 =	sld [smem:$0x3FFB];
	_ =	sdelay $0x3  }
0x92: {  	_ =	strace s18  }
0x93: {  	s3 =	sld [smem:$0x3FFC];
	_ =	sdelay $0x3  }
0x94: {  	_ =	strace s3  }
0x95: {  	s3 =	sld [smem:$0x3FFD];
	_ =	sdelay $0x3  }
0x96: {  	_ =	strace s3  }
0x97: {  	_ =	strace $0x8FFFFFFF  }
0x98: {  	s19 =	sld [smem:$0x3FDB];
	_ =	sdelay $0x1  }
0x99: {  	s4 =	simm.s32 $_scs_section_size  }
0x9a: {  	s5 =	simm.s32 $_size__tile_overlayer_lowered;
	s6 =	simm.s32 $_tile_overlayer_lowered  }
0x9b: {  	s22 =	simm.s32 $0x1BFF;
	s21 =	sshll.u32 s6, $0x1;
	s3 =	sadd.s32 s4, s19  }
0x9c: {  	s7 =	simm.s32 $0x0;
	s20 =	sshll.u32 s5, $0x1;
	s5 =	sadd.s32 s21, s3  }
0x9d: {  	[timem:s7], [sflag:s22] =	dma.local [hbm:s5], s20  }
0x9e: {  	_ =	swait.ge [sflag:s22], s20  }
0x9f: {  	s4 =	ssub.s32 $0x0, s20;
	[sflag:s22] =	ssyncset.done $0x0  }
0xa0: {  	[sflag:s22] =	ssyncadd.s32 s4;
	_ =	sdelay $0x1  }
0xa1: {  	s23 =	simm.s32 $0x1B8B  }
0xa2: {  	_ =	swait.ge [sflag:s23], $0x1  }
0xa3: {  	[sflag:s23] =	ssyncset.done $0x0  }
0xa4: {  	s25 =	simm.s32 $0x1B8E;
	s24 =	sld [smem:$0x3FFE];
	[sflag:s23] =	ssyncadd.s32 $0xFFFFFFFF  }
0xa5: {  	s26 =	simm.s32 $execute0_lowered;
	[smem:$0x3FD2] =	sst s25  }
0xa6: {  	s5 =	sshll.u32 s26, $0x1;
	_ =	strace $0x8000004F;
	[dreg:$0x1] =	wrdreg $0xFFFFFFFF  }
0xa7: {  	s28 =	simm.s32 $_size_execute0_lowered;
	s3 =	sadd.s32 s3, s5;
	[dreg:$0x0] =	wrdreg $0x0  }
0xa8: {  	s5 =	sshll.u32 s28, $0x1;
	[dreg:$0x2] =	wrdreg s3  }
0xa9: {  	[dreg:$0x3] =	wrdreg s5  }
0xaa: {  	[dreg:$0x4] =	wrdreg $0xC0  }
0xab: {  	_ =	task [dreg:s7], $0x5FFFF  }
0xac: {  	[dreg:$0x1] =	wrdreg $0xFFFFFFFF  }
0xad: {  	[dreg:$0x0] =	wrdreg $0x60  }
0xae: {  	[dreg:$0x2] =	wrdreg s24  }
0xaf: {  	[dreg:$0x3] =	wrdreg s2  }
0xb0: {  	[dreg:$0x4] =	wrdreg $0x160000  }
0xb1: {  	[dreg:$0x5] =	wrdreg $0x9  }
0xb2: {  	_ =	task.clear_ibuf [dreg:s7], $0x6FFFF;
	_ =	strace $0x9000004F  }
0xb3: {  	s29 =	simm.s32 $0x9;
	_ =	strace $0x80000051  }
0xb4: {  	_ =	swait.ge [sflag:s29], $0x1  }
0xb5: {  	[sflag:s29] =	ssyncadd.s32 $0xFFFFFFFF  }
0xb6: {  	_ =	strace $0x90000051  }
0xb7: {  	_ =	sfence  }
0xb8: {  	s30 =	sld [smem:$0x0];
	_ =	sdelay $0x2  }
0xb9: {  	s31 =	sshll.u32 s1, $0xD;
	s1 =	sshrl.u32 s1, $0x2  }
0xba: {  	s3 =	sand.u32 $0x4000, s31;
	s1 =	sadd.s32 s1, s30  }
0xbb: {  	s0 =	sor.u32 s3, s0;
	s1 =	sshll.u32 s1, $0x11  }
0xbc: {  	s0 =	sor.u32 s1, s0  }
0xbd: {  	s0 =	sadd.s32 $0x8F2B, s0  }
0xbe: {  	[sflag:s0] =	ssyncadd.remote.s32 $0x1  }
0xbf: {  	_ =	sfence.sel $0xFFFF  }
0xc0: {  	[dreg:$0x0] =	wrdreg $0xFFFFFFFF;
	(pc) =	sbr.abs _section_cstart, $3  }
0xc1: {  	[dreg:$0x1] =	wrdreg $0xFFFFFFFF  }
0xc2: {  	_ =	task.clear_ibuf [dreg:s7], $0x2FFFF;
	_ =	strace $0x9FFFFFFF  }
0xc3: {  	(tm) =	ssettm $0x7FFFFFFF  }
tec
execute0_lowered:
.L_overlay_start_1:
0x0: {  	(tag) =	ssettag $0x1  }
0x1: {  	s0 =	rddreg [dreg:$0x0]  }
0x2: {  	s1 =	rddreg [dreg:$0x1]  }
0x3: {  	s3 =	rddreg [dreg:$0x2]  }
0x4: {  	s4 =	simm.s32 $0x0;
	s19 =	stileid.u32;
	s6 =	srdreg.scid  }
0x5: {  	s12 =	simm.s32 $0x7;
	s13 =	simm.s32 $0x80;
	s14 =	simm.s32 $0xA000  }
0x6: {  	s15 =	simm.s32 $0xE000;
	s16 =	simm.s32 $0x5000;
	s20 =	simm.s32 $0x1  }
0x7: {  	s22 =	simm.s32 $0x12000;
	s23 =	simm.s32 $0x2;
	s28 =	simm.s32 $0x3  }
0x8: {  	s30 =	simm.s32 $0x5;
	s31 =	simm.s32 $0x200;
	s2 =	smul.u32 $0xA00, s19  }
0x9: {  	s21 =	simm.s32 $0x0;
	[smem:$0x7FF] =	sst s4;
	s8 =	smul.u32 $0x27000, s19  }
0xa: {  	s5 =	sadd.s32 $0xE600, s0;
	s17 =	sand.u32 $0x1, s6;
	s10 =	smul.u32 $0x9C00, s19  }
0xb: {  	s18 =	sshll.u32 s19, $0x6;
	p0 =	sne.s32 s19, $0xF;
	_ =	strace $0x80000050  }
0xc: {  	s6 =	ssub.s32 $0x2, s17;
	s9 =	smul.u32 $0x9C400, s17;
	p1 =	seq.s32 s17, $0x0  }
0xd: {  	s17 =	sor.u32 $0x1C07, s18;
	s2 =	sadd.s32 s2, s0;
	s7 =	sshrl.u32 s6, $0x1  }
0xe: {  	s0 =	sadd.s32 $0x67200, s0;
	s25 =	sshrl.u32 s8, $0x2;
	s11 =	ssub.s32 s6, s7  }
0xf: {  	s6 =	sadd.s32 $0x36000, s2;
	s7 =	sadd.s32 $0x4600, s2;
	s10 =	sadd.s32 s10, s9  }
.Ltmp0:
0x10: {  	s9 =	sshrl.u32 s9, $0x3;
	s8 =	sadd.s32 s25, s3;
	(pc) =	sbr.rel .LBB2_1-.Ltmp0, $4  }
0x11: {  	s2 =	sadd.s32 $0x9C400, s3;
	s25 =	simm.s32 $0x4;
	s26 =	sshrl.u32 s10, $0x3  }
0x12: {  	s29 =	sadd.s32 s0, s9;
	s11 =	smax.u32 s11, $0x1;
	s19 =	sshrl.u32 @!p0 s2, $0x3  }
0x13: {  	v0 =	vlaneseq.u32;
	s2 =	simm.s32 $0x9E00;
	s9 =	sadd.s32 s0, s26;
	s0 =	sadd.s32 $0x9C000, s3  }
0x14: {  	v0 =	vor.u32 $0x1388, v0;
	s10 =	sadd.s32 $0x13800, s29;
	s18 =	sshrl.u32 @!p0 s0, $0x3;
	s0 =	simm.s32 $0x6  }
.LBB2_8:
0x15: {  	_ =	swait.ge [sflag:s20], $0x4000  }
0x16: {  	[sflag:s20] =	ssyncset.done $0x0  }
0x17: {  	[sflag:s20] =	ssyncadd.s32 $0xFFFFC000  }
0x18: {  	[spmem:s3] =	stream.indirect.scatter.add.f32 [tilespmem:s14], [sflag:$0x4], $0x80, s2, s13, $0xb8;
	[tilespmem:$0x1FC80] =	vst v63  }
0x19: {  	_ =	swait.ge [sflag:s0], $0x4000  }
0x1a: {  	[sflag:s0] =	ssyncset.done $0x0  }
0x1b: {  	[sflag:s0] =	ssyncadd.s32 $0xFFFFC000  }
0x1c: {  	_ =	swait.ge [sflag:s25], $0x4000  }
0x1d: {  	[sflag:s25] =	ssyncset.done $0x0  }
0x1e: {  	[sflag:s25] =	ssyncadd.s32 $0xFFFFC000  }
0x1f: {  	s24 =	sshrl.u32 s8, $0x3;
	[bflag:$0x0] =	sbarrier.arrive $0xFFFF  }
0x20: {  	[hbm:s9], [sflag:s17] =	dma.local [spmem:s24], $0x1380  }
0x21: {  	s21 =	sadd.s32 $0x1, s21;
	_ =	swait.ge [sflag:s12], $0x1380  }
0x22: {  	p2 =	sne.s32 s21, s11;
	[sflag:s12] =	ssyncset.done $0x0  }
.Ltmp1:
0x23: {  	s24 =	simm.s32 @!p0 $0x7;
	[sflag:s12] =	ssyncadd.s32 $0xFFFFEC80;
	(pc) =	sbr.rel @!p2 .LBB2_9-.Ltmp1, $4  }
0x24: {  	[hbm:s10], [sflag:s17] =	dma.local @!p0 [spmem:s18], $0x80  }
0x25: {  	_ =	swait.ge @!p0 [sflag:s24], $0x80  }
0x26: {  	[sflag:s24] =	ssyncset.done @!p0 $0x0  }
0x27: {  	[sflag:s24] =	ssyncadd.s32 @!p0 $0xFFFFFF80  }
.LBB2_1:
0x28: {  	[tilespmem:s4], [sflag:$0x7] =	stream.linear.gather [hbm4b:s6+s4], $0x4E80, $0x38;
	[tilespmem:$0x1FC80] =	vst v63  }
0x29: {  	_ =	swait.ge [sflag:s12], $0x4E80  }
0x2a: {  	[sflag:s12] =	ssyncset.done $0x0  }
0x2b: {  	[sflag:s12] =	ssyncadd.s32 $0xFFFFB180  }
0x2c: {  	[tilespmem:s14], [sflag:$0x1] =	stream.indirect.gather [hbm4b:s5+s13], $0x80, s4, s13, $0xb8;
	[tilespmem:$0x1FC80] =	vst v63  }
0x2d: {  	_ = 	snop  }
0x2e: {  	[tilespmem:s15], [sflag:$0x2] =	stream.indirect.gather [hbm4b:s5+s13], $0x80, s13, s13, $0xb8;
	[tilespmem:$0x1FC80] =	vst v63  }
0x2f: {  	_ = 	snop  }
0x30: {  	[tilespmem:s16], [sflag:$0x7] =	stream.linear.gather [hbm4b:s7+s4], $0x4E80, $0x38;
	[tilespmem:$0x1FC80] =	vst v63  }
0x31: {  	_ =	swait.ge [sflag:s12], $0x4E80  }
0x32: {  	[sflag:s12] =	ssyncset.done $0x0  }
0x33: {  	s24 =	simm.s32 $0x0;
	[sflag:s12] =	ssyncadd.s32 $0xFFFFB180  }
0x34: {  	v1 =	vld [tilespmem:s24+$0x5000];
	_ =	sdelay $0x1  }
0x35: {  	v3 =	vld [tilespmem:s24+$0x5010];
	_ =	sdelay $0x1  }
0x36: {  	v4 =	vld [tilespmem:s24+$0x5020]  }
0x37: {  	v2 =	vadd.s32 $0xFFFFEC78, v1  }
0x38: {  	v7 =	vld [tilespmem:s24+$0x5030];
	vm0 =	vlt.s32 v1, $0x1388;
	vm1 =	vlt.u32 v2, $0x1388  }
0x39: {  	v5 =	vadd.s32 $0xFFFFEC78, v3;
	v1 =	vpsel p1, v1, v2;
	vm1 =	vmmov @p1 vm0  }
0x3a: {  	vm2 =	vlt.u32 v5, $0x1388;
	vm0 =	vlt.s32 v3, $0x1388;
	v2 =	vsel vm1, v1, v0  }
0x3b: {  	v6 =	vld [tilespmem:s24+$0x5040];
	vm2 =	vmmov @p1 vm0;
	v1 =	vpsel p1, v3, v5;
	v3 =	vadd.s32 $0xFFFFEC78, v4  }
0x3c: {  	vm0 =	vlt.s32 v4, $0x1388;
	vm1 =	vlt.u32 v3, $0x1388;
	v4 =	vpsel p1, v4, v3;
	v3 =	vld [tilespmem:s24+$0x5050]  }
0x3d: {  	v8 =	vadd.s32 $0xFFFFEC78, v7;
	v1 =	vsel vm2, v1, v0  }
0x3e: {  	vm2 =	vlt.s32 v7, $0x1388;
	vm1 =	vmmov @p1 vm0;
	vm0 =	vlt.u32 v8, $0x1388  }
0x3f: {  	s26 =	simm.s32 $0x200;
	v7 =	vpsel p1, v7, v8;
	v5 =	vsel vm1, v4, v0;
	vm0 =	vmmov @p1 vm2;
	v4 =	vld [tilespmem:s24+$0x5060]  }
.LBB2_2:
0x40: {  	p2 =	seq.s32 s26, $0x13800;
	v7 =	vsel vm0, v7, v0;
	v8 =	vadd.s32 $0xFFFFEC78, v6;
	vm0 =	vlt.s32 v6, $0x1388;
	v9 =	vld [tilespmem:s24+$0x5070]  }
0x41: {  	vm1 =	vlt.u32 v8, $0x1388;
	v6 =	vpsel p1, v6, v8;
	v8 =	vadd.s32 $0xFFFFEC78, v3  }
0x42: {  	s29 =	sshra.s32 s26, $0x2;
	[tilespmem:s24+$0x5000] =	vst v2;
	vm1 =	vmmov @p1 vm0;
	vm0 =	vlt.s32 v3, $0x1388;
	vm2 =	vlt.u32 v8, $0x1388  }
0x43: {  	v3 =	vpsel p1, v3, v8;
	v2 =	vld [tilespmem:s29+$0x5000];
	[tilespmem:s24+$0x5010] =	vst v1;
	v1 =	vsel vm1, v6, v0;
	vm2 =	vmmov @p1 vm0  }
0x44: {  	v6 =	vld [tilespmem:s29+$0x5010];
	[tilespmem:s24+$0x5020] =	vst v5;
	v3 =	vsel vm2, v3, v0;
	v5 =	vadd.s32 $0xFFFFEC78, v4;
	vm0 =	vlt.s32 v4, $0x1388  }
0x45: {  	[tilespmem:s24+$0x5030] =	vst v7;
	vm1 =	vlt.u32 v5, $0x1388;
	v4 =	vpsel p1, v4, v5;
	v5 =	vadd.s32 $0xFFFFEC78, v9  }
0x46: {  	[tilespmem:s24+$0x5040] =	vst v1;
	vm1 =	vmmov @p1 vm0;
	vm0 =	vlt.s32 v9, $0x1388;
	vm2 =	vlt.u32 v5, $0x1388  }
0x47: {  	v7 =	vld [tilespmem:s29+$0x5020];
	[tilespmem:s24+$0x5050] =	vst v3;
	v1 =	vsel vm1, v4, v0;
	vm2 =	vmmov @p1 vm0;
	v3 =	vpsel p1, v9, v5  }
0x48: {  	v4 =	vadd.s32 $0xFFFFEC78, v2;
	vm0 =	vlt.s32 v2, $0x1388;
	v8 =	vld [tilespmem:s29+$0x5030];
	[tilespmem:s24+$0x5060] =	vst v1;
	v1 =	vsel vm2, v3, v0  }
0x49: {  	vm1 =	vlt.u32 v4, $0x1388;
	v2 =	vpsel p1, v2, v4;
	v3 =	vadd.s32 $0xFFFFEC78, v6;
	[tilespmem:s24+$0x5070] =	vst v1;
	s24 =	smov.u32 s29  }
0x4a: {  	vm1 =	vmmov @p1 vm0;
	vm0 =	vlt.s32 v6, $0x1388;
	vm2 =	vlt.u32 v3, $0x1388  }
.Ltmp2:
0x4b: {  	v1 =	vpsel p1, v6, v3;
	v2 =	vsel vm1, v2, v0;
	vm2 =	vmmov @p1 vm0;
	v6 =	vld [tilespmem:s24+$0x5040];
	(pc) =	sbr.rel @!p2 .LBB2_2-.Ltmp2, $4  }
0x4c: {  	v1 =	vsel vm2, v1, v0;
	v4 =	vadd.s32 $0xFFFFEC78, v7;
	vm0 =	vlt.s32 v7, $0x1388;
	v3 =	vld [tilespmem:s24+$0x5050]  }
0x4d: {  	vm1 =	vlt.u32 v4, $0x1388;
	v4 =	vpsel p1, v7, v4;
	v7 =	vadd.s32 $0xFFFFEC78, v8  }
0x4e: {  	vm2 =	vlt.s32 v8, $0x1388;
	vm1 =	vmmov @p1 vm0;
	vm0 =	vlt.u32 v7, $0x1388  }
0x4f: {  	s26 =	sadd.s32 $0x200, s26;
	v7 =	vpsel p1, v8, v7;
	v5 =	vsel vm1, v4, v0;
	vm0 =	vmmov @p1 vm2;
	v4 =	vld [tilespmem:s24+$0x5060]  }
0x50: {  	v7 =	vsel vm0, v7, v0;
	v8 =	vadd.s32 $0xFFFFEC78, v6;
	vm0 =	vlt.s32 v6, $0x1388;
	v9 =	vld [tilespmem:s24+$0x5070]  }
0x51: {  	vm1 =	vlt.u32 v8, $0x1388;
	v61 =	vpsel p1, v6, v8;
	v62 =	vadd.s32 $0xFFFFEC78, v3  }
0x52: {  	[tilespmem:s24+$0x5000] =	vst v2;
	vm1 =	vmmov @p1 vm0;
	vm0 =	vlt.s32 v3, $0x1388;
	vm2 =	vlt.u32 v62, $0x1388  }
0x53: {  	[tilespmem:s24+$0x5010] =	vst v1;
	v2 =	vpsel p1, v3, v62;
	v1 =	vsel vm1, v61, v0;
	vm2 =	vmmov @p1 vm0  }
0x54: {  	[tilespmem:s24+$0x5020] =	vst v5;
	v2 =	vsel vm2, v2, v0;
	v3 =	vadd.s32 $0xFFFFEC78, v4;
	vm0 =	vlt.s32 v4, $0x1388  }
0x55: {  	[tilespmem:s24+$0x5030] =	vst v7;
	vm1 =	vlt.u32 v3, $0x1388;
	v3 =	vpsel p1, v4, v3;
	v63 =	vadd.s32 $0xFFFFEC78, v9  }
0x56: {  	[tilespmem:s24+$0x5040] =	vst v1;
	vm1 =	vmmov @p1 vm0;
	vm0 =	vlt.s32 v9, $0x1388;
	vm2 =	vlt.u32 v63, $0x1388  }
0x57: {  	[tilespmem:s24+$0x5050] =	vst v2;
	v2 =	vpsel p1, v9, v63;
	v1 =	vsel vm1, v3, v0;
	vm2 =	vmmov @p1 vm0  }
0x58: {  	s29 =	sadd.s32 $0x0, s8;
	[tilespmem:s24+$0x5060] =	vst v1;
	v1 =	vsel vm2, v2, v0  }
0x59: {  	[tilespmem:s24+$0x5070] =	vst v1;
	s24 =	sshrl.u32 s29, $0x3  }
0x5a: {  	[spmem:s24], [sflag:s17] =	dma.local [hbm:s1], $0x80  }
0x5b: {  	s24 =	simm.s32 $0x1000;
	_ =	swait.ge [sflag:s12], $0x80  }
.LBB2_4:
0x5c: {  	s26 =	sshra.s32 s24, $0x2;
	[sflag:s12] =	ssyncset.done $0x0;
	p2 =	sne.s32 s24, $0x26000  }
.Ltmp3:
0x5d: {  	s26 =	sadd.s32 s26, s8;
	[sflag:s12] =	ssyncadd.s32 $0xFFFFFF80;
	(pc) =	sbr.rel @p2 .LBB2_4-.Ltmp3, $4  }
0x5e: {  	s24 =	sadd.s32 $0x1000, s24;
	s26 =	sshrl.u32 s26, $0x3  }
0x5f: {  	[spmem:s26], [sflag:s17] =	dma.local [hbm:s1], $0x80  }
0x60: {  	_ = 	snop  }
0x61: {  	_ =	swait.ge [sflag:s12], $0x80  }
0x62: {  	[sflag:s12] =	ssyncset.done $0x0  }
0x63: {  	s24 =	simm.s32 @!p0 $0x1FC7;
	s26 =	simm.s32 @!p0 $0x7;
	[sflag:s12] =	ssyncadd.s32 $0xFFFFFF80  }
0x64: {  	[spmem:s18], [sflag:s24] =	dma.local @!p0 [hbm:s1], $0x80  }
0x65: {  	_ =	swait.ge @!p0 [sflag:s26], $0x80  }
0x66: {  	[sflag:s26] =	ssyncset.done @!p0 $0x0  }
0x67: {  	[sflag:s26] =	ssyncadd.s32 @!p0 $0xFFFFFF80  }
0x68: {  	[spmem:s19], [sflag:s24] =	dma.local @!p0 [hbm:s1], $0x80  }
0x69: {  	_ =	swait.ge @!p0 [sflag:s26], $0x80  }
0x6a: {  	[sflag:s26] =	ssyncset.done @!p0 $0x0  }
0x6b: {  	[sflag:s26] =	ssyncadd.s32 @!p0 $0xFFFFFF80  }
0x6c: {  	[bflag:$0x0] =	sbarrier.arrive $0xFFFF  }
0x6d: {  	_ =	swait.ge [sflag:s20], $0x4000  }
0x6e: {  	[sflag:s20] =	ssyncset.done $0x0  }
0x6f: {  	[sflag:s20] =	ssyncadd.s32 $0xFFFFC000  }
0x70: {  	[spmem:s3] =	stream.indirect.scatter.add.f32 [tilespmem:s14], [sflag:$0x4], $0x80, s16, s13, $0xb8;
	[tilespmem:$0x1FC80] =	vst v63  }
0x71: {  	s26 =	simm.s32 $0x100  }
0x72: {  	[tilespmem:s22], [sflag:$0x3] =	stream.indirect.gather [hbm4b:s5+s13], $0x80, s26, s13, $0xb8;
	[tilespmem:$0x1FC80] =	vst v63  }
0x73: {  	_ =	swait.ge [sflag:s23], $0x4000  }
0x74: {  	[sflag:s23] =	ssyncset.done $0x0  }
0x75: {  	s29 =	simm.s32 $0x5080;
	[sflag:s23] =	ssyncadd.s32 $0xFFFFC000  }
0x76: {  	[spmem:s3] =	stream.indirect.scatter.add.f32 [tilespmem:s15], [sflag:$0x5], $0x80, s29, s13, $0xb8;
	[tilespmem:$0x1FC80] =	vst v63  }
0x77: {  	_ =	swait.ge [sflag:s25], $0x4000  }
0x78: {  	[sflag:s25] =	ssyncset.done $0x0  }
0x79: {  	s26 =	simm.s32 $0x180;
	[sflag:s25] =	ssyncadd.s32 $0xFFFFC000  }
0x7a: {  	[tilespmem:s14], [sflag:$0x1] =	stream.indirect.gather [hbm4b:s5+s13], $0x80, s26, s13, $0xb8;
	[tilespmem:$0x1FC80] =	vst v63  }
0x7b: {  	_ =	swait.ge [sflag:s28], $0x4000  }
0x7c: {  	[sflag:s28] =	ssyncset.done $0x0  }
0x7d: {  	s29 =	simm.s32 $0x5100;
	[sflag:s28] =	ssyncadd.s32 $0xFFFFC000  }
0x7e: {  	[spmem:s3] =	stream.indirect.scatter.add.f32 [tilespmem:s22], [sflag:$0x6], $0x80, s29, s13, $0xb8;
	[tilespmem:$0x1FC80] =	vst v63  }
0x7f: {  	_ =	swait.ge [sflag:s30], $0x4000  }
0x80: {  	[sflag:s30] =	ssyncset.done $0x0  }
0x81: {  	s24 =	simm.s32 $0x0;
	[sflag:s30] =	ssyncadd.s32 $0xFFFFC000  }
0x82: {  	[tilespmem:s15], [sflag:$0x2] =	stream.indirect.gather [hbm4b:s5+s13], $0x80, s31, s13, $0xb8;
	[tilespmem:$0x1FC80] =	vst v63  }
.LBB2_6:
0x83: {  	_ =	swait.ge [sflag:s20], $0x4000  }
0x84: {  	s26 =	sshra.s32 s24, $0x2;
	[sflag:s20] =	ssyncset.done $0x0  }
0x85: {  	s29 =	sadd.s32 $0x5180, s26;
	[sflag:s20] =	ssyncadd.s32 $0xFFFFC000  }
0x86: {  	[spmem:s3] =	stream.indirect.scatter.add.f32 [tilespmem:s14], [sflag:$0x4], $0x80, s29, s13, $0xb8;
	[tilespmem:$0x1FC80] =	vst v63  }
0x87: {  	_ =	swait.ge [sflag:s0], $0x4000  }
0x88: {  	[sflag:s0] =	ssyncset.done $0x0  }
0x89: {  	s29 =	sadd.s32 $0x280, s26;
	[sflag:s0] =	ssyncadd.s32 $0xFFFFC000  }
0x8a: {  	[tilespmem:s22], [sflag:$0x3] =	stream.indirect.gather [hbm4b:s5+s13], $0x80, s29, s13, $0xb8;
	[tilespmem:$0x1FC80] =	vst v63  }
0x8b: {  	_ =	swait.ge [sflag:s23], $0x4000  }
0x8c: {  	[sflag:s23] =	ssyncset.done $0x0  }
0x8d: {  	s29 =	sadd.s32 $0x5200, s26;
	[sflag:s23] =	ssyncadd.s32 $0xFFFFC000  }
0x8e: {  	[spmem:s3] =	stream.indirect.scatter.add.f32 [tilespmem:s15], [sflag:$0x5], $0x80, s29, s13, $0xb8;
	[tilespmem:$0x1FC80] =	vst v63  }
0x8f: {  	_ =	swait.ge [sflag:s25], $0x4000  }
0x90: {  	[sflag:s25] =	ssyncset.done $0x0  }
0x91: {  	s29 =	sadd.s32 $0x300, s26;
	[sflag:s25] =	ssyncadd.s32 $0xFFFFC000  }
0x92: {  	[tilespmem:s14], [sflag:$0x1] =	stream.indirect.gather [hbm4b:s5+s13], $0x80, s29, s13, $0xb8;
	[tilespmem:$0x1FC80] =	vst v63  }
0x93: {  	_ =	swait.ge [sflag:s28], $0x4000  }
0x94: {  	p2 =	seq.s32 s24, $0x12C00;
	[sflag:s28] =	ssyncset.done $0x0  }
.Ltmp4:
0x95: {  	s29 =	sadd.s32 $0x5280, s26;
	[sflag:s28] =	ssyncadd.s32 $0xFFFFC000;
	(pc) =	sbr.rel @p2 .LBB2_8-.Ltmp4, $4  }
0x96: {  	[spmem:s3] =	stream.indirect.scatter.add.f32 [tilespmem:s22], [sflag:$0x6], $0x80, s29, s13, $0xb8;
	[tilespmem:$0x1FC80] =	vst v63  }
0x97: {  	_ =	swait.ge [sflag:s30], $0x4000  }
0x98: {  	[sflag:s30] =	ssyncset.done $0x0  }
0x99: {  	[sflag:s30] =	ssyncadd.s32 $0xFFFFC000  }
.Ltmp5:
0x9a: {  	(pc) =	sbr.rel .LBB2_6-.Ltmp5, $3  }
0x9b: {  	_ =	sdelay $0x1  }
0x9c: {  	s26 =	sadd.s32 $0x380, s26;
	s24 =	sadd.s32 $0x600, s24  }
0x9d: {  	[tilespmem:s15], [sflag:$0x2] =	stream.indirect.gather [hbm4b:s5+s13], $0x80, s26, s13, $0xb8;
	[tilespmem:$0x1FC80] =	vst v63  }
.LBB2_9:
0x9e: {  	_ =	sfence.sel $0x180000  }
0x9f: {  	[bflag:$0x0] =	sbarrier.arrive $0xFFFF  }
0xa0: {  	_ =	strace $0x90000050  }
0xa1: {  	s0 =	stileid.u32;
	[bflag:$0x2] =	sbarrier.arrive $0xFFFF  }
0xa2: {  	p0 =	sne.s32 s0, $0x0;
	s0 =	rddreg [dreg:$0x3]  }
0xa3: {  	s0 =	sadd.s32 @!p0 $0x100000, s0  }
0xa4: {  	[sflag:s0] =	ssyncadd.tile.s32 @!p0 $0x1;
	_ =	shalt  }
.Lfunc_end2:
_tile_overlayer_lowered:
.L_overlay_start_2:
0xa5: {  	(tag) =	ssettag $0x2  }
0xa6: {  	s0 =	rddreg [dreg:$0x0];
	s2 =	stileid.u32  }
0xa7: {  	s1 =	rddreg [dreg:$0x1];
	p0 =	sne.s32 s2, $0x0  }
0xa8: {  	s3 =	rddreg [dreg:$0x2];
	[bflag:$0x3] =	sbarrier.arrive $0xFFFF;
	s2 =	simm.s32 @!p0 $0x1C07  }
0xa9: {  	[timem:s3], [sflag:s2] =	dma.local @!p0 [hbm:s0], s1  }
0xaa: {  	s0 =	simm.s32 @!p0 $0x7  }
0xab: {  	_ =	swait.ge @!p0 [sflag:s0], s1  }
0xac: {  	s1 =	ssub.s32 @!p0 $0x0, s1;
	[sflag:s0] =	ssyncset.done @!p0 $0x0  }
0xad: {  	[sflag:s0] =	ssyncadd.s32 @!p0 s1  }
0xae: {  	[bflag:$0x3] =	sbarrier.arrive $0xFFFF  }
0xaf: {  	_ =	shalt  }

</sc_bundles>
